<compile_context>
chip_gen: v7x
topology: tpu7x:2x2x1
jax: 0.10.2.dev20260603
libtpu: 0.0.44.dev20260713+nightly
codegen_flags: <defaults>
</compile_context>

<pallas_src>
import jax
import jax.numpy as jnp
from jax import lax
from jax.experimental import pallas as pl
from jax.experimental.pallas import tpu as pltpu
from jax.experimental.pallas import tpu_sc as plsc

B = 16384
N_TOKENS = 43
VOCAB = 1000
DIM = 128

ROWS = B * N_TOKENS
NW = 32
CHUNK = 128
ROWS_PER_W = ROWS // NW
CHUNKS_PER_W = ROWS_PER_W // CHUNK


def _bias_body(id_ref, type_ref, out_ref):
    out_ref[...] = id_ref[0] + type_ref[0]


def _make_bias(id_emb, type_emb):
    return pl.pallas_call(
        _bias_body,
        out_shape=jax.ShapeDtypeStruct((N_TOKENS, DIM), jnp.float32),
    )(id_emb, type_emb)


NBUF = 2
PAIRS_PER_W = CHUNKS_PER_W // 2
GROUPS = PAIRS_PER_W // NBUF


def _gather_body(table_hbm, idx_hbm, bias_hbm, out_hbm, idx_v, bias_v,
                 *scratch):
    bufs = scratch[:NBUF]
    gsem = scratch[NBUF:2 * NBUF]
    osem = scratch[2 * NBUF:]
    wid = lax.axis_index("s") * 2 + lax.axis_index("c")
    row_base = wid * ROWS_PER_W
    pltpu.sync_copy(idx_hbm.at[pl.ds(row_base, ROWS_PER_W)], idx_v)
    pltpu.sync_copy(bias_hbm, bias_v)

    def chunk_t(j):
        return (row_base + j * CHUNK) // B

    def tbl_at(j):
        return table_hbm.at[pl.ds(chunk_t(j) * VOCAB, VOCAB)]

    def idx_at(j):
        return idx_v.at[pl.ds(j * CHUNK, CHUNK)]

    def add_bias(j, buf, base):
        t = chunk_t(j)
        bv = [bias_v[t, pl.ds(16 * k, 16)] for k in range(DIM // 16)]

        def row_add(r, carry):
            for u in range(4):
                for k in range(DIM // 16):
                    sl = pl.ds(16 * k, 16)
                    buf[r + u, sl] = buf[r + u, sl] + bv[k]
            return carry

        lax.fori_loop(0, CHUNK // 4, lambda i, c: row_add(base + 4 * i, c), 0,
                      unroll=False)

    def gather_pair(p, s):
        pltpu.async_copy(tbl_at(2 * p).at[idx_at(2 * p)],
                         bufs[s].at[pl.ds(0, CHUNK)], gsem[s])
        pltpu.async_copy(tbl_at(2 * p + 1).at[idx_at(2 * p + 1)],
                         bufs[s].at[pl.ds(CHUNK, CHUNK)], gsem[s])

    def wait_pair(p, s):
        pltpu.make_async_copy(tbl_at(2 * p).at[idx_at(2 * p)],
                              bufs[s].at[pl.ds(0, CHUNK)], gsem[s]).wait()
        pltpu.make_async_copy(tbl_at(2 * p + 1).at[idx_at(2 * p + 1)],
                              bufs[s].at[pl.ds(CHUNK, CHUNK)], gsem[s]).wait()

    def out_at(p):
        return out_hbm.at[pl.ds(row_base + p * 2 * CHUNK, 2 * CHUNK)]

    for s in range(NBUF):
        gather_pair(s, s)

    def step(i, carry):
        for s in range(NBUF):
            p = i * NBUF + s
            wait_pair(p, s)
            add_bias(2 * p, bufs[s], 0)
            add_bias(2 * p + 1, bufs[s], CHUNK)
            pltpu.async_copy(bufs[s], out_at(p), osem[s])
        for s in range(NBUF):
            p = i * NBUF + s
            pltpu.make_async_copy(bufs[s], out_at(p), osem[s]).wait()
            gather_pair(p + NBUF, s)
        return carry

    lax.fori_loop(0, GROUPS - 1, step, 0)

    for s in range(NBUF):
        p = (GROUPS - 1) * NBUF + s
        wait_pair(p, s)
        add_bias(2 * p, bufs[s], 0)
        add_bias(2 * p + 1, bufs[s], CHUNK)
        pltpu.async_copy(bufs[s], out_at(p), osem[s])
    for s in range(NBUF):
        p = (GROUPS - 1) * NBUF + s
        pltpu.make_async_copy(bufs[s], out_at(p), osem[s]).wait()


def _sc_gather(table, idx_flat, bias):
    mesh = plsc.VectorSubcoreMesh(core_axis_name="c", subcore_axis_name="s")
    run = pl.kernel(
        _gather_body,
        out_type=jax.ShapeDtypeStruct((ROWS, DIM), jnp.float32),
        mesh=mesh,
        scratch_types=[
            pltpu.VMEM((ROWS_PER_W,), jnp.int32),
            pltpu.VMEM((N_TOKENS, DIM), jnp.float32),
        ] + [pltpu.VMEM((2 * CHUNK, DIM), jnp.float32)] * NBUF
          + [pltpu.SemaphoreType.DMA] * (2 * NBUF),
    )
    return run(table, idx_flat, bias)


@jax.jit
def kernel(x_cat, tables, id_emb, type_emb):
    bias = _make_bias(id_emb, type_emb)
    out = _sc_gather(tables.reshape(N_TOKENS * VOCAB, DIM),
                     x_cat.T.reshape(ROWS), bias)
    return out.reshape(N_TOKENS, B, DIM).transpose(1, 0, 2)

# --- scband reference (transcript-rebuilt; emitter-appended) ---
"""Pipeline reference for scband-discrete-tokenizer-71356586656436 (READ-ONLY COPY).

The authoritative reference and input builder live on the scoring server;
editing this copy changes nothing except your own understanding.
"""

import jax, jax.numpy as jnp
import numpy as np

B = 16384
N_TOKENS = 43
VOCAB = 1000
DIM = 128

def setup_inputs(seed: int = 0) -> dict:
    key = jax.random.key(seed)
    k1, k2, k3 = jax.random.split(key, 3)
    x_cat = jax.random.randint(k1, (B, N_TOKENS), 0, VOCAB, dtype=jnp.int64 if jax.config.jax_enable_x64 else jnp.int32)
    # Learned parameters: 43 embedding tables (all same size -> stacked), id emb, type emb
    tables = jax.random.normal(k2, (N_TOKENS, VOCAB, DIM), dtype=jnp.float32) * 0.02
    id_emb = jax.random.normal(k3, (1, N_TOKENS, DIM), dtype=jnp.float32) * 0.02
    type_emb = jnp.zeros((1, 1, DIM), dtype=jnp.float32)
    return {"x_cat": x_cat, "tables": tables, "id_emb": id_emb, "type_emb": type_emb}

def reference(x_cat, tables, id_emb, type_emb):
    # emb[b, t, :] = tables[t, x_cat[b, t], :]  (vectorized per-field embedding lookup)
    tok_ids = jnp.arange(N_TOKENS)[None, :]  # (1, n_tokens) broadcast against (B, n_tokens)
    x_emb = tables[tok_ids, x_cat]  # (B, n_tokens, dim)
    out = x_emb + type_emb + id_emb
    return out

if __name__ == "__main__":
    import jax
    _d = setup_inputs()
    print(jax.jit(kernel)(*tuple(_d.values())))

</pallas_src>

<mosaic_0001>
#map = affine_map<(d0, d1) -> (0, 0)>
#map1 = affine_map<(d0, d1) -> (0)>
module attributes {stable_mosaic.version = 14 : i64} {
  func.func @_gather_body(%arg0: i32, %arg1: i32, %arg2: memref<43000x128xf32, #tpu.memory_space<hbm>>, %arg3: memref<704512xi32, #tpu.memory_space<hbm>>, %arg4: memref<43x128xf32, #tpu.memory_space<hbm>>, %arg5: memref<704512x128xf32, #tpu.memory_space<hbm>>, %arg6: memref<22016xi32, #tpu.memory_space<vmem>>, %arg7: memref<43x128xf32, #tpu.memory_space<vmem>>, %arg8: memref<256x128xf32, #tpu.memory_space<vmem>>, %arg9: memref<256x128xf32, #tpu.memory_space<vmem>>, %arg10: memref<!tpu.dma_semaphore, #tpu.memory_space<semaphore_mem>>, %arg11: memref<!tpu.dma_semaphore, #tpu.memory_space<semaphore_mem>>, %arg12: memref<!tpu.dma_semaphore, #tpu.memory_space<semaphore_mem>>, %arg13: memref<!tpu.dma_semaphore, #tpu.memory_space<semaphore_mem>>) attributes {dimension_semantics = [#tpu.dimension_semantics<core_parallel>, #tpu.dimension_semantics<subcore_parallel>], iteration_bounds = array<i64: 2, 16>, scalar_prefetch = 0 : i64, scratch_operands = 8 : i64, tpu.core_type = #tpu.core_type<sc_vector_subcore>, window_params = [{transform_indices = #map}, {transform_indices = #map1}, {transform_indices = #map}, {transform_indices = #map}]} {
    %mul3A = arith.constant 2 : i32
    %mul3A_0 = arith.muli %arg1, %mul3A : i32
    %add3A = arith.addi %mul3A_0, %arg0 : i32
    %mul3A_1 = arith.constant 22016 : i32
    %mul3A_2 = arith.muli %add3A, %mul3A_1 : i32
    "tpu.region"() ({
      %run_scoped3A = tpu.sem_alloc : memref<!tpu.dma_semaphore, #tpu.memory_space<semaphore_mem>>
      %dma_start3A_581 = tpu.memref_slice %arg3[%mul3A_2] : memref<704512xi32, #tpu.memory_space<hbm>> -> memref<22016xi32, #tpu.memory_space<hbm>>
      %dma_start3A_582 = tpu.memref_slice %arg3[%mul3A_2] : memref<704512xi32, #tpu.memory_space<hbm>> -> memref<22016xi32, #tpu.memory_space<hbm>>
      tpu.enqueue_dma source(%dma_start3A_582 : memref<22016xi32, #tpu.memory_space<hbm>>) target(%arg6 : memref<22016xi32, #tpu.memory_space<vmem>>) target_semaphore(%run_scoped3A : memref<!tpu.dma_semaphore, #tpu.memory_space<semaphore_mem>>)
      %dma_wait3A_583 = tpu.memref_slice %arg3[%mul3A_2] : memref<704512xi32, #tpu.memory_space<hbm>> -> memref<22016xi32, #tpu.memory_space<hbm>>
      %dma_wait3A_584 = tpu.memref_slice %arg3[%mul3A_2] : memref<704512xi32, #tpu.memory_space<hbm>> -> memref<22016xi32, #tpu.memory_space<hbm>>
      tpu.wait_dma2 semaphore(%run_scoped3A : memref<!tpu.dma_semaphore, #tpu.memory_space<semaphore_mem>>) src(%dma_wait3A_584 : memref<22016xi32, #tpu.memory_space<hbm>>) dst(%arg6 : memref<22016xi32, #tpu.memory_space<vmem>>)
      tpu.yield
    }) : () -> ()
    "tpu.region"() ({
      %run_scoped3A = tpu.sem_alloc : memref<!tpu.dma_semaphore, #tpu.memory_space<semaphore_mem>>
      tpu.enqueue_dma source(%arg4 : memref<43x128xf32, #tpu.memory_space<hbm>>) target(%arg7 : memref<43x128xf32, #tpu.memory_space<vmem>>) target_semaphore(%run_scoped3A : memref<!tpu.dma_semaphore, #tpu.memory_space<semaphore_mem>>)
      tpu.wait_dma2 semaphore(%run_scoped3A : memref<!tpu.dma_semaphore, #tpu.memory_space<semaphore_mem>>) src(%arg4 : memref<43x128xf32, #tpu.memory_space<hbm>>) dst(%arg7 : memref<43x128xf32, #tpu.memory_space<vmem>>)
      tpu.yield
    }) : () -> ()
    %add3A_3 = arith.constant 0 : i32
    %add3A_4 = arith.addi %mul3A_2, %add3A_3 : i32
    %jit3A = arith.constant 16384 : i32
    %div3A = arith.divsi %add3A_4, %jit3A : i32
    %sign3A = arith.constant 0 : i32
    %sign3A_5 = arith.cmpi sgt, %add3A_4, %sign3A : i32
    %sign3A_6 = arith.extui %sign3A_5 : i1 to i32
    %sign3A_7 = arith.constant 0 : i32
    %sign3A_8 = arith.cmpi slt, %add3A_4, %sign3A_7 : i32
    %sign3A_9 = arith.extui %sign3A_8 : i1 to i32
    %sign3A_10 = arith.subi %sign3A_6, %sign3A_9 : i32
    %sign3A_11 = arith.constant 0 : i32
    %sign3A_12 = arith.cmpi sgt, %jit3A, %sign3A_11 : i32
    %sign3A_13 = arith.extui %sign3A_12 : i1 to i32
    %sign3A_14 = arith.constant 0 : i32
    %sign3A_15 = arith.cmpi slt, %jit3A, %sign3A_14 : i32
    %sign3A_16 = arith.extui %sign3A_15 : i1 to i32
    %sign3A_17 = arith.subi %sign3A_13, %sign3A_16 : i32
    %ne3A = arith.cmpi ne, %sign3A_10, %sign3A_17 : i32
    %rem3A = arith.remsi %add3A_4, %jit3A : i32
    %ne3A_18 = arith.constant 0 : i32
    %ne3A_19 = arith.cmpi ne, %rem3A, %ne3A_18 : i32
    %and3A = arith.andi %ne3A, %ne3A_19 : i1
    %sub3A = arith.constant 1 : i32
    %sub3A_20 = arith.subi %div3A, %sub3A : i32
    %select_n3A = arith.select %and3A, %sub3A_20, %div3A : i32
    %mul3A_21 = arith.constant 1000 : i32
    %mul3A_22 = arith.muli %select_n3A, %mul3A_21 : i32
    %dma_start3A = arith.constant 0 : i32
    %dma_start3A_23 = arith.constant 0 : i32
    %dma_start3A_24 = tpu.memref_slice %arg8[%dma_start3A, %dma_start3A_23] : memref<256x128xf32, #tpu.memory_space<vmem>> -> memref<128x128xf32, #tpu.memory_space<vmem>>
    %dma_start3A_25 = arith.constant 0 : i32
    %dma_start3A_26 = tpu.memref_slice %arg6[%dma_start3A_25] : memref<22016xi32, #tpu.memory_space<vmem>> -> memref<128xi32, #tpu.memory_space<vmem>>
    %dma_start3A_27 = arith.constant 0 : i32
    %dma_start3A_28 = tpu.memref_slice %arg2[%mul3A_22, %dma_start3A_27] : memref<43000x128xf32, #tpu.memory_space<hbm>> -> memref<1000x128xf32, #tpu.memory_space<hbm>>
    %dma_start3A_29 = arith.constant 0 : i32
    %dma_start3A_30 = arith.constant 0 : i32
    %dma_start3A_31 = tpu.memref_slice %dma_start3A_28[%dma_start3A_29, %dma_start3A_30] : memref<1000x128xf32, #tpu.memory_space<hbm>> -> memref<1000x128xf32, #tpu.memory_space<hbm>>
    tpu.enqueue_indirect_dma source(%dma_start3A_31 : memref<1000x128xf32, #tpu.memory_space<hbm>>) target(%dma_start3A_24 : memref<128x128xf32, #tpu.memory_space<vmem>>) offsets(%dma_start3A_26 : memref<128xi32, #tpu.memory_space<vmem>>) semaphore(%arg10 : memref<!tpu.dma_semaphore, #tpu.memory_space<semaphore_mem>>)
    %add3A_32 = arith.constant 128 : i32
    %add3A_33 = arith.addi %mul3A_2, %add3A_32 : i32
    %jit3A_34 = arith.constant 16384 : i32
    %div3A_35 = arith.divsi %add3A_33, %jit3A_34 : i32
    %sign3A_36 = arith.constant 0 : i32
    %sign3A_37 = arith.cmpi sgt, %add3A_33, %sign3A_36 : i32
    %sign3A_38 = arith.extui %sign3A_37 : i1 to i32
    %sign3A_39 = arith.constant 0 : i32
    %sign3A_40 = arith.cmpi slt, %add3A_33, %sign3A_39 : i32
    %sign3A_41 = arith.extui %sign3A_40 : i1 to i32
    %sign3A_42 = arith.subi %sign3A_38, %sign3A_41 : i32
    %sign3A_43 = arith.constant 0 : i32
    %sign3A_44 = arith.cmpi sgt, %jit3A_34, %sign3A_43 : i32
    %sign3A_45 = arith.extui %sign3A_44 : i1 to i32
    %sign3A_46 = arith.constant 0 : i32
    %sign3A_47 = arith.cmpi slt, %jit3A_34, %sign3A_46 : i32
    %sign3A_48 = arith.extui %sign3A_47 : i1 to i32
    %sign3A_49 = arith.subi %sign3A_45, %sign3A_48 : i32
    %ne3A_50 = arith.cmpi ne, %sign3A_42, %sign3A_49 : i32
    %rem3A_51 = arith.remsi %add3A_33, %jit3A_34 : i32
    %ne3A_52 = arith.constant 0 : i32
    %ne3A_53 = arith.cmpi ne, %rem3A_51, %ne3A_52 : i32
    %and3A_54 = arith.andi %ne3A_50, %ne3A_53 : i1
    %sub3A_55 = arith.constant 1 : i32
    %sub3A_56 = arith.subi %div3A_35, %sub3A_55 : i32
    %select_n3A_57 = arith.select %and3A_54, %sub3A_56, %div3A_35 : i32
    %mul3A_58 = arith.constant 1000 : i32
    %mul3A_59 = arith.muli %select_n3A_57, %mul3A_58 : i32
    %dma_start3A_60 = arith.constant 128 : i32
    %dma_start3A_61 = arith.constant 0 : i32
    %dma_start3A_62 = tpu.memref_slice %arg8[%dma_start3A_60, %dma_start3A_61] : memref<256x128xf32, #tpu.memory_space<vmem>> -> memref<128x128xf32, #tpu.memory_space<vmem>>
    %dma_start3A_63 = arith.constant 128 : i32
    %dma_start3A_64 = tpu.memref_slice %arg6[%dma_start3A_63] : memref<22016xi32, #tpu.memory_space<vmem>> -> memref<128xi32, #tpu.memory_space<vmem>>
    %dma_start3A_65 = arith.constant 0 : i32
    %dma_start3A_66 = tpu.memref_slice %arg2[%mul3A_59, %dma_start3A_65] : memref<43000x128xf32, #tpu.memory_space<hbm>> -> memref<1000x128xf32, #tpu.memory_space<hbm>>
    %dma_start3A_67 = arith.constant 0 : i32
    %dma_start3A_68 = arith.constant 0 : i32
    %dma_start3A_69 = tpu.memref_slice %dma_start3A_66[%dma_start3A_67, %dma_start3A_68] : memref<1000x128xf32, #tpu.memory_space<hbm>> -> memref<1000x128xf32, #tpu.memory_space<hbm>>
    tpu.enqueue_indirect_dma source(%dma_start3A_69 : memref<1000x128xf32, #tpu.memory_space<hbm>>) target(%dma_start3A_62 : memref<128x128xf32, #tpu.memory_space<vmem>>) offsets(%dma_start3A_64 : memref<128xi32, #tpu.memory_space<vmem>>) semaphore(%arg10 : memref<!tpu.dma_semaphore, #tpu.memory_space<semaphore_mem>>)
    %add3A_70 = arith.constant 256 : i32
    %add3A_71 = arith.addi %mul3A_2, %add3A_70 : i32
    %jit3A_72 = arith.constant 16384 : i32
    %div3A_73 = arith.divsi %add3A_71, %jit3A_72 : i32
    %sign3A_74 = arith.constant 0 : i32
    %sign3A_75 = arith.cmpi sgt, %add3A_71, %sign3A_74 : i32
    %sign3A_76 = arith.extui %sign3A_75 : i1 to i32
    %sign3A_77 = arith.constant 0 : i32
    %sign3A_78 = arith.cmpi slt, %add3A_71, %sign3A_77 : i32
    %sign3A_79 = arith.extui %sign3A_78 : i1 to i32
    %sign3A_80 = arith.subi %sign3A_76, %sign3A_79 : i32
    %sign3A_81 = arith.constant 0 : i32
    %sign3A_82 = arith.cmpi sgt, %jit3A_72, %sign3A_81 : i32
    %sign3A_83 = arith.extui %sign3A_82 : i1 to i32
    %sign3A_84 = arith.constant 0 : i32
    %sign3A_85 = arith.cmpi slt, %jit3A_72, %sign3A_84 : i32
    %sign3A_86 = arith.extui %sign3A_85 : i1 to i32
    %sign3A_87 = arith.subi %sign3A_83, %sign3A_86 : i32
    %ne3A_88 = arith.cmpi ne, %sign3A_80, %sign3A_87 : i32
    %rem3A_89 = arith.remsi %add3A_71, %jit3A_72 : i32
    %ne3A_90 = arith.constant 0 : i32
    %ne3A_91 = arith.cmpi ne, %rem3A_89, %ne3A_90 : i32
    %and3A_92 = arith.andi %ne3A_88, %ne3A_91 : i1
    %sub3A_93 = arith.constant 1 : i32
    %sub3A_94 = arith.subi %div3A_73, %sub3A_93 : i32
    %select_n3A_95 = arith.select %and3A_92, %sub3A_94, %div3A_73 : i32
    %mul3A_96 = arith.constant 1000 : i32
    %mul3A_97 = arith.muli %select_n3A_95, %mul3A_96 : i32
    %dma_start3A_98 = arith.constant 0 : i32
    %dma_start3A_99 = arith.constant 0 : i32
    %dma_start3A_100 = tpu.memref_slice %arg9[%dma_start3A_98, %dma_start3A_99] : memref<256x128xf32, #tpu.memory_space<vmem>> -> memref<128x128xf32, #tpu.memory_space<vmem>>
    %dma_start3A_101 = arith.constant 256 : i32
    %dma_start3A_102 = tpu.memref_slice %arg6[%dma_start3A_101] : memref<22016xi32, #tpu.memory_space<vmem>> -> memref<128xi32, #tpu.memory_space<vmem>>
    %dma_start3A_103 = arith.constant 0 : i32
    %dma_start3A_104 = tpu.memref_slice %arg2[%mul3A_97, %dma_start3A_103] : memref<43000x128xf32, #tpu.memory_space<hbm>> -> memref<1000x128xf32, #tpu.memory_space<hbm>>
    %dma_start3A_105 = arith.constant 0 : i32
    %dma_start3A_106 = arith.constant 0 : i32
    %dma_start3A_107 = tpu.memref_slice %dma_start3A_104[%dma_start3A_105, %dma_start3A_106] : memref<1000x128xf32, #tpu.memory_space<hbm>> -> memref<1000x128xf32, #tpu.memory_space<hbm>>
    tpu.enqueue_indirect_dma source(%dma_start3A_107 : memref<1000x128xf32, #tpu.memory_space<hbm>>) target(%dma_start3A_100 : memref<128x128xf32, #tpu.memory_space<vmem>>) offsets(%dma_start3A_102 : memref<128xi32, #tpu.memory_space<vmem>>) semaphore(%arg11 : memref<!tpu.dma_semaphore, #tpu.memory_space<semaphore_mem>>)
    %add3A_108 = arith.constant 384 : i32
    %add3A_109 = arith.addi %mul3A_2, %add3A_108 : i32
    %jit3A_110 = arith.constant 16384 : i32
    %div3A_111 = arith.divsi %add3A_109, %jit3A_110 : i32
    %sign3A_112 = arith.constant 0 : i32
    %sign3A_113 = arith.cmpi sgt, %add3A_109, %sign3A_112 : i32
    %sign3A_114 = arith.extui %sign3A_113 : i1 to i32
    %sign3A_115 = arith.constant 0 : i32
    %sign3A_116 = arith.cmpi slt, %add3A_109, %sign3A_115 : i32
    %sign3A_117 = arith.extui %sign3A_116 : i1 to i32
    %sign3A_118 = arith.subi %sign3A_114, %sign3A_117 : i32
    %sign3A_119 = arith.constant 0 : i32
    %sign3A_120 = arith.cmpi sgt, %jit3A_110, %sign3A_119 : i32
    %sign3A_121 = arith.extui %sign3A_120 : i1 to i32
    %sign3A_122 = arith.constant 0 : i32
    %sign3A_123 = arith.cmpi slt, %jit3A_110, %sign3A_122 : i32
    %sign3A_124 = arith.extui %sign3A_123 : i1 to i32
    %sign3A_125 = arith.subi %sign3A_121, %sign3A_124 : i32
    %ne3A_126 = arith.cmpi ne, %sign3A_118, %sign3A_125 : i32
    %rem3A_127 = arith.remsi %add3A_109, %jit3A_110 : i32
    %ne3A_128 = arith.constant 0 : i32
    %ne3A_129 = arith.cmpi ne, %rem3A_127, %ne3A_128 : i32
    %and3A_130 = arith.andi %ne3A_126, %ne3A_129 : i1
    %sub3A_131 = arith.constant 1 : i32
    %sub3A_132 = arith.subi %div3A_111, %sub3A_131 : i32
    %select_n3A_133 = arith.select %and3A_130, %sub3A_132, %div3A_111 : i32
    %mul3A_134 = arith.constant 1000 : i32
    %mul3A_135 = arith.muli %select_n3A_133, %mul3A_134 : i32
    %dma_start3A_136 = arith.constant 128 : i32
    %dma_start3A_137 = arith.constant 0 : i32
    %dma_start3A_138 = tpu.memref_slice %arg9[%dma_start3A_136, %dma_start3A_137] : memref<256x128xf32, #tpu.memory_space<vmem>> -> memref<128x128xf32, #tpu.memory_space<vmem>>
    %dma_start3A_139 = arith.constant 384 : i32
    %dma_start3A_140 = tpu.memref_slice %arg6[%dma_start3A_139] : memref<22016xi32, #tpu.memory_space<vmem>> -> memref<128xi32, #tpu.memory_space<vmem>>
    %dma_start3A_141 = arith.constant 0 : i32
    %dma_start3A_142 = tpu.memref_slice %arg2[%mul3A_135, %dma_start3A_141] : memref<43000x128xf32, #tpu.memory_space<hbm>> -> memref<1000x128xf32, #tpu.memory_space<hbm>>
    %dma_start3A_143 = arith.constant 0 : i32
    %dma_start3A_144 = arith.constant 0 : i32
    %dma_start3A_145 = tpu.memref_slice %dma_start3A_142[%dma_start3A_143, %dma_start3A_144] : memref<1000x128xf32, #tpu.memory_space<hbm>> -> memref<1000x128xf32, #tpu.memory_space<hbm>>
    tpu.enqueue_indirect_dma source(%dma_start3A_145 : memref<1000x128xf32, #tpu.memory_space<hbm>>) target(%dma_start3A_138 : memref<128x128xf32, #tpu.memory_space<vmem>>) offsets(%dma_start3A_140 : memref<128xi32, #tpu.memory_space<vmem>>) semaphore(%arg11 : memref<!tpu.dma_semaphore, #tpu.memory_space<semaphore_mem>>)
    %scan3A = arith.constant 0 : i32
    %scan3A_146 = arith.constant 0 : i32
    %scan3A_147 = arith.constant 42 : i32
    %scan3A_148 = arith.addi %scan3A_146, %scan3A_147 : i32
    %scan3A_149 = arith.constant 1 : i32
    scf.for %scan3A_581 = %scan3A_146 to %scan3A_148 step %scan3A_149  : i32 {
      %mul3A_582 = arith.constant 2 : i32
      %mul3A_583 = arith.muli %scan3A_581, %mul3A_582 : i32
      %add3A_584 = arith.constant 0 : i32
      %add3A_585 = arith.addi %mul3A_583, %add3A_584 : i32
      %mul3A_586 = arith.constant 2 : i32
      %mul3A_587 = arith.muli %mul3A_586, %add3A_585 : i32
      %mul3A_588 = arith.constant 128 : i32
      %mul3A_589 = arith.muli %mul3A_587, %mul3A_588 : i32
      %add3A_590 = arith.addi %mul3A_2, %mul3A_589 : i32
      %jit3A_591 = arith.constant 16384 : i32
      %div3A_592 = arith.divsi %add3A_590, %jit3A_591 : i32
      %sign3A_593 = arith.constant 0 : i32
      %sign3A_594 = arith.cmpi sgt, %add3A_590, %sign3A_593 : i32
      %sign3A_595 = arith.extui %sign3A_594 : i1 to i32
      %sign3A_596 = arith.constant 0 : i32
      %sign3A_597 = arith.cmpi slt, %add3A_590, %sign3A_596 : i32
      %sign3A_598 = arith.extui %sign3A_597 : i1 to i32
      %sign3A_599 = arith.subi %sign3A_595, %sign3A_598 : i32
      %sign3A_600 = arith.constant 0 : i32
      %sign3A_601 = arith.cmpi sgt, %jit3A_591, %sign3A_600 : i32
      %sign3A_602 = arith.extui %sign3A_601 : i1 to i32
      %sign3A_603 = arith.constant 0 : i32
      %sign3A_604 = arith.cmpi slt, %jit3A_591, %sign3A_603 : i32
      %sign3A_605 = arith.extui %sign3A_604 : i1 to i32
      %sign3A_606 = arith.subi %sign3A_602, %sign3A_605 : i32
      %ne3A_607 = arith.cmpi ne, %sign3A_599, %sign3A_606 : i32
      %rem3A_608 = arith.remsi %add3A_590, %jit3A_591 : i32
      %ne3A_609 = arith.constant 0 : i32
      %ne3A_610 = arith.cmpi ne, %rem3A_608, %ne3A_609 : i32
      %and3A_611 = arith.andi %ne3A_607, %ne3A_610 : i1
      %sub3A_612 = arith.constant 1 : i32
      %sub3A_613 = arith.subi %div3A_592, %sub3A_612 : i32
      %select_n3A_614 = arith.select %and3A_611, %sub3A_613, %div3A_592 : i32
      %mul3A_615 = arith.constant 1000 : i32
      %mul3A_616 = arith.muli %select_n3A_614, %mul3A_615 : i32
      %mul3A_617 = arith.constant 2 : i32
      %mul3A_618 = arith.muli %mul3A_617, %add3A_585 : i32
      %mul3A_619 = arith.constant 128 : i32
      %mul3A_620 = arith.muli %mul3A_618, %mul3A_619 : i32
      %dma_wait3A_621 = arith.constant 0 : i32
      %dma_wait3A_622 = arith.constant 0 : i32
      %dma_wait3A_623 = tpu.memref_slice %arg8[%dma_wait3A_621, %dma_wait3A_622] : memref<256x128xf32, #tpu.memory_space<vmem>> -> memref<128x128xf32, #tpu.memory_space<vmem>>
      %dma_wait3A_624 = tpu.memref_slice %arg6[%mul3A_620] : memref<22016xi32, #tpu.memory_space<vmem>> -> memref<128xi32, #tpu.memory_space<vmem>>
      %dma_wait3A_625 = arith.constant 0 : i32
      %dma_wait3A_626 = tpu.memref_slice %arg2[%mul3A_616, %dma_wait3A_625] : memref<43000x128xf32, #tpu.memory_space<hbm>> -> memref<1000x128xf32, #tpu.memory_space<hbm>>
      %dma_wait3A_627 = arith.constant 0 : i32
      %dma_wait3A_628 = arith.constant 0 : i32
      %dma_wait3A_629 = tpu.memref_slice %dma_wait3A_626[%dma_wait3A_627, %dma_wait3A_628] : memref<1000x128xf32, #tpu.memory_space<hbm>> -> memref<1000x128xf32, #tpu.memory_space<hbm>>
      tpu.wait_indirect_dma semaphore(%arg10 : memref<!tpu.dma_semaphore, #tpu.memory_space<semaphore_mem>>) src(%dma_wait3A_629 : memref<1000x128xf32, #tpu.memory_space<hbm>>) dst(%dma_wait3A_623 : memref<128x128xf32, #tpu.memory_space<vmem>>)
      %mul3A_630 = arith.constant 2 : i32
      %mul3A_631 = arith.muli %mul3A_630, %add3A_585 : i32
      %add3A_632 = arith.constant 1 : i32
      %add3A_633 = arith.addi %mul3A_631, %add3A_632 : i32
      %mul3A_634 = arith.constant 128 : i32
      %mul3A_635 = arith.muli %add3A_633, %mul3A_634 : i32
      %add3A_636 = arith.addi %mul3A_2, %mul3A_635 : i32
      %jit3A_637 = arith.constant 16384 : i32
      %div3A_638 = arith.divsi %add3A_636, %jit3A_637 : i32
      %sign3A_639 = arith.constant 0 : i32
      %sign3A_640 = arith.cmpi sgt, %add3A_636, %sign3A_639 : i32
      %sign3A_641 = arith.extui %sign3A_640 : i1 to i32
      %sign3A_642 = arith.constant 0 : i32
      %sign3A_643 = arith.cmpi slt, %add3A_636, %sign3A_642 : i32
      %sign3A_644 = arith.extui %sign3A_643 : i1 to i32
      %sign3A_645 = arith.subi %sign3A_641, %sign3A_644 : i32
      %sign3A_646 = arith.constant 0 : i32
      %sign3A_647 = arith.cmpi sgt, %jit3A_637, %sign3A_646 : i32
      %sign3A_648 = arith.extui %sign3A_647 : i1 to i32
      %sign3A_649 = arith.constant 0 : i32
      %sign3A_650 = arith.cmpi slt, %jit3A_637, %sign3A_649 : i32
      %sign3A_651 = arith.extui %sign3A_650 : i1 to i32
      %sign3A_652 = arith.subi %sign3A_648, %sign3A_651 : i32
      %ne3A_653 = arith.cmpi ne, %sign3A_645, %sign3A_652 : i32
      %rem3A_654 = arith.remsi %add3A_636, %jit3A_637 : i32
      %ne3A_655 = arith.constant 0 : i32
      %ne3A_656 = arith.cmpi ne, %rem3A_654, %ne3A_655 : i32
      %and3A_657 = arith.andi %ne3A_653, %ne3A_656 : i1
      %sub3A_658 = arith.constant 1 : i32
      %sub3A_659 = arith.subi %div3A_638, %sub3A_658 : i32
      %select_n3A_660 = arith.select %and3A_657, %sub3A_659, %div3A_638 : i32
      %mul3A_661 = arith.constant 1000 : i32
      %mul3A_662 = arith.muli %select_n3A_660, %mul3A_661 : i32
      %mul3A_663 = arith.constant 2 : i32
      %mul3A_664 = arith.muli %mul3A_663, %add3A_585 : i32
      %add3A_665 = arith.constant 1 : i32
      %add3A_666 = arith.addi %mul3A_664, %add3A_665 : i32
      %mul3A_667 = arith.constant 128 : i32
      %mul3A_668 = arith.muli %add3A_666, %mul3A_667 : i32
      %dma_wait3A_669 = arith.constant 128 : i32
      %dma_wait3A_670 = arith.constant 0 : i32
      %dma_wait3A_671 = tpu.memref_slice %arg8[%dma_wait3A_669, %dma_wait3A_670] : memref<256x128xf32, #tpu.memory_space<vmem>> -> memref<128x128xf32, #tpu.memory_space<vmem>>
      %dma_wait3A_672 = tpu.memref_slice %arg6[%mul3A_668] : memref<22016xi32, #tpu.memory_space<vmem>> -> memref<128xi32, #tpu.memory_space<vmem>>
      %dma_wait3A_673 = arith.constant 0 : i32
      %dma_wait3A_674 = tpu.memref_slice %arg2[%mul3A_662, %dma_wait3A_673] : memref<43000x128xf32, #tpu.memory_space<hbm>> -> memref<1000x128xf32, #tpu.memory_space<hbm>>
      %dma_wait3A_675 = arith.constant 0 : i32
      %dma_wait3A_676 = arith.constant 0 : i32
      %dma_wait3A_677 = tpu.memref_slice %dma_wait3A_674[%dma_wait3A_675, %dma_wait3A_676] : memref<1000x128xf32, #tpu.memory_space<hbm>> -> memref<1000x128xf32, #tpu.memory_space<hbm>>
      tpu.wait_indirect_dma semaphore(%arg10 : memref<!tpu.dma_semaphore, #tpu.memory_space<semaphore_mem>>) src(%dma_wait3A_677 : memref<1000x128xf32, #tpu.memory_space<hbm>>) dst(%dma_wait3A_671 : memref<128x128xf32, #tpu.memory_space<vmem>>)
      %mul3A_678 = arith.constant 2 : i32
      %mul3A_679 = arith.muli %mul3A_678, %add3A_585 : i32
      %mul3A_680 = arith.constant 128 : i32
      %mul3A_681 = arith.muli %mul3A_679, %mul3A_680 : i32
      %add3A_682 = arith.addi %mul3A_2, %mul3A_681 : i32
      %jit3A_683 = arith.constant 16384 : i32
      %div3A_684 = arith.divsi %add3A_682, %jit3A_683 : i32
      %sign3A_685 = arith.constant 0 : i32
      %sign3A_686 = arith.cmpi sgt, %add3A_682, %sign3A_685 : i32
      %sign3A_687 = arith.extui %sign3A_686 : i1 to i32
      %sign3A_688 = arith.constant 0 : i32
      %sign3A_689 = arith.cmpi slt, %add3A_682, %sign3A_688 : i32
      %sign3A_690 = arith.extui %sign3A_689 : i1 to i32
      %sign3A_691 = arith.subi %sign3A_687, %sign3A_690 : i32
      %sign3A_692 = arith.constant 0 : i32
      %sign3A_693 = arith.cmpi sgt, %jit3A_683, %sign3A_692 : i32
      %sign3A_694 = arith.extui %sign3A_693 : i1 to i32
      %sign3A_695 = arith.constant 0 : i32
      %sign3A_696 = arith.cmpi slt, %jit3A_683, %sign3A_695 : i32
      %sign3A_697 = arith.extui %sign3A_696 : i1 to i32
      %sign3A_698 = arith.subi %sign3A_694, %sign3A_697 : i32
      %ne3A_699 = arith.cmpi ne, %sign3A_691, %sign3A_698 : i32
      %rem3A_700 = arith.remsi %add3A_682, %jit3A_683 : i32
      %ne3A_701 = arith.constant 0 : i32
      %ne3A_702 = arith.cmpi ne, %rem3A_700, %ne3A_701 : i32
      %and3A_703 = arith.andi %ne3A_699, %ne3A_702 : i1
      %sub3A_704 = arith.constant 1 : i32
      %sub3A_705 = arith.subi %div3A_684, %sub3A_704 : i32
      %select_n3A_706 = arith.select %and3A_703, %sub3A_705, %div3A_684 : i32
      %get3A_707 = arith.index_cast %select_n3A_706 : i32 to index
      %get3A_708 = arith.constant 0 : index
      %get3A_709 = tpu.vector_load %arg7[%get3A_707, %get3A_708] {strides = array<i32>} : memref<43x128xf32, #tpu.memory_space<vmem>>, vector<1x16xf32>,
      %get3A_710 = vector.shape_cast %get3A_709 : vector<1x16xf32> to vector<16xf32>
      %get3A_711 = arith.index_cast %select_n3A_706 : i32 to index
      %get3A_712 = arith.constant 16 : index
      %get3A_713 = tpu.vector_load %arg7[%get3A_711, %get3A_712] {strides = array<i32>} : memref<43x128xf32, #tpu.memory_space<vmem>>, vector<1x16xf32>,
      %get3A_714 = vector.shape_cast %get3A_713 : vector<1x16xf32> to vector<16xf32>
      %get3A_715 = arith.index_cast %select_n3A_706 : i32 to index
      %get3A_716 = arith.constant 32 : index
      %get3A_717 = tpu.vector_load %arg7[%get3A_715, %get3A_716] {strides = array<i32>} : memref<43x128xf32, #tpu.memory_space<vmem>>, vector<1x16xf32>,
      %get3A_718 = vector.shape_cast %get3A_717 : vector<1x16xf32> to vector<16xf32>
      %get3A_719 = arith.index_cast %select_n3A_706 : i32 to index
      %get3A_720 = arith.constant 48 : index
      %get3A_721 = tpu.vector_load %arg7[%get3A_719, %get3A_720] {strides = array<i32>} : memref<43x128xf32, #tpu.memory_space<vmem>>, vector<1x16xf32>,
      %get3A_722 = vector.shape_cast %get3A_721 : vector<1x16xf32> to vector<16xf32>
      %get3A_723 = arith.index_cast %select_n3A_706 : i32 to index
      %get3A_724 = arith.constant 64 : index
      %get3A_725 = tpu.vector_load %arg7[%get3A_723, %get3A_724] {strides = array<i32>} : memref<43x128xf32, #tpu.memory_space<vmem>>, vector<1x16xf32>,
      %get3A_726 = vector.shape_cast %get3A_725 : vector<1x16xf32> to vector<16xf32>
      %get3A_727 = arith.index_cast %select_n3A_706 : i32 to index
      %get3A_728 = arith.constant 80 : index
      %get3A_729 = tpu.vector_load %arg7[%get3A_727, %get3A_728] {strides = array<i32>} : memref<43x128xf32, #tpu.memory_space<vmem>>, vector<1x16xf32>,
      %get3A_730 = vector.shape_cast %get3A_729 : vector<1x16xf32> to vector<16xf32>
      %get3A_731 = arith.index_cast %select_n3A_706 : i32 to index
      %get3A_732 = arith.constant 96 : index
      %get3A_733 = tpu.vector_load %arg7[%get3A_731, %get3A_732] {strides = array<i32>} : memref<43x128xf32, #tpu.memory_space<vmem>>, vector<1x16xf32>,
      %get3A_734 = vector.shape_cast %get3A_733 : vector<1x16xf32> to vector<16xf32>
      %get3A_735 = arith.index_cast %select_n3A_706 : i32 to index
      %get3A_736 = arith.constant 112 : index
      %get3A_737 = tpu.vector_load %arg7[%get3A_735, %get3A_736] {strides = array<i32>} : memref<43x128xf32, #tpu.memory_space<vmem>>, vector<1x16xf32>,
      %get3A_738 = vector.shape_cast %get3A_737 : vector<1x16xf32> to vector<16xf32>
      %scan3A_739 = arith.constant 0 : i32
      %scan3A_740 = arith.constant 0 : i32
      %scan3A_741 = arith.constant 32 : i32
      %scan3A_742 = arith.addi %scan3A_740, %scan3A_741 : i32
      %scan3A_743 = arith.constant 1 : i32
      scf.for %scan3A_1278 = %scan3A_740 to %scan3A_742 step %scan3A_743  : i32 {
        %mul3A_1279 = arith.constant 4 : i32
        %mul3A_1280 = arith.muli %mul3A_1279, %scan3A_1278 : i32
        %add3A_1281 = arith.constant 0 : i32
        %add3A_1282 = arith.addi %add3A_1281, %mul3A_1280 : i32
        %add3A_1283 = arith.constant 0 : i32
        %add3A_1284 = arith.addi %add3A_1282, %add3A_1283 : i32
        %get3A_1285 = arith.index_cast %add3A_1284 : i32 to index
        %get3A_1286 = arith.constant 0 : index
        %get3A_1287 = tpu.vector_load %arg8[%get3A_1285, %get3A_1286] {strides = array<i32>} : memref<256x128xf32, #tpu.memory_space<vmem>>, vector<1x16xf32>,
        %get3A_1288 = vector.shape_cast %get3A_1287 : vector<1x16xf32> to vector<16xf32>
        %add3A_1289 = arith.addf %get3A_1288, %get3A_710 : vector<16xf32>
        %add3A_1290 = arith.constant 0 : i32
        %add3A_1291 = arith.addi %add3A_1282, %add3A_1290 : i32
        %swap3A = arith.index_cast %add3A_1291 : i32 to index
        %swap3A_1292 = arith.constant 0 : index
        %swap3A_1293 = tpu.vector_load %arg8[%swap3A, %swap3A_1292] {strides = array<i32>} : memref<256x128xf32, #tpu.memory_space<vmem>>, vector<1x16xf32>,
        %swap3A_1294 = vector.shape_cast %swap3A_1293 : vector<1x16xf32> to vector<16xf32>
        %swap3A_1295 = vector.shape_cast %add3A_1289 : vector<16xf32> to vector<1x16xf32>
        tpu.vector_store %arg8[%swap3A, %swap3A_1292], %swap3A_1295 {strides = array<i32>} : memref<256x128xf32, #tpu.memory_space<vmem>>, vector<1x16xf32>,
        %add3A_1296 = arith.constant 0 : i32
        %add3A_1297 = arith.addi %add3A_1282, %add3A_1296 : i32
        %get3A_1298 = arith.index_cast %add3A_1297 : i32 to index
        %get3A_1299 = arith.constant 16 : index
        %get3A_1300 = tpu.vector_load %arg8[%get3A_1298, %get3A_1299] {strides = array<i32>} : memref<256x128xf32, #tpu.memory_space<vmem>>, vector<1x16xf32>,
        %get3A_1301 = vector.shape_cast %get3A_1300 : vector<1x16xf32> to vector<16xf32>
        %add3A_1302 = arith.addf %get3A_1301, %get3A_714 : vector<16xf32>
        %add3A_1303 = arith.constant 0 : i32
        %add3A_1304 = arith.addi %add3A_1282, %add3A_1303 : i32
        %swap3A_1305 = arith.index_cast %add3A_1304 : i32 to index
        %swap3A_1306 = arith.constant 16 : index
        %swap3A_1307 = tpu.vector_load %arg8[%swap3A_1305, %swap3A_1306] {strides = array<i32>} : memref<256x128xf32, #tpu.memory_space<vmem>>, vector<1x16xf32>,
        %swap3A_1308 = vector.shape_cast %swap3A_1307 : vector<1x16xf32> to vector<16xf32>
        %swap3A_1309 = vector.shape_cast %add3A_1302 : vector<16xf32> to vector<1x16xf32>
        tpu.vector_store %arg8[%swap3A_1305, %swap3A_1306], %swap3A_1309 {strides = array<i32>} : memref<256x128xf32, #tpu.memory_space<vmem>>, vector<1x16xf32>,
        %add3A_1310 = arith.constant 0 : i32
        %add3A_1311 = arith.addi %add3A_1282, %add3A_1310 : i32
        %get3A_1312 = arith.index_cast %add3A_1311 : i32 to index
        %get3A_1313 = arith.constant 32 : index
        %get3A_1314 = tpu.vector_load %arg8[%get3A_1312, %get3A_1313] {strides = array<i32>} : memref<256x128xf32, #tpu.memory_space<vmem>>, vector<1x16xf32>,
        %get3A_1315 = vector.shape_cast %get3A_1314 : vector<1x16xf32> to vector<16xf32>
        %add3A_1316 = arith.addf %get3A_1315, %get3A_718 : vector<16xf32>
        %add3A_1317 = arith.constant 0 : i32
        %add3A_1318 = arith.addi %add3A_1282, %add3A_1317 : i32
        %swap3A_1319 = arith.index_cast %add3A_1318 : i32 to index
        %swap3A_1320 = arith.constant 32 : index
        %swap3A_1321 = tpu.vector_load %arg8[%swap3A_1319, %swap3A_1320] {strides = array<i32>} : memref<256x128xf32, #tpu.memory_space<vmem>>, vector<1x16xf32>,
        %swap3A_1322 = vector.shape_cast %swap3A_1321 : vector<1x16xf32> to vector<16xf32>
        %swap3A_1323 = vector.shape_cast %add3A_1316 : vector<16xf32> to vector<1x16xf32>
        tpu.vector_store %arg8[%swap3A_1319, %swap3A_1320], %swap3A_1323 {strides = array<i32>} : memref<256x128xf32, #tpu.memory_space<vmem>>, vector<1x16xf32>,
        %add3A_1324 = arith.constant 0 : i32
        %add3A_1325 = arith.addi %add3A_1282, %add3A_1324 : i32
        %get3A_1326 = arith.index_cast %add3A_1325 : i32 to index
        %get3A_1327 = arith.constant 48 : index
        %get3A_1328 = tpu.vector_load %arg8[%get3A_1326, %get3A_1327] {strides = array<i32>} : memref<256x128xf32, #tpu.memory_space<vmem>>, vector<1x16xf32>,
        %get3A_1329 = vector.shape_cast %get3A_1328 : vector<1x16xf32> to vector<16xf32>
        %add3A_1330 = arith.addf %get3A_1329, %get3A_722 : vector<16xf32>
        %add3A_1331 = arith.constant 0 : i32
        %add3A_1332 = arith.addi %add3A_1282, %add3A_1331 : i32
        %swap3A_1333 = arith.index_cast %add3A_1332 : i32 to index
        %swap3A_1334 = arith.constant 48 : index
        %swap3A_1335 = tpu.vector_load %arg8[%swap3A_1333, %swap3A_1334] {strides = array<i32>} : memref<256x128xf32, #tpu.memory_space<vmem>>, vector<1x16xf32>,
        %swap3A_1336 = vector.shape_cast %swap3A_1335 : vector<1x16xf32> to vector<16xf32>
        %swap3A_1337 = vector.shape_cast %add3A_1330 : vector<16xf32> to vector<1x16xf32>
        tpu.vector_store %arg8[%swap3A_1333, %swap3A_1334], %swap3A_1337 {strides = array<i32>} : memref<256x128xf32, #tpu.memory_space<vmem>>, vector<1x16xf32>,
        %add3A_1338 = arith.constant 0 : i32
        %add3A_1339 = arith.addi %add3A_1282, %add3A_1338 : i32
        %get3A_1340 = arith.index_cast %add3A_1339 : i32 to index
        %get3A_1341 = arith.constant 64 : index
        %get3A_1342 = tpu.vector_load %arg8[%get3A_1340, %get3A_1341] {strides = array<i32>} : memref<256x128xf32, #tpu.memory_space<vmem>>, vector<1x16xf32>,
        %get3A_1343 = vector.shape_cast %get3A_1342 : vector<1x16xf32> to vector<16xf32>
        %add3A_1344 = arith.addf %get3A_1343, %get3A_726 : vector<16xf32>
        %add3A_1345 = arith.constant 0 : i32
        %add3A_1346 = arith.addi %add3A_1282, %add3A_1345 : i32
        %swap3A_1347 = arith.index_cast %add3A_1346 : i32 to index
        %swap3A_1348 = arith.constant 64 : index
        %swap3A_1349 = tpu.vector_load %arg8[%swap3A_1347, %swap3A_1348] {strides = array<i32>} : memref<256x128xf32, #tpu.memory_space<vmem>>, vector<1x16xf32>,
        %swap3A_1350 = vector.shape_cast %swap3A_1349 : vector<1x16xf32> to vector<16xf32>
        %swap3A_1351 = vector.shape_cast %add3A_1344 : vector<16xf32> to vector<1x16xf32>
        tpu.vector_store %arg8[%swap3A_1347, %swap3A_1348], %swap3A_1351 {strides = array<i32>} : memref<256x128xf32, #tpu.memory_space<vmem>>, vector<1x16xf32>,
        %add3A_1352 = arith.constant 0 : i32
        %add3A_1353 = arith.addi %add3A_1282, %add3A_1352 : i32
        %get3A_1354 = arith.index_cast %add3A_1353 : i32 to index
        %get3A_1355 = arith.constant 80 : index
        %get3A_1356 = tpu.vector_load %arg8[%get3A_1354, %get3A_1355] {strides = array<i32>} : memref<256x128xf32, #tpu.memory_space<vmem>>, vector<1x16xf32>,
        %get3A_1357 = vector.shape_cast %get3A_1356 : vector<1x16xf32> to vector<16xf32>
        %add3A_1358 = arith.addf %get3A_1357, %get3A_730 : vector<16xf32>
        %add3A_1359 = arith.constant 0 : i32
        %add3A_1360 = arith.addi %add3A_1282, %add3A_1359 : i32
        %swap3A_1361 = arith.index_cast %add3A_1360 : i32 to index
        %swap3A_1362 = arith.constant 80 : index
        %swap3A_1363 = tpu.vector_load %arg8[%swap3A_1361, %swap3A_1362] {strides = array<i32>} : memref<256x128xf32, #tpu.memory_space<vmem>>, vector<1x16xf32>,
        %swap3A_1364 = vector.shape_cast %swap3A_1363 : vector<1x16xf32> to vector<16xf32>
        %swap3A_1365 = vector.shape_cast %add3A_1358 : vector<16xf32> to vector<1x16xf32>
        tpu.vector_store %arg8[%swap3A_1361, %swap3A_1362], %swap3A_1365 {strides = array<i32>} : memref<256x128xf32, #tpu.memory_space<vmem>>, vector<1x16xf32>,
        %add3A_1366 = arith.constant 0 : i32
        %add3A_1367 = arith.addi %add3A_1282, %add3A_1366 : i32
        %get3A_1368 = arith.index_cast %add3A_1367 : i32 to index
        %get3A_1369 = arith.constant 96 : index
        %get3A_1370 = tpu.vector_load %arg8[%get3A_1368, %get3A_1369] {strides = array<i32>} : memref<256x128xf32, #tpu.memory_space<vmem>>, vector<1x16xf32>,
        %get3A_1371 = vector.shape_cast %get3A_1370 : vector<1x16xf32> to vector<16xf32>
        %add3A_1372 = arith.addf %get3A_1371, %get3A_734 : vector<16xf32>
        %add3A_1373 = arith.constant 0 : i32
        %add3A_1374 = arith.addi %add3A_1282, %add3A_1373 : i32
        %swap3A_1375 = arith.index_cast %add3A_1374 : i32 to index
        %swap3A_1376 = arith.constant 96 : index
        %swap3A_1377 = tpu.vector_load %arg8[%swap3A_1375, %swap3A_1376] {strides = array<i32>} : memref<256x128xf32, #tpu.memory_space<vmem>>, vector<1x16xf32>,
        %swap3A_1378 = vector.shape_cast %swap3A_1377 : vector<1x16xf32> to vector<16xf32>
        %swap3A_1379 = vector.shape_cast %add3A_1372 : vector<16xf32> to vector<1x16xf32>
        tpu.vector_store %arg8[%swap3A_1375, %swap3A_1376], %swap3A_1379 {strides = array<i32>} : memref<256x128xf32, #tpu.memory_space<vmem>>, vector<1x16xf32>,
        %add3A_1380 = arith.constant 0 : i32
        %add3A_1381 = arith.addi %add3A_1282, %add3A_1380 : i32
        %get3A_1382 = arith.index_cast %add3A_1381 : i32 to index
        %get3A_1383 = arith.constant 112 : index
        %get3A_1384 = tpu.vector_load %arg8[%get3A_1382, %get3A_1383] {strides = array<i32>} : memref<256x128xf32, #tpu.memory_space<vmem>>, vector<1x16xf32>,
        %get3A_1385 = vector.shape_cast %get3A_1384 : vector<1x16xf32> to vector<16xf32>
        %add3A_1386 = arith.addf %get3A_1385, %get3A_738 : vector<16xf32>
        %add3A_1387 = arith.constant 0 : i32
        %add3A_1388 = arith.addi %add3A_1282, %add3A_1387 : i32
        %swap3A_1389 = arith.index_cast %add3A_1388 : i32 to index
        %swap3A_1390 = arith.constant 112 : index
        %swap3A_1391 = tpu.vector_load %arg8[%swap3A_1389, %swap3A_1390] {strides = array<i32>} : memref<256x128xf32, #tpu.memory_space<vmem>>, vector<1x16xf32>,
        %swap3A_1392 = vector.shape_cast %swap3A_1391 : vector<1x16xf32> to vector<16xf32>
        %swap3A_1393 = vector.shape_cast %add3A_1386 : vector<16xf32> to vector<1x16xf32>
        tpu.vector_store %arg8[%swap3A_1389, %swap3A_1390], %swap3A_1393 {strides = array<i32>} : memref<256x128xf32, #tpu.memory_space<vmem>>, vector<1x16xf32>,
        %add3A_1394 = arith.constant 1 : i32
        %add3A_1395 = arith.addi %add3A_1282, %add3A_1394 : i32
        %get3A_1396 = arith.index_cast %add3A_1395 : i32 to index
        %get3A_1397 = arith.constant 0 : index
        %get3A_1398 = tpu.vector_load %arg8[%get3A_1396, %get3A_1397] {strides = array<i32>} : memref<256x128xf32, #tpu.memory_space<vmem>>, vector<1x16xf32>,
        %get3A_1399 = vector.shape_cast %get3A_1398 : vector<1x16xf32> to vector<16xf32>
        %add3A_1400 = arith.addf %get3A_1399, %get3A_710 : vector<16xf32>
        %add3A_1401 = arith.constant 1 : i32
        %add3A_1402 = arith.addi %add3A_1282, %add3A_1401 : i32
        %swap3A_1403 = arith.index_cast %add3A_1402 : i32 to index
        %swap3A_1404 = arith.constant 0 : index
        %swap3A_1405 = tpu.vector_load %arg8[%swap3A_1403, %swap3A_1404] {strides = array<i32>} : memref<256x128xf32, #tpu.memory_space<vmem>>, vector<1x16xf32>,
        %swap3A_1406 = vector.shape_cast %swap3A_1405 : vector<1x16xf32> to vector<16xf32>
        %swap3A_1407 = vector.shape_cast %add3A_1400 : vector<16xf32> to vector<1x16xf32>
        tpu.vector_store %arg8[%swap3A_1403, %swap3A_1404], %swap3A_1407 {strides = array<i32>} : memref<256x128xf32, #tpu.memory_space<vmem>>, vector<1x16xf32>,
        %add3A_1408 = arith.constant 1 : i32
        %add3A_1409 = arith.addi %add3A_1282, %add3A_1408 : i32
        %get3A_1410 = arith.index_cast %add3A_1409 : i32 to index
        %get3A_1411 = arith.constant 16 : index
        %get3A_1412 = tpu.vector_load %arg8[%get3A_1410, %get3A_1411] {strides = array<i32>} : memref<256x128xf32, #tpu.memory_space<vmem>>, vector<1x16xf32>,
        %get3A_1413 = vector.shape_cast %get3A_1412 : vector<1x16xf32> to vector<16xf32>
        %add3A_1414 = arith.addf %get3A_1413, %get3A_714 : vector<16xf32>
        %add3A_1415 = arith.constant 1 : i32
        %add3A_1416 = arith.addi %add3A_1282, %add3A_1415 : i32
        %swap3A_1417 = arith.index_cast %add3A_1416 : i32 to index
        %swap3A_1418 = arith.constant 16 : index
        %swap3A_1419 = tpu.vector_load %arg8[%swap3A_1417, %swap3A_1418] {strides = array<i32>} : memref<256x128xf32, #tpu.memory_space<vmem>>, vector<1x16xf32>,
        %swap3A_1420 = vector.shape_cast %swap3A_1419 : vector<1x16xf32> to vector<16xf32>
        %swap3A_1421 = vector.shape_cast %add3A_1414 : vector<16xf32> to vector<1x16xf32>
        tpu.vector_store %arg8[%swap3A_1417, %swap3A_1418], %swap3A_1421 {strides = array<i32>} : memref<256x128xf32, #tpu.memory_space<vmem>>, vector<1x16xf32>,
        %add3A_1422 = arith.constant 1 : i32
        %add3A_1423 = arith.addi %add3A_1282, %add3A_1422 : i32
        %get3A_1424 = arith.index_cast %add3A_1423 : i32 to index
        %get3A_1425 = arith.constant 32 : index
        %get3A_1426 = tpu.vector_load %arg8[%get3A_1424, %get3A_1425] {strides = array<i32>} : memref<256x128xf32, #tpu.memory_space<vmem>>, vector<1x16xf32>,
        %get3A_1427 = vector.shape_cast %get3A_1426 : vector<1x16xf32> to vector<16xf32>
        %add3A_1428 = arith.addf %get3A_1427, %get3A_718 : vector<16xf32>
        %add3A_1429 = arith.constant 1 : i32
        %add3A_1430 = arith.addi %add3A_1282, %add3A_1429 : i32
        %swap3A_1431 = arith.index_cast %add3A_1430 : i32 to index
        %swap3A_1432 = arith.constant 32 : index
        %swap3A_1433 = tpu.vector_load %arg8[%swap3A_1431, %swap3A_1432] {strides = array<i32>} : memref<256x128xf32, #tpu.memory_space<vmem>>, vector<1x16xf32>,
        %swap3A_1434 = vector.shape_cast %swap3A_1433 : vector<1x16xf32> to vector<16xf32>
        %swap3A_1435 = vector.shape_cast %add3A_1428 : vector<16xf32> to vector<1x16xf32>
        tpu.vector_store %arg8[%swap3A_1431, %swap3A_1432], %swap3A_1435 {strides = array<i32>} : memref<256x128xf32, #tpu.memory_space<vmem>>, vector<1x16xf32>,
        %add3A_1436 = arith.constant 1 : i32
        %add3A_1437 = arith.addi %add3A_1282, %add3A_1436 : i32
        %get3A_1438 = arith.index_cast %add3A_1437 : i32 to index
        %get3A_1439 = arith.constant 48 : index
        %get3A_1440 = tpu.vector_load %arg8[%get3A_1438, %get3A_1439] {strides = array<i32>} : memref<256x128xf32, #tpu.memory_space<vmem>>, vector<1x16xf32>,
        %get3A_1441 = vector.shape_cast %get3A_1440 : vector<1x16xf32> to vector<16xf32>
        %add3A_1442 = arith.addf %get3A_1441, %get3A_722 : vector<16xf32>
        %add3A_1443 = arith.constant 1 : i32
        %add3A_1444 = arith.addi %add3A_1282, %add3A_1443 : i32
        %swap3A_1445 = arith.index_cast %add3A_1444 : i32 to index
        %swap3A_1446 = arith.constant 48 : index
        %swap3A_1447 = tpu.vector_load %arg8[%swap3A_1445, %swap3A_1446] {strides = array<i32>} : memref<256x128xf32, #tpu.memory_space<vmem>>, vector<1x16xf32>,
        %swap3A_1448 = vector.shape_cast %swap3A_1447 : vector<1x16xf32> to vector<16xf32>
        %swap3A_1449 = vector.shape_cast %add3A_1442 : vector<16xf32> to vector<1x16xf32>
        tpu.vector_store %arg8[%swap3A_1445, %swap3A_1446], %swap3A_1449 {strides = array<i32>} : memref<256x128xf32, #tpu.memory_space<vmem>>, vector<1x16xf32>,
        %add3A_1450 = arith.constant 1 : i32
        %add3A_1451 = arith.addi %add3A_1282, %add3A_1450 : i32
        %get3A_1452 = arith.index_cast %add3A_1451 : i32 to index
        %get3A_1453 = arith.constant 64 : index
        %get3A_1454 = tpu.vector_load %arg8[%get3A_1452, %get3A_1453] {strides = array<i32>} : memref<256x128xf32, #tpu.memory_space<vmem>>, vector<1x16xf32>,
        %get3A_1455 = vector.shape_cast %get3A_1454 : vector<1x16xf32> to vector<16xf32>
        %add3A_1456 = arith.addf %get3A_1455, %get3A_726 : vector<16xf32>
        %add3A_1457 = arith.constant 1 : i32
        %add3A_1458 = arith.addi %add3A_1282, %add3A_1457 : i32
        %swap3A_1459 = arith.index_cast %add3A_1458 : i32 to index
        %swap3A_1460 = arith.constant 64 : index
        %swap3A_1461 = tpu.vector_load %arg8[%swap3A_1459, %swap3A_1460] {strides = array<i32>} : memref<256x128xf32, #tpu.memory_space<vmem>>, vector<1x16xf32>,
        %swap3A_1462 = vector.shape_cast %swap3A_1461 : vector<1x16xf32> to vector<16xf32>
        %swap3A_1463 = vector.shape_cast %add3A_1456 : vector<16xf32> to vector<1x16xf32>
        tpu.vector_store %arg8[%swap3A_1459, %swap3A_1460], %swap3A_1463 {strides = array<i32>} : memref<256x128xf32, #tpu.memory_space<vmem>>, vector<1x16xf32>,
        %add3A_1464 = arith.constant 1 : i32
        %add3A_1465 = arith.addi %add3A_1282, %add3A_1464 : i32
        %get3A_1466 = arith.index_cast %add3A_1465 : i32 to index
        %get3A_1467 = arith.constant 80 : index
        %get3A_1468 = tpu.vector_load %arg8[%get3A_1466, %get3A_1467] {strides = array<i32>} : memref<256x128xf32, #tpu.memory_space<vmem>>, vector<1x16xf32>,
        %get3A_1469 = vector.shape_cast %get3A_1468 : vector<1x16xf32> to vector<16xf32>
        %add3A_1470 = arith.addf %get3A_1469, %get3A_730 : vector<16xf32>
        %add3A_1471 = arith.constant 1 : i32
        %add3A_1472 = arith.addi %add3A_1282, %add3A_1471 : i32
        %swap3A_1473 = arith.index_cast %add3A_1472 : i32 to index
        %swap3A_1474 = arith.constant 80 : index
        %swap3A_1475 = tpu.vector_load %arg8[%swap3A_1473, %swap3A_1474] {strides = array<i32>} : memref<256x128xf32, #tpu.memory_space<vmem>>, vector<1x16xf32>,
        %swap3A_1476 = vector.shape_cast %swap3A_1475 : vector<1x16xf32> to vector<16xf32>
        %swap3A_1477 = vector.shape_cast %add3A_1470 : vector<16xf32> to vector<1x16xf32>
        tpu.vector_store %arg8[%swap3A_1473, %swap3A_1474], %swap3A_1477 {strides = array<i32>} : memref<256x128xf32, #tpu.memory_space<vmem>>, vector<1x16xf32>,
        %add3A_1478 = arith.constant 1 : i32
        %add3A_1479 = arith.addi %add3A_1282, %add3A_1478 : i32
        %get3A_1480 = arith.index_cast %add3A_1479 : i32 to index
        %get3A_1481 = arith.constant 96 : index
        %get3A_1482 = tpu.vector_load %arg8[%get3A_1480, %get3A_1481] {strides = array<i32>} : memref<256x128xf32, #tpu.memory_space<vmem>>, vector<1x16xf32>,
        %get3A_1483 = vector.shape_cast %get3A_1482 : vector<1x16xf32> to vector<16xf32>
        %add3A_1484 = arith.addf %get3A_1483, %get3A_734 : vector<16xf32>
        %add3A_1485 = arith.constant 1 : i32
        %add3A_1486 = arith.addi %add3A_1282, %add3A_1485 : i32
        %swap3A_1487 = arith.index_cast %add3A_1486 : i32 to index
        %swap3A_1488 = arith.constant 96 : index
        %swap3A_1489 = tpu.vector_load %arg8[%swap3A_1487, %swap3A_1488] {strides = array<i32>} : memref<256x128xf32, #tpu.memory_space<vmem>>, vector<1x16xf32>,
        %swap3A_1490 = vector.shape_cast %swap3A_1489 : vector<1x16xf32> to vector<16xf32>
        %swap3A_1491 = vector.shape_cast %add3A_1484 : vector<16xf32> to vector<1x16xf32>
        tpu.vector_store %arg8[%swap3A_1487, %swap3A_1488], %swap3A_1491 {strides = array<i32>} : memref<256x128xf32, #tpu.memory_space<vmem>>, vector<1x16xf32>,
        %add3A_1492 = arith.constant 1 : i32
        %add3A_1493 = arith.addi %add3A_1282, %add3A_1492 : i32
        %get3A_1494 = arith.index_cast %add3A_1493 : i32 to index
        %get3A_1495 = arith.constant 112 : index
        %get3A_1496 = tpu.vector_load %arg8[%get3A_1494, %get3A_1495] {strides = array<i32>} : memref<256x128xf32, #tpu.memory_space<vmem>>, vector<1x16xf32>,
        %get3A_1497 = vector.shape_cast %get3A_1496 : vector<1x16xf32> to vector<16xf32>
        %add3A_1498 = arith.addf %get3A_1497, %get3A_738 : vector<16xf32>
        %add3A_1499 = arith.constant 1 : i32
        %add3A_1500 = arith.addi %add3A_1282, %add3A_1499 : i32
        %swap3A_1501 = arith.index_cast %add3A_1500 : i32 to index
        %swap3A_1502 = arith.constant 112 : index
        %swap3A_1503 = tpu.vector_load %arg8[%swap3A_1501, %swap3A_1502] {strides = array<i32>} : memref<256x128xf32, #tpu.memory_space<vmem>>, vector<1x16xf32>,
        %swap3A_1504 = vector.shape_cast %swap3A_1503 : vector<1x16xf32> to vector<16xf32>
        %swap3A_1505 = vector.shape_cast %add3A_1498 : vector<16xf32> to vector<1x16xf32>
        tpu.vector_store %arg8[%swap3A_1501, %swap3A_1502], %swap3A_1505 {strides = array<i32>} : memref<256x128xf32, #tpu.memory_space<vmem>>, vector<1x16xf32>,
        %add3A_1506 = arith.constant 2 : i32
        %add3A_1507 = arith.addi %add3A_1282, %add3A_1506 : i32
        %get3A_1508 = arith.index_cast %add3A_1507 : i32 to index
        %get3A_1509 = arith.constant 0 : index
        %get3A_1510 = tpu.vector_load %arg8[%get3A_1508, %get3A_1509] {strides = array<i32>} : memref<256x128xf32, #tpu.memory_space<vmem>>, vector<1x16xf32>,
        %get3A_1511 = vector.shape_cast %get3A_1510 : vector<1x16xf32> to vector<16xf32>
        %add3A_1512 = arith.addf %get3A_1511, %get3A_710 : vector<16xf32>
        %add3A_1513 = arith.constant 2 : i32
        %add3A_1514 = arith.addi %add3A_1282, %add3A_1513 : i32
        %swap3A_1515 = arith.index_cast %add3A_1514 : i32 to index
        %swap3A_1516 = arith.constant 0 : index
        %swap3A_1517 = tpu.vector_load %arg8[%swap3A_1515, %swap3A_1516] {strides = array<i32>} : memref<256x128xf32, #tpu.memory_space<vmem>>, vector<1x16xf32>,
        %swap3A_1518 = vector.shape_cast %swap3A_1517 : vector<1x16xf32> to vector<16xf32>
        %swap3A_1519 = vector.shape_cast %add3A_1512 : vector<16xf32> to vector<1x16xf32>
        tpu.vector_store %arg8[%swap3A_1515, %swap3A_1516], %swap3A_1519 {strides = array<i32>} : memref<256x128xf32, #tpu.memory_space<vmem>>, vector<1x16xf32>,
        %add3A_1520 = arith.constant 2 : i32
        %add3A_1521 = arith.addi %add3A_1282, %add3A_1520 : i32
        %get3A_1522 = arith.index_cast %add3A_1521 : i32 to index
        %get3A_1523 = arith.constant 16 : index
        %get3A_1524 = tpu.vector_load %arg8[%get3A_1522, %get3A_1523] {strides = array<i32>} : memref<256x128xf32, #tpu.memory_space<vmem>>, vector<1x16xf32>,
        %get3A_1525 = vector.shape_cast %get3A_1524 : vector<1x16xf32> to vector<16xf32>
        %add3A_1526 = arith.addf %get3A_1525, %get3A_714 : vector<16xf32>
        %add3A_1527 = arith.constant 2 : i32
        %add3A_1528 = arith.addi %add3A_1282, %add3A_1527 : i32
        %swap3A_1529 = arith.index_cast %add3A_1528 : i32 to index
        %swap3A_1530 = arith.constant 16 : index
        %swap3A_1531 = tpu.vector_load %arg8[%swap3A_1529, %swap3A_1530] {strides = array<i32>} : memref<256x128xf32, #tpu.memory_space<vmem>>, vector<1x16xf32>,
        %swap3A_1532 = vector.shape_cast %swap3A_1531 : vector<1x16xf32> to vector<16xf32>
        %swap3A_1533 = vector.shape_cast %add3A_1526 : vector<16xf32> to vector<1x16xf32>
        tpu.vector_store %arg8[%swap3A_1529, %swap3A_1530], %swap3A_1533 {strides = array<i32>} : memref<256x128xf32, #tpu.memory_space<vmem>>, vector<1x16xf32>,
        %add3A_1534 = arith.constant 2 : i32
        %add3A_1535 = arith.addi %add3A_1282, %add3A_1534 : i32
        %get3A_1536 = arith.index_cast %add3A_1535 : i32 to index
        %get3A_1537 = arith.constant 32 : index
        %get3A_1538 = tpu.vector_load %arg8[%get3A_1536, %get3A_1537] {strides = array<i32>} : memref<256x128xf32, #tpu.memory_space<vmem>>, vector<1x16xf32>,
        %get3A_1539 = vector.shape_cast %get3A_1538 : vector<1x16xf32> to vector<16xf32>
        %add3A_1540 = arith.addf %get3A_1539, %get3A_718 : vector<16xf32>
        %add3A_1541 = arith.constant 2 : i32
        %add3A_1542 = arith.addi %add3A_1282, %add3A_1541 : i32
        %swap3A_1543 = arith.index_cast %add3A_1542 : i32 to index
        %swap3A_1544 = arith.constant 32 : index
        %swap3A_1545 = tpu.vector_load %arg8[%swap3A_1543, %swap3A_1544] {strides = array<i32>} : memref<256x128xf32, #tpu.memory_space<vmem>>, vector<1x16xf32>,
        %swap3A_1546 = vector.shape_cast %swap3A_1545 : vector<1x16xf32> to vector<16xf32>
        %swap3A_1547 = vector.shape_cast %add3A_1540 : vector<16xf32> to vector<1x16xf32>
        tpu.vector_store %arg8[%swap3A_1543, %swap3A_1544], %swap3A_1547 {strides = array<i32>} : memref<256x128xf32, #tpu.memory_space<vmem>>, vector<1x16xf32>,
        %add3A_1548 = arith.constant 2 : i32
        %add3A_1549 = arith.addi %add3A_1282, %add3A_1548 : i32
        %get3A_1550 = arith.index_cast %add3A_1549 : i32 to index
        %get3A_1551 = arith.constant 48 : index
        %get3A_1552 = tpu.vector_load %arg8[%get3A_1550, %get3A_1551] {strides = array<i32>} : memref<256x128xf32, #tpu.memory_space<vmem>>, vector<1x16xf32>,
        %get3A_1553 = vector.shape_cast %get3A_1552 : vector<1x16xf32> to vector<16xf32>
        %add3A_1554 = arith.addf %get3A_1553, %get3A_722 : vector<16xf32>
        %add3A_1555 = arith.constant 2 : i32
        %add3A_1556 = arith.addi %add3A_1282, %add3A_1555 : i32
        %swap3A_1557 = arith.index_cast %add3A_1556 : i32 to index
        %swap3A_1558 = arith.constant 48 : index
        %swap3A_1559 = tpu.vector_load %arg8[%swap3A_1557, %swap3A_1558] {strides = array<i32>} : memref<256x128xf32, #tpu.memory_space<vmem>>, vector<1x16xf32>,
        %swap3A_1560 = vector.shape_cast %swap3A_1559 : vector<1x16xf32> to vector<16xf32>
        %swap3A_1561 = vector.shape_cast %add3A_1554 : vector<16xf32> to vector<1x16xf32>
        tpu.vector_store %arg8[%swap3A_1557, %swap3A_1558], %swap3A_1561 {strides = array<i32>} : memref<256x128xf32, #tpu.memory_space<vmem>>, vector<1x16xf32>,
        %add3A_1562 = arith.constant 2 : i32
        %add3A_1563 = arith.addi %add3A_1282, %add3A_1562 : i32
        %get3A_1564 = arith.index_cast %add3A_1563 : i32 to index
        %get3A_1565 = arith.constant 64 : index
        %get3A_1566 = tpu.vector_load %arg8[%get3A_1564, %get3A_1565] {strides = array<i32>} : memref<256x128xf32, #tpu.memory_space<vmem>>, vector<1x16xf32>,
        %get3A_1567 = vector.shape_cast %get3A_1566 : vector<1x16xf32> to vector<16xf32>
        %add3A_1568 = arith.addf %get3A_1567, %get3A_726 : vector<16xf32>
        %add3A_1569 = arith.constant 2 : i32
        %add3A_1570 = arith.addi %add3A_1282, %add3A_1569 : i32
        %swap3A_1571 = arith.index_cast %add3A_1570 : i32 to index
        %swap3A_1572 = arith.constant 64 : index
        %swap3A_1573 = tpu.vector_load %arg8[%swap3A_1571, %swap3A_1572] {strides = array<i32>} : memref<256x128xf32, #tpu.memory_space<vmem>>, vector<1x16xf32>,
        %swap3A_1574 = vector.shape_cast %swap3A_1573 : vector<1x16xf32> to vector<16xf32>
        %swap3A_1575 = vector.shape_cast %add3A_1568 : vector<16xf32> to vector<1x16xf32>
        tpu.vector_store %arg8[%swap3A_1571, %swap3A_1572], %swap3A_1575 {strides = array<i32>} : memref<256x128xf32, #tpu.memory_space<vmem>>, vector<1x16xf32>,
        %add3A_1576 = arith.constant 2 : i32
        %add3A_1577 = arith.addi %add3A_1282, %add3A_1576 : i32
        %get3A_1578 = arith.index_cast %add3A_1577 : i32 to index
        %get3A_1579 = arith.constant 80 : index
        %get3A_1580 = tpu.vector_load %arg8[%get3A_1578, %get3A_1579] {strides = array<i32>} : memref<256x128xf32, #tpu.memory_space<vmem>>, vector<1x16xf32>,
        %get3A_1581 = vector.shape_cast %get3A_1580 : vector<1x16xf32> to vector<16xf32>
        %add3A_1582 = arith.addf %get3A_1581, %get3A_730 : vector<16xf32>
        %add3A_1583 = arith.constant 2 : i32
        %add3A_1584 = arith.addi %add3A_1282, %add3A_1583 : i32
        %swap3A_1585 = arith.index_cast %add3A_1584 : i32 to index
        %swap3A_1586 = arith.constant 80 : index
        %swap3A_1587 = tpu.vector_load %arg8[%swap3A_1585, %swap3A_1586] {strides = array<i32>} : memref<256x128xf32, #tpu.memory_space<vmem>>, vector<1x16xf32>,
        %swap3A_1588 = vector.shape_cast %swap3A_1587 : vector<1x16xf32> to vector<16xf32>
        %swap3A_1589 = vector.shape_cast %add3A_1582 : vector<16xf32> to vector<1x16xf32>
        tpu.vector_store %arg8[%swap3A_1585, %swap3A_1586], %swap3A_1589 {strides = array<i32>} : memref<256x128xf32, #tpu.memory_space<vmem>>, vector<1x16xf32>,
        %add3A_1590 = arith.constant 2 : i32
        %add3A_1591 = arith.addi %add3A_1282, %add3A_1590 : i32
        %get3A_1592 = arith.index_cast %add3A_1591 : i32 to index
        %get3A_1593 = arith.constant 96 : index
        %get3A_1594 = tpu.vector_load %arg8[%get3A_1592, %get3A_1593] {strides = array<i32>} : memref<256x128xf32, #tpu.memory_space<vmem>>, vector<1x16xf32>,
        %get3A_1595 = vector.shape_cast %get3A_1594 : vector<1x16xf32> to vector<16xf32>
        %add3A_1596 = arith.addf %get3A_1595, %get3A_734 : vector<16xf32>
        %add3A_1597 = arith.constant 2 : i32
        %add3A_1598 = arith.addi %add3A_1282, %add3A_1597 : i32
        %swap3A_1599 = arith.index_cast %add3A_1598 : i32 to index
        %swap3A_1600 = arith.constant 96 : index
        %swap3A_1601 = tpu.vector_load %arg8[%swap3A_1599, %swap3A_1600] {strides = array<i32>} : memref<256x128xf32, #tpu.memory_space<vmem>>, vector<1x16xf32>,
        %swap3A_1602 = vector.shape_cast %swap3A_1601 : vector<1x16xf32> to vector<16xf32>
        %swap3A_1603 = vector.shape_cast %add3A_1596 : vector<16xf32> to vector<1x16xf32>
        tpu.vector_store %arg8[%swap3A_1599, %swap3A_1600], %swap3A_1603 {strides = array<i32>} : memref<256x128xf32, #tpu.memory_space<vmem>>, vector<1x16xf32>,
        %add3A_1604 = arith.constant 2 : i32
        %add3A_1605 = arith.addi %add3A_1282, %add3A_1604 : i32
        %get3A_1606 = arith.index_cast %add3A_1605 : i32 to index
        %get3A_1607 = arith.constant 112 : index
        %get3A_1608 = tpu.vector_load %arg8[%get3A_1606, %get3A_1607] {strides = array<i32>} : memref<256x128xf32, #tpu.memory_space<vmem>>, vector<1x16xf32>,
        %get3A_1609 = vector.shape_cast %get3A_1608 : vector<1x16xf32> to vector<16xf32>
        %add3A_1610 = arith.addf %get3A_1609, %get3A_738 : vector<16xf32>
        %add3A_1611 = arith.constant 2 : i32
        %add3A_1612 = arith.addi %add3A_1282, %add3A_1611 : i32
        %swap3A_1613 = arith.index_cast %add3A_1612 : i32 to index
        %swap3A_1614 = arith.constant 112 : index
        %swap3A_1615 = tpu.vector_load %arg8[%swap3A_1613, %swap3A_1614] {strides = array<i32>} : memref<256x128xf32, #tpu.memory_space<vmem>>, vector<1x16xf32>,
        %swap3A_1616 = vector.shape_cast %swap3A_1615 : vector<1x16xf32> to vector<16xf32>
        %swap3A_1617 = vector.shape_cast %add3A_1610 : vector<16xf32> to vector<1x16xf32>
        tpu.vector_store %arg8[%swap3A_1613, %swap3A_1614], %swap3A_1617 {strides = array<i32>} : memref<256x128xf32, #tpu.memory_space<vmem>>, vector<1x16xf32>,
        %add3A_1618 = arith.constant 3 : i32
        %add3A_1619 = arith.addi %add3A_1282, %add3A_1618 : i32
        %get3A_1620 = arith.index_cast %add3A_1619 : i32 to index
        %get3A_1621 = arith.constant 0 : index
        %get3A_1622 = tpu.vector_load %arg8[%get3A_1620, %get3A_1621] {strides = array<i32>} : memref<256x128xf32, #tpu.memory_space<vmem>>, vector<1x16xf32>,
        %get3A_1623 = vector.shape_cast %get3A_1622 : vector<1x16xf32> to vector<16xf32>
        %add3A_1624 = arith.addf %get3A_1623, %get3A_710 : vector<16xf32>
        %add3A_1625 = arith.constant 3 : i32
        %add3A_1626 = arith.addi %add3A_1282, %add3A_1625 : i32
        %swap3A_1627 = arith.index_cast %add3A_1626 : i32 to index
        %swap3A_1628 = arith.constant 0 : index
        %swap3A_1629 = tpu.vector_load %arg8[%swap3A_1627, %swap3A_1628] {strides = array<i32>} : memref<256x128xf32, #tpu.memory_space<vmem>>, vector<1x16xf32>,
        %swap3A_1630 = vector.shape_cast %swap3A_1629 : vector<1x16xf32> to vector<16xf32>
        %swap3A_1631 = vector.shape_cast %add3A_1624 : vector<16xf32> to vector<1x16xf32>
        tpu.vector_store %arg8[%swap3A_1627, %swap3A_1628], %swap3A_1631 {strides = array<i32>} : memref<256x128xf32, #tpu.memory_space<vmem>>, vector<1x16xf32>,
        %add3A_1632 = arith.constant 3 : i32
        %add3A_1633 = arith.addi %add3A_1282, %add3A_1632 : i32
        %get3A_1634 = arith.index_cast %add3A_1633 : i32 to index
        %get3A_1635 = arith.constant 16 : index
        %get3A_1636 = tpu.vector_load %arg8[%get3A_1634, %get3A_1635] {strides = array<i32>} : memref<256x128xf32, #tpu.memory_space<vmem>>, vector<1x16xf32>,
        %get3A_1637 = vector.shape_cast %get3A_1636 : vector<1x16xf32> to vector<16xf32>
        %add3A_1638 = arith.addf %get3A_1637, %get3A_714 : vector<16xf32>
        %add3A_1639 = arith.constant 3 : i32
        %add3A_1640 = arith.addi %add3A_1282, %add3A_1639 : i32
        %swap3A_1641 = arith.index_cast %add3A_1640 : i32 to index
        %swap3A_1642 = arith.constant 16 : index
        %swap3A_1643 = tpu.vector_load %arg8[%swap3A_1641, %swap3A_1642] {strides = array<i32>} : memref<256x128xf32, #tpu.memory_space<vmem>>, vector<1x16xf32>,
        %swap3A_1644 = vector.shape_cast %swap3A_1643 : vector<1x16xf32> to vector<16xf32>
        %swap3A_1645 = vector.shape_cast %add3A_1638 : vector<16xf32> to vector<1x16xf32>
        tpu.vector_store %arg8[%swap3A_1641, %swap3A_1642], %swap3A_1645 {strides = array<i32>} : memref<256x128xf32, #tpu.memory_space<vmem>>, vector<1x16xf32>,
        %add3A_1646 = arith.constant 3 : i32
        %add3A_1647 = arith.addi %add3A_1282, %add3A_1646 : i32
        %get3A_1648 = arith.index_cast %add3A_1647 : i32 to index
        %get3A_1649 = arith.constant 32 : index
        %get3A_1650 = tpu.vector_load %arg8[%get3A_1648, %get3A_1649] {strides = array<i32>} : memref<256x128xf32, #tpu.memory_space<vmem>>, vector<1x16xf32>,
        %get3A_1651 = vector.shape_cast %get3A_1650 : vector<1x16xf32> to vector<16xf32>
        %add3A_1652 = arith.addf %get3A_1651, %get3A_718 : vector<16xf32>
        %add3A_1653 = arith.constant 3 : i32
        %add3A_1654 = arith.addi %add3A_1282, %add3A_1653 : i32
        %swap3A_1655 = arith.index_cast %add3A_1654 : i32 to index
        %swap3A_1656 = arith.constant 32 : index
        %swap3A_1657 = tpu.vector_load %arg8[%swap3A_1655, %swap3A_1656] {strides = array<i32>} : memref<256x128xf32, #tpu.memory_space<vmem>>, vector<1x16xf32>,
        %swap3A_1658 = vector.shape_cast %swap3A_1657 : vector<1x16xf32> to vector<16xf32>
        %swap3A_1659 = vector.shape_cast %add3A_1652 : vector<16xf32> to vector<1x16xf32>
        tpu.vector_store %arg8[%swap3A_1655, %swap3A_1656], %swap3A_1659 {strides = array<i32>} : memref<256x128xf32, #tpu.memory_space<vmem>>, vector<1x16xf32>,
        %add3A_1660 = arith.constant 3 : i32
        %add3A_1661 = arith.addi %add3A_1282, %add3A_1660 : i32
        %get3A_1662 = arith.index_cast %add3A_1661 : i32 to index
        %get3A_1663 = arith.constant 48 : index
        %get3A_1664 = tpu.vector_load %arg8[%get3A_1662, %get3A_1663] {strides = array<i32>} : memref<256x128xf32, #tpu.memory_space<vmem>>, vector<1x16xf32>,
        %get3A_1665 = vector.shape_cast %get3A_1664 : vector<1x16xf32> to vector<16xf32>
        %add3A_1666 = arith.addf %get3A_1665, %get3A_722 : vector<16xf32>
        %add3A_1667 = arith.constant 3 : i32
        %add3A_1668 = arith.addi %add3A_1282, %add3A_1667 : i32
        %swap3A_1669 = arith.index_cast %add3A_1668 : i32 to index
        %swap3A_1670 = arith.constant 48 : index
        %swap3A_1671 = tpu.vector_load %arg8[%swap3A_1669, %swap3A_1670] {strides = array<i32>} : memref<256x128xf32, #tpu.memory_space<vmem>>, vector<1x16xf32>,
        %swap3A_1672 = vector.shape_cast %swap3A_1671 : vector<1x16xf32> to vector<16xf32>
        %swap3A_1673 = vector.shape_cast %add3A_1666 : vector<16xf32> to vector<1x16xf32>
        tpu.vector_store %arg8[%swap3A_1669, %swap3A_1670], %swap3A_1673 {strides = array<i32>} : memref<256x128xf32, #tpu.memory_space<vmem>>, vector<1x16xf32>,
        %add3A_1674 = arith.constant 3 : i32
        %add3A_1675 = arith.addi %add3A_1282, %add3A_1674 : i32
        %get3A_1676 = arith.index_cast %add3A_1675 : i32 to index
        %get3A_1677 = arith.constant 64 : index
        %get3A_1678 = tpu.vector_load %arg8[%get3A_1676, %get3A_1677] {strides = array<i32>} : memref<256x128xf32, #tpu.memory_space<vmem>>, vector<1x16xf32>,
        %get3A_1679 = vector.shape_cast %get3A_1678 : vector<1x16xf32> to vector<16xf32>
        %add3A_1680 = arith.addf %get3A_1679, %get3A_726 : vector<16xf32>
        %add3A_1681 = arith.constant 3 : i32
        %add3A_1682 = arith.addi %add3A_1282, %add3A_1681 : i32
        %swap3A_1683 = arith.index_cast %add3A_1682 : i32 to index
        %swap3A_1684 = arith.constant 64 : index
        %swap3A_1685 = tpu.vector_load %arg8[%swap3A_1683, %swap3A_1684] {strides = array<i32>} : memref<256x128xf32, #tpu.memory_space<vmem>>, vector<1x16xf32>,
        %swap3A_1686 = vector.shape_cast %swap3A_1685 : vector<1x16xf32> to vector<16xf32>
        %swap3A_1687 = vector.shape_cast %add3A_1680 : vector<16xf32> to vector<1x16xf32>
        tpu.vector_store %arg8[%swap3A_1683, %swap3A_1684], %swap3A_1687 {strides = array<i32>} : memref<256x128xf32, #tpu.memory_space<vmem>>, vector<1x16xf32>,
        %add3A_1688 = arith.constant 3 : i32
        %add3A_1689 = arith.addi %add3A_1282, %add3A_1688 : i32
        %get3A_1690 = arith.index_cast %add3A_1689 : i32 to index
        %get3A_1691 = arith.constant 80 : index
        %get3A_1692 = tpu.vector_load %arg8[%get3A_1690, %get3A_1691] {strides = array<i32>} : memref<256x128xf32, #tpu.memory_space<vmem>>, vector<1x16xf32>,
        %get3A_1693 = vector.shape_cast %get3A_1692 : vector<1x16xf32> to vector<16xf32>
        %add3A_1694 = arith.addf %get3A_1693, %get3A_730 : vector<16xf32>
        %add3A_1695 = arith.constant 3 : i32
        %add3A_1696 = arith.addi %add3A_1282, %add3A_1695 : i32
        %swap3A_1697 = arith.index_cast %add3A_1696 : i32 to index
        %swap3A_1698 = arith.constant 80 : index
        %swap3A_1699 = tpu.vector_load %arg8[%swap3A_1697, %swap3A_1698] {strides = array<i32>} : memref<256x128xf32, #tpu.memory_space<vmem>>, vector<1x16xf32>,
        %swap3A_1700 = vector.shape_cast %swap3A_1699 : vector<1x16xf32> to vector<16xf32>
        %swap3A_1701 = vector.shape_cast %add3A_1694 : vector<16xf32> to vector<1x16xf32>
        tpu.vector_store %arg8[%swap3A_1697, %swap3A_1698], %swap3A_1701 {strides = array<i32>} : memref<256x128xf32, #tpu.memory_space<vmem>>, vector<1x16xf32>,
        %add3A_1702 = arith.constant 3 : i32
        %add3A_1703 = arith.addi %add3A_1282, %add3A_1702 : i32
        %get3A_1704 = arith.index_cast %add3A_1703 : i32 to index
        %get3A_1705 = arith.constant 96 : index
        %get3A_1706 = tpu.vector_load %arg8[%get3A_1704, %get3A_1705] {strides = array<i32>} : memref<256x128xf32, #tpu.memory_space<vmem>>, vector<1x16xf32>,
        %get3A_1707 = vector.shape_cast %get3A_1706 : vector<1x16xf32> to vector<16xf32>
        %add3A_1708 = arith.addf %get3A_1707, %get3A_734 : vector<16xf32>
        %add3A_1709 = arith.constant 3 : i32
        %add3A_1710 = arith.addi %add3A_1282, %add3A_1709 : i32
        %swap3A_1711 = arith.index_cast %add3A_1710 : i32 to index
        %swap3A_1712 = arith.constant 96 : index
        %swap3A_1713 = tpu.vector_load %arg8[%swap3A_1711, %swap3A_1712] {strides = array<i32>} : memref<256x128xf32, #tpu.memory_space<vmem>>, vector<1x16xf32>,
        %swap3A_1714 = vector.shape_cast %swap3A_1713 : vector<1x16xf32> to vector<16xf32>
        %swap3A_1715 = vector.shape_cast %add3A_1708 : vector<16xf32> to vector<1x16xf32>
        tpu.vector_store %arg8[%swap3A_1711, %swap3A_1712], %swap3A_1715 {strides = array<i32>} : memref<256x128xf32, #tpu.memory_space<vmem>>, vector<1x16xf32>,
        %add3A_1716 = arith.constant 3 : i32
        %add3A_1717 = arith.addi %add3A_1282, %add3A_1716 : i32
        %get3A_1718 = arith.index_cast %add3A_1717 : i32 to index
        %get3A_1719 = arith.constant 112 : index
        %get3A_1720 = tpu.vector_load %arg8[%get3A_1718, %get3A_1719] {strides = array<i32>} : memref<256x128xf32, #tpu.memory_space<vmem>>, vector<1x16xf32>,
        %get3A_1721 = vector.shape_cast %get3A_1720 : vector<1x16xf32> to vector<16xf32>
        %add3A_1722 = arith.addf %get3A_1721, %get3A_738 : vector<16xf32>
        %add3A_1723 = arith.constant 3 : i32
        %add3A_1724 = arith.addi %add3A_1282, %add3A_1723 : i32
        %swap3A_1725 = arith.index_cast %add3A_1724 : i32 to index
        %swap3A_1726 = arith.constant 112 : index
        %swap3A_1727 = tpu.vector_load %arg8[%swap3A_1725, %swap3A_1726] {strides = array<i32>} : memref<256x128xf32, #tpu.memory_space<vmem>>, vector<1x16xf32>,
        %swap3A_1728 = vector.shape_cast %swap3A_1727 : vector<1x16xf32> to vector<16xf32>
        %swap3A_1729 = vector.shape_cast %add3A_1722 : vector<16xf32> to vector<1x16xf32>
        tpu.vector_store %arg8[%swap3A_1725, %swap3A_1726], %swap3A_1729 {strides = array<i32>} : memref<256x128xf32, #tpu.memory_space<vmem>>, vector<1x16xf32>,
      }
      %scan3A_744 = arith.constant 32 : i32
      %mul3A_745 = arith.constant 2 : i32
      %mul3A_746 = arith.muli %mul3A_745, %add3A_585 : i32
      %add3A_747 = arith.constant 1 : i32
      %add3A_748 = arith.addi %mul3A_746, %add3A_747 : i32
      %mul3A_749 = arith.constant 128 : i32
      %mul3A_750 = arith.muli %add3A_748, %mul3A_749 : i32
      %add3A_751 = arith.addi %mul3A_2, %mul3A_750 : i32
      %jit3A_752 = arith.constant 16384 : i32
      %div3A_753 = arith.divsi %add3A_751, %jit3A_752 : i32
      %sign3A_754 = arith.constant 0 : i32
      %sign3A_755 = arith.cmpi sgt, %add3A_751, %sign3A_754 : i32
      %sign3A_756 = arith.extui %sign3A_755 : i1 to i32
      %sign3A_757 = arith.constant 0 : i32
      %sign3A_758 = arith.cmpi slt, %add3A_751, %sign3A_757 : i32
      %sign3A_759 = arith.extui %sign3A_758 : i1 to i32
      %sign3A_760 = arith.subi %sign3A_756, %sign3A_759 : i32
      %sign3A_761 = arith.constant 0 : i32
      %sign3A_762 = arith.cmpi sgt, %jit3A_752, %sign3A_761 : i32
      %sign3A_763 = arith.extui %sign3A_762 : i1 to i32
      %sign3A_764 = arith.constant 0 : i32
      %sign3A_765 = arith.cmpi slt, %jit3A_752, %sign3A_764 : i32
      %sign3A_766 = arith.extui %sign3A_765 : i1 to i32
      %sign3A_767 = arith.subi %sign3A_763, %sign3A_766 : i32
      %ne3A_768 = arith.cmpi ne, %sign3A_760, %sign3A_767 : i32
      %rem3A_769 = arith.remsi %add3A_751, %jit3A_752 : i32
      %ne3A_770 = arith.constant 0 : i32
      %ne3A_771 = arith.cmpi ne, %rem3A_769, %ne3A_770 : i32
      %and3A_772 = arith.andi %ne3A_768, %ne3A_771 : i1
      %sub3A_773 = arith.constant 1 : i32
      %sub3A_774 = arith.subi %div3A_753, %sub3A_773 : i32
      %select_n3A_775 = arith.select %and3A_772, %sub3A_774, %div3A_753 : i32
      %get3A_776 = arith.index_cast %select_n3A_775 : i32 to index
      %get3A_777 = arith.constant 0 : index
      %get3A_778 = tpu.vector_load %arg7[%get3A_776, %get3A_777] {strides = array<i32>} : memref<43x128xf32, #tpu.memory_space<vmem>>, vector<1x16xf32>,
      %get3A_779 = vector.shape_cast %get3A_778 : vector<1x16xf32> to vector<16xf32>
      %get3A_780 = arith.index_cast %select_n3A_775 : i32 to index
      %get3A_781 = arith.constant 16 : index
      %get3A_782 = tpu.vector_load %arg7[%get3A_780, %get3A_781] {strides = array<i32>} : memref<43x128xf32, #tpu.memory_space<vmem>>, vector<1x16xf32>,
      %get3A_783 = vector.shape_cast %get3A_782 : vector<1x16xf32> to vector<16xf32>
      %get3A_784 = arith.index_cast %select_n3A_775 : i32 to index
      %get3A_785 = arith.constant 32 : index
      %get3A_786 = tpu.vector_load %arg7[%get3A_784, %get3A_785] {strides = array<i32>} : memref<43x128xf32, #tpu.memory_space<vmem>>, vector<1x16xf32>,
      %get3A_787 = vector.shape_cast %get3A_786 : vector<1x16xf32> to vector<16xf32>
      %get3A_788 = arith.index_cast %select_n3A_775 : i32 to index
      %get3A_789 = arith.constant 48 : index
      %get3A_790 = tpu.vector_load %arg7[%get3A_788, %get3A_789] {strides = array<i32>} : memref<43x128xf32, #tpu.memory_space<vmem>>, vector<1x16xf32>,
      %get3A_791 = vector.shape_cast %get3A_790 : vector<1x16xf32> to vector<16xf32>
      %get3A_792 = arith.index_cast %select_n3A_775 : i32 to index
      %get3A_793 = arith.constant 64 : index
      %get3A_794 = tpu.vector_load %arg7[%get3A_792, %get3A_793] {strides = array<i32>} : memref<43x128xf32, #tpu.memory_space<vmem>>, vector<1x16xf32>,
      %get3A_795 = vector.shape_cast %get3A_794 : vector<1x16xf32> to vector<16xf32>
      %get3A_796 = arith.index_cast %select_n3A_775 : i32 to index
      %get3A_797 = arith.constant 80 : index
      %get3A_798 = tpu.vector_load %arg7[%get3A_796, %get3A_797] {strides = array<i32>} : memref<43x128xf32, #tpu.memory_space<vmem>>, vector<1x16xf32>,
      %get3A_799 = vector.shape_cast %get3A_798 : vector<1x16xf32> to vector<16xf32>
      %get3A_800 = arith.index_cast %select_n3A_775 : i32 to index
      %get3A_801 = arith.constant 96 : index
      %get3A_802 = tpu.vector_load %arg7[%get3A_800, %get3A_801] {strides = array<i32>} : memref<43x128xf32, #tpu.memory_space<vmem>>, vector<1x16xf32>,
      %get3A_803 = vector.shape_cast %get3A_802 : vector<1x16xf32> to vector<16xf32>
      %get3A_804 = arith.index_cast %select_n3A_775 : i32 to index
      %get3A_805 = arith.constant 112 : index
      %get3A_806 = tpu.vector_load %arg7[%get3A_804, %get3A_805] {strides = array<i32>} : memref<43x128xf32, #tpu.memory_space<vmem>>, vector<1x16xf32>,
      %get3A_807 = vector.shape_cast %get3A_806 : vector<1x16xf32> to vector<16xf32>
      %scan3A_808 = arith.constant 0 : i32
      %scan3A_809 = arith.constant 0 : i32
      %scan3A_810 = arith.constant 32 : i32
      %scan3A_811 = arith.addi %scan3A_809, %scan3A_810 : i32
      %scan3A_812 = arith.constant 1 : i32
      scf.for %scan3A_1278 = %scan3A_809 to %scan3A_811 step %scan3A_812  : i32 {
        %mul3A_1279 = arith.constant 4 : i32
        %mul3A_1280 = arith.muli %mul3A_1279, %scan3A_1278 : i32
        %add3A_1281 = arith.constant 128 : i32
        %add3A_1282 = arith.addi %add3A_1281, %mul3A_1280 : i32
        %add3A_1283 = arith.constant 0 : i32
        %add3A_1284 = arith.addi %add3A_1282, %add3A_1283 : i32
        %get3A_1285 = arith.index_cast %add3A_1284 : i32 to index
        %get3A_1286 = arith.constant 0 : index
        %get3A_1287 = tpu.vector_load %arg8[%get3A_1285, %get3A_1286] {strides = array<i32>} : memref<256x128xf32, #tpu.memory_space<vmem>>, vector<1x16xf32>,
        %get3A_1288 = vector.shape_cast %get3A_1287 : vector<1x16xf32> to vector<16xf32>
        %add3A_1289 = arith.addf %get3A_1288, %get3A_779 : vector<16xf32>
        %add3A_1290 = arith.constant 0 : i32
        %add3A_1291 = arith.addi %add3A_1282, %add3A_1290 : i32
        %swap3A = arith.index_cast %add3A_1291 : i32 to index
        %swap3A_1292 = arith.constant 0 : index
        %swap3A_1293 = tpu.vector_load %arg8[%swap3A, %swap3A_1292] {strides = array<i32>} : memref<256x128xf32, #tpu.memory_space<vmem>>, vector<1x16xf32>,
        %swap3A_1294 = vector.shape_cast %swap3A_1293 : vector<1x16xf32> to vector<16xf32>
        %swap3A_1295 = vector.shape_cast %add3A_1289 : vector<16xf32> to vector<1x16xf32>
        tpu.vector_store %arg8[%swap3A, %swap3A_1292], %swap3A_1295 {strides = array<i32>} : memref<256x128xf32, #tpu.memory_space<vmem>>, vector<1x16xf32>,
        %add3A_1296 = arith.constant 0 : i32
        %add3A_1297 = arith.addi %add3A_1282, %add3A_1296 : i32
        %get3A_1298 = arith.index_cast %add3A_1297 : i32 to index
        %get3A_1299 = arith.constant 16 : index
        %get3A_1300 = tpu.vector_load %arg8[%get3A_1298, %get3A_1299] {strides = array<i32>} : memref<256x128xf32, #tpu.memory_space<vmem>>, vector<1x16xf32>,
        %get3A_1301 = vector.shape_cast %get3A_1300 : vector<1x16xf32> to vector<16xf32>
        %add3A_1302 = arith.addf %get3A_1301, %get3A_783 : vector<16xf32>
        %add3A_1303 = arith.constant 0 : i32
        %add3A_1304 = arith.addi %add3A_1282, %add3A_1303 : i32
        %swap3A_1305 = arith.index_cast %add3A_1304 : i32 to index
        %swap3A_1306 = arith.constant 16 : index
        %swap3A_1307 = tpu.vector_load %arg8[%swap3A_1305, %swap3A_1306] {strides = array<i32>} : memref<256x128xf32, #tpu.memory_space<vmem>>, vector<1x16xf32>,
        %swap3A_1308 = vector.shape_cast %swap3A_1307 : vector<1x16xf32> to vector<16xf32>
        %swap3A_1309 = vector.shape_cast %add3A_1302 : vector<16xf32> to vector<1x16xf32>
        tpu.vector_store %arg8[%swap3A_1305, %swap3A_1306], %swap3A_1309 {strides = array<i32>} : memref<256x128xf32, #tpu.memory_space<vmem>>, vector<1x16xf32>,
        %add3A_1310 = arith.constant 0 : i32
        %add3A_1311 = arith.addi %add3A_1282, %add3A_1310 : i32
        %get3A_1312 = arith.index_cast %add3A_1311 : i32 to index
        %get3A_1313 = arith.constant 32 : index
        %get3A_1314 = tpu.vector_load %arg8[%get3A_1312, %get3A_1313] {strides = array<i32>} : memref<256x128xf32, #tpu.memory_space<vmem>>, vector<1x16xf32>,
        %get3A_1315 = vector.shape_cast %get3A_1314 : vector<1x16xf32> to vector<16xf32>
        %add3A_1316 = arith.addf %get3A_1315, %get3A_787 : vector<16xf32>
        %add3A_1317 = arith.constant 0 : i32
        %add3A_1318 = arith.addi %add3A_1282, %add3A_1317 : i32
        %swap3A_1319 = arith.index_cast %add3A_1318 : i32 to index
        %swap3A_1320 = arith.constant 32 : index
        %swap3A_1321 = tpu.vector_load %arg8[%swap3A_1319, %swap3A_1320] {strides = array<i32>} : memref<256x128xf32, #tpu.memory_space<vmem>>, vector<1x16xf32>,
        %swap3A_1322 = vector.shape_cast %swap3A_1321 : vector<1x16xf32> to vector<16xf32>
        %swap3A_1323 = vector.shape_cast %add3A_1316 : vector<16xf32> to vector<1x16xf32>
        tpu.vector_store %arg8[%swap3A_1319, %swap3A_1320], %swap3A_1323 {strides = array<i32>} : memref<256x128xf32, #tpu.memory_space<vmem>>, vector<1x16xf32>,
        %add3A_1324 = arith.constant 0 : i32
        %add3A_1325 = arith.addi %add3A_1282, %add3A_1324 : i32
        %get3A_1326 = arith.index_cast %add3A_1325 : i32 to index
        %get3A_1327 = arith.constant 48 : index
        %get3A_1328 = tpu.vector_load %arg8[%get3A_1326, %get3A_1327] {strides = array<i32>} : memref<256x128xf32, #tpu.memory_space<vmem>>, vector<1x16xf32>,
        %get3A_1329 = vector.shape_cast %get3A_1328 : vector<1x16xf32> to vector<16xf32>
        %add3A_1330 = arith.addf %get3A_1329, %get3A_791 : vector<16xf32>
        %add3A_1331 = arith.constant 0 : i32
        %add3A_1332 = arith.addi %add3A_1282, %add3A_1331 : i32
        %swap3A_1333 = arith.index_cast %add3A_1332 : i32 to index
        %swap3A_1334 = arith.constant 48 : index
        %swap3A_1335 = tpu.vector_load %arg8[%swap3A_1333, %swap3A_1334] {strides = array<i32>} : memref<256x128xf32, #tpu.memory_space<vmem>>, vector<1x16xf32>,
        %swap3A_1336 = vector.shape_cast %swap3A_1335 : vector<1x16xf32> to vector<16xf32>
        %swap3A_1337 = vector.shape_cast %add3A_1330 : vector<16xf32> to vector<1x16xf32>
        tpu.vector_store %arg8[%swap3A_1333, %swap3A_1334], %swap3A_1337 {strides = array<i32>} : memref<256x128xf32, #tpu.memory_space<vmem>>, vector<1x16xf32>,
        %add3A_1338 = arith.constant 0 : i32
        %add3A_1339 = arith.addi %add3A_1282, %add3A_1338 : i32
        %get3A_1340 = arith.index_cast %add3A_1339 : i32 to index
        %get3A_1341 = arith.constant 64 : index
        %get3A_1342 = tpu.vector_load %arg8[%get3A_1340, %get3A_1341] {strides = array<i32>} : memref<256x128xf32, #tpu.memory_space<vmem>>, vector<1x16xf32>,
        %get3A_1343 = vector.shape_cast %get3A_1342 : vector<1x16xf32> to vector<16xf32>
        %add3A_1344 = arith.addf %get3A_1343, %get3A_795 : vector<16xf32>
        %add3A_1345 = arith.constant 0 : i32
        %add3A_1346 = arith.addi %add3A_1282, %add3A_1345 : i32
        %swap3A_1347 = arith.index_cast %add3A_1346 : i32 to index
        %swap3A_1348 = arith.constant 64 : index
        %swap3A_1349 = tpu.vector_load %arg8[%swap3A_1347, %swap3A_1348] {strides = array<i32>} : memref<256x128xf32, #tpu.memory_space<vmem>>, vector<1x16xf32>,
        %swap3A_1350 = vector.shape_cast %swap3A_1349 : vector<1x16xf32> to vector<16xf32>
        %swap3A_1351 = vector.shape_cast %add3A_1344 : vector<16xf32> to vector<1x16xf32>
        tpu.vector_store %arg8[%swap3A_1347, %swap3A_1348], %swap3A_1351 {strides = array<i32>} : memref<256x128xf32, #tpu.memory_space<vmem>>, vector<1x16xf32>,
        %add3A_1352 = arith.constant 0 : i32
        %add3A_1353 = arith.addi %add3A_1282, %add3A_1352 : i32
        %get3A_1354 = arith.index_cast %add3A_1353 : i32 to index
        %get3A_1355 = arith.constant 80 : index
        %get3A_1356 = tpu.vector_load %arg8[%get3A_1354, %get3A_1355] {strides = array<i32>} : memref<256x128xf32, #tpu.memory_space<vmem>>, vector<1x16xf32>,
        %get3A_1357 = vector.shape_cast %get3A_1356 : vector<1x16xf32> to vector<16xf32>
        %add3A_1358 = arith.addf %get3A_1357, %get3A_799 : vector<16xf32>
        %add3A_1359 = arith.constant 0 : i32
        %add3A_1360 = arith.addi %add3A_1282, %add3A_1359 : i32
        %swap3A_1361 = arith.index_cast %add3A_1360 : i32 to index
        %swap3A_1362 = arith.constant 80 : index
        %swap3A_1363 = tpu.vector_load %arg8[%swap3A_1361, %swap3A_1362] {strides = array<i32>} : memref<256x128xf32, #tpu.memory_space<vmem>>, vector<1x16xf32>,
        %swap3A_1364 = vector.shape_cast %swap3A_1363 : vector<1x16xf32> to vector<16xf32>
        %swap3A_1365 = vector.shape_cast %add3A_1358 : vector<16xf32> to vector<1x16xf32>
        tpu.vector_store %arg8[%swap3A_1361, %swap3A_1362], %swap3A_1365 {strides = array<i32>} : memref<256x128xf32, #tpu.memory_space<vmem>>, vector<1x16xf32>,
        %add3A_1366 = arith.constant 0 : i32
        %add3A_1367 = arith.addi %add3A_1282, %add3A_1366 : i32
        %get3A_1368 = arith.index_cast %add3A_1367 : i32 to index
        %get3A_1369 = arith.constant 96 : index
        %get3A_1370 = tpu.vector_load %arg8[%get3A_1368, %get3A_1369] {strides = array<i32>} : memref<256x128xf32, #tpu.memory_space<vmem>>, vector<1x16xf32>,
        %get3A_1371 = vector.shape_cast %get3A_1370 : vector<1x16xf32> to vector<16xf32>
        %add3A_1372 = arith.addf %get3A_1371, %get3A_803 : vector<16xf32>
        %add3A_1373 = arith.constant 0 : i32
        %add3A_1374 = arith.addi %add3A_1282, %add3A_1373 : i32
        %swap3A_1375 = arith.index_cast %add3A_1374 : i32 to index
        %swap3A_1376 = arith.constant 96 : index
        %swap3A_1377 = tpu.vector_load %arg8[%swap3A_1375, %swap3A_1376] {strides = array<i32>} : memref<256x128xf32, #tpu.memory_space<vmem>>, vector<1x16xf32>,
        %swap3A_1378 = vector.shape_cast %swap3A_1377 : vector<1x16xf32> to vector<16xf32>
        %swap3A_1379 = vector.shape_cast %add3A_1372 : vector<16xf32> to vector<1x16xf32>
        tpu.vector_store %arg8[%swap3A_1375, %swap3A_1376], %swap3A_1379 {strides = array<i32>} : memref<256x128xf32, #tpu.memory_space<vmem>>, vector<1x16xf32>,
        %add3A_1380 = arith.constant 0 : i32
        %add3A_1381 = arith.addi %add3A_1282, %add3A_1380 : i32
        %get3A_1382 = arith.index_cast %add3A_1381 : i32 to index
        %get3A_1383 = arith.constant 112 : index
        %get3A_1384 = tpu.vector_load %arg8[%get3A_1382, %get3A_1383] {strides = array<i32>} : memref<256x128xf32, #tpu.memory_space<vmem>>, vector<1x16xf32>,
        %get3A_1385 = vector.shape_cast %get3A_1384 : vector<1x16xf32> to vector<16xf32>
        %add3A_1386 = arith.addf %get3A_1385, %get3A_807 : vector<16xf32>
        %add3A_1387 = arith.constant 0 : i32
        %add3A_1388 = arith.addi %add3A_1282, %add3A_1387 : i32
        %swap3A_1389 = arith.index_cast %add3A_1388 : i32 to index
        %swap3A_1390 = arith.constant 112 : index
        %swap3A_1391 = tpu.vector_load %arg8[%swap3A_1389, %swap3A_1390] {strides = array<i32>} : memref<256x128xf32, #tpu.memory_space<vmem>>, vector<1x16xf32>,
        %swap3A_1392 = vector.shape_cast %swap3A_1391 : vector<1x16xf32> to vector<16xf32>
        %swap3A_1393 = vector.shape_cast %add3A_1386 : vector<16xf32> to vector<1x16xf32>
        tpu.vector_store %arg8[%swap3A_1389, %swap3A_1390], %swap3A_1393 {strides = array<i32>} : memref<256x128xf32, #tpu.memory_space<vmem>>, vector<1x16xf32>,
        %add3A_1394 = arith.constant 1 : i32
        %add3A_1395 = arith.addi %add3A_1282, %add3A_1394 : i32
        %get3A_1396 = arith.index_cast %add3A_1395 : i32 to index
        %get3A_1397 = arith.constant 0 : index
        %get3A_1398 = tpu.vector_load %arg8[%get3A_1396, %get3A_1397] {strides = array<i32>} : memref<256x128xf32, #tpu.memory_space<vmem>>, vector<1x16xf32>,
        %get3A_1399 = vector.shape_cast %get3A_1398 : vector<1x16xf32> to vector<16xf32>
        %add3A_1400 = arith.addf %get3A_1399, %get3A_779 : vector<16xf32>
        %add3A_1401 = arith.constant 1 : i32
        %add3A_1402 = arith.addi %add3A_1282, %add3A_1401 : i32
        %swap3A_1403 = arith.index_cast %add3A_1402 : i32 to index
        %swap3A_1404 = arith.constant 0 : index
        %swap3A_1405 = tpu.vector_load %arg8[%swap3A_1403, %swap3A_1404] {strides = array<i32>} : memref<256x128xf32, #tpu.memory_space<vmem>>, vector<1x16xf32>,
        %swap3A_1406 = vector.shape_cast %swap3A_1405 : vector<1x16xf32> to vector<16xf32>
        %swap3A_1407 = vector.shape_cast %add3A_1400 : vector<16xf32> to vector<1x16xf32>
        tpu.vector_store %arg8[%swap3A_1403, %swap3A_1404], %swap3A_1407 {strides = array<i32>} : memref<256x128xf32, #tpu.memory_space<vmem>>, vector<1x16xf32>,
        %add3A_1408 = arith.constant 1 : i32
        %add3A_1409 = arith.addi %add3A_1282, %add3A_1408 : i32
        %get3A_1410 = arith.index_cast %add3A_1409 : i32 to index
        %get3A_1411 = arith.constant 16 : index
        %get3A_1412 = tpu.vector_load %arg8[%get3A_1410, %get3A_1411] {strides = array<i32>} : memref<256x128xf32, #tpu.memory_space<vmem>>, vector<1x16xf32>,
        %get3A_1413 = vector.shape_cast %get3A_1412 : vector<1x16xf32> to vector<16xf32>
        %add3A_1414 = arith.addf %get3A_1413, %get3A_783 : vector<16xf32>
        %add3A_1415 = arith.constant 1 : i32
        %add3A_1416 = arith.addi %add3A_1282, %add3A_1415 : i32
        %swap3A_1417 = arith.index_cast %add3A_1416 : i32 to index
        %swap3A_1418 = arith.constant 16 : index
        %swap3A_1419 = tpu.vector_load %arg8[%swap3A_1417, %swap3A_1418] {strides = array<i32>} : memref<256x128xf32, #tpu.memory_space<vmem>>, vector<1x16xf32>,
        %swap3A_1420 = vector.shape_cast %swap3A_1419 : vector<1x16xf32> to vector<16xf32>
        %swap3A_1421 = vector.shape_cast %add3A_1414 : vector<16xf32> to vector<1x16xf32>
        tpu.vector_store %arg8[%swap3A_1417, %swap3A_1418], %swap3A_1421 {strides = array<i32>} : memref<256x128xf32, #tpu.memory_space<vmem>>, vector<1x16xf32>,
        %add3A_1422 = arith.constant 1 : i32
        %add3A_1423 = arith.addi %add3A_1282, %add3A_1422 : i32
        %get3A_1424 = arith.index_cast %add3A_1423 : i32 to index
        %get3A_1425 = arith.constant 32 : index
        %get3A_1426 = tpu.vector_load %arg8[%get3A_1424, %get3A_1425] {strides = array<i32>} : memref<256x128xf32, #tpu.memory_space<vmem>>, vector<1x16xf32>,
        %get3A_1427 = vector.shape_cast %get3A_1426 : vector<1x16xf32> to vector<16xf32>
        %add3A_1428 = arith.addf %get3A_1427, %get3A_787 : vector<16xf32>
        %add3A_1429 = arith.constant 1 : i32
        %add3A_1430 = arith.addi %add3A_1282, %add3A_1429 : i32
        %swap3A_1431 = arith.index_cast %add3A_1430 : i32 to index
        %swap3A_1432 = arith.constant 32 : index
        %swap3A_1433 = tpu.vector_load %arg8[%swap3A_1431, %swap3A_1432] {strides = array<i32>} : memref<256x128xf32, #tpu.memory_space<vmem>>, vector<1x16xf32>,
        %swap3A_1434 = vector.shape_cast %swap3A_1433 : vector<1x16xf32> to vector<16xf32>
        %swap3A_1435 = vector.shape_cast %add3A_1428 : vector<16xf32> to vector<1x16xf32>
        tpu.vector_store %arg8[%swap3A_1431, %swap3A_1432], %swap3A_1435 {strides = array<i32>} : memref<256x128xf32, #tpu.memory_space<vmem>>, vector<1x16xf32>,
        %add3A_1436 = arith.constant 1 : i32
        %add3A_1437 = arith.addi %add3A_1282, %add3A_1436 : i32
        %get3A_1438 = arith.index_cast %add3A_1437 : i32 to index
        %get3A_1439 = arith.constant 48 : index
        %get3A_1440 = tpu.vector_load %arg8[%get3A_1438, %get3A_1439] {strides = array<i32>} : memref<256x128xf32, #tpu.memory_space<vmem>>, vector<1x16xf32>,
        %get3A_1441 = vector.shape_cast %get3A_1440 : vector<1x16xf32> to vector<16xf32>
        %add3A_1442 = arith.addf %get3A_1441, %get3A_791 : vector<16xf32>
        %add3A_1443 = arith.constant 1 : i32
        %add3A_1444 = arith.addi %add3A_1282, %add3A_1443 : i32
        %swap3A_1445 = arith.index_cast %add3A_1444 : i32 to index
        %swap3A_1446 = arith.constant 48 : index
        %swap3A_1447 = tpu.vector_load %arg8[%swap3A_1445, %swap3A_1446] {strides = array<i32>} : memref<256x128xf32, #tpu.memory_space<vmem>>, vector<1x16xf32>,
        %swap3A_1448 = vector.shape_cast %swap3A_1447 : vector<1x16xf32> to vector<16xf32>
        %swap3A_1449 = vector.shape_cast %add3A_1442 : vector<16xf32> to vector<1x16xf32>
        tpu.vector_store %arg8[%swap3A_1445, %swap3A_1446], %swap3A_1449 {strides = array<i32>} : memref<256x128xf32, #tpu.memory_space<vmem>>, vector<1x16xf32>,
        %add3A_1450 = arith.constant 1 : i32
        %add3A_1451 = arith.addi %add3A_1282, %add3A_1450 : i32
        %get3A_1452 = arith.index_cast %add3A_1451 : i32 to index
        %get3A_1453 = arith.constant 64 : index
        %get3A_1454 = tpu.vector_load %arg8[%get3A_1452, %get3A_1453] {strides = array<i32>} : memref<256x128xf32, #tpu.memory_space<vmem>>, vector<1x16xf32>,
        %get3A_1455 = vector.shape_cast %get3A_1454 : vector<1x16xf32> to vector<16xf32>
        %add3A_1456 = arith.addf %get3A_1455, %get3A_795 : vector<16xf32>
        %add3A_1457 = arith.constant 1 : i32
        %add3A_1458 = arith.addi %add3A_1282, %add3A_1457 : i32
        %swap3A_1459 = arith.index_cast %add3A_1458 : i32 to index
        %swap3A_1460 = arith.constant 64 : index
        %swap3A_1461 = tpu.vector_load %arg8[%swap3A_1459, %swap3A_1460] {strides = array<i32>} : memref<256x128xf32, #tpu.memory_space<vmem>>, vector<1x16xf32>,
        %swap3A_1462 = vector.shape_cast %swap3A_1461 : vector<1x16xf32> to vector<16xf32>
        %swap3A_1463 = vector.shape_cast %add3A_1456 : vector<16xf32> to vector<1x16xf32>
        tpu.vector_store %arg8[%swap3A_1459, %swap3A_1460], %swap3A_1463 {strides = array<i32>} : memref<256x128xf32, #tpu.memory_space<vmem>>, vector<1x16xf32>,
        %add3A_1464 = arith.constant 1 : i32
        %add3A_1465 = arith.addi %add3A_1282, %add3A_1464 : i32
        %get3A_1466 = arith.index_cast %add3A_1465 : i32 to index
        %get3A_1467 = arith.constant 80 : index
        %get3A_1468 = tpu.vector_load %arg8[%get3A_1466, %get3A_1467] {strides = array<i32>} : memref<256x128xf32, #tpu.memory_space<vmem>>, vector<1x16xf32>,
        %get3A_1469 = vector.shape_cast %get3A_1468 : vector<1x16xf32> to vector<16xf32>
        %add3A_1470 = arith.addf %get3A_1469, %get3A_799 : vector<16xf32>
        %add3A_1471 = arith.constant 1 : i32
        %add3A_1472 = arith.addi %add3A_1282, %add3A_1471 : i32
        %swap3A_1473 = arith.index_cast %add3A_1472 : i32 to index
        %swap3A_1474 = arith.constant 80 : index
        %swap3A_1475 = tpu.vector_load %arg8[%swap3A_1473, %swap3A_1474] {strides = array<i32>} : memref<256x128xf32, #tpu.memory_space<vmem>>, vector<1x16xf32>,
        %swap3A_1476 = vector.shape_cast %swap3A_1475 : vector<1x16xf32> to vector<16xf32>
        %swap3A_1477 = vector.shape_cast %add3A_1470 : vector<16xf32> to vector<1x16xf32>
        tpu.vector_store %arg8[%swap3A_1473, %swap3A_1474], %swap3A_1477 {strides = array<i32>} : memref<256x128xf32, #tpu.memory_space<vmem>>, vector<1x16xf32>,
        %add3A_1478 = arith.constant 1 : i32
        %add3A_1479 = arith.addi %add3A_1282, %add3A_1478 : i32
        %get3A_1480 = arith.index_cast %add3A_1479 : i32 to index
        %get3A_1481 = arith.constant 96 : index
        %get3A_1482 = tpu.vector_load %arg8[%get3A_1480, %get3A_1481] {strides = array<i32>} : memref<256x128xf32, #tpu.memory_space<vmem>>, vector<1x16xf32>,
        %get3A_1483 = vector.shape_cast %get3A_1482 : vector<1x16xf32> to vector<16xf32>
        %add3A_1484 = arith.addf %get3A_1483, %get3A_803 : vector<16xf32>
        %add3A_1485 = arith.constant 1 : i32
        %add3A_1486 = arith.addi %add3A_1282, %add3A_1485 : i32
        %swap3A_1487 = arith.index_cast %add3A_1486 : i32 to index
        %swap3A_1488 = arith.constant 96 : index
        %swap3A_1489 = tpu.vector_load %arg8[%swap3A_1487, %swap3A_1488] {strides = array<i32>} : memref<256x128xf32, #tpu.memory_space<vmem>>, vector<1x16xf32>,
        %swap3A_1490 = vector.shape_cast %swap3A_1489 : vector<1x16xf32> to vector<16xf32>
        %swap3A_1491 = vector.shape_cast %add3A_1484 : vector<16xf32> to vector<1x16xf32>
        tpu.vector_store %arg8[%swap3A_1487, %swap3A_1488], %swap3A_1491 {strides = array<i32>} : memref<256x128xf32, #tpu.memory_space<vmem>>, vector<1x16xf32>,
        %add3A_1492 = arith.constant 1 : i32
        %add3A_1493 = arith.addi %add3A_1282, %add3A_1492 : i32
        %get3A_1494 = arith.index_cast %add3A_1493 : i32 to index
        %get3A_1495 = arith.constant 112 : index
        %get3A_1496 = tpu.vector_load %arg8[%get3A_1494, %get3A_1495] {strides = array<i32>} : memref<256x128xf32, #tpu.memory_space<vmem>>, vector<1x16xf32>,
        %get3A_1497 = vector.shape_cast %get3A_1496 : vector<1x16xf32> to vector<16xf32>
        %add3A_1498 = arith.addf %get3A_1497, %get3A_807 : vector<16xf32>
        %add3A_1499 = arith.constant 1 : i32
        %add3A_1500 = arith.addi %add3A_1282, %add3A_1499 : i32
        %swap3A_1501 = arith.index_cast %add3A_1500 : i32 to index
        %swap3A_1502 = arith.constant 112 : index
        %swap3A_1503 = tpu.vector_load %arg8[%swap3A_1501, %swap3A_1502] {strides = array<i32>} : memref<256x128xf32, #tpu.memory_space<vmem>>, vector<1x16xf32>,
        %swap3A_1504 = vector.shape_cast %swap3A_1503 : vector<1x16xf32> to vector<16xf32>
        %swap3A_1505 = vector.shape_cast %add3A_1498 : vector<16xf32> to vector<1x16xf32>
        tpu.vector_store %arg8[%swap3A_1501, %swap3A_1502], %swap3A_1505 {strides = array<i32>} : memref<256x128xf32, #tpu.memory_space<vmem>>, vector<1x16xf32>,
        %add3A_1506 = arith.constant 2 : i32
        %add3A_1507 = arith.addi %add3A_1282, %add3A_1506 : i32
        %get3A_1508 = arith.index_cast %add3A_1507 : i32 to index
        %get3A_1509 = arith.constant 0 : index
        %get3A_1510 = tpu.vector_load %arg8[%get3A_1508, %get3A_1509] {strides = array<i32>} : memref<256x128xf32, #tpu.memory_space<vmem>>, vector<1x16xf32>,
        %get3A_1511 = vector.shape_cast %get3A_1510 : vector<1x16xf32> to vector<16xf32>
        %add3A_1512 = arith.addf %get3A_1511, %get3A_779 : vector<16xf32>
        %add3A_1513 = arith.constant 2 : i32
        %add3A_1514 = arith.addi %add3A_1282, %add3A_1513 : i32
        %swap3A_1515 = arith.index_cast %add3A_1514 : i32 to index
        %swap3A_1516 = arith.constant 0 : index
        %swap3A_1517 = tpu.vector_load %arg8[%swap3A_1515, %swap3A_1516] {strides = array<i32>} : memref<256x128xf32, #tpu.memory_space<vmem>>, vector<1x16xf32>,
        %swap3A_1518 = vector.shape_cast %swap3A_1517 : vector<1x16xf32> to vector<16xf32>
        %swap3A_1519 = vector.shape_cast %add3A_1512 : vector<16xf32> to vector<1x16xf32>
        tpu.vector_store %arg8[%swap3A_1515, %swap3A_1516], %swap3A_1519 {strides = array<i32>} : memref<256x128xf32, #tpu.memory_space<vmem>>, vector<1x16xf32>,
        %add3A_1520 = arith.constant 2 : i32
        %add3A_1521 = arith.addi %add3A_1282, %add3A_1520 : i32
        %get3A_1522 = arith.index_cast %add3A_1521 : i32 to index
        %get3A_1523 = arith.constant 16 : index
        %get3A_1524 = tpu.vector_load %arg8[%get3A_1522, %get3A_1523] {strides = array<i32>} : memref<256x128xf32, #tpu.memory_space<vmem>>, vector<1x16xf32>,
        %get3A_1525 = vector.shape_cast %get3A_1524 : vector<1x16xf32> to vector<16xf32>
        %add3A_1526 = arith.addf %get3A_1525, %get3A_783 : vector<16xf32>
        %add3A_1527 = arith.constant 2 : i32
        %add3A_1528 = arith.addi %add3A_1282, %add3A_1527 : i32
        %swap3A_1529 = arith.index_cast %add3A_1528 : i32 to index
        %swap3A_1530 = arith.constant 16 : index
        %swap3A_1531 = tpu.vector_load %arg8[%swap3A_1529, %swap3A_1530] {strides = array<i32>} : memref<256x128xf32, #tpu.memory_space<vmem>>, vector<1x16xf32>,
        %swap3A_1532 = vector.shape_cast %swap3A_1531 : vector<1x16xf32> to vector<16xf32>
        %swap3A_1533 = vector.shape_cast %add3A_1526 : vector<16xf32> to vector<1x16xf32>
        tpu.vector_store %arg8[%swap3A_1529, %swap3A_1530], %swap3A_1533 {strides = array<i32>} : memref<256x128xf32, #tpu.memory_space<vmem>>, vector<1x16xf32>,
        %add3A_1534 = arith.constant 2 : i32
        %add3A_1535 = arith.addi %add3A_1282, %add3A_1534 : i32
        %get3A_1536 = arith.index_cast %add3A_1535 : i32 to index
        %get3A_1537 = arith.constant 32 : index
        %get3A_1538 = tpu.vector_load %arg8[%get3A_1536, %get3A_1537] {strides = array<i32>} : memref<256x128xf32, #tpu.memory_space<vmem>>, vector<1x16xf32>,
        %get3A_1539 = vector.shape_cast %get3A_1538 : vector<1x16xf32> to vector<16xf32>
        %add3A_1540 = arith.addf %get3A_1539, %get3A_787 : vector<16xf32>
        %add3A_1541 = arith.constant 2 : i32
        %add3A_1542 = arith.addi %add3A_1282, %add3A_1541 : i32
        %swap3A_1543 = arith.index_cast %add3A_1542 : i32 to index
        %swap3A_1544 = arith.constant 32 : index
        %swap3A_1545 = tpu.vector_load %arg8[%swap3A_1543, %swap3A_1544] {strides = array<i32>} : memref<256x128xf32, #tpu.memory_space<vmem>>, vector<1x16xf32>,
        %swap3A_1546 = vector.shape_cast %swap3A_1545 : vector<1x16xf32> to vector<16xf32>
        %swap3A_1547 = vector.shape_cast %add3A_1540 : vector<16xf32> to vector<1x16xf32>
        tpu.vector_store %arg8[%swap3A_1543, %swap3A_1544], %swap3A_1547 {strides = array<i32>} : memref<256x128xf32, #tpu.memory_space<vmem>>, vector<1x16xf32>,
        %add3A_1548 = arith.constant 2 : i32
        %add3A_1549 = arith.addi %add3A_1282, %add3A_1548 : i32
        %get3A_1550 = arith.index_cast %add3A_1549 : i32 to index
        %get3A_1551 = arith.constant 48 : index
        %get3A_1552 = tpu.vector_load %arg8[%get3A_1550, %get3A_1551] {strides = array<i32>} : memref<256x128xf32, #tpu.memory_space<vmem>>, vector<1x16xf32>,
        %get3A_1553 = vector.shape_cast %get3A_1552 : vector<1x16xf32> to vector<16xf32>
        %add3A_1554 = arith.addf %get3A_1553, %get3A_791 : vector<16xf32>
        %add3A_1555 = arith.constant 2 : i32
        %add3A_1556 = arith.addi %add3A_1282, %add3A_1555 : i32
        %swap3A_1557 = arith.index_cast %add3A_1556 : i32 to index
        %swap3A_1558 = arith.constant 48 : index
        %swap3A_1559 = tpu.vector_load %arg8[%swap3A_1557, %swap3A_1558] {strides = array<i32>} : memref<256x128xf32, #tpu.memory_space<vmem>>, vector<1x16xf32>,
        %swap3A_1560 = vector.shape_cast %swap3A_1559 : vector<1x16xf32> to vector<16xf32>
        %swap3A_1561 = vector.shape_cast %add3A_1554 : vector<16xf32> to vector<1x16xf32>
        tpu.vector_store %arg8[%swap3A_1557, %swap3A_1558], %swap3A_1561 {strides = array<i32>} : memref<256x128xf32, #tpu.memory_space<vmem>>, vector<1x16xf32>,
        %add3A_1562 = arith.constant 2 : i32
        %add3A_1563 = arith.addi %add3A_1282, %add3A_1562 : i32
        %get3A_1564 = arith.index_cast %add3A_1563 : i32 to index
        %get3A_1565 = arith.constant 64 : index
        %get3A_1566 = tpu.vector_load %arg8[%get3A_1564, %get3A_1565] {strides = array<i32>} : memref<256x128xf32, #tpu.memory_space<vmem>>, vector<1x16xf32>,
        %get3A_1567 = vector.shape_cast %get3A_1566 : vector<1x16xf32> to vector<16xf32>
        %add3A_1568 = arith.addf %get3A_1567, %get3A_795 : vector<16xf32>
        %add3A_1569 = arith.constant 2 : i32
        %add3A_1570 = arith.addi %add3A_1282, %add3A_1569 : i32
        %swap3A_1571 = arith.index_cast %add3A_1570 : i32 to index
        %swap3A_1572 = arith.constant 64 : index
        %swap3A_1573 = tpu.vector_load %arg8[%swap3A_1571, %swap3A_1572] {strides = array<i32>} : memref<256x128xf32, #tpu.memory_space<vmem>>, vector<1x16xf32>,
        %swap3A_1574 = vector.shape_cast %swap3A_1573 : vector<1x16xf32> to vector<16xf32>
        %swap3A_1575 = vector.shape_cast %add3A_1568 : vector<16xf32> to vector<1x16xf32>
        tpu.vector_store %arg8[%swap3A_1571, %swap3A_1572], %swap3A_1575 {strides = array<i32>} : memref<256x128xf32, #tpu.memory_space<vmem>>, vector<1x16xf32>,
        %add3A_1576 = arith.constant 2 : i32
        %add3A_1577 = arith.addi %add3A_1282, %add3A_1576 : i32
        %get3A_1578 = arith.index_cast %add3A_1577 : i32 to index
        %get3A_1579 = arith.constant 80 : index
        %get3A_1580 = tpu.vector_load %arg8[%get3A_1578, %get3A_1579] {strides = array<i32>} : memref<256x128xf32, #tpu.memory_space<vmem>>, vector<1x16xf32>,
        %get3A_1581 = vector.shape_cast %get3A_1580 : vector<1x16xf32> to vector<16xf32>
        %add3A_1582 = arith.addf %get3A_1581, %get3A_799 : vector<16xf32>
        %add3A_1583 = arith.constant 2 : i32
        %add3A_1584 = arith.addi %add3A_1282, %add3A_1583 : i32
        %swap3A_1585 = arith.index_cast %add3A_1584 : i32 to index
        %swap3A_1586 = arith.constant 80 : index
        %swap3A_1587 = tpu.vector_load %arg8[%swap3A_1585, %swap3A_1586] {strides = array<i32>} : memref<256x128xf32, #tpu.memory_space<vmem>>, vector<1x16xf32>,
        %swap3A_1588 = vector.shape_cast %swap3A_1587 : vector<1x16xf32> to vector<16xf32>
        %swap3A_1589 = vector.shape_cast %add3A_1582 : vector<16xf32> to vector<1x16xf32>
        tpu.vector_store %arg8[%swap3A_1585, %swap3A_1586], %swap3A_1589 {strides = array<i32>} : memref<256x128xf32, #tpu.memory_space<vmem>>, vector<1x16xf32>,
        %add3A_1590 = arith.constant 2 : i32
        %add3A_1591 = arith.addi %add3A_1282, %add3A_1590 : i32
        %get3A_1592 = arith.index_cast %add3A_1591 : i32 to index
        %get3A_1593 = arith.constant 96 : index
        %get3A_1594 = tpu.vector_load %arg8[%get3A_1592, %get3A_1593] {strides = array<i32>} : memref<256x128xf32, #tpu.memory_space<vmem>>, vector<1x16xf32>,
        %get3A_1595 = vector.shape_cast %get3A_1594 : vector<1x16xf32> to vector<16xf32>
        %add3A_1596 = arith.addf %get3A_1595, %get3A_803 : vector<16xf32>
        %add3A_1597 = arith.constant 2 : i32
        %add3A_1598 = arith.addi %add3A_1282, %add3A_1597 : i32
        %swap3A_1599 = arith.index_cast %add3A_1598 : i32 to index
        %swap3A_1600 = arith.constant 96 : index
        %swap3A_1601 = tpu.vector_load %arg8[%swap3A_1599, %swap3A_1600] {strides = array<i32>} : memref<256x128xf32, #tpu.memory_space<vmem>>, vector<1x16xf32>,
        %swap3A_1602 = vector.shape_cast %swap3A_1601 : vector<1x16xf32> to vector<16xf32>
        %swap3A_1603 = vector.shape_cast %add3A_1596 : vector<16xf32> to vector<1x16xf32>
        tpu.vector_store %arg8[%swap3A_1599, %swap3A_1600], %swap3A_1603 {strides = array<i32>} : memref<256x128xf32, #tpu.memory_space<vmem>>, vector<1x16xf32>,
        %add3A_1604 = arith.constant 2 : i32
        %add3A_1605 = arith.addi %add3A_1282, %add3A_1604 : i32
        %get3A_1606 = arith.index_cast %add3A_1605 : i32 to index
        %get3A_1607 = arith.constant 112 : index
        %get3A_1608 = tpu.vector_load %arg8[%get3A_1606, %get3A_1607] {strides = array<i32>} : memref<256x128xf32, #tpu.memory_space<vmem>>, vector<1x16xf32>,
        %get3A_1609 = vector.shape_cast %get3A_1608 : vector<1x16xf32> to vector<16xf32>
        %add3A_1610 = arith.addf %get3A_1609, %get3A_807 : vector<16xf32>
        %add3A_1611 = arith.constant 2 : i32
        %add3A_1612 = arith.addi %add3A_1282, %add3A_1611 : i32
        %swap3A_1613 = arith.index_cast %add3A_1612 : i32 to index
        %swap3A_1614 = arith.constant 112 : index
        %swap3A_1615 = tpu.vector_load %arg8[%swap3A_1613, %swap3A_1614] {strides = array<i32>} : memref<256x128xf32, #tpu.memory_space<vmem>>, vector<1x16xf32>,
        %swap3A_1616 = vector.shape_cast %swap3A_1615 : vector<1x16xf32> to vector<16xf32>
        %swap3A_1617 = vector.shape_cast %add3A_1610 : vector<16xf32> to vector<1x16xf32>
        tpu.vector_store %arg8[%swap3A_1613, %swap3A_1614], %swap3A_1617 {strides = array<i32>} : memref<256x128xf32, #tpu.memory_space<vmem>>, vector<1x16xf32>,
        %add3A_1618 = arith.constant 3 : i32
        %add3A_1619 = arith.addi %add3A_1282, %add3A_1618 : i32
        %get3A_1620 = arith.index_cast %add3A_1619 : i32 to index
        %get3A_1621 = arith.constant 0 : index
        %get3A_1622 = tpu.vector_load %arg8[%get3A_1620, %get3A_1621] {strides = array<i32>} : memref<256x128xf32, #tpu.memory_space<vmem>>, vector<1x16xf32>,
        %get3A_1623 = vector.shape_cast %get3A_1622 : vector<1x16xf32> to vector<16xf32>
        %add3A_1624 = arith.addf %get3A_1623, %get3A_779 : vector<16xf32>
        %add3A_1625 = arith.constant 3 : i32
        %add3A_1626 = arith.addi %add3A_1282, %add3A_1625 : i32
        %swap3A_1627 = arith.index_cast %add3A_1626 : i32 to index
        %swap3A_1628 = arith.constant 0 : index
        %swap3A_1629 = tpu.vector_load %arg8[%swap3A_1627, %swap3A_1628] {strides = array<i32>} : memref<256x128xf32, #tpu.memory_space<vmem>>, vector<1x16xf32>,
        %swap3A_1630 = vector.shape_cast %swap3A_1629 : vector<1x16xf32> to vector<16xf32>
        %swap3A_1631 = vector.shape_cast %add3A_1624 : vector<16xf32> to vector<1x16xf32>
        tpu.vector_store %arg8[%swap3A_1627, %swap3A_1628], %swap3A_1631 {strides = array<i32>} : memref<256x128xf32, #tpu.memory_space<vmem>>, vector<1x16xf32>,
        %add3A_1632 = arith.constant 3 : i32
        %add3A_1633 = arith.addi %add3A_1282, %add3A_1632 : i32
        %get3A_1634 = arith.index_cast %add3A_1633 : i32 to index
        %get3A_1635 = arith.constant 16 : index
        %get3A_1636 = tpu.vector_load %arg8[%get3A_1634, %get3A_1635] {strides = array<i32>} : memref<256x128xf32, #tpu.memory_space<vmem>>, vector<1x16xf32>,
        %get3A_1637 = vector.shape_cast %get3A_1636 : vector<1x16xf32> to vector<16xf32>
        %add3A_1638 = arith.addf %get3A_1637, %get3A_783 : vector<16xf32>
        %add3A_1639 = arith.constant 3 : i32
        %add3A_1640 = arith.addi %add3A_1282, %add3A_1639 : i32
        %swap3A_1641 = arith.index_cast %add3A_1640 : i32 to index
        %swap3A_1642 = arith.constant 16 : index
        %swap3A_1643 = tpu.vector_load %arg8[%swap3A_1641, %swap3A_1642] {strides = array<i32>} : memref<256x128xf32, #tpu.memory_space<vmem>>, vector<1x16xf32>,
        %swap3A_1644 = vector.shape_cast %swap3A_1643 : vector<1x16xf32> to vector<16xf32>
        %swap3A_1645 = vector.shape_cast %add3A_1638 : vector<16xf32> to vector<1x16xf32>
        tpu.vector_store %arg8[%swap3A_1641, %swap3A_1642], %swap3A_1645 {strides = array<i32>} : memref<256x128xf32, #tpu.memory_space<vmem>>, vector<1x16xf32>,
        %add3A_1646 = arith.constant 3 : i32
        %add3A_1647 = arith.addi %add3A_1282, %add3A_1646 : i32
        %get3A_1648 = arith.index_cast %add3A_1647 : i32 to index
        %get3A_1649 = arith.constant 32 : index
        %get3A_1650 = tpu.vector_load %arg8[%get3A_1648, %get3A_1649] {strides = array<i32>} : memref<256x128xf32, #tpu.memory_space<vmem>>, vector<1x16xf32>,
        %get3A_1651 = vector.shape_cast %get3A_1650 : vector<1x16xf32> to vector<16xf32>
        %add3A_1652 = arith.addf %get3A_1651, %get3A_787 : vector<16xf32>
        %add3A_1653 = arith.constant 3 : i32
        %add3A_1654 = arith.addi %add3A_1282, %add3A_1653 : i32
        %swap3A_1655 = arith.index_cast %add3A_1654 : i32 to index
        %swap3A_1656 = arith.constant 32 : index
        %swap3A_1657 = tpu.vector_load %arg8[%swap3A_1655, %swap3A_1656] {strides = array<i32>} : memref<256x128xf32, #tpu.memory_space<vmem>>, vector<1x16xf32>,
        %swap3A_1658 = vector.shape_cast %swap3A_1657 : vector<1x16xf32> to vector<16xf32>
        %swap3A_1659 = vector.shape_cast %add3A_1652 : vector<16xf32> to vector<1x16xf32>
        tpu.vector_store %arg8[%swap3A_1655, %swap3A_1656], %swap3A_1659 {strides = array<i32>} : memref<256x128xf32, #tpu.memory_space<vmem>>, vector<1x16xf32>,
        %add3A_1660 = arith.constant 3 : i32
        %add3A_1661 = arith.addi %add3A_1282, %add3A_1660 : i32
        %get3A_1662 = arith.index_cast %add3A_1661 : i32 to index
        %get3A_1663 = arith.constant 48 : index
        %get3A_1664 = tpu.vector_load %arg8[%get3A_1662, %get3A_1663] {strides = array<i32>} : memref<256x128xf32, #tpu.memory_space<vmem>>, vector<1x16xf32>,
        %get3A_1665 = vector.shape_cast %get3A_1664 : vector<1x16xf32> to vector<16xf32>
        %add3A_1666 = arith.addf %get3A_1665, %get3A_791 : vector<16xf32>
        %add3A_1667 = arith.constant 3 : i32
        %add3A_1668 = arith.addi %add3A_1282, %add3A_1667 : i32
        %swap3A_1669 = arith.index_cast %add3A_1668 : i32 to index
        %swap3A_1670 = arith.constant 48 : index
        %swap3A_1671 = tpu.vector_load %arg8[%swap3A_1669, %swap3A_1670] {strides = array<i32>} : memref<256x128xf32, #tpu.memory_space<vmem>>, vector<1x16xf32>,
        %swap3A_1672 = vector.shape_cast %swap3A_1671 : vector<1x16xf32> to vector<16xf32>
        %swap3A_1673 = vector.shape_cast %add3A_1666 : vector<16xf32> to vector<1x16xf32>
        tpu.vector_store %arg8[%swap3A_1669, %swap3A_1670], %swap3A_1673 {strides = array<i32>} : memref<256x128xf32, #tpu.memory_space<vmem>>, vector<1x16xf32>,
        %add3A_1674 = arith.constant 3 : i32
        %add3A_1675 = arith.addi %add3A_1282, %add3A_1674 : i32
        %get3A_1676 = arith.index_cast %add3A_1675 : i32 to index
        %get3A_1677 = arith.constant 64 : index
        %get3A_1678 = tpu.vector_load %arg8[%get3A_1676, %get3A_1677] {strides = array<i32>} : memref<256x128xf32, #tpu.memory_space<vmem>>, vector<1x16xf32>,
        %get3A_1679 = vector.shape_cast %get3A_1678 : vector<1x16xf32> to vector<16xf32>
        %add3A_1680 = arith.addf %get3A_1679, %get3A_795 : vector<16xf32>
        %add3A_1681 = arith.constant 3 : i32
        %add3A_1682 = arith.addi %add3A_1282, %add3A_1681 : i32
        %swap3A_1683 = arith.index_cast %add3A_1682 : i32 to index
        %swap3A_1684 = arith.constant 64 : index
        %swap3A_1685 = tpu.vector_load %arg8[%swap3A_1683, %swap3A_1684] {strides = array<i32>} : memref<256x128xf32, #tpu.memory_space<vmem>>, vector<1x16xf32>,
        %swap3A_1686 = vector.shape_cast %swap3A_1685 : vector<1x16xf32> to vector<16xf32>
        %swap3A_1687 = vector.shape_cast %add3A_1680 : vector<16xf32> to vector<1x16xf32>
        tpu.vector_store %arg8[%swap3A_1683, %swap3A_1684], %swap3A_1687 {strides = array<i32>} : memref<256x128xf32, #tpu.memory_space<vmem>>, vector<1x16xf32>,
        %add3A_1688 = arith.constant 3 : i32
        %add3A_1689 = arith.addi %add3A_1282, %add3A_1688 : i32
        %get3A_1690 = arith.index_cast %add3A_1689 : i32 to index
        %get3A_1691 = arith.constant 80 : index
        %get3A_1692 = tpu.vector_load %arg8[%get3A_1690, %get3A_1691] {strides = array<i32>} : memref<256x128xf32, #tpu.memory_space<vmem>>, vector<1x16xf32>,
        %get3A_1693 = vector.shape_cast %get3A_1692 : vector<1x16xf32> to vector<16xf32>
        %add3A_1694 = arith.addf %get3A_1693, %get3A_799 : vector<16xf32>
        %add3A_1695 = arith.constant 3 : i32
        %add3A_1696 = arith.addi %add3A_1282, %add3A_1695 : i32
        %swap3A_1697 = arith.index_cast %add3A_1696 : i32 to index
        %swap3A_1698 = arith.constant 80 : index
        %swap3A_1699 = tpu.vector_load %arg8[%swap3A_1697, %swap3A_1698] {strides = array<i32>} : memref<256x128xf32, #tpu.memory_space<vmem>>, vector<1x16xf32>,
        %swap3A_1700 = vector.shape_cast %swap3A_1699 : vector<1x16xf32> to vector<16xf32>
        %swap3A_1701 = vector.shape_cast %add3A_1694 : vector<16xf32> to vector<1x16xf32>
        tpu.vector_store %arg8[%swap3A_1697, %swap3A_1698], %swap3A_1701 {strides = array<i32>} : memref<256x128xf32, #tpu.memory_space<vmem>>, vector<1x16xf32>,
        %add3A_1702 = arith.constant 3 : i32
        %add3A_1703 = arith.addi %add3A_1282, %add3A_1702 : i32
        %get3A_1704 = arith.index_cast %add3A_1703 : i32 to index
        %get3A_1705 = arith.constant 96 : index
        %get3A_1706 = tpu.vector_load %arg8[%get3A_1704, %get3A_1705] {strides = array<i32>} : memref<256x128xf32, #tpu.memory_space<vmem>>, vector<1x16xf32>,
        %get3A_1707 = vector.shape_cast %get3A_1706 : vector<1x16xf32> to vector<16xf32>
        %add3A_1708 = arith.addf %get3A_1707, %get3A_803 : vector<16xf32>
        %add3A_1709 = arith.constant 3 : i32
        %add3A_1710 = arith.addi %add3A_1282, %add3A_1709 : i32
        %swap3A_1711 = arith.index_cast %add3A_1710 : i32 to index
        %swap3A_1712 = arith.constant 96 : index
        %swap3A_1713 = tpu.vector_load %arg8[%swap3A_1711, %swap3A_1712] {strides = array<i32>} : memref<256x128xf32, #tpu.memory_space<vmem>>, vector<1x16xf32>,
        %swap3A_1714 = vector.shape_cast %swap3A_1713 : vector<1x16xf32> to vector<16xf32>
        %swap3A_1715 = vector.shape_cast %add3A_1708 : vector<16xf32> to vector<1x16xf32>
        tpu.vector_store %arg8[%swap3A_1711, %swap3A_1712], %swap3A_1715 {strides = array<i32>} : memref<256x128xf32, #tpu.memory_space<vmem>>, vector<1x16xf32>,
        %add3A_1716 = arith.constant 3 : i32
        %add3A_1717 = arith.addi %add3A_1282, %add3A_1716 : i32
        %get3A_1718 = arith.index_cast %add3A_1717 : i32 to index
        %get3A_1719 = arith.constant 112 : index
        %get3A_1720 = tpu.vector_load %arg8[%get3A_1718, %get3A_1719] {strides = array<i32>} : memref<256x128xf32, #tpu.memory_space<vmem>>, vector<1x16xf32>,
        %get3A_1721 = vector.shape_cast %get3A_1720 : vector<1x16xf32> to vector<16xf32>
        %add3A_1722 = arith.addf %get3A_1721, %get3A_807 : vector<16xf32>
        %add3A_1723 = arith.constant 3 : i32
        %add3A_1724 = arith.addi %add3A_1282, %add3A_1723 : i32
        %swap3A_1725 = arith.index_cast %add3A_1724 : i32 to index
        %swap3A_1726 = arith.constant 112 : index
        %swap3A_1727 = tpu.vector_load %arg8[%swap3A_1725, %swap3A_1726] {strides = array<i32>} : memref<256x128xf32, #tpu.memory_space<vmem>>, vector<1x16xf32>,
        %swap3A_1728 = vector.shape_cast %swap3A_1727 : vector<1x16xf32> to vector<16xf32>
        %swap3A_1729 = vector.shape_cast %add3A_1722 : vector<16xf32> to vector<1x16xf32>
        tpu.vector_store %arg8[%swap3A_1725, %swap3A_1726], %swap3A_1729 {strides = array<i32>} : memref<256x128xf32, #tpu.memory_space<vmem>>, vector<1x16xf32>,
      }
      %scan3A_813 = arith.constant 32 : i32
      %mul3A_814 = arith.constant 2 : i32
      %mul3A_815 = arith.muli %add3A_585, %mul3A_814 : i32
      %mul3A_816 = arith.constant 128 : i32
      %mul3A_817 = arith.muli %mul3A_815, %mul3A_816 : i32
      %add3A_818 = arith.addi %mul3A_2, %mul3A_817 : i32
      %dma_start3A_819 = arith.constant 0 : i32
      %dma_start3A_820 = tpu.memref_slice %arg5[%add3A_818, %dma_start3A_819] : memref<704512x128xf32, #tpu.memory_space<hbm>> -> memref<256x128xf32, #tpu.memory_space<hbm>>
      %dma_start3A_821 = arith.constant 0 : i32
      %dma_start3A_822 = tpu.memref_slice %arg5[%add3A_818, %dma_start3A_821] : memref<704512x128xf32, #tpu.memory_space<hbm>> -> memref<256x128xf32, #tpu.memory_space<hbm>>
      tpu.enqueue_dma source(%arg8 : memref<256x128xf32, #tpu.memory_space<vmem>>) target(%dma_start3A_822 : memref<256x128xf32, #tpu.memory_space<hbm>>) target_semaphore(%arg12 : memref<!tpu.dma_semaphore, #tpu.memory_space<semaphore_mem>>)
      %mul3A_823 = arith.constant 2 : i32
      %mul3A_824 = arith.muli %scan3A_581, %mul3A_823 : i32
      %add3A_825 = arith.constant 1 : i32
      %add3A_826 = arith.addi %mul3A_824, %add3A_825 : i32
      %mul3A_827 = arith.constant 2 : i32
      %mul3A_828 = arith.muli %mul3A_827, %add3A_826 : i32
      %mul3A_829 = arith.constant 128 : i32
      %mul3A_830 = arith.muli %mul3A_828, %mul3A_829 : i32
      %add3A_831 = arith.addi %mul3A_2, %mul3A_830 : i32
      %jit3A_832 = arith.constant 16384 : i32
      %div3A_833 = arith.divsi %add3A_831, %jit3A_832 : i32
      %sign3A_834 = arith.constant 0 : i32
      %sign3A_835 = arith.cmpi sgt, %add3A_831, %sign3A_834 : i32
      %sign3A_836 = arith.extui %sign3A_835 : i1 to i32
      %sign3A_837 = arith.constant 0 : i32
      %sign3A_838 = arith.cmpi slt, %add3A_831, %sign3A_837 : i32
      %sign3A_839 = arith.extui %sign3A_838 : i1 to i32
      %sign3A_840 = arith.subi %sign3A_836, %sign3A_839 : i32
      %sign3A_841 = arith.constant 0 : i32
      %sign3A_842 = arith.cmpi sgt, %jit3A_832, %sign3A_841 : i32
      %sign3A_843 = arith.extui %sign3A_842 : i1 to i32
      %sign3A_844 = arith.constant 0 : i32
      %sign3A_845 = arith.cmpi slt, %jit3A_832, %sign3A_844 : i32
      %sign3A_846 = arith.extui %sign3A_845 : i1 to i32
      %sign3A_847 = arith.subi %sign3A_843, %sign3A_846 : i32
      %ne3A_848 = arith.cmpi ne, %sign3A_840, %sign3A_847 : i32
      %rem3A_849 = arith.remsi %add3A_831, %jit3A_832 : i32
      %ne3A_850 = arith.constant 0 : i32
      %ne3A_851 = arith.cmpi ne, %rem3A_849, %ne3A_850 : i32
      %and3A_852 = arith.andi %ne3A_848, %ne3A_851 : i1
      %sub3A_853 = arith.constant 1 : i32
      %sub3A_854 = arith.subi %div3A_833, %sub3A_853 : i32
      %select_n3A_855 = arith.select %and3A_852, %sub3A_854, %div3A_833 : i32
      %mul3A_856 = arith.constant 1000 : i32
      %mul3A_857 = arith.muli %select_n3A_855, %mul3A_856 : i32
      %mul3A_858 = arith.constant 2 : i32
      %mul3A_859 = arith.muli %mul3A_858, %add3A_826 : i32
      %mul3A_860 = arith.constant 128 : i32
      %mul3A_861 = arith.muli %mul3A_859, %mul3A_860 : i32
      %dma_wait3A_862 = arith.constant 0 : i32
      %dma_wait3A_863 = arith.constant 0 : i32
      %dma_wait3A_864 = tpu.memref_slice %arg9[%dma_wait3A_862, %dma_wait3A_863] : memref<256x128xf32, #tpu.memory_space<vmem>> -> memref<128x128xf32, #tpu.memory_space<vmem>>
      %dma_wait3A_865 = tpu.memref_slice %arg6[%mul3A_861] : memref<22016xi32, #tpu.memory_space<vmem>> -> memref<128xi32, #tpu.memory_space<vmem>>
      %dma_wait3A_866 = arith.constant 0 : i32
      %dma_wait3A_867 = tpu.memref_slice %arg2[%mul3A_857, %dma_wait3A_866] : memref<43000x128xf32, #tpu.memory_space<hbm>> -> memref<1000x128xf32, #tpu.memory_space<hbm>>
      %dma_wait3A_868 = arith.constant 0 : i32
      %dma_wait3A_869 = arith.constant 0 : i32
      %dma_wait3A_870 = tpu.memref_slice %dma_wait3A_867[%dma_wait3A_868, %dma_wait3A_869] : memref<1000x128xf32, #tpu.memory_space<hbm>> -> memref<1000x128xf32, #tpu.memory_space<hbm>>
      tpu.wait_indirect_dma semaphore(%arg11 : memref<!tpu.dma_semaphore, #tpu.memory_space<semaphore_mem>>) src(%dma_wait3A_870 : memref<1000x128xf32, #tpu.memory_space<hbm>>) dst(%dma_wait3A_864 : memref<128x128xf32, #tpu.memory_space<vmem>>)
      %mul3A_871 = arith.constant 2 : i32
      %mul3A_872 = arith.muli %mul3A_871, %add3A_826 : i32
      %add3A_873 = arith.constant 1 : i32
      %add3A_874 = arith.addi %mul3A_872, %add3A_873 : i32
      %mul3A_875 = arith.constant 128 : i32
      %mul3A_876 = arith.muli %add3A_874, %mul3A_875 : i32
      %add3A_877 = arith.addi %mul3A_2, %mul3A_876 : i32
      %jit3A_878 = arith.constant 16384 : i32
      %div3A_879 = arith.divsi %add3A_877, %jit3A_878 : i32
      %sign3A_880 = arith.constant 0 : i32
      %sign3A_881 = arith.cmpi sgt, %add3A_877, %sign3A_880 : i32
      %sign3A_882 = arith.extui %sign3A_881 : i1 to i32
      %sign3A_883 = arith.constant 0 : i32
      %sign3A_884 = arith.cmpi slt, %add3A_877, %sign3A_883 : i32
      %sign3A_885 = arith.extui %sign3A_884 : i1 to i32
      %sign3A_886 = arith.subi %sign3A_882, %sign3A_885 : i32
      %sign3A_887 = arith.constant 0 : i32
      %sign3A_888 = arith.cmpi sgt, %jit3A_878, %sign3A_887 : i32
      %sign3A_889 = arith.extui %sign3A_888 : i1 to i32
      %sign3A_890 = arith.constant 0 : i32
      %sign3A_891 = arith.cmpi slt, %jit3A_878, %sign3A_890 : i32
      %sign3A_892 = arith.extui %sign3A_891 : i1 to i32
      %sign3A_893 = arith.subi %sign3A_889, %sign3A_892 : i32
      %ne3A_894 = arith.cmpi ne, %sign3A_886, %sign3A_893 : i32
      %rem3A_895 = arith.remsi %add3A_877, %jit3A_878 : i32
      %ne3A_896 = arith.constant 0 : i32
      %ne3A_897 = arith.cmpi ne, %rem3A_895, %ne3A_896 : i32
      %and3A_898 = arith.andi %ne3A_894, %ne3A_897 : i1
      %sub3A_899 = arith.constant 1 : i32
      %sub3A_900 = arith.subi %div3A_879, %sub3A_899 : i32
      %select_n3A_901 = arith.select %and3A_898, %sub3A_900, %div3A_879 : i32
      %mul3A_902 = arith.constant 1000 : i32
      %mul3A_903 = arith.muli %select_n3A_901, %mul3A_902 : i32
      %mul3A_904 = arith.constant 2 : i32
      %mul3A_905 = arith.muli %mul3A_904, %add3A_826 : i32
      %add3A_906 = arith.constant 1 : i32
      %add3A_907 = arith.addi %mul3A_905, %add3A_906 : i32
      %mul3A_908 = arith.constant 128 : i32
      %mul3A_909 = arith.muli %add3A_907, %mul3A_908 : i32
      %dma_wait3A_910 = arith.constant 128 : i32
      %dma_wait3A_911 = arith.constant 0 : i32
      %dma_wait3A_912 = tpu.memref_slice %arg9[%dma_wait3A_910, %dma_wait3A_911] : memref<256x128xf32, #tpu.memory_space<vmem>> -> memref<128x128xf32, #tpu.memory_space<vmem>>
      %dma_wait3A_913 = tpu.memref_slice %arg6[%mul3A_909] : memref<22016xi32, #tpu.memory_space<vmem>> -> memref<128xi32, #tpu.memory_space<vmem>>
      %dma_wait3A_914 = arith.constant 0 : i32
      %dma_wait3A_915 = tpu.memref_slice %arg2[%mul3A_903, %dma_wait3A_914] : memref<43000x128xf32, #tpu.memory_space<hbm>> -> memref<1000x128xf32, #tpu.memory_space<hbm>>
      %dma_wait3A_916 = arith.constant 0 : i32
      %dma_wait3A_917 = arith.constant 0 : i32
      %dma_wait3A_918 = tpu.memref_slice %dma_wait3A_915[%dma_wait3A_916, %dma_wait3A_917] : memref<1000x128xf32, #tpu.memory_space<hbm>> -> memref<1000x128xf32, #tpu.memory_space<hbm>>
      tpu.wait_indirect_dma semaphore(%arg11 : memref<!tpu.dma_semaphore, #tpu.memory_space<semaphore_mem>>) src(%dma_wait3A_918 : memref<1000x128xf32, #tpu.memory_space<hbm>>) dst(%dma_wait3A_912 : memref<128x128xf32, #tpu.memory_space<vmem>>)
      %mul3A_919 = arith.constant 2 : i32
      %mul3A_920 = arith.muli %mul3A_919, %add3A_826 : i32
      %mul3A_921 = arith.constant 128 : i32
      %mul3A_922 = arith.muli %mul3A_920, %mul3A_921 : i32
      %add3A_923 = arith.addi %mul3A_2, %mul3A_922 : i32
      %jit3A_924 = arith.constant 16384 : i32
      %div3A_925 = arith.divsi %add3A_923, %jit3A_924 : i32
      %sign3A_926 = arith.constant 0 : i32
      %sign3A_927 = arith.cmpi sgt, %add3A_923, %sign3A_926 : i32
      %sign3A_928 = arith.extui %sign3A_927 : i1 to i32
      %sign3A_929 = arith.constant 0 : i32
      %sign3A_930 = arith.cmpi slt, %add3A_923, %sign3A_929 : i32
      %sign3A_931 = arith.extui %sign3A_930 : i1 to i32
      %sign3A_932 = arith.subi %sign3A_928, %sign3A_931 : i32
      %sign3A_933 = arith.constant 0 : i32
      %sign3A_934 = arith.cmpi sgt, %jit3A_924, %sign3A_933 : i32
      %sign3A_935 = arith.extui %sign3A_934 : i1 to i32
      %sign3A_936 = arith.constant 0 : i32
      %sign3A_937 = arith.cmpi slt, %jit3A_924, %sign3A_936 : i32
      %sign3A_938 = arith.extui %sign3A_937 : i1 to i32
      %sign3A_939 = arith.subi %sign3A_935, %sign3A_938 : i32
      %ne3A_940 = arith.cmpi ne, %sign3A_932, %sign3A_939 : i32
      %rem3A_941 = arith.remsi %add3A_923, %jit3A_924 : i32
      %ne3A_942 = arith.constant 0 : i32
      %ne3A_943 = arith.cmpi ne, %rem3A_941, %ne3A_942 : i32
      %and3A_944 = arith.andi %ne3A_940, %ne3A_943 : i1
      %sub3A_945 = arith.constant 1 : i32
      %sub3A_946 = arith.subi %div3A_925, %sub3A_945 : i32
      %select_n3A_947 = arith.select %and3A_944, %sub3A_946, %div3A_925 : i32
      %get3A_948 = arith.index_cast %select_n3A_947 : i32 to index
      %get3A_949 = arith.constant 0 : index
      %get3A_950 = tpu.vector_load %arg7[%get3A_948, %get3A_949] {strides = array<i32>} : memref<43x128xf32, #tpu.memory_space<vmem>>, vector<1x16xf32>,
      %get3A_951 = vector.shape_cast %get3A_950 : vector<1x16xf32> to vector<16xf32>
      %get3A_952 = arith.index_cast %select_n3A_947 : i32 to index
      %get3A_953 = arith.constant 16 : index
      %get3A_954 = tpu.vector_load %arg7[%get3A_952, %get3A_953] {strides = array<i32>} : memref<43x128xf32, #tpu.memory_space<vmem>>, vector<1x16xf32>,
      %get3A_955 = vector.shape_cast %get3A_954 : vector<1x16xf32> to vector<16xf32>
      %get3A_956 = arith.index_cast %select_n3A_947 : i32 to index
      %get3A_957 = arith.constant 32 : index
      %get3A_958 = tpu.vector_load %arg7[%get3A_956, %get3A_957] {strides = array<i32>} : memref<43x128xf32, #tpu.memory_space<vmem>>, vector<1x16xf32>,
      %get3A_959 = vector.shape_cast %get3A_958 : vector<1x16xf32> to vector<16xf32>
      %get3A_960 = arith.index_cast %select_n3A_947 : i32 to index
      %get3A_961 = arith.constant 48 : index
      %get3A_962 = tpu.vector_load %arg7[%get3A_960, %get3A_961] {strides = array<i32>} : memref<43x128xf32, #tpu.memory_space<vmem>>, vector<1x16xf32>,
      %get3A_963 = vector.shape_cast %get3A_962 : vector<1x16xf32> to vector<16xf32>
      %get3A_964 = arith.index_cast %select_n3A_947 : i32 to index
      %get3A_965 = arith.constant 64 : index
      %get3A_966 = tpu.vector_load %arg7[%get3A_964, %get3A_965] {strides = array<i32>} : memref<43x128xf32, #tpu.memory_space<vmem>>, vector<1x16xf32>,
      %get3A_967 = vector.shape_cast %get3A_966 : vector<1x16xf32> to vector<16xf32>
      %get3A_968 = arith.index_cast %select_n3A_947 : i32 to index
      %get3A_969 = arith.constant 80 : index
      %get3A_970 = tpu.vector_load %arg7[%get3A_968, %get3A_969] {strides = array<i32>} : memref<43x128xf32, #tpu.memory_space<vmem>>, vector<1x16xf32>,
      %get3A_971 = vector.shape_cast %get3A_970 : vector<1x16xf32> to vector<16xf32>
      %get3A_972 = arith.index_cast %select_n3A_947 : i32 to index
      %get3A_973 = arith.constant 96 : index
      %get3A_974 = tpu.vector_load %arg7[%get3A_972, %get3A_973] {strides = array<i32>} : memref<43x128xf32, #tpu.memory_space<vmem>>, vector<1x16xf32>,
      %get3A_975 = vector.shape_cast %get3A_974 : vector<1x16xf32> to vector<16xf32>
      %get3A_976 = arith.index_cast %select_n3A_947 : i32 to index
      %get3A_977 = arith.constant 112 : index
      %get3A_978 = tpu.vector_load %arg7[%get3A_976, %get3A_977] {strides = array<i32>} : memref<43x128xf32, #tpu.memory_space<vmem>>, vector<1x16xf32>,
      %get3A_979 = vector.shape_cast %get3A_978 : vector<1x16xf32> to vector<16xf32>
      %scan3A_980 = arith.constant 0 : i32
      %scan3A_981 = arith.constant 0 : i32
      %scan3A_982 = arith.constant 32 : i32
      %scan3A_983 = arith.addi %scan3A_981, %scan3A_982 : i32
      %scan3A_984 = arith.constant 1 : i32
      scf.for %scan3A_1278 = %scan3A_981 to %scan3A_983 step %scan3A_984  : i32 {
        %mul3A_1279 = arith.constant 4 : i32
        %mul3A_1280 = arith.muli %mul3A_1279, %scan3A_1278 : i32
        %add3A_1281 = arith.constant 0 : i32
        %add3A_1282 = arith.addi %add3A_1281, %mul3A_1280 : i32
        %add3A_1283 = arith.constant 0 : i32
        %add3A_1284 = arith.addi %add3A_1282, %add3A_1283 : i32
        %get3A_1285 = arith.index_cast %add3A_1284 : i32 to index
        %get3A_1286 = arith.constant 0 : index
        %get3A_1287 = tpu.vector_load %arg9[%get3A_1285, %get3A_1286] {strides = array<i32>} : memref<256x128xf32, #tpu.memory_space<vmem>>, vector<1x16xf32>,
        %get3A_1288 = vector.shape_cast %get3A_1287 : vector<1x16xf32> to vector<16xf32>
        %add3A_1289 = arith.addf %get3A_1288, %get3A_951 : vector<16xf32>
        %add3A_1290 = arith.constant 0 : i32
        %add3A_1291 = arith.addi %add3A_1282, %add3A_1290 : i32
        %swap3A = arith.index_cast %add3A_1291 : i32 to index
        %swap3A_1292 = arith.constant 0 : index
        %swap3A_1293 = tpu.vector_load %arg9[%swap3A, %swap3A_1292] {strides = array<i32>} : memref<256x128xf32, #tpu.memory_space<vmem>>, vector<1x16xf32>,
        %swap3A_1294 = vector.shape_cast %swap3A_1293 : vector<1x16xf32> to vector<16xf32>
        %swap3A_1295 = vector.shape_cast %add3A_1289 : vector<16xf32> to vector<1x16xf32>
        tpu.vector_store %arg9[%swap3A, %swap3A_1292], %swap3A_1295 {strides = array<i32>} : memref<256x128xf32, #tpu.memory_space<vmem>>, vector<1x16xf32>,
        %add3A_1296 = arith.constant 0 : i32
        %add3A_1297 = arith.addi %add3A_1282, %add3A_1296 : i32
        %get3A_1298 = arith.index_cast %add3A_1297 : i32 to index
        %get3A_1299 = arith.constant 16 : index
        %get3A_1300 = tpu.vector_load %arg9[%get3A_1298, %get3A_1299] {strides = array<i32>} : memref<256x128xf32, #tpu.memory_space<vmem>>, vector<1x16xf32>,
        %get3A_1301 = vector.shape_cast %get3A_1300 : vector<1x16xf32> to vector<16xf32>
        %add3A_1302 = arith.addf %get3A_1301, %get3A_955 : vector<16xf32>
        %add3A_1303 = arith.constant 0 : i32
        %add3A_1304 = arith.addi %add3A_1282, %add3A_1303 : i32
        %swap3A_1305 = arith.index_cast %add3A_1304 : i32 to index
        %swap3A_1306 = arith.constant 16 : index
        %swap3A_1307 = tpu.vector_load %arg9[%swap3A_1305, %swap3A_1306] {strides = array<i32>} : memref<256x128xf32, #tpu.memory_space<vmem>>, vector<1x16xf32>,
        %swap3A_1308 = vector.shape_cast %swap3A_1307 : vector<1x16xf32> to vector<16xf32>
        %swap3A_1309 = vector.shape_cast %add3A_1302 : vector<16xf32> to vector<1x16xf32>
        tpu.vector_store %arg9[%swap3A_1305, %swap3A_1306], %swap3A_1309 {strides = array<i32>} : memref<256x128xf32, #tpu.memory_space<vmem>>, vector<1x16xf32>,
        %add3A_1310 = arith.constant 0 : i32
        %add3A_1311 = arith.addi %add3A_1282, %add3A_1310 : i32
        %get3A_1312 = arith.index_cast %add3A_1311 : i32 to index
        %get3A_1313 = arith.constant 32 : index
        %get3A_1314 = tpu.vector_load %arg9[%get3A_1312, %get3A_1313] {strides = array<i32>} : memref<256x128xf32, #tpu.memory_space<vmem>>, vector<1x16xf32>,
        %get3A_1315 = vector.shape_cast %get3A_1314 : vector<1x16xf32> to vector<16xf32>
        %add3A_1316 = arith.addf %get3A_1315, %get3A_959 : vector<16xf32>
        %add3A_1317 = arith.constant 0 : i32
        %add3A_1318 = arith.addi %add3A_1282, %add3A_1317 : i32
        %swap3A_1319 = arith.index_cast %add3A_1318 : i32 to index
        %swap3A_1320 = arith.constant 32 : index
        %swap3A_1321 = tpu.vector_load %arg9[%swap3A_1319, %swap3A_1320] {strides = array<i32>} : memref<256x128xf32, #tpu.memory_space<vmem>>, vector<1x16xf32>,
        %swap3A_1322 = vector.shape_cast %swap3A_1321 : vector<1x16xf32> to vector<16xf32>
        %swap3A_1323 = vector.shape_cast %add3A_1316 : vector<16xf32> to vector<1x16xf32>
        tpu.vector_store %arg9[%swap3A_1319, %swap3A_1320], %swap3A_1323 {strides = array<i32>} : memref<256x128xf32, #tpu.memory_space<vmem>>, vector<1x16xf32>,
        %add3A_1324 = arith.constant 0 : i32
        %add3A_1325 = arith.addi %add3A_1282, %add3A_1324 : i32
        %get3A_1326 = arith.index_cast %add3A_1325 : i32 to index
        %get3A_1327 = arith.constant 48 : index
        %get3A_1328 = tpu.vector_load %arg9[%get3A_1326, %get3A_1327] {strides = array<i32>} : memref<256x128xf32, #tpu.memory_space<vmem>>, vector<1x16xf32>,
        %get3A_1329 = vector.shape_cast %get3A_1328 : vector<1x16xf32> to vector<16xf32>
        %add3A_1330 = arith.addf %get3A_1329, %get3A_963 : vector<16xf32>
        %add3A_1331 = arith.constant 0 : i32
        %add3A_1332 = arith.addi %add3A_1282, %add3A_1331 : i32
        %swap3A_1333 = arith.index_cast %add3A_1332 : i32 to index
        %swap3A_1334 = arith.constant 48 : index
        %swap3A_1335 = tpu.vector_load %arg9[%swap3A_1333, %swap3A_1334] {strides = array<i32>} : memref<256x128xf32, #tpu.memory_space<vmem>>, vector<1x16xf32>,
        %swap3A_1336 = vector.shape_cast %swap3A_1335 : vector<1x16xf32> to vector<16xf32>
        %swap3A_1337 = vector.shape_cast %add3A_1330 : vector<16xf32> to vector<1x16xf32>
        tpu.vector_store %arg9[%swap3A_1333, %swap3A_1334], %swap3A_1337 {strides = array<i32>} : memref<256x128xf32, #tpu.memory_space<vmem>>, vector<1x16xf32>,
        %add3A_1338 = arith.constant 0 : i32
        %add3A_1339 = arith.addi %add3A_1282, %add3A_1338 : i32
        %get3A_1340 = arith.index_cast %add3A_1339 : i32 to index
        %get3A_1341 = arith.constant 64 : index
        %get3A_1342 = tpu.vector_load %arg9[%get3A_1340, %get3A_1341] {strides = array<i32>} : memref<256x128xf32, #tpu.memory_space<vmem>>, vector<1x16xf32>,
        %get3A_1343 = vector.shape_cast %get3A_1342 : vector<1x16xf32> to vector<16xf32>
        %add3A_1344 = arith.addf %get3A_1343, %get3A_967 : vector<16xf32>
        %add3A_1345 = arith.constant 0 : i32
        %add3A_1346 = arith.addi %add3A_1282, %add3A_1345 : i32
        %swap3A_1347 = arith.index_cast %add3A_1346 : i32 to index
        %swap3A_1348 = arith.constant 64 : index
        %swap3A_1349 = tpu.vector_load %arg9[%swap3A_1347, %swap3A_1348] {strides = array<i32>} : memref<256x128xf32, #tpu.memory_space<vmem>>, vector<1x16xf32>,
        %swap3A_1350 = vector.shape_cast %swap3A_1349 : vector<1x16xf32> to vector<16xf32>
        %swap3A_1351 = vector.shape_cast %add3A_1344 : vector<16xf32> to vector<1x16xf32>
        tpu.vector_store %arg9[%swap3A_1347, %swap3A_1348], %swap3A_1351 {strides = array<i32>} : memref<256x128xf32, #tpu.memory_space<vmem>>, vector<1x16xf32>,
        %add3A_1352 = arith.constant 0 : i32
        %add3A_1353 = arith.addi %add3A_1282, %add3A_1352 : i32
        %get3A_1354 = arith.index_cast %add3A_1353 : i32 to index
        %get3A_1355 = arith.constant 80 : index
        %get3A_1356 = tpu.vector_load %arg9[%get3A_1354, %get3A_1355] {strides = array<i32>} : memref<256x128xf32, #tpu.memory_space<vmem>>, vector<1x16xf32>,
        %get3A_1357 = vector.shape_cast %get3A_1356 : vector<1x16xf32> to vector<16xf32>
        %add3A_1358 = arith.addf %get3A_1357, %get3A_971 : vector<16xf32>
        %add3A_1359 = arith.constant 0 : i32
        %add3A_1360 = arith.addi %add3A_1282, %add3A_1359 : i32
        %swap3A_1361 = arith.index_cast %add3A_1360 : i32 to index
        %swap3A_1362 = arith.constant 80 : index
        %swap3A_1363 = tpu.vector_load %arg9[%swap3A_1361, %swap3A_1362] {strides = array<i32>} : memref<256x128xf32, #tpu.memory_space<vmem>>, vector<1x16xf32>,
        %swap3A_1364 = vector.shape_cast %swap3A_1363 : vector<1x16xf32> to vector<16xf32>
        %swap3A_1365 = vector.shape_cast %add3A_1358 : vector<16xf32> to vector<1x16xf32>
        tpu.vector_store %arg9[%swap3A_1361, %swap3A_1362], %swap3A_1365 {strides = array<i32>} : memref<256x128xf32, #tpu.memory_space<vmem>>, vector<1x16xf32>,
        %add3A_1366 = arith.constant 0 : i32
        %add3A_1367 = arith.addi %add3A_1282, %add3A_1366 : i32
        %get3A_1368 = arith.index_cast %add3A_1367 : i32 to index
        %get3A_1369 = arith.constant 96 : index
        %get3A_1370 = tpu.vector_load %arg9[%get3A_1368, %get3A_1369] {strides = array<i32>} : memref<256x128xf32, #tpu.memory_space<vmem>>, vector<1x16xf32>,
        %get3A_1371 = vector.shape_cast %get3A_1370 : vector<1x16xf32> to vector<16xf32>
        %add3A_1372 = arith.addf %get3A_1371, %get3A_975 : vector<16xf32>
        %add3A_1373 = arith.constant 0 : i32
        %add3A_1374 = arith.addi %add3A_1282, %add3A_1373 : i32
        %swap3A_1375 = arith.index_cast %add3A_1374 : i32 to index
        %swap3A_1376 = arith.constant 96 : index
        %swap3A_1377 = tpu.vector_load %arg9[%swap3A_1375, %swap3A_1376] {strides = array<i32>} : memref<256x128xf32, #tpu.memory_space<vmem>>, vector<1x16xf32>,
        %swap3A_1378 = vector.shape_cast %swap3A_1377 : vector<1x16xf32> to vector<16xf32>
        %swap3A_1379 = vector.shape_cast %add3A_1372 : vector<16xf32> to vector<1x16xf32>
        tpu.vector_store %arg9[%swap3A_1375, %swap3A_1376], %swap3A_1379 {strides = array<i32>} : memref<256x128xf32, #tpu.memory_space<vmem>>, vector<1x16xf32>,
        %add3A_1380 = arith.constant 0 : i32
        %add3A_1381 = arith.addi %add3A_1282, %add3A_1380 : i32
        %get3A_1382 = arith.index_cast %add3A_1381 : i32 to index
        %get3A_1383 = arith.constant 112 : index
        %get3A_1384 = tpu.vector_load %arg9[%get3A_1382, %get3A_1383] {strides = array<i32>} : memref<256x128xf32, #tpu.memory_space<vmem>>, vector<1x16xf32>,
        %get3A_1385 = vector.shape_cast %get3A_1384 : vector<1x16xf32> to vector<16xf32>
        %add3A_1386 = arith.addf %get3A_1385, %get3A_979 : vector<16xf32>
        %add3A_1387 = arith.constant 0 : i32
        %add3A_1388 = arith.addi %add3A_1282, %add3A_1387 : i32
        %swap3A_1389 = arith.index_cast %add3A_1388 : i32 to index
        %swap3A_1390 = arith.constant 112 : index
        %swap3A_1391 = tpu.vector_load %arg9[%swap3A_1389, %swap3A_1390] {strides = array<i32>} : memref<256x128xf32, #tpu.memory_space<vmem>>, vector<1x16xf32>,
        %swap3A_1392 = vector.shape_cast %swap3A_1391 : vector<1x16xf32> to vector<16xf32>
        %swap3A_1393 = vector.shape_cast %add3A_1386 : vector<16xf32> to vector<1x16xf32>
        tpu.vector_store %arg9[%swap3A_1389, %swap3A_1390], %swap3A_1393 {strides = array<i32>} : memref<256x128xf32, #tpu.memory_space<vmem>>, vector<1x16xf32>,
        %add3A_1394 = arith.constant 1 : i32
        %add3A_1395 = arith.addi %add3A_1282, %add3A_1394 : i32
        %get3A_1396 = arith.index_cast %add3A_1395 : i32 to index
        %get3A_1397 = arith.constant 0 : index
        %get3A_1398 = tpu.vector_load %arg9[%get3A_1396, %get3A_1397] {strides = array<i32>} : memref<256x128xf32, #tpu.memory_space<vmem>>, vector<1x16xf32>,
        %get3A_1399 = vector.shape_cast %get3A_1398 : vector<1x16xf32> to vector<16xf32>
        %add3A_1400 = arith.addf %get3A_1399, %get3A_951 : vector<16xf32>
        %add3A_1401 = arith.constant 1 : i32
        %add3A_1402 = arith.addi %add3A_1282, %add3A_1401 : i32
        %swap3A_1403 = arith.index_cast %add3A_1402 : i32 to index
        %swap3A_1404 = arith.constant 0 : index
        %swap3A_1405 = tpu.vector_load %arg9[%swap3A_1403, %swap3A_1404] {strides = array<i32>} : memref<256x128xf32, #tpu.memory_space<vmem>>, vector<1x16xf32>,
        %swap3A_1406 = vector.shape_cast %swap3A_1405 : vector<1x16xf32> to vector<16xf32>
        %swap3A_1407 = vector.shape_cast %add3A_1400 : vector<16xf32> to vector<1x16xf32>
        tpu.vector_store %arg9[%swap3A_1403, %swap3A_1404], %swap3A_1407 {strides = array<i32>} : memref<256x128xf32, #tpu.memory_space<vmem>>, vector<1x16xf32>,
        %add3A_1408 = arith.constant 1 : i32
        %add3A_1409 = arith.addi %add3A_1282, %add3A_1408 : i32
        %get3A_1410 = arith.index_cast %add3A_1409 : i32 to index
        %get3A_1411 = arith.constant 16 : index
        %get3A_1412 = tpu.vector_load %arg9[%get3A_1410, %get3A_1411] {strides = array<i32>} : memref<256x128xf32, #tpu.memory_space<vmem>>, vector<1x16xf32>,
        %get3A_1413 = vector.shape_cast %get3A_1412 : vector<1x16xf32> to vector<16xf32>
        %add3A_1414 = arith.addf %get3A_1413, %get3A_955 : vector<16xf32>
        %add3A_1415 = arith.constant 1 : i32
        %add3A_1416 = arith.addi %add3A_1282, %add3A_1415 : i32
        %swap3A_1417 = arith.index_cast %add3A_1416 : i32 to index
        %swap3A_1418 = arith.constant 16 : index
        %swap3A_1419 = tpu.vector_load %arg9[%swap3A_1417, %swap3A_1418] {strides = array<i32>} : memref<256x128xf32, #tpu.memory_space<vmem>>, vector<1x16xf32>,
        %swap3A_1420 = vector.shape_cast %swap3A_1419 : vector<1x16xf32> to vector<16xf32>
        %swap3A_1421 = vector.shape_cast %add3A_1414 : vector<16xf32> to vector<1x16xf32>
        tpu.vector_store %arg9[%swap3A_1417, %swap3A_1418], %swap3A_1421 {strides = array<i32>} : memref<256x128xf32, #tpu.memory_space<vmem>>, vector<1x16xf32>,
        %add3A_1422 = arith.constant 1 : i32
        %add3A_1423 = arith.addi %add3A_1282, %add3A_1422 : i32
        %get3A_1424 = arith.index_cast %add3A_1423 : i32 to index
        %get3A_1425 = arith.constant 32 : index
        %get3A_1426 = tpu.vector_load %arg9[%get3A_1424, %get3A_1425] {strides = array<i32>} : memref<256x128xf32, #tpu.memory_space<vmem>>, vector<1x16xf32>,
        %get3A_1427 = vector.shape_cast %get3A_1426 : vector<1x16xf32> to vector<16xf32>
        %add3A_1428 = arith.addf %get3A_1427, %get3A_959 : vector<16xf32>
        %add3A_1429 = arith.constant 1 : i32
        %add3A_1430 = arith.addi %add3A_1282, %add3A_1429 : i32
        %swap3A_1431 = arith.index_cast %add3A_1430 : i32 to index
        %swap3A_1432 = arith.constant 32 : index
        %swap3A_1433 = tpu.vector_load %arg9[%swap3A_1431, %swap3A_1432] {strides = array<i32>} : memref<256x128xf32, #tpu.memory_space<vmem>>, vector<1x16xf32>,
        %swap3A_1434 = vector.shape_cast %swap3A_1433 : vector<1x16xf32> to vector<16xf32>
        %swap3A_1435 = vector.shape_cast %add3A_1428 : vector<16xf32> to vector<1x16xf32>
        tpu.vector_store %arg9[%swap3A_1431, %swap3A_1432], %swap3A_1435 {strides = array<i32>} : memref<256x128xf32, #tpu.memory_space<vmem>>, vector<1x16xf32>,
        %add3A_1436 = arith.constant 1 : i32
        %add3A_1437 = arith.addi %add3A_1282, %add3A_1436 : i32
        %get3A_1438 = arith.index_cast %add3A_1437 : i32 to index
        %get3A_1439 = arith.constant 48 : index
        %get3A_1440 = tpu.vector_load %arg9[%get3A_1438, %get3A_1439] {strides = array<i32>} : memref<256x128xf32, #tpu.memory_space<vmem>>, vector<1x16xf32>,
        %get3A_1441 = vector.shape_cast %get3A_1440 : vector<1x16xf32> to vector<16xf32>
        %add3A_1442 = arith.addf %get3A_1441, %get3A_963 : vector<16xf32>
        %add3A_1443 = arith.constant 1 : i32
        %add3A_1444 = arith.addi %add3A_1282, %add3A_1443 : i32
        %swap3A_1445 = arith.index_cast %add3A_1444 : i32 to index
        %swap3A_1446 = arith.constant 48 : index
        %swap3A_1447 = tpu.vector_load %arg9[%swap3A_1445, %swap3A_1446] {strides = array<i32>} : memref<256x128xf32, #tpu.memory_space<vmem>>, vector<1x16xf32>,
        %swap3A_1448 = vector.shape_cast %swap3A_1447 : vector<1x16xf32> to vector<16xf32>
        %swap3A_1449 = vector.shape_cast %add3A_1442 : vector<16xf32> to vector<1x16xf32>
        tpu.vector_store %arg9[%swap3A_1445, %swap3A_1446], %swap3A_1449 {strides = array<i32>} : memref<256x128xf32, #tpu.memory_space<vmem>>, vector<1x16xf32>,
        %add3A_1450 = arith.constant 1 : i32
        %add3A_1451 = arith.addi %add3A_1282, %add3A_1450 : i32
        %get3A_1452 = arith.index_cast %add3A_1451 : i32 to index
        %get3A_1453 = arith.constant 64 : index
        %get3A_1454 = tpu.vector_load %arg9[%get3A_1452, %get3A_1453] {strides = array<i32>} : memref<256x128xf32, #tpu.memory_space<vmem>>, vector<1x16xf32>,
        %get3A_1455 = vector.shape_cast %get3A_1454 : vector<1x16xf32> to vector<16xf32>
        %add3A_1456 = arith.addf %get3A_1455, %get3A_967 : vector<16xf32>
        %add3A_1457 = arith.constant 1 : i32
        %add3A_1458 = arith.addi %add3A_1282, %add3A_1457 : i32
        %swap3A_1459 = arith.index_cast %add3A_1458 : i32 to index
        %swap3A_1460 = arith.constant 64 : index
        %swap3A_1461 = tpu.vector_load %arg9[%swap3A_1459, %swap3A_1460] {strides = array<i32>} : memref<256x128xf32, #tpu.memory_space<vmem>>, vector<1x16xf32>,
        %swap3A_1462 = vector.shape_cast %swap3A_1461 : vector<1x16xf32> to vector<16xf32>
        %swap3A_1463 = vector.shape_cast %add3A_1456 : vector<16xf32> to vector<1x16xf32>
        tpu.vector_store %arg9[%swap3A_1459, %swap3A_1460], %swap3A_1463 {strides = array<i32>} : memref<256x128xf32, #tpu.memory_space<vmem>>, vector<1x16xf32>,
        %add3A_1464 = arith.constant 1 : i32
        %add3A_1465 = arith.addi %add3A_1282, %add3A_1464 : i32
        %get3A_1466 = arith.index_cast %add3A_1465 : i32 to index
        %get3A_1467 = arith.constant 80 : index
        %get3A_1468 = tpu.vector_load %arg9[%get3A_1466, %get3A_1467] {strides = array<i32>} : memref<256x128xf32, #tpu.memory_space<vmem>>, vector<1x16xf32>,
        %get3A_1469 = vector.shape_cast %get3A_1468 : vector<1x16xf32> to vector<16xf32>
        %add3A_1470 = arith.addf %get3A_1469, %get3A_971 : vector<16xf32>
        %add3A_1471 = arith.constant 1 : i32
        %add3A_1472 = arith.addi %add3A_1282, %add3A_1471 : i32
        %swap3A_1473 = arith.index_cast %add3A_1472 : i32 to index
        %swap3A_1474 = arith.constant 80 : index
        %swap3A_1475 = tpu.vector_load %arg9[%swap3A_1473, %swap3A_1474] {strides = array<i32>} : memref<256x128xf32, #tpu.memory_space<vmem>>, vector<1x16xf32>,
        %swap3A_1476 = vector.shape_cast %swap3A_1475 : vector<1x16xf32> to vector<16xf32>
        %swap3A_1477 = vector.shape_cast %add3A_1470 : vector<16xf32> to vector<1x16xf32>
        tpu.vector_store %arg9[%swap3A_1473, %swap3A_1474], %swap3A_1477 {strides = array<i32>} : memref<256x128xf32, #tpu.memory_space<vmem>>, vector<1x16xf32>,
        %add3A_1478 = arith.constant 1 : i32
        %add3A_1479 = arith.addi %add3A_1282, %add3A_1478 : i32
        %get3A_1480 = arith.index_cast %add3A_1479 : i32 to index
        %get3A_1481 = arith.constant 96 : index
        %get3A_1482 = tpu.vector_load %arg9[%get3A_1480, %get3A_1481] {strides = array<i32>} : memref<256x128xf32, #tpu.memory_space<vmem>>, vector<1x16xf32>,
        %get3A_1483 = vector.shape_cast %get3A_1482 : vector<1x16xf32> to vector<16xf32>
        %add3A_1484 = arith.addf %get3A_1483, %get3A_975 : vector<16xf32>
        %add3A_1485 = arith.constant 1 : i32
        %add3A_1486 = arith.addi %add3A_1282, %add3A_1485 : i32
        %swap3A_1487 = arith.index_cast %add3A_1486 : i32 to index
        %swap3A_1488 = arith.constant 96 : index
        %swap3A_1489 = tpu.vector_load %arg9[%swap3A_1487, %swap3A_1488] {strides = array<i32>} : memref<256x128xf32, #tpu.memory_space<vmem>>, vector<1x16xf32>,
        %swap3A_1490 = vector.shape_cast %swap3A_1489 : vector<1x16xf32> to vector<16xf32>
        %swap3A_1491 = vector.shape_cast %add3A_1484 : vector<16xf32> to vector<1x16xf32>
        tpu.vector_store %arg9[%swap3A_1487, %swap3A_1488], %swap3A_1491 {strides = array<i32>} : memref<256x128xf32, #tpu.memory_space<vmem>>, vector<1x16xf32>,
        %add3A_1492 = arith.constant 1 : i32
        %add3A_1493 = arith.addi %add3A_1282, %add3A_1492 : i32
        %get3A_1494 = arith.index_cast %add3A_1493 : i32 to index
        %get3A_1495 = arith.constant 112 : index
        %get3A_1496 = tpu.vector_load %arg9[%get3A_1494, %get3A_1495] {strides = array<i32>} : memref<256x128xf32, #tpu.memory_space<vmem>>, vector<1x16xf32>,
        %get3A_1497 = vector.shape_cast %get3A_1496 : vector<1x16xf32> to vector<16xf32>
        %add3A_1498 = arith.addf %get3A_1497, %get3A_979 : vector<16xf32>
        %add3A_1499 = arith.constant 1 : i32
        %add3A_1500 = arith.addi %add3A_1282, %add3A_1499 : i32
        %swap3A_1501 = arith.index_cast %add3A_1500 : i32 to index
        %swap3A_1502 = arith.constant 112 : index
        %swap3A_1503 = tpu.vector_load %arg9[%swap3A_1501, %swap3A_1502] {strides = array<i32>} : memref<256x128xf32, #tpu.memory_space<vmem>>, vector<1x16xf32>,
        %swap3A_1504 = vector.shape_cast %swap3A_1503 : vector<1x16xf32> to vector<16xf32>
        %swap3A_1505 = vector.shape_cast %add3A_1498 : vector<16xf32> to vector<1x16xf32>
        tpu.vector_store %arg9[%swap3A_1501, %swap3A_1502], %swap3A_1505 {strides = array<i32>} : memref<256x128xf32, #tpu.memory_space<vmem>>, vector<1x16xf32>,
        %add3A_1506 = arith.constant 2 : i32
        %add3A_1507 = arith.addi %add3A_1282, %add3A_1506 : i32
        %get3A_1508 = arith.index_cast %add3A_1507 : i32 to index
        %get3A_1509 = arith.constant 0 : index
        %get3A_1510 = tpu.vector_load %arg9[%get3A_1508, %get3A_1509] {strides = array<i32>} : memref<256x128xf32, #tpu.memory_space<vmem>>, vector<1x16xf32>,
        %get3A_1511 = vector.shape_cast %get3A_1510 : vector<1x16xf32> to vector<16xf32>
        %add3A_1512 = arith.addf %get3A_1511, %get3A_951 : vector<16xf32>
        %add3A_1513 = arith.constant 2 : i32
        %add3A_1514 = arith.addi %add3A_1282, %add3A_1513 : i32
        %swap3A_1515 = arith.index_cast %add3A_1514 : i32 to index
        %swap3A_1516 = arith.constant 0 : index
        %swap3A_1517 = tpu.vector_load %arg9[%swap3A_1515, %swap3A_1516] {strides = array<i32>} : memref<256x128xf32, #tpu.memory_space<vmem>>, vector<1x16xf32>,
        %swap3A_1518 = vector.shape_cast %swap3A_1517 : vector<1x16xf32> to vector<16xf32>
        %swap3A_1519 = vector.shape_cast %add3A_1512 : vector<16xf32> to vector<1x16xf32>
        tpu.vector_store %arg9[%swap3A_1515, %swap3A_1516], %swap3A_1519 {strides = array<i32>} : memref<256x128xf32, #tpu.memory_space<vmem>>, vector<1x16xf32>,
        %add3A_1520 = arith.constant 2 : i32
        %add3A_1521 = arith.addi %add3A_1282, %add3A_1520 : i32
        %get3A_1522 = arith.index_cast %add3A_1521 : i32 to index
        %get3A_1523 = arith.constant 16 : index
        %get3A_1524 = tpu.vector_load %arg9[%get3A_1522, %get3A_1523] {strides = array<i32>} : memref<256x128xf32, #tpu.memory_space<vmem>>, vector<1x16xf32>,
        %get3A_1525 = vector.shape_cast %get3A_1524 : vector<1x16xf32> to vector<16xf32>
        %add3A_1526 = arith.addf %get3A_1525, %get3A_955 : vector<16xf32>
        %add3A_1527 = arith.constant 2 : i32
        %add3A_1528 = arith.addi %add3A_1282, %add3A_1527 : i32
        %swap3A_1529 = arith.index_cast %add3A_1528 : i32 to index
        %swap3A_1530 = arith.constant 16 : index
        %swap3A_1531 = tpu.vector_load %arg9[%swap3A_1529, %swap3A_1530] {strides = array<i32>} : memref<256x128xf32, #tpu.memory_space<vmem>>, vector<1x16xf32>,
        %swap3A_1532 = vector.shape_cast %swap3A_1531 : vector<1x16xf32> to vector<16xf32>
        %swap3A_1533 = vector.shape_cast %add3A_1526 : vector<16xf32> to vector<1x16xf32>
        tpu.vector_store %arg9[%swap3A_1529, %swap3A_1530], %swap3A_1533 {strides = array<i32>} : memref<256x128xf32, #tpu.memory_space<vmem>>, vector<1x16xf32>,
        %add3A_1534 = arith.constant 2 : i32
        %add3A_1535 = arith.addi %add3A_1282, %add3A_1534 : i32
        %get3A_1536 = arith.index_cast %add3A_1535 : i32 to index
        %get3A_1537 = arith.constant 32 : index
        %get3A_1538 = tpu.vector_load %arg9[%get3A_1536, %get3A_1537] {strides = array<i32>} : memref<256x128xf32, #tpu.memory_space<vmem>>, vector<1x16xf32>,
        %get3A_1539 = vector.shape_cast %get3A_1538 : vector<1x16xf32> to vector<16xf32>
        %add3A_1540 = arith.addf %get3A_1539, %get3A_959 : vector<16xf32>
        %add3A_1541 = arith.constant 2 : i32
        %add3A_1542 = arith.addi %add3A_1282, %add3A_1541 : i32
        %swap3A_1543 = arith.index_cast %add3A_1542 : i32 to index
        %swap3A_1544 = arith.constant 32 : index
        %swap3A_1545 = tpu.vector_load %arg9[%swap3A_1543, %swap3A_1544] {strides = array<i32>} : memref<256x128xf32, #tpu.memory_space<vmem>>, vector<1x16xf32>,
        %swap3A_1546 = vector.shape_cast %swap3A_1545 : vector<1x16xf32> to vector<16xf32>
        %swap3A_1547 = vector.shape_cast %add3A_1540 : vector<16xf32> to vector<1x16xf32>
        tpu.vector_store %arg9[%swap3A_1543, %swap3A_1544], %swap3A_1547 {strides = array<i32>} : memref<256x128xf32, #tpu.memory_space<vmem>>, vector<1x16xf32>,
        %add3A_1548 = arith.constant 2 : i32
        %add3A_1549 = arith.addi %add3A_1282, %add3A_1548 : i32
        %get3A_1550 = arith.index_cast %add3A_1549 : i32 to index
        %get3A_1551 = arith.constant 48 : index
        %get3A_1552 = tpu.vector_load %arg9[%get3A_1550, %get3A_1551] {strides = array<i32>} : memref<256x128xf32, #tpu.memory_space<vmem>>, vector<1x16xf32>,
        %get3A_1553 = vector.shape_cast %get3A_1552 : vector<1x16xf32> to vector<16xf32>
        %add3A_1554 = arith.addf %get3A_1553, %get3A_963 : vector<16xf32>
        %add3A_1555 = arith.constant 2 : i32
        %add3A_1556 = arith.addi %add3A_1282, %add3A_1555 : i32
        %swap3A_1557 = arith.index_cast %add3A_1556 : i32 to index
        %swap3A_1558 = arith.constant 48 : index
        %swap3A_1559 = tpu.vector_load %arg9[%swap3A_1557, %swap3A_1558] {strides = array<i32>} : memref<256x128xf32, #tpu.memory_space<vmem>>, vector<1x16xf32>,
        %swap3A_1560 = vector.shape_cast %swap3A_1559 : vector<1x16xf32> to vector<16xf32>
        %swap3A_1561 = vector.shape_cast %add3A_1554 : vector<16xf32> to vector<1x16xf32>
        tpu.vector_store %arg9[%swap3A_1557, %swap3A_1558], %swap3A_1561 {strides = array<i32>} : memref<256x128xf32, #tpu.memory_space<vmem>>, vector<1x16xf32>,
        %add3A_1562 = arith.constant 2 : i32
        %add3A_1563 = arith.addi %add3A_1282, %add3A_1562 : i32
        %get3A_1564 = arith.index_cast %add3A_1563 : i32 to index
        %get3A_1565 = arith.constant 64 : index
        %get3A_1566 = tpu.vector_load %arg9[%get3A_1564, %get3A_1565] {strides = array<i32>} : memref<256x128xf32, #tpu.memory_space<vmem>>, vector<1x16xf32>,
        %get3A_1567 = vector.shape_cast %get3A_1566 : vector<1x16xf32> to vector<16xf32>
        %add3A_1568 = arith.addf %get3A_1567, %get3A_967 : vector<16xf32>
        %add3A_1569 = arith.constant 2 : i32
        %add3A_1570 = arith.addi %add3A_1282, %add3A_1569 : i32
        %swap3A_1571 = arith.index_cast %add3A_1570 : i32 to index
        %swap3A_1572 = arith.constant 64 : index
        %swap3A_1573 = tpu.vector_load %arg9[%swap3A_1571, %swap3A_1572] {strides = array<i32>} : memref<256x128xf32, #tpu.memory_space<vmem>>, vector<1x16xf32>,
        %swap3A_1574 = vector.shape_cast %swap3A_1573 : vector<1x16xf32> to vector<16xf32>
        %swap3A_1575 = vector.shape_cast %add3A_1568 : vector<16xf32> to vector<1x16xf32>
        tpu.vector_store %arg9[%swap3A_1571, %swap3A_1572], %swap3A_1575 {strides = array<i32>} : memref<256x128xf32, #tpu.memory_space<vmem>>, vector<1x16xf32>,
        %add3A_1576 = arith.constant 2 : i32
        %add3A_1577 = arith.addi %add3A_1282, %add3A_1576 : i32
        %get3A_1578 = arith.index_cast %add3A_1577 : i32 to index
        %get3A_1579 = arith.constant 80 : index
        %get3A_1580 = tpu.vector_load %arg9[%get3A_1578, %get3A_1579] {strides = array<i32>} : memref<256x128xf32, #tpu.memory_space<vmem>>, vector<1x16xf32>,
        %get3A_1581 = vector.shape_cast %get3A_1580 : vector<1x16xf32> to vector<16xf32>
        %add3A_1582 = arith.addf %get3A_1581, %get3A_971 : vector<16xf32>
        %add3A_1583 = arith.constant 2 : i32
        %add3A_1584 = arith.addi %add3A_1282, %add3A_1583 : i32
        %swap3A_1585 = arith.index_cast %add3A_1584 : i32 to index
        %swap3A_1586 = arith.constant 80 : index
        %swap3A_1587 = tpu.vector_load %arg9[%swap3A_1585, %swap3A_1586] {strides = array<i32>} : memref<256x128xf32, #tpu.memory_space<vmem>>, vector<1x16xf32>,
        %swap3A_1588 = vector.shape_cast %swap3A_1587 : vector<1x16xf32> to vector<16xf32>
        %swap3A_1589 = vector.shape_cast %add3A_1582 : vector<16xf32> to vector<1x16xf32>
        tpu.vector_store %arg9[%swap3A_1585, %swap3A_1586], %swap3A_1589 {strides = array<i32>} : memref<256x128xf32, #tpu.memory_space<vmem>>, vector<1x16xf32>,
        %add3A_1590 = arith.constant 2 : i32
        %add3A_1591 = arith.addi %add3A_1282, %add3A_1590 : i32
        %get3A_1592 = arith.index_cast %add3A_1591 : i32 to index
        %get3A_1593 = arith.constant 96 : index
        %get3A_1594 = tpu.vector_load %arg9[%get3A_1592, %get3A_1593] {strides = array<i32>} : memref<256x128xf32, #tpu.memory_space<vmem>>, vector<1x16xf32>,
        %get3A_1595 = vector.shape_cast %get3A_1594 : vector<1x16xf32> to vector<16xf32>
        %add3A_1596 = arith.addf %get3A_1595, %get3A_975 : vector<16xf32>
        %add3A_1597 = arith.constant 2 : i32
        %add3A_1598 = arith.addi %add3A_1282, %add3A_1597 : i32
        %swap3A_1599 = arith.index_cast %add3A_1598 : i32 to index
        %swap3A_1600 = arith.constant 96 : index
        %swap3A_1601 = tpu.vector_load %arg9[%swap3A_1599, %swap3A_1600] {strides = array<i32>} : memref<256x128xf32, #tpu.memory_space<vmem>>, vector<1x16xf32>,
        %swap3A_1602 = vector.shape_cast %swap3A_1601 : vector<1x16xf32> to vector<16xf32>
        %swap3A_1603 = vector.shape_cast %add3A_1596 : vector<16xf32> to vector<1x16xf32>
        tpu.vector_store %arg9[%swap3A_1599, %swap3A_1600], %swap3A_1603 {strides = array<i32>} : memref<256x128xf32, #tpu.memory_space<vmem>>, vector<1x16xf32>,
        %add3A_1604 = arith.constant 2 : i32
        %add3A_1605 = arith.addi %add3A_1282, %add3A_1604 : i32
        %get3A_1606 = arith.index_cast %add3A_1605 : i32 to index
        %get3A_1607 = arith.constant 112 : index
        %get3A_1608 = tpu.vector_load %arg9[%get3A_1606, %get3A_1607] {strides = array<i32>} : memref<256x128xf32, #tpu.memory_space<vmem>>, vector<1x16xf32>,
        %get3A_1609 = vector.shape_cast %get3A_1608 : vector<1x16xf32> to vector<16xf32>
        %add3A_1610 = arith.addf %get3A_1609, %get3A_979 : vector<16xf32>
        %add3A_1611 = arith.constant 2 : i32
        %add3A_1612 = arith.addi %add3A_1282, %add3A_1611 : i32
        %swap3A_1613 = arith.index_cast %add3A_1612 : i32 to index
        %swap3A_1614 = arith.constant 112 : index
        %swap3A_1615 = tpu.vector_load %arg9[%swap3A_1613, %swap3A_1614] {strides = array<i32>} : memref<256x128xf32, #tpu.memory_space<vmem>>, vector<1x16xf32>,
        %swap3A_1616 = vector.shape_cast %swap3A_1615 : vector<1x16xf32> to vector<16xf32>
        %swap3A_1617 = vector.shape_cast %add3A_1610 : vector<16xf32> to vector<1x16xf32>
        tpu.vector_store %arg9[%swap3A_1613, %swap3A_1614], %swap3A_1617 {strides = array<i32>} : memref<256x128xf32, #tpu.memory_space<vmem>>, vector<1x16xf32>,
        %add3A_1618 = arith.constant 3 : i32
        %add3A_1619 = arith.addi %add3A_1282, %add3A_1618 : i32
        %get3A_1620 = arith.index_cast %add3A_1619 : i32 to index
        %get3A_1621 = arith.constant 0 : index
        %get3A_1622 = tpu.vector_load %arg9[%get3A_1620, %get3A_1621] {strides = array<i32>} : memref<256x128xf32, #tpu.memory_space<vmem>>, vector<1x16xf32>,
        %get3A_1623 = vector.shape_cast %get3A_1622 : vector<1x16xf32> to vector<16xf32>
        %add3A_1624 = arith.addf %get3A_1623, %get3A_951 : vector<16xf32>
        %add3A_1625 = arith.constant 3 : i32
        %add3A_1626 = arith.addi %add3A_1282, %add3A_1625 : i32
        %swap3A_1627 = arith.index_cast %add3A_1626 : i32 to index
        %swap3A_1628 = arith.constant 0 : index
        %swap3A_1629 = tpu.vector_load %arg9[%swap3A_1627, %swap3A_1628] {strides = array<i32>} : memref<256x128xf32, #tpu.memory_space<vmem>>, vector<1x16xf32>,
        %swap3A_1630 = vector.shape_cast %swap3A_1629 : vector<1x16xf32> to vector<16xf32>
        %swap3A_1631 = vector.shape_cast %add3A_1624 : vector<16xf32> to vector<1x16xf32>
        tpu.vector_store %arg9[%swap3A_1627, %swap3A_1628], %swap3A_1631 {strides = array<i32>} : memref<256x128xf32, #tpu.memory_space<vmem>>, vector<1x16xf32>,
        %add3A_1632 = arith.constant 3 : i32
        %add3A_1633 = arith.addi %add3A_1282, %add3A_1632 : i32
        %get3A_1634 = arith.index_cast %add3A_1633 : i32 to index
        %get3A_1635 = arith.constant 16 : index
        %get3A_1636 = tpu.vector_load %arg9[%get3A_1634, %get3A_1635] {strides = array<i32>} : memref<256x128xf32, #tpu.memory_space<vmem>>, vector<1x16xf32>,
        %get3A_1637 = vector.shape_cast %get3A_1636 : vector<1x16xf32> to vector<16xf32>
        %add3A_1638 = arith.addf %get3A_1637, %get3A_955 : vector<16xf32>
        %add3A_1639 = arith.constant 3 : i32
        %add3A_1640 = arith.addi %add3A_1282, %add3A_1639 : i32
        %swap3A_1641 = arith.index_cast %add3A_1640 : i32 to index
        %swap3A_1642 = arith.constant 16 : index
        %swap3A_1643 = tpu.vector_load %arg9[%swap3A_1641, %swap3A_1642] {strides = array<i32>} : memref<256x128xf32, #tpu.memory_space<vmem>>, vector<1x16xf32>,
        %swap3A_1644 = vector.shape_cast %swap3A_1643 : vector<1x16xf32> to vector<16xf32>
        %swap3A_1645 = vector.shape_cast %add3A_1638 : vector<16xf32> to vector<1x16xf32>
        tpu.vector_store %arg9[%swap3A_1641, %swap3A_1642], %swap3A_1645 {strides = array<i32>} : memref<256x128xf32, #tpu.memory_space<vmem>>, vector<1x16xf32>,
        %add3A_1646 = arith.constant 3 : i32
        %add3A_1647 = arith.addi %add3A_1282, %add3A_1646 : i32
        %get3A_1648 = arith.index_cast %add3A_1647 : i32 to index
        %get3A_1649 = arith.constant 32 : index
        %get3A_1650 = tpu.vector_load %arg9[%get3A_1648, %get3A_1649] {strides = array<i32>} : memref<256x128xf32, #tpu.memory_space<vmem>>, vector<1x16xf32>,
        %get3A_1651 = vector.shape_cast %get3A_1650 : vector<1x16xf32> to vector<16xf32>
        %add3A_1652 = arith.addf %get3A_1651, %get3A_959 : vector<16xf32>
        %add3A_1653 = arith.constant 3 : i32
        %add3A_1654 = arith.addi %add3A_1282, %add3A_1653 : i32
        %swap3A_1655 = arith.index_cast %add3A_1654 : i32 to index
        %swap3A_1656 = arith.constant 32 : index
        %swap3A_1657 = tpu.vector_load %arg9[%swap3A_1655, %swap3A_1656] {strides = array<i32>} : memref<256x128xf32, #tpu.memory_space<vmem>>, vector<1x16xf32>,
        %swap3A_1658 = vector.shape_cast %swap3A_1657 : vector<1x16xf32> to vector<16xf32>
        %swap3A_1659 = vector.shape_cast %add3A_1652 : vector<16xf32> to vector<1x16xf32>
        tpu.vector_store %arg9[%swap3A_1655, %swap3A_1656], %swap3A_1659 {strides = array<i32>} : memref<256x128xf32, #tpu.memory_space<vmem>>, vector<1x16xf32>,
        %add3A_1660 = arith.constant 3 : i32
        %add3A_1661 = arith.addi %add3A_1282, %add3A_1660 : i32
        %get3A_1662 = arith.index_cast %add3A_1661 : i32 to index
        %get3A_1663 = arith.constant 48 : index
        %get3A_1664 = tpu.vector_load %arg9[%get3A_1662, %get3A_1663] {strides = array<i32>} : memref<256x128xf32, #tpu.memory_space<vmem>>, vector<1x16xf32>,
        %get3A_1665 = vector.shape_cast %get3A_1664 : vector<1x16xf32> to vector<16xf32>
        %add3A_1666 = arith.addf %get3A_1665, %get3A_963 : vector<16xf32>
        %add3A_1667 = arith.constant 3 : i32
        %add3A_1668 = arith.addi %add3A_1282, %add3A_1667 : i32
        %swap3A_1669 = arith.index_cast %add3A_1668 : i32 to index
        %swap3A_1670 = arith.constant 48 : index
        %swap3A_1671 = tpu.vector_load %arg9[%swap3A_1669, %swap3A_1670] {strides = array<i32>} : memref<256x128xf32, #tpu.memory_space<vmem>>, vector<1x16xf32>,
        %swap3A_1672 = vector.shape_cast %swap3A_1671 : vector<1x16xf32> to vector<16xf32>
        %swap3A_1673 = vector.shape_cast %add3A_1666 : vector<16xf32> to vector<1x16xf32>
        tpu.vector_store %arg9[%swap3A_1669, %swap3A_1670], %swap3A_1673 {strides = array<i32>} : memref<256x128xf32, #tpu.memory_space<vmem>>, vector<1x16xf32>,
        %add3A_1674 = arith.constant 3 : i32
        %add3A_1675 = arith.addi %add3A_1282, %add3A_1674 : i32
        %get3A_1676 = arith.index_cast %add3A_1675 : i32 to index
        %get3A_1677 = arith.constant 64 : index
        %get3A_1678 = tpu.vector_load %arg9[%get3A_1676, %get3A_1677] {strides = array<i32>} : memref<256x128xf32, #tpu.memory_space<vmem>>, vector<1x16xf32>,
        %get3A_1679 = vector.shape_cast %get3A_1678 : vector<1x16xf32> to vector<16xf32>
        %add3A_1680 = arith.addf %get3A_1679, %get3A_967 : vector<16xf32>
        %add3A_1681 = arith.constant 3 : i32
        %add3A_1682 = arith.addi %add3A_1282, %add3A_1681 : i32
        %swap3A_1683 = arith.index_cast %add3A_1682 : i32 to index
        %swap3A_1684 = arith.constant 64 : index
        %swap3A_1685 = tpu.vector_load %arg9[%swap3A_1683, %swap3A_1684] {strides = array<i32>} : memref<256x128xf32, #tpu.memory_space<vmem>>, vector<1x16xf32>,
        %swap3A_1686 = vector.shape_cast %swap3A_1685 : vector<1x16xf32> to vector<16xf32>
        %swap3A_1687 = vector.shape_cast %add3A_1680 : vector<16xf32> to vector<1x16xf32>
        tpu.vector_store %arg9[%swap3A_1683, %swap3A_1684], %swap3A_1687 {strides = array<i32>} : memref<256x128xf32, #tpu.memory_space<vmem>>, vector<1x16xf32>,
        %add3A_1688 = arith.constant 3 : i32
        %add3A_1689 = arith.addi %add3A_1282, %add3A_1688 : i32
        %get3A_1690 = arith.index_cast %add3A_1689 : i32 to index
        %get3A_1691 = arith.constant 80 : index
        %get3A_1692 = tpu.vector_load %arg9[%get3A_1690, %get3A_1691] {strides = array<i32>} : memref<256x128xf32, #tpu.memory_space<vmem>>, vector<1x16xf32>,
        %get3A_1693 = vector.shape_cast %get3A_1692 : vector<1x16xf32> to vector<16xf32>
        %add3A_1694 = arith.addf %get3A_1693, %get3A_971 : vector<16xf32>
        %add3A_1695 = arith.constant 3 : i32
        %add3A_1696 = arith.addi %add3A_1282, %add3A_1695 : i32
        %swap3A_1697 = arith.index_cast %add3A_1696 : i32 to index
        %swap3A_1698 = arith.constant 80 : index
        %swap3A_1699 = tpu.vector_load %arg9[%swap3A_1697, %swap3A_1698] {strides = array<i32>} : memref<256x128xf32, #tpu.memory_space<vmem>>, vector<1x16xf32>,
        %swap3A_1700 = vector.shape_cast %swap3A_1699 : vector<1x16xf32> to vector<16xf32>
        %swap3A_1701 = vector.shape_cast %add3A_1694 : vector<16xf32> to vector<1x16xf32>
        tpu.vector_store %arg9[%swap3A_1697, %swap3A_1698], %swap3A_1701 {strides = array<i32>} : memref<256x128xf32, #tpu.memory_space<vmem>>, vector<1x16xf32>,
        %add3A_1702 = arith.constant 3 : i32
        %add3A_1703 = arith.addi %add3A_1282, %add3A_1702 : i32
        %get3A_1704 = arith.index_cast %add3A_1703 : i32 to index
        %get3A_1705 = arith.constant 96 : index
        %get3A_1706 = tpu.vector_load %arg9[%get3A_1704, %get3A_1705] {strides = array<i32>} : memref<256x128xf32, #tpu.memory_space<vmem>>, vector<1x16xf32>,
        %get3A_1707 = vector.shape_cast %get3A_1706 : vector<1x16xf32> to vector<16xf32>
        %add3A_1708 = arith.addf %get3A_1707, %get3A_975 : vector<16xf32>
        %add3A_1709 = arith.constant 3 : i32
        %add3A_1710 = arith.addi %add3A_1282, %add3A_1709 : i32
        %swap3A_1711 = arith.index_cast %add3A_1710 : i32 to index
        %swap3A_1712 = arith.constant 96 : index
        %swap3A_1713 = tpu.vector_load %arg9[%swap3A_1711, %swap3A_1712] {strides = array<i32>} : memref<256x128xf32, #tpu.memory_space<vmem>>, vector<1x16xf32>,
        %swap3A_1714 = vector.shape_cast %swap3A_1713 : vector<1x16xf32> to vector<16xf32>
        %swap3A_1715 = vector.shape_cast %add3A_1708 : vector<16xf32> to vector<1x16xf32>
        tpu.vector_store %arg9[%swap3A_1711, %swap3A_1712], %swap3A_1715 {strides = array<i32>} : memref<256x128xf32, #tpu.memory_space<vmem>>, vector<1x16xf32>,
        %add3A_1716 = arith.constant 3 : i32
        %add3A_1717 = arith.addi %add3A_1282, %add3A_1716 : i32
        %get3A_1718 = arith.index_cast %add3A_1717 : i32 to index
        %get3A_1719 = arith.constant 112 : index
        %get3A_1720 = tpu.vector_load %arg9[%get3A_1718, %get3A_1719] {strides = array<i32>} : memref<256x128xf32, #tpu.memory_space<vmem>>, vector<1x16xf32>,
        %get3A_1721 = vector.shape_cast %get3A_1720 : vector<1x16xf32> to vector<16xf32>
        %add3A_1722 = arith.addf %get3A_1721, %get3A_979 : vector<16xf32>
        %add3A_1723 = arith.constant 3 : i32
        %add3A_1724 = arith.addi %add3A_1282, %add3A_1723 : i32
        %swap3A_1725 = arith.index_cast %add3A_1724 : i32 to index
        %swap3A_1726 = arith.constant 112 : index
        %swap3A_1727 = tpu.vector_load %arg9[%swap3A_1725, %swap3A_1726] {strides = array<i32>} : memref<256x128xf32, #tpu.memory_space<vmem>>, vector<1x16xf32>,
        %swap3A_1728 = vector.shape_cast %swap3A_1727 : vector<1x16xf32> to vector<16xf32>
        %swap3A_1729 = vector.shape_cast %add3A_1722 : vector<16xf32> to vector<1x16xf32>
        tpu.vector_store %arg9[%swap3A_1725, %swap3A_1726], %swap3A_1729 {strides = array<i32>} : memref<256x128xf32, #tpu.memory_space<vmem>>, vector<1x16xf32>,
      }
      %scan3A_985 = arith.constant 32 : i32
      %mul3A_986 = arith.constant 2 : i32
      %mul3A_987 = arith.muli %mul3A_986, %add3A_826 : i32
      %add3A_988 = arith.constant 1 : i32
      %add3A_989 = arith.addi %mul3A_987, %add3A_988 : i32
      %mul3A_990 = arith.constant 128 : i32
      %mul3A_991 = arith.muli %add3A_989, %mul3A_990 : i32
      %add3A_992 = arith.addi %mul3A_2, %mul3A_991 : i32
      %jit3A_993 = arith.constant 16384 : i32
      %div3A_994 = arith.divsi %add3A_992, %jit3A_993 : i32
      %sign3A_995 = arith.constant 0 : i32
      %sign3A_996 = arith.cmpi sgt, %add3A_992, %sign3A_995 : i32
      %sign3A_997 = arith.extui %sign3A_996 : i1 to i32
      %sign3A_998 = arith.constant 0 : i32
      %sign3A_999 = arith.cmpi slt, %add3A_992, %sign3A_998 : i32
      %sign3A_1000 = arith.extui %sign3A_999 : i1 to i32
      %sign3A_1001 = arith.subi %sign3A_997, %sign3A_1000 : i32
      %sign3A_1002 = arith.constant 0 : i32
      %sign3A_1003 = arith.cmpi sgt, %jit3A_993, %sign3A_1002 : i32
      %sign3A_1004 = arith.extui %sign3A_1003 : i1 to i32
      %sign3A_1005 = arith.constant 0 : i32
      %sign3A_1006 = arith.cmpi slt, %jit3A_993, %sign3A_1005 : i32
      %sign3A_1007 = arith.extui %sign3A_1006 : i1 to i32
      %sign3A_1008 = arith.subi %sign3A_1004, %sign3A_1007 : i32
      %ne3A_1009 = arith.cmpi ne, %sign3A_1001, %sign3A_1008 : i32
      %rem3A_1010 = arith.remsi %add3A_992, %jit3A_993 : i32
      %ne3A_1011 = arith.constant 0 : i32
      %ne3A_1012 = arith.cmpi ne, %rem3A_1010, %ne3A_1011 : i32
      %and3A_1013 = arith.andi %ne3A_1009, %ne3A_1012 : i1
      %sub3A_1014 = arith.constant 1 : i32
      %sub3A_1015 = arith.subi %div3A_994, %sub3A_1014 : i32
      %select_n3A_1016 = arith.select %and3A_1013, %sub3A_1015, %div3A_994 : i32
      %get3A_1017 = arith.index_cast %select_n3A_1016 : i32 to index
      %get3A_1018 = arith.constant 0 : index
      %get3A_1019 = tpu.vector_load %arg7[%get3A_1017, %get3A_1018] {strides = array<i32>} : memref<43x128xf32, #tpu.memory_space<vmem>>, vector<1x16xf32>,
      %get3A_1020 = vector.shape_cast %get3A_1019 : vector<1x16xf32> to vector<16xf32>
      %get3A_1021 = arith.index_cast %select_n3A_1016 : i32 to index
      %get3A_1022 = arith.constant 16 : index
      %get3A_1023 = tpu.vector_load %arg7[%get3A_1021, %get3A_1022] {strides = array<i32>} : memref<43x128xf32, #tpu.memory_space<vmem>>, vector<1x16xf32>,
      %get3A_1024 = vector.shape_cast %get3A_1023 : vector<1x16xf32> to vector<16xf32>
      %get3A_1025 = arith.index_cast %select_n3A_1016 : i32 to index
      %get3A_1026 = arith.constant 32 : index
      %get3A_1027 = tpu.vector_load %arg7[%get3A_1025, %get3A_1026] {strides = array<i32>} : memref<43x128xf32, #tpu.memory_space<vmem>>, vector<1x16xf32>,
      %get3A_1028 = vector.shape_cast %get3A_1027 : vector<1x16xf32> to vector<16xf32>
      %get3A_1029 = arith.index_cast %select_n3A_1016 : i32 to index
      %get3A_1030 = arith.constant 48 : index
      %get3A_1031 = tpu.vector_load %arg7[%get3A_1029, %get3A_1030] {strides = array<i32>} : memref<43x128xf32, #tpu.memory_space<vmem>>, vector<1x16xf32>,
      %get3A_1032 = vector.shape_cast %get3A_1031 : vector<1x16xf32> to vector<16xf32>
      %get3A_1033 = arith.index_cast %select_n3A_1016 : i32 to index
      %get3A_1034 = arith.constant 64 : index
      %get3A_1035 = tpu.vector_load %arg7[%get3A_1033, %get3A_1034] {strides = array<i32>} : memref<43x128xf32, #tpu.memory_space<vmem>>, vector<1x16xf32>,
      %get3A_1036 = vector.shape_cast %get3A_1035 : vector<1x16xf32> to vector<16xf32>
      %get3A_1037 = arith.index_cast %select_n3A_1016 : i32 to index
      %get3A_1038 = arith.constant 80 : index
      %get3A_1039 = tpu.vector_load %arg7[%get3A_1037, %get3A_1038] {strides = array<i32>} : memref<43x128xf32, #tpu.memory_space<vmem>>, vector<1x16xf32>,
      %get3A_1040 = vector.shape_cast %get3A_1039 : vector<1x16xf32> to vector<16xf32>
      %get3A_1041 = arith.index_cast %select_n3A_1016 : i32 to index
      %get3A_1042 = arith.constant 96 : index
      %get3A_1043 = tpu.vector_load %arg7[%get3A_1041, %get3A_1042] {strides = array<i32>} : memref<43x128xf32, #tpu.memory_space<vmem>>, vector<1x16xf32>,
      %get3A_1044 = vector.shape_cast %get3A_1043 : vector<1x16xf32> to vector<16xf32>
      %get3A_1045 = arith.index_cast %select_n3A_1016 : i32 to index
      %get3A_1046 = arith.constant 112 : index
      %get3A_1047 = tpu.vector_load %arg7[%get3A_1045, %get3A_1046] {strides = array<i32>} : memref<43x128xf32, #tpu.memory_space<vmem>>, vector<1x16xf32>,
      %get3A_1048 = vector.shape_cast %get3A_1047 : vector<1x16xf32> to vector<16xf32>
      %scan3A_1049 = arith.constant 0 : i32
      %scan3A_1050 = arith.constant 0 : i32
      %scan3A_1051 = arith.constant 32 : i32
      %scan3A_1052 = arith.addi %scan3A_1050, %scan3A_1051 : i32
      %scan3A_1053 = arith.constant 1 : i32
      scf.for %scan3A_1278 = %scan3A_1050 to %scan3A_1052 step %scan3A_1053  : i32 {
        %mul3A_1279 = arith.constant 4 : i32
        %mul3A_1280 = arith.muli %mul3A_1279, %scan3A_1278 : i32
        %add3A_1281 = arith.constant 128 : i32
        %add3A_1282 = arith.addi %add3A_1281, %mul3A_1280 : i32
        %add3A_1283 = arith.constant 0 : i32
        %add3A_1284 = arith.addi %add3A_1282, %add3A_1283 : i32
        %get3A_1285 = arith.index_cast %add3A_1284 : i32 to index
        %get3A_1286 = arith.constant 0 : index
        %get3A_1287 = tpu.vector_load %arg9[%get3A_1285, %get3A_1286] {strides = array<i32>} : memref<256x128xf32, #tpu.memory_space<vmem>>, vector<1x16xf32>,
        %get3A_1288 = vector.shape_cast %get3A_1287 : vector<1x16xf32> to vector<16xf32>
        %add3A_1289 = arith.addf %get3A_1288, %get3A_1020 : vector<16xf32>
        %add3A_1290 = arith.constant 0 : i32
        %add3A_1291 = arith.addi %add3A_1282, %add3A_1290 : i32
        %swap3A = arith.index_cast %add3A_1291 : i32 to index
        %swap3A_1292 = arith.constant 0 : index
        %swap3A_1293 = tpu.vector_load %arg9[%swap3A, %swap3A_1292] {strides = array<i32>} : memref<256x128xf32, #tpu.memory_space<vmem>>, vector<1x16xf32>,
        %swap3A_1294 = vector.shape_cast %swap3A_1293 : vector<1x16xf32> to vector<16xf32>
        %swap3A_1295 = vector.shape_cast %add3A_1289 : vector<16xf32> to vector<1x16xf32>
        tpu.vector_store %arg9[%swap3A, %swap3A_1292], %swap3A_1295 {strides = array<i32>} : memref<256x128xf32, #tpu.memory_space<vmem>>, vector<1x16xf32>,
        %add3A_1296 = arith.constant 0 : i32
        %add3A_1297 = arith.addi %add3A_1282, %add3A_1296 : i32
        %get3A_1298 = arith.index_cast %add3A_1297 : i32 to index
        %get3A_1299 = arith.constant 16 : index
        %get3A_1300 = tpu.vector_load %arg9[%get3A_1298, %get3A_1299] {strides = array<i32>} : memref<256x128xf32, #tpu.memory_space<vmem>>, vector<1x16xf32>,
        %get3A_1301 = vector.shape_cast %get3A_1300 : vector<1x16xf32> to vector<16xf32>
        %add3A_1302 = arith.addf %get3A_1301, %get3A_1024 : vector<16xf32>
        %add3A_1303 = arith.constant 0 : i32
        %add3A_1304 = arith.addi %add3A_1282, %add3A_1303 : i32
        %swap3A_1305 = arith.index_cast %add3A_1304 : i32 to index
        %swap3A_1306 = arith.constant 16 : index
        %swap3A_1307 = tpu.vector_load %arg9[%swap3A_1305, %swap3A_1306] {strides = array<i32>} : memref<256x128xf32, #tpu.memory_space<vmem>>, vector<1x16xf32>,
        %swap3A_1308 = vector.shape_cast %swap3A_1307 : vector<1x16xf32> to vector<16xf32>
        %swap3A_1309 = vector.shape_cast %add3A_1302 : vector<16xf32> to vector<1x16xf32>
        tpu.vector_store %arg9[%swap3A_1305, %swap3A_1306], %swap3A_1309 {strides = array<i32>} : memref<256x128xf32, #tpu.memory_space<vmem>>, vector<1x16xf32>,
        %add3A_1310 = arith.constant 0 : i32
        %add3A_1311 = arith.addi %add3A_1282, %add3A_1310 : i32
        %get3A_1312 = arith.index_cast %add3A_1311 : i32 to index
        %get3A_1313 = arith.constant 32 : index
        %get3A_1314 = tpu.vector_load %arg9[%get3A_1312, %get3A_1313] {strides = array<i32>} : memref<256x128xf32, #tpu.memory_space<vmem>>, vector<1x16xf32>,
        %get3A_1315 = vector.shape_cast %get3A_1314 : vector<1x16xf32> to vector<16xf32>
        %add3A_1316 = arith.addf %get3A_1315, %get3A_1028 : vector<16xf32>
        %add3A_1317 = arith.constant 0 : i32
        %add3A_1318 = arith.addi %add3A_1282, %add3A_1317 : i32
        %swap3A_1319 = arith.index_cast %add3A_1318 : i32 to index
        %swap3A_1320 = arith.constant 32 : index
        %swap3A_1321 = tpu.vector_load %arg9[%swap3A_1319, %swap3A_1320] {strides = array<i32>} : memref<256x128xf32, #tpu.memory_space<vmem>>, vector<1x16xf32>,
        %swap3A_1322 = vector.shape_cast %swap3A_1321 : vector<1x16xf32> to vector<16xf32>
        %swap3A_1323 = vector.shape_cast %add3A_1316 : vector<16xf32> to vector<1x16xf32>
        tpu.vector_store %arg9[%swap3A_1319, %swap3A_1320], %swap3A_1323 {strides = array<i32>} : memref<256x128xf32, #tpu.memory_space<vmem>>, vector<1x16xf32>,
        %add3A_1324 = arith.constant 0 : i32
        %add3A_1325 = arith.addi %add3A_1282, %add3A_1324 : i32
        %get3A_1326 = arith.index_cast %add3A_1325 : i32 to index
        %get3A_1327 = arith.constant 48 : index
        %get3A_1328 = tpu.vector_load %arg9[%get3A_1326, %get3A_1327] {strides = array<i32>} : memref<256x128xf32, #tpu.memory_space<vmem>>, vector<1x16xf32>,
        %get3A_1329 = vector.shape_cast %get3A_1328 : vector<1x16xf32> to vector<16xf32>
        %add3A_1330 = arith.addf %get3A_1329, %get3A_1032 : vector<16xf32>
        %add3A_1331 = arith.constant 0 : i32
        %add3A_1332 = arith.addi %add3A_1282, %add3A_1331 : i32
        %swap3A_1333 = arith.index_cast %add3A_1332 : i32 to index
        %swap3A_1334 = arith.constant 48 : index
        %swap3A_1335 = tpu.vector_load %arg9[%swap3A_1333, %swap3A_1334] {strides = array<i32>} : memref<256x128xf32, #tpu.memory_space<vmem>>, vector<1x16xf32>,
        %swap3A_1336 = vector.shape_cast %swap3A_1335 : vector<1x16xf32> to vector<16xf32>
        %swap3A_1337 = vector.shape_cast %add3A_1330 : vector<16xf32> to vector<1x16xf32>
        tpu.vector_store %arg9[%swap3A_1333, %swap3A_1334], %swap3A_1337 {strides = array<i32>} : memref<256x128xf32, #tpu.memory_space<vmem>>, vector<1x16xf32>,
        %add3A_1338 = arith.constant 0 : i32
        %add3A_1339 = arith.addi %add3A_1282, %add3A_1338 : i32
        %get3A_1340 = arith.index_cast %add3A_1339 : i32 to index
        %get3A_1341 = arith.constant 64 : index
        %get3A_1342 = tpu.vector_load %arg9[%get3A_1340, %get3A_1341] {strides = array<i32>} : memref<256x128xf32, #tpu.memory_space<vmem>>, vector<1x16xf32>,
        %get3A_1343 = vector.shape_cast %get3A_1342 : vector<1x16xf32> to vector<16xf32>
        %add3A_1344 = arith.addf %get3A_1343, %get3A_1036 : vector<16xf32>
        %add3A_1345 = arith.constant 0 : i32
        %add3A_1346 = arith.addi %add3A_1282, %add3A_1345 : i32
        %swap3A_1347 = arith.index_cast %add3A_1346 : i32 to index
        %swap3A_1348 = arith.constant 64 : index
        %swap3A_1349 = tpu.vector_load %arg9[%swap3A_1347, %swap3A_1348] {strides = array<i32>} : memref<256x128xf32, #tpu.memory_space<vmem>>, vector<1x16xf32>,
        %swap3A_1350 = vector.shape_cast %swap3A_1349 : vector<1x16xf32> to vector<16xf32>
        %swap3A_1351 = vector.shape_cast %add3A_1344 : vector<16xf32> to vector<1x16xf32>
        tpu.vector_store %arg9[%swap3A_1347, %swap3A_1348], %swap3A_1351 {strides = array<i32>} : memref<256x128xf32, #tpu.memory_space<vmem>>, vector<1x16xf32>,
        %add3A_1352 = arith.constant 0 : i32
        %add3A_1353 = arith.addi %add3A_1282, %add3A_1352 : i32
        %get3A_1354 = arith.index_cast %add3A_1353 : i32 to index
        %get3A_1355 = arith.constant 80 : index
        %get3A_1356 = tpu.vector_load %arg9[%get3A_1354, %get3A_1355] {strides = array<i32>} : memref<256x128xf32, #tpu.memory_space<vmem>>, vector<1x16xf32>,
        %get3A_1357 = vector.shape_cast %get3A_1356 : vector<1x16xf32> to vector<16xf32>
        %add3A_1358 = arith.addf %get3A_1357, %get3A_1040 : vector<16xf32>
        %add3A_1359 = arith.constant 0 : i32
        %add3A_1360 = arith.addi %add3A_1282, %add3A_1359 : i32
        %swap3A_1361 = arith.index_cast %add3A_1360 : i32 to index
        %swap3A_1362 = arith.constant 80 : index
        %swap3A_1363 = tpu.vector_load %arg9[%swap3A_1361, %swap3A_1362] {strides = array<i32>} : memref<256x128xf32, #tpu.memory_space<vmem>>, vector<1x16xf32>,
        %swap3A_1364 = vector.shape_cast %swap3A_1363 : vector<1x16xf32> to vector<16xf32>
        %swap3A_1365 = vector.shape_cast %add3A_1358 : vector<16xf32> to vector<1x16xf32>
        tpu.vector_store %arg9[%swap3A_1361, %swap3A_1362], %swap3A_1365 {strides = array<i32>} : memref<256x128xf32, #tpu.memory_space<vmem>>, vector<1x16xf32>,
        %add3A_1366 = arith.constant 0 : i32
        %add3A_1367 = arith.addi %add3A_1282, %add3A_1366 : i32
        %get3A_1368 = arith.index_cast %add3A_1367 : i32 to index
        %get3A_1369 = arith.constant 96 : index
        %get3A_1370 = tpu.vector_load %arg9[%get3A_1368, %get3A_1369] {strides = array<i32>} : memref<256x128xf32, #tpu.memory_space<vmem>>, vector<1x16xf32>,
        %get3A_1371 = vector.shape_cast %get3A_1370 : vector<1x16xf32> to vector<16xf32>
        %add3A_1372 = arith.addf %get3A_1371, %get3A_1044 : vector<16xf32>
        %add3A_1373 = arith.constant 0 : i32
        %add3A_1374 = arith.addi %add3A_1282, %add3A_1373 : i32
        %swap3A_1375 = arith.index_cast %add3A_1374 : i32 to index
        %swap3A_1376 = arith.constant 96 : index
        %swap3A_1377 = tpu.vector_load %arg9[%swap3A_1375, %swap3A_1376] {strides = array<i32>} : memref<256x128xf32, #tpu.memory_space<vmem>>, vector<1x16xf32>,
        %swap3A_1378 = vector.shape_cast %swap3A_1377 : vector<1x16xf32> to vector<16xf32>
        %swap3A_1379 = vector.shape_cast %add3A_1372 : vector<16xf32> to vector<1x16xf32>
        tpu.vector_store %arg9[%swap3A_1375, %swap3A_1376], %swap3A_1379 {strides = array<i32>} : memref<256x128xf32, #tpu.memory_space<vmem>>, vector<1x16xf32>,
        %add3A_1380 = arith.constant 0 : i32
        %add3A_1381 = arith.addi %add3A_1282, %add3A_1380 : i32
        %get3A_1382 = arith.index_cast %add3A_1381 : i32 to index
        %get3A_1383 = arith.constant 112 : index
        %get3A_1384 = tpu.vector_load %arg9[%get3A_1382, %get3A_1383] {strides = array<i32>} : memref<256x128xf32, #tpu.memory_space<vmem>>, vector<1x16xf32>,
        %get3A_1385 = vector.shape_cast %get3A_1384 : vector<1x16xf32> to vector<16xf32>
        %add3A_1386 = arith.addf %get3A_1385, %get3A_1048 : vector<16xf32>
        %add3A_1387 = arith.constant 0 : i32
        %add3A_1388 = arith.addi %add3A_1282, %add3A_1387 : i32
        %swap3A_1389 = arith.index_cast %add3A_1388 : i32 to index
        %swap3A_1390 = arith.constant 112 : index
        %swap3A_1391 = tpu.vector_load %arg9[%swap3A_1389, %swap3A_1390] {strides = array<i32>} : memref<256x128xf32, #tpu.memory_space<vmem>>, vector<1x16xf32>,
        %swap3A_1392 = vector.shape_cast %swap3A_1391 : vector<1x16xf32> to vector<16xf32>
        %swap3A_1393 = vector.shape_cast %add3A_1386 : vector<16xf32> to vector<1x16xf32>
        tpu.vector_store %arg9[%swap3A_1389, %swap3A_1390], %swap3A_1393 {strides = array<i32>} : memref<256x128xf32, #tpu.memory_space<vmem>>, vector<1x16xf32>,
        %add3A_1394 = arith.constant 1 : i32
        %add3A_1395 = arith.addi %add3A_1282, %add3A_1394 : i32
        %get3A_1396 = arith.index_cast %add3A_1395 : i32 to index
        %get3A_1397 = arith.constant 0 : index
        %get3A_1398 = tpu.vector_load %arg9[%get3A_1396, %get3A_1397] {strides = array<i32>} : memref<256x128xf32, #tpu.memory_space<vmem>>, vector<1x16xf32>,
        %get3A_1399 = vector.shape_cast %get3A_1398 : vector<1x16xf32> to vector<16xf32>
        %add3A_1400 = arith.addf %get3A_1399, %get3A_1020 : vector<16xf32>
        %add3A_1401 = arith.constant 1 : i32
        %add3A_1402 = arith.addi %add3A_1282, %add3A_1401 : i32
        %swap3A_1403 = arith.index_cast %add3A_1402 : i32 to index
        %swap3A_1404 = arith.constant 0 : index
        %swap3A_1405 = tpu.vector_load %arg9[%swap3A_1403, %swap3A_1404] {strides = array<i32>} : memref<256x128xf32, #tpu.memory_space<vmem>>, vector<1x16xf32>,
        %swap3A_1406 = vector.shape_cast %swap3A_1405 : vector<1x16xf32> to vector<16xf32>
        %swap3A_1407 = vector.shape_cast %add3A_1400 : vector<16xf32> to vector<1x16xf32>
        tpu.vector_store %arg9[%swap3A_1403, %swap3A_1404], %swap3A_1407 {strides = array<i32>} : memref<256x128xf32, #tpu.memory_space<vmem>>, vector<1x16xf32>,
        %add3A_1408 = arith.constant 1 : i32
        %add3A_1409 = arith.addi %add3A_1282, %add3A_1408 : i32
        %get3A_1410 = arith.index_cast %add3A_1409 : i32 to index
        %get3A_1411 = arith.constant 16 : index
        %get3A_1412 = tpu.vector_load %arg9[%get3A_1410, %get3A_1411] {strides = array<i32>} : memref<256x128xf32, #tpu.memory_space<vmem>>, vector<1x16xf32>,
        %get3A_1413 = vector.shape_cast %get3A_1412 : vector<1x16xf32> to vector<16xf32>
        %add3A_1414 = arith.addf %get3A_1413, %get3A_1024 : vector<16xf32>
        %add3A_1415 = arith.constant 1 : i32
        %add3A_1416 = arith.addi %add3A_1282, %add3A_1415 : i32
        %swap3A_1417 = arith.index_cast %add3A_1416 : i32 to index
        %swap3A_1418 = arith.constant 16 : index
        %swap3A_1419 = tpu.vector_load %arg9[%swap3A_1417, %swap3A_1418] {strides = array<i32>} : memref<256x128xf32, #tpu.memory_space<vmem>>, vector<1x16xf32>,
        %swap3A_1420 = vector.shape_cast %swap3A_1419 : vector<1x16xf32> to vector<16xf32>
        %swap3A_1421 = vector.shape_cast %add3A_1414 : vector<16xf32> to vector<1x16xf32>
        tpu.vector_store %arg9[%swap3A_1417, %swap3A_1418], %swap3A_1421 {strides = array<i32>} : memref<256x128xf32, #tpu.memory_space<vmem>>, vector<1x16xf32>,
        %add3A_1422 = arith.constant 1 : i32
        %add3A_1423 = arith.addi %add3A_1282, %add3A_1422 : i32
        %get3A_1424 = arith.index_cast %add3A_1423 : i32 to index
        %get3A_1425 = arith.constant 32 : index
        %get3A_1426 = tpu.vector_load %arg9[%get3A_1424, %get3A_1425] {strides = array<i32>} : memref<256x128xf32, #tpu.memory_space<vmem>>, vector<1x16xf32>,
        %get3A_1427 = vector.shape_cast %get3A_1426 : vector<1x16xf32> to vector<16xf32>
        %add3A_1428 = arith.addf %get3A_1427, %get3A_1028 : vector<16xf32>
        %add3A_1429 = arith.constant 1 : i32
        %add3A_1430 = arith.addi %add3A_1282, %add3A_1429 : i32
        %swap3A_1431 = arith.index_cast %add3A_1430 : i32 to index
        %swap3A_1432 = arith.constant 32 : index
        %swap3A_1433 = tpu.vector_load %arg9[%swap3A_1431, %swap3A_1432] {strides = array<i32>} : memref<256x128xf32, #tpu.memory_space<vmem>>, vector<1x16xf32>,
        %swap3A_1434 = vector.shape_cast %swap3A_1433 : vector<1x16xf32> to vector<16xf32>
        %swap3A_1435 = vector.shape_cast %add3A_1428 : vector<16xf32> to vector<1x16xf32>
        tpu.vector_store %arg9[%swap3A_1431, %swap3A_1432], %swap3A_1435 {strides = array<i32>} : memref<256x128xf32, #tpu.memory_space<vmem>>, vector<1x16xf32>,
        %add3A_1436 = arith.constant 1 : i32
        %add3A_1437 = arith.addi %add3A_1282, %add3A_1436 : i32
        %get3A_1438 = arith.index_cast %add3A_1437 : i32 to index
        %get3A_1439 = arith.constant 48 : index
        %get3A_1440 = tpu.vector_load %arg9[%get3A_1438, %get3A_1439] {strides = array<i32>} : memref<256x128xf32, #tpu.memory_space<vmem>>, vector<1x16xf32>,
        %get3A_1441 = vector.shape_cast %get3A_1440 : vector<1x16xf32> to vector<16xf32>
        %add3A_1442 = arith.addf %get3A_1441, %get3A_1032 : vector<16xf32>
        %add3A_1443 = arith.constant 1 : i32
        %add3A_1444 = arith.addi %add3A_1282, %add3A_1443 : i32
        %swap3A_1445 = arith.index_cast %add3A_1444 : i32 to index
        %swap3A_1446 = arith.constant 48 : index
        %swap3A_1447 = tpu.vector_load %arg9[%swap3A_1445, %swap3A_1446] {strides = array<i32>} : memref<256x128xf32, #tpu.memory_space<vmem>>, vector<1x16xf32>,
        %swap3A_1448 = vector.shape_cast %swap3A_1447 : vector<1x16xf32> to vector<16xf32>
        %swap3A_1449 = vector.shape_cast %add3A_1442 : vector<16xf32> to vector<1x16xf32>
        tpu.vector_store %arg9[%swap3A_1445, %swap3A_1446], %swap3A_1449 {strides = array<i32>} : memref<256x128xf32, #tpu.memory_space<vmem>>, vector<1x16xf32>,
        %add3A_1450 = arith.constant 1 : i32
        %add3A_1451 = arith.addi %add3A_1282, %add3A_1450 : i32
        %get3A_1452 = arith.index_cast %add3A_1451 : i32 to index
        %get3A_1453 = arith.constant 64 : index
        %get3A_1454 = tpu.vector_load %arg9[%get3A_1452, %get3A_1453] {strides = array<i32>} : memref<256x128xf32, #tpu.memory_space<vmem>>, vector<1x16xf32>,
        %get3A_1455 = vector.shape_cast %get3A_1454 : vector<1x16xf32> to vector<16xf32>
        %add3A_1456 = arith.addf %get3A_1455, %get3A_1036 : vector<16xf32>
        %add3A_1457 = arith.constant 1 : i32
        %add3A_1458 = arith.addi %add3A_1282, %add3A_1457 : i32
        %swap3A_1459 = arith.index_cast %add3A_1458 : i32 to index
        %swap3A_1460 = arith.constant 64 : index
        %swap3A_1461 = tpu.vector_load %arg9[%swap3A_1459, %swap3A_1460] {strides = array<i32>} : memref<256x128xf32, #tpu.memory_space<vmem>>, vector<1x16xf32>,
        %swap3A_1462 = vector.shape_cast %swap3A_1461 : vector<1x16xf32> to vector<16xf32>
        %swap3A_1463 = vector.shape_cast %add3A_1456 : vector<16xf32> to vector<1x16xf32>
        tpu.vector_store %arg9[%swap3A_1459, %swap3A_1460], %swap3A_1463 {strides = array<i32>} : memref<256x128xf32, #tpu.memory_space<vmem>>, vector<1x16xf32>,
        %add3A_1464 = arith.constant 1 : i32
        %add3A_1465 = arith.addi %add3A_1282, %add3A_1464 : i32
        %get3A_1466 = arith.index_cast %add3A_1465 : i32 to index
        %get3A_1467 = arith.constant 80 : index
        %get3A_1468 = tpu.vector_load %arg9[%get3A_1466, %get3A_1467] {strides = array<i32>} : memref<256x128xf32, #tpu.memory_space<vmem>>, vector<1x16xf32>,
        %get3A_1469 = vector.shape_cast %get3A_1468 : vector<1x16xf32> to vector<16xf32>
        %add3A_1470 = arith.addf %get3A_1469, %get3A_1040 : vector<16xf32>
        %add3A_1471 = arith.constant 1 : i32
        %add3A_1472 = arith.addi %add3A_1282, %add3A_1471 : i32
        %swap3A_1473 = arith.index_cast %add3A_1472 : i32 to index
        %swap3A_1474 = arith.constant 80 : index
        %swap3A_1475 = tpu.vector_load %arg9[%swap3A_1473, %swap3A_1474] {strides = array<i32>} : memref<256x128xf32, #tpu.memory_space<vmem>>, vector<1x16xf32>,
        %swap3A_1476 = vector.shape_cast %swap3A_1475 : vector<1x16xf32> to vector<16xf32>
        %swap3A_1477 = vector.shape_cast %add3A_1470 : vector<16xf32> to vector<1x16xf32>
        tpu.vector_store %arg9[%swap3A_1473, %swap3A_1474], %swap3A_1477 {strides = array<i32>} : memref<256x128xf32, #tpu.memory_space<vmem>>, vector<1x16xf32>,
        %add3A_1478 = arith.constant 1 : i32
        %add3A_1479 = arith.addi %add3A_1282, %add3A_1478 : i32
        %get3A_1480 = arith.index_cast %add3A_1479 : i32 to index
        %get3A_1481 = arith.constant 96 : index
        %get3A_1482 = tpu.vector_load %arg9[%get3A_1480, %get3A_1481] {strides = array<i32>} : memref<256x128xf32, #tpu.memory_space<vmem>>, vector<1x16xf32>,
        %get3A_1483 = vector.shape_cast %get3A_1482 : vector<1x16xf32> to vector<16xf32>
        %add3A_1484 = arith.addf %get3A_1483, %get3A_1044 : vector<16xf32>
        %add3A_1485 = arith.constant 1 : i32
        %add3A_1486 = arith.addi %add3A_1282, %add3A_1485 : i32
        %swap3A_1487 = arith.index_cast %add3A_1486 : i32 to index
        %swap3A_1488 = arith.constant 96 : index
        %swap3A_1489 = tpu.vector_load %arg9[%swap3A_1487, %swap3A_1488] {strides = array<i32>} : memref<256x128xf32, #tpu.memory_space<vmem>>, vector<1x16xf32>,
        %swap3A_1490 = vector.shape_cast %swap3A_1489 : vector<1x16xf32> to vector<16xf32>
        %swap3A_1491 = vector.shape_cast %add3A_1484 : vector<16xf32> to vector<1x16xf32>
        tpu.vector_store %arg9[%swap3A_1487, %swap3A_1488], %swap3A_1491 {strides = array<i32>} : memref<256x128xf32, #tpu.memory_space<vmem>>, vector<1x16xf32>,
        %add3A_1492 = arith.constant 1 : i32
        %add3A_1493 = arith.addi %add3A_1282, %add3A_1492 : i32
        %get3A_1494 = arith.index_cast %add3A_1493 : i32 to index
        %get3A_1495 = arith.constant 112 : index
        %get3A_1496 = tpu.vector_load %arg9[%get3A_1494, %get3A_1495] {strides = array<i32>} : memref<256x128xf32, #tpu.memory_space<vmem>>, vector<1x16xf32>,
        %get3A_1497 = vector.shape_cast %get3A_1496 : vector<1x16xf32> to vector<16xf32>
        %add3A_1498 = arith.addf %get3A_1497, %get3A_1048 : vector<16xf32>
        %add3A_1499 = arith.constant 1 : i32
        %add3A_1500 = arith.addi %add3A_1282, %add3A_1499 : i32
        %swap3A_1501 = arith.index_cast %add3A_1500 : i32 to index
        %swap3A_1502 = arith.constant 112 : index
        %swap3A_1503 = tpu.vector_load %arg9[%swap3A_1501, %swap3A_1502] {strides = array<i32>} : memref<256x128xf32, #tpu.memory_space<vmem>>, vector<1x16xf32>,
        %swap3A_1504 = vector.shape_cast %swap3A_1503 : vector<1x16xf32> to vector<16xf32>
        %swap3A_1505 = vector.shape_cast %add3A_1498 : vector<16xf32> to vector<1x16xf32>
        tpu.vector_store %arg9[%swap3A_1501, %swap3A_1502], %swap3A_1505 {strides = array<i32>} : memref<256x128xf32, #tpu.memory_space<vmem>>, vector<1x16xf32>,
        %add3A_1506 = arith.constant 2 : i32
        %add3A_1507 = arith.addi %add3A_1282, %add3A_1506 : i32
        %get3A_1508 = arith.index_cast %add3A_1507 : i32 to index
        %get3A_1509 = arith.constant 0 : index
        %get3A_1510 = tpu.vector_load %arg9[%get3A_1508, %get3A_1509] {strides = array<i32>} : memref<256x128xf32, #tpu.memory_space<vmem>>, vector<1x16xf32>,
        %get3A_1511 = vector.shape_cast %get3A_1510 : vector<1x16xf32> to vector<16xf32>
        %add3A_1512 = arith.addf %get3A_1511, %get3A_1020 : vector<16xf32>
        %add3A_1513 = arith.constant 2 : i32
        %add3A_1514 = arith.addi %add3A_1282, %add3A_1513 : i32
        %swap3A_1515 = arith.index_cast %add3A_1514 : i32 to index
        %swap3A_1516 = arith.constant 0 : index
        %swap3A_1517 = tpu.vector_load %arg9[%swap3A_1515, %swap3A_1516] {strides = array<i32>} : memref<256x128xf32, #tpu.memory_space<vmem>>, vector<1x16xf32>,
        %swap3A_1518 = vector.shape_cast %swap3A_1517 : vector<1x16xf32> to vector<16xf32>
        %swap3A_1519 = vector.shape_cast %add3A_1512 : vector<16xf32> to vector<1x16xf32>
        tpu.vector_store %arg9[%swap3A_1515, %swap3A_1516], %swap3A_1519 {strides = array<i32>} : memref<256x128xf32, #tpu.memory_space<vmem>>, vector<1x16xf32>,
        %add3A_1520 = arith.constant 2 : i32
        %add3A_1521 = arith.addi %add3A_1282, %add3A_1520 : i32
        %get3A_1522 = arith.index_cast %add3A_1521 : i32 to index
        %get3A_1523 = arith.constant 16 : index
        %get3A_1524 = tpu.vector_load %arg9[%get3A_1522, %get3A_1523] {strides = array<i32>} : memref<256x128xf32, #tpu.memory_space<vmem>>, vector<1x16xf32>,
        %get3A_1525 = vector.shape_cast %get3A_1524 : vector<1x16xf32> to vector<16xf32>
        %add3A_1526 = arith.addf %get3A_1525, %get3A_1024 : vector<16xf32>
        %add3A_1527 = arith.constant 2 : i32
        %add3A_1528 = arith.addi %add3A_1282, %add3A_1527 : i32
        %swap3A_1529 = arith.index_cast %add3A_1528 : i32 to index
        %swap3A_1530 = arith.constant 16 : index
        %swap3A_1531 = tpu.vector_load %arg9[%swap3A_1529, %swap3A_1530] {strides = array<i32>} : memref<256x128xf32, #tpu.memory_space<vmem>>, vector<1x16xf32>,
        %swap3A_1532 = vector.shape_cast %swap3A_1531 : vector<1x16xf32> to vector<16xf32>
        %swap3A_1533 = vector.shape_cast %add3A_1526 : vector<16xf32> to vector<1x16xf32>
        tpu.vector_store %arg9[%swap3A_1529, %swap3A_1530], %swap3A_1533 {strides = array<i32>} : memref<256x128xf32, #tpu.memory_space<vmem>>, vector<1x16xf32>,
        %add3A_1534 = arith.constant 2 : i32
        %add3A_1535 = arith.addi %add3A_1282, %add3A_1534 : i32
        %get3A_1536 = arith.index_cast %add3A_1535 : i32 to index
        %get3A_1537 = arith.constant 32 : index
        %get3A_1538 = tpu.vector_load %arg9[%get3A_1536, %get3A_1537] {strides = array<i32>} : memref<256x128xf32, #tpu.memory_space<vmem>>, vector<1x16xf32>,
        %get3A_1539 = vector.shape_cast %get3A_1538 : vector<1x16xf32> to vector<16xf32>
        %add3A_1540 = arith.addf %get3A_1539, %get3A_1028 : vector<16xf32>
        %add3A_1541 = arith.constant 2 : i32
        %add3A_1542 = arith.addi %add3A_1282, %add3A_1541 : i32
        %swap3A_1543 = arith.index_cast %add3A_1542 : i32 to index
        %swap3A_1544 = arith.constant 32 : index
        %swap3A_1545 = tpu.vector_load %arg9[%swap3A_1543, %swap3A_1544] {strides = array<i32>} : memref<256x128xf32, #tpu.memory_space<vmem>>, vector<1x16xf32>,
        %swap3A_1546 = vector.shape_cast %swap3A_1545 : vector<1x16xf32> to vector<16xf32>
        %swap3A_1547 = vector.shape_cast %add3A_1540 : vector<16xf32> to vector<1x16xf32>
        tpu.vector_store %arg9[%swap3A_1543, %swap3A_1544], %swap3A_1547 {strides = array<i32>} : memref<256x128xf32, #tpu.memory_space<vmem>>, vector<1x16xf32>,
        %add3A_1548 = arith.constant 2 : i32
        %add3A_1549 = arith.addi %add3A_1282, %add3A_1548 : i32
        %get3A_1550 = arith.index_cast %add3A_1549 : i32 to index
        %get3A_1551 = arith.constant 48 : index
        %get3A_1552 = tpu.vector_load %arg9[%get3A_1550, %get3A_1551] {strides = array<i32>} : memref<256x128xf32, #tpu.memory_space<vmem>>, vector<1x16xf32>,
        %get3A_1553 = vector.shape_cast %get3A_1552 : vector<1x16xf32> to vector<16xf32>
        %add3A_1554 = arith.addf %get3A_1553, %get3A_1032 : vector<16xf32>
        %add3A_1555 = arith.constant 2 : i32
        %add3A_1556 = arith.addi %add3A_1282, %add3A_1555 : i32
        %swap3A_1557 = arith.index_cast %add3A_1556 : i32 to index
        %swap3A_1558 = arith.constant 48 : index
        %swap3A_1559 = tpu.vector_load %arg9[%swap3A_1557, %swap3A_1558] {strides = array<i32>} : memref<256x128xf32, #tpu.memory_space<vmem>>, vector<1x16xf32>,
        %swap3A_1560 = vector.shape_cast %swap3A_1559 : vector<1x16xf32> to vector<16xf32>
        %swap3A_1561 = vector.shape_cast %add3A_1554 : vector<16xf32> to vector<1x16xf32>
        tpu.vector_store %arg9[%swap3A_1557, %swap3A_1558], %swap3A_1561 {strides = array<i32>} : memref<256x128xf32, #tpu.memory_space<vmem>>, vector<1x16xf32>,
        %add3A_1562 = arith.constant 2 : i32
        %add3A_1563 = arith.addi %add3A_1282, %add3A_1562 : i32
        %get3A_1564 = arith.index_cast %add3A_1563 : i32 to index
        %get3A_1565 = arith.constant 64 : index
        %get3A_1566 = tpu.vector_load %arg9[%get3A_1564, %get3A_1565] {strides = array<i32>} : memref<256x128xf32, #tpu.memory_space<vmem>>, vector<1x16xf32>,
        %get3A_1567 = vector.shape_cast %get3A_1566 : vector<1x16xf32> to vector<16xf32>
        %add3A_1568 = arith.addf %get3A_1567, %get3A_1036 : vector<16xf32>
        %add3A_1569 = arith.constant 2 : i32
        %add3A_1570 = arith.addi %add3A_1282, %add3A_1569 : i32
        %swap3A_1571 = arith.index_cast %add3A_1570 : i32 to index
        %swap3A_1572 = arith.constant 64 : index
        %swap3A_1573 = tpu.vector_load %arg9[%swap3A_1571, %swap3A_1572] {strides = array<i32>} : memref<256x128xf32, #tpu.memory_space<vmem>>, vector<1x16xf32>,
        %swap3A_1574 = vector.shape_cast %swap3A_1573 : vector<1x16xf32> to vector<16xf32>
        %swap3A_1575 = vector.shape_cast %add3A_1568 : vector<16xf32> to vector<1x16xf32>
        tpu.vector_store %arg9[%swap3A_1571, %swap3A_1572], %swap3A_1575 {strides = array<i32>} : memref<256x128xf32, #tpu.memory_space<vmem>>, vector<1x16xf32>,
        %add3A_1576 = arith.constant 2 : i32
        %add3A_1577 = arith.addi %add3A_1282, %add3A_1576 : i32
        %get3A_1578 = arith.index_cast %add3A_1577 : i32 to index
        %get3A_1579 = arith.constant 80 : index
        %get3A_1580 = tpu.vector_load %arg9[%get3A_1578, %get3A_1579] {strides = array<i32>} : memref<256x128xf32, #tpu.memory_space<vmem>>, vector<1x16xf32>,
        %get3A_1581 = vector.shape_cast %get3A_1580 : vector<1x16xf32> to vector<16xf32>
        %add3A_1582 = arith.addf %get3A_1581, %get3A_1040 : vector<16xf32>
        %add3A_1583 = arith.constant 2 : i32
        %add3A_1584 = arith.addi %add3A_1282, %add3A_1583 : i32
        %swap3A_1585 = arith.index_cast %add3A_1584 : i32 to index
        %swap3A_1586 = arith.constant 80 : index
        %swap3A_1587 = tpu.vector_load %arg9[%swap3A_1585, %swap3A_1586] {strides = array<i32>} : memref<256x128xf32, #tpu.memory_space<vmem>>, vector<1x16xf32>,
        %swap3A_1588 = vector.shape_cast %swap3A_1587 : vector<1x16xf32> to vector<16xf32>
        %swap3A_1589 = vector.shape_cast %add3A_1582 : vector<16xf32> to vector<1x16xf32>
        tpu.vector_store %arg9[%swap3A_1585, %swap3A_1586], %swap3A_1589 {strides = array<i32>} : memref<256x128xf32, #tpu.memory_space<vmem>>, vector<1x16xf32>,
        %add3A_1590 = arith.constant 2 : i32
        %add3A_1591 = arith.addi %add3A_1282, %add3A_1590 : i32
        %get3A_1592 = arith.index_cast %add3A_1591 : i32 to index
        %get3A_1593 = arith.constant 96 : index
        %get3A_1594 = tpu.vector_load %arg9[%get3A_1592, %get3A_1593] {strides = array<i32>} : memref<256x128xf32, #tpu.memory_space<vmem>>, vector<1x16xf32>,
        %get3A_1595 = vector.shape_cast %get3A_1594 : vector<1x16xf32> to vector<16xf32>
        %add3A_1596 = arith.addf %get3A_1595, %get3A_1044 : vector<16xf32>
        %add3A_1597 = arith.constant 2 : i32
        %add3A_1598 = arith.addi %add3A_1282, %add3A_1597 : i32
        %swap3A_1599 = arith.index_cast %add3A_1598 : i32 to index
        %swap3A_1600 = arith.constant 96 : index
        %swap3A_1601 = tpu.vector_load %arg9[%swap3A_1599, %swap3A_1600] {strides = array<i32>} : memref<256x128xf32, #tpu.memory_space<vmem>>, vector<1x16xf32>,
        %swap3A_1602 = vector.shape_cast %swap3A_1601 : vector<1x16xf32> to vector<16xf32>
        %swap3A_1603 = vector.shape_cast %add3A_1596 : vector<16xf32> to vector<1x16xf32>
        tpu.vector_store %arg9[%swap3A_1599, %swap3A_1600], %swap3A_1603 {strides = array<i32>} : memref<256x128xf32, #tpu.memory_space<vmem>>, vector<1x16xf32>,
        %add3A_1604 = arith.constant 2 : i32
        %add3A_1605 = arith.addi %add3A_1282, %add3A_1604 : i32
        %get3A_1606 = arith.index_cast %add3A_1605 : i32 to index
        %get3A_1607 = arith.constant 112 : index
        %get3A_1608 = tpu.vector_load %arg9[%get3A_1606, %get3A_1607] {strides = array<i32>} : memref<256x128xf32, #tpu.memory_space<vmem>>, vector<1x16xf32>,
        %get3A_1609 = vector.shape_cast %get3A_1608 : vector<1x16xf32> to vector<16xf32>
        %add3A_1610 = arith.addf %get3A_1609, %get3A_1048 : vector<16xf32>
        %add3A_1611 = arith.constant 2 : i32
        %add3A_1612 = arith.addi %add3A_1282, %add3A_1611 : i32
        %swap3A_1613 = arith.index_cast %add3A_1612 : i32 to index
        %swap3A_1614 = arith.constant 112 : index
        %swap3A_1615 = tpu.vector_load %arg9[%swap3A_1613, %swap3A_1614] {strides = array<i32>} : memref<256x128xf32, #tpu.memory_space<vmem>>, vector<1x16xf32>,
        %swap3A_1616 = vector.shape_cast %swap3A_1615 : vector<1x16xf32> to vector<16xf32>
        %swap3A_1617 = vector.shape_cast %add3A_1610 : vector<16xf32> to vector<1x16xf32>
        tpu.vector_store %arg9[%swap3A_1613, %swap3A_1614], %swap3A_1617 {strides = array<i32>} : memref<256x128xf32, #tpu.memory_space<vmem>>, vector<1x16xf32>,
        %add3A_1618 = arith.constant 3 : i32
        %add3A_1619 = arith.addi %add3A_1282, %add3A_1618 : i32
        %get3A_1620 = arith.index_cast %add3A_1619 : i32 to index
        %get3A_1621 = arith.constant 0 : index
        %get3A_1622 = tpu.vector_load %arg9[%get3A_1620, %get3A_1621] {strides = array<i32>} : memref<256x128xf32, #tpu.memory_space<vmem>>, vector<1x16xf32>,
        %get3A_1623 = vector.shape_cast %get3A_1622 : vector<1x16xf32> to vector<16xf32>
        %add3A_1624 = arith.addf %get3A_1623, %get3A_1020 : vector<16xf32>
        %add3A_1625 = arith.constant 3 : i32
        %add3A_1626 = arith.addi %add3A_1282, %add3A_1625 : i32
        %swap3A_1627 = arith.index_cast %add3A_1626 : i32 to index
        %swap3A_1628 = arith.constant 0 : index
        %swap3A_1629 = tpu.vector_load %arg9[%swap3A_1627, %swap3A_1628] {strides = array<i32>} : memref<256x128xf32, #tpu.memory_space<vmem>>, vector<1x16xf32>,
        %swap3A_1630 = vector.shape_cast %swap3A_1629 : vector<1x16xf32> to vector<16xf32>
        %swap3A_1631 = vector.shape_cast %add3A_1624 : vector<16xf32> to vector<1x16xf32>
        tpu.vector_store %arg9[%swap3A_1627, %swap3A_1628], %swap3A_1631 {strides = array<i32>} : memref<256x128xf32, #tpu.memory_space<vmem>>, vector<1x16xf32>,
        %add3A_1632 = arith.constant 3 : i32
        %add3A_1633 = arith.addi %add3A_1282, %add3A_1632 : i32
        %get3A_1634 = arith.index_cast %add3A_1633 : i32 to index
        %get3A_1635 = arith.constant 16 : index
        %get3A_1636 = tpu.vector_load %arg9[%get3A_1634, %get3A_1635] {strides = array<i32>} : memref<256x128xf32, #tpu.memory_space<vmem>>, vector<1x16xf32>,
        %get3A_1637 = vector.shape_cast %get3A_1636 : vector<1x16xf32> to vector<16xf32>
        %add3A_1638 = arith.addf %get3A_1637, %get3A_1024 : vector<16xf32>
        %add3A_1639 = arith.constant 3 : i32
        %add3A_1640 = arith.addi %add3A_1282, %add3A_1639 : i32
        %swap3A_1641 = arith.index_cast %add3A_1640 : i32 to index
        %swap3A_1642 = arith.constant 16 : index
        %swap3A_1643 = tpu.vector_load %arg9[%swap3A_1641, %swap3A_1642] {strides = array<i32>} : memref<256x128xf32, #tpu.memory_space<vmem>>, vector<1x16xf32>,
        %swap3A_1644 = vector.shape_cast %swap3A_1643 : vector<1x16xf32> to vector<16xf32>
        %swap3A_1645 = vector.shape_cast %add3A_1638 : vector<16xf32> to vector<1x16xf32>
        tpu.vector_store %arg9[%swap3A_1641, %swap3A_1642], %swap3A_1645 {strides = array<i32>} : memref<256x128xf32, #tpu.memory_space<vmem>>, vector<1x16xf32>,
        %add3A_1646 = arith.constant 3 : i32
        %add3A_1647 = arith.addi %add3A_1282, %add3A_1646 : i32
        %get3A_1648 = arith.index_cast %add3A_1647 : i32 to index
        %get3A_1649 = arith.constant 32 : index
        %get3A_1650 = tpu.vector_load %arg9[%get3A_1648, %get3A_1649] {strides = array<i32>} : memref<256x128xf32, #tpu.memory_space<vmem>>, vector<1x16xf32>,
        %get3A_1651 = vector.shape_cast %get3A_1650 : vector<1x16xf32> to vector<16xf32>
        %add3A_1652 = arith.addf %get3A_1651, %get3A_1028 : vector<16xf32>
        %add3A_1653 = arith.constant 3 : i32
        %add3A_1654 = arith.addi %add3A_1282, %add3A_1653 : i32
        %swap3A_1655 = arith.index_cast %add3A_1654 : i32 to index
        %swap3A_1656 = arith.constant 32 : index
        %swap3A_1657 = tpu.vector_load %arg9[%swap3A_1655, %swap3A_1656] {strides = array<i32>} : memref<256x128xf32, #tpu.memory_space<vmem>>, vector<1x16xf32>,
        %swap3A_1658 = vector.shape_cast %swap3A_1657 : vector<1x16xf32> to vector<16xf32>
        %swap3A_1659 = vector.shape_cast %add3A_1652 : vector<16xf32> to vector<1x16xf32>
        tpu.vector_store %arg9[%swap3A_1655, %swap3A_1656], %swap3A_1659 {strides = array<i32>} : memref<256x128xf32, #tpu.memory_space<vmem>>, vector<1x16xf32>,
        %add3A_1660 = arith.constant 3 : i32
        %add3A_1661 = arith.addi %add3A_1282, %add3A_1660 : i32
        %get3A_1662 = arith.index_cast %add3A_1661 : i32 to index
        %get3A_1663 = arith.constant 48 : index
        %get3A_1664 = tpu.vector_load %arg9[%get3A_1662, %get3A_1663] {strides = array<i32>} : memref<256x128xf32, #tpu.memory_space<vmem>>, vector<1x16xf32>,
        %get3A_1665 = vector.shape_cast %get3A_1664 : vector<1x16xf32> to vector<16xf32>
        %add3A_1666 = arith.addf %get3A_1665, %get3A_1032 : vector<16xf32>
        %add3A_1667 = arith.constant 3 : i32
        %add3A_1668 = arith.addi %add3A_1282, %add3A_1667 : i32
        %swap3A_1669 = arith.index_cast %add3A_1668 : i32 to index
        %swap3A_1670 = arith.constant 48 : index
        %swap3A_1671 = tpu.vector_load %arg9[%swap3A_1669, %swap3A_1670] {strides = array<i32>} : memref<256x128xf32, #tpu.memory_space<vmem>>, vector<1x16xf32>,
        %swap3A_1672 = vector.shape_cast %swap3A_1671 : vector<1x16xf32> to vector<16xf32>
        %swap3A_1673 = vector.shape_cast %add3A_1666 : vector<16xf32> to vector<1x16xf32>
        tpu.vector_store %arg9[%swap3A_1669, %swap3A_1670], %swap3A_1673 {strides = array<i32>} : memref<256x128xf32, #tpu.memory_space<vmem>>, vector<1x16xf32>,
        %add3A_1674 = arith.constant 3 : i32
        %add3A_1675 = arith.addi %add3A_1282, %add3A_1674 : i32
        %get3A_1676 = arith.index_cast %add3A_1675 : i32 to index
        %get3A_1677 = arith.constant 64 : index
        %get3A_1678 = tpu.vector_load %arg9[%get3A_1676, %get3A_1677] {strides = array<i32>} : memref<256x128xf32, #tpu.memory_space<vmem>>, vector<1x16xf32>,
        %get3A_1679 = vector.shape_cast %get3A_1678 : vector<1x16xf32> to vector<16xf32>
        %add3A_1680 = arith.addf %get3A_1679, %get3A_1036 : vector<16xf32>
        %add3A_1681 = arith.constant 3 : i32
        %add3A_1682 = arith.addi %add3A_1282, %add3A_1681 : i32
        %swap3A_1683 = arith.index_cast %add3A_1682 : i32 to index
        %swap3A_1684 = arith.constant 64 : index
        %swap3A_1685 = tpu.vector_load %arg9[%swap3A_1683, %swap3A_1684] {strides = array<i32>} : memref<256x128xf32, #tpu.memory_space<vmem>>, vector<1x16xf32>,
        %swap3A_1686 = vector.shape_cast %swap3A_1685 : vector<1x16xf32> to vector<16xf32>
        %swap3A_1687 = vector.shape_cast %add3A_1680 : vector<16xf32> to vector<1x16xf32>
        tpu.vector_store %arg9[%swap3A_1683, %swap3A_1684], %swap3A_1687 {strides = array<i32>} : memref<256x128xf32, #tpu.memory_space<vmem>>, vector<1x16xf32>,
        %add3A_1688 = arith.constant 3 : i32
        %add3A_1689 = arith.addi %add3A_1282, %add3A_1688 : i32
        %get3A_1690 = arith.index_cast %add3A_1689 : i32 to index
        %get3A_1691 = arith.constant 80 : index
        %get3A_1692 = tpu.vector_load %arg9[%get3A_1690, %get3A_1691] {strides = array<i32>} : memref<256x128xf32, #tpu.memory_space<vmem>>, vector<1x16xf32>,
        %get3A_1693 = vector.shape_cast %get3A_1692 : vector<1x16xf32> to vector<16xf32>
        %add3A_1694 = arith.addf %get3A_1693, %get3A_1040 : vector<16xf32>
        %add3A_1695 = arith.constant 3 : i32
        %add3A_1696 = arith.addi %add3A_1282, %add3A_1695 : i32
        %swap3A_1697 = arith.index_cast %add3A_1696 : i32 to index
        %swap3A_1698 = arith.constant 80 : index
        %swap3A_1699 = tpu.vector_load %arg9[%swap3A_1697, %swap3A_1698] {strides = array<i32>} : memref<256x128xf32, #tpu.memory_space<vmem>>, vector<1x16xf32>,
        %swap3A_1700 = vector.shape_cast %swap3A_1699 : vector<1x16xf32> to vector<16xf32>
        %swap3A_1701 = vector.shape_cast %add3A_1694 : vector<16xf32> to vector<1x16xf32>
        tpu.vector_store %arg9[%swap3A_1697, %swap3A_1698], %swap3A_1701 {strides = array<i32>} : memref<256x128xf32, #tpu.memory_space<vmem>>, vector<1x16xf32>,
        %add3A_1702 = arith.constant 3 : i32
        %add3A_1703 = arith.addi %add3A_1282, %add3A_1702 : i32
        %get3A_1704 = arith.index_cast %add3A_1703 : i32 to index
        %get3A_1705 = arith.constant 96 : index
        %get3A_1706 = tpu.vector_load %arg9[%get3A_1704, %get3A_1705] {strides = array<i32>} : memref<256x128xf32, #tpu.memory_space<vmem>>, vector<1x16xf32>,
        %get3A_1707 = vector.shape_cast %get3A_1706 : vector<1x16xf32> to vector<16xf32>
        %add3A_1708 = arith.addf %get3A_1707, %get3A_1044 : vector<16xf32>
        %add3A_1709 = arith.constant 3 : i32
        %add3A_1710 = arith.addi %add3A_1282, %add3A_1709 : i32
        %swap3A_1711 = arith.index_cast %add3A_1710 : i32 to index
        %swap3A_1712 = arith.constant 96 : index
        %swap3A_1713 = tpu.vector_load %arg9[%swap3A_1711, %swap3A_1712] {strides = array<i32>} : memref<256x128xf32, #tpu.memory_space<vmem>>, vector<1x16xf32>,
        %swap3A_1714 = vector.shape_cast %swap3A_1713 : vector<1x16xf32> to vector<16xf32>
        %swap3A_1715 = vector.shape_cast %add3A_1708 : vector<16xf32> to vector<1x16xf32>
        tpu.vector_store %arg9[%swap3A_1711, %swap3A_1712], %swap3A_1715 {strides = array<i32>} : memref<256x128xf32, #tpu.memory_space<vmem>>, vector<1x16xf32>,
        %add3A_1716 = arith.constant 3 : i32
        %add3A_1717 = arith.addi %add3A_1282, %add3A_1716 : i32
        %get3A_1718 = arith.index_cast %add3A_1717 : i32 to index
        %get3A_1719 = arith.constant 112 : index
        %get3A_1720 = tpu.vector_load %arg9[%get3A_1718, %get3A_1719] {strides = array<i32>} : memref<256x128xf32, #tpu.memory_space<vmem>>, vector<1x16xf32>,
        %get3A_1721 = vector.shape_cast %get3A_1720 : vector<1x16xf32> to vector<16xf32>
        %add3A_1722 = arith.addf %get3A_1721, %get3A_1048 : vector<16xf32>
        %add3A_1723 = arith.constant 3 : i32
        %add3A_1724 = arith.addi %add3A_1282, %add3A_1723 : i32
        %swap3A_1725 = arith.index_cast %add3A_1724 : i32 to index
        %swap3A_1726 = arith.constant 112 : index
        %swap3A_1727 = tpu.vector_load %arg9[%swap3A_1725, %swap3A_1726] {strides = array<i32>} : memref<256x128xf32, #tpu.memory_space<vmem>>, vector<1x16xf32>,
        %swap3A_1728 = vector.shape_cast %swap3A_1727 : vector<1x16xf32> to vector<16xf32>
        %swap3A_1729 = vector.shape_cast %add3A_1722 : vector<16xf32> to vector<1x16xf32>
        tpu.vector_store %arg9[%swap3A_1725, %swap3A_1726], %swap3A_1729 {strides = array<i32>} : memref<256x128xf32, #tpu.memory_space<vmem>>, vector<1x16xf32>,
      }
      %scan3A_1054 = arith.constant 32 : i32
      %mul3A_1055 = arith.constant 2 : i32
      %mul3A_1056 = arith.muli %add3A_826, %mul3A_1055 : i32
      %mul3A_1057 = arith.constant 128 : i32
      %mul3A_1058 = arith.muli %mul3A_1056, %mul3A_1057 : i32
      %add3A_1059 = arith.addi %mul3A_2, %mul3A_1058 : i32
      %dma_start3A_1060 = arith.constant 0 : i32
      %dma_start3A_1061 = tpu.memref_slice %arg5[%add3A_1059, %dma_start3A_1060] : memref<704512x128xf32, #tpu.memory_space<hbm>> -> memref<256x128xf32, #tpu.memory_space<hbm>>
      %dma_start3A_1062 = arith.constant 0 : i32
      %dma_start3A_1063 = tpu.memref_slice %arg5[%add3A_1059, %dma_start3A_1062] : memref<704512x128xf32, #tpu.memory_space<hbm>> -> memref<256x128xf32, #tpu.memory_space<hbm>>
      tpu.enqueue_dma source(%arg9 : memref<256x128xf32, #tpu.memory_space<vmem>>) target(%dma_start3A_1063 : memref<256x128xf32, #tpu.memory_space<hbm>>) target_semaphore(%arg13 : memref<!tpu.dma_semaphore, #tpu.memory_space<semaphore_mem>>)
      %mul3A_1064 = arith.constant 2 : i32
      %mul3A_1065 = arith.muli %scan3A_581, %mul3A_1064 : i32
      %add3A_1066 = arith.constant 0 : i32
      %add3A_1067 = arith.addi %mul3A_1065, %add3A_1066 : i32
      %mul3A_1068 = arith.constant 2 : i32
      %mul3A_1069 = arith.muli %add3A_1067, %mul3A_1068 : i32
      %mul3A_1070 = arith.constant 128 : i32
      %mul3A_1071 = arith.muli %mul3A_1069, %mul3A_1070 : i32
      %add3A_1072 = arith.addi %mul3A_2, %mul3A_1071 : i32
      %dma_wait3A_1073 = arith.constant 0 : i32
      %dma_wait3A_1074 = tpu.memref_slice %arg5[%add3A_1072, %dma_wait3A_1073] : memref<704512x128xf32, #tpu.memory_space<hbm>> -> memref<256x128xf32, #tpu.memory_space<hbm>>
      %dma_wait3A_1075 = arith.constant 0 : i32
      %dma_wait3A_1076 = tpu.memref_slice %arg5[%add3A_1072, %dma_wait3A_1075] : memref<704512x128xf32, #tpu.memory_space<hbm>> -> memref<256x128xf32, #tpu.memory_space<hbm>>
      tpu.wait_dma2 semaphore(%arg12 : memref<!tpu.dma_semaphore, #tpu.memory_space<semaphore_mem>>) src(%arg8 : memref<256x128xf32, #tpu.memory_space<vmem>>) dst(%dma_wait3A_1076 : memref<256x128xf32, #tpu.memory_space<hbm>>)
      %add3A_1077 = arith.constant 2 : i32
      %add3A_1078 = arith.addi %add3A_1067, %add3A_1077 : i32
      %mul3A_1079 = arith.constant 2 : i32
      %mul3A_1080 = arith.muli %mul3A_1079, %add3A_1078 : i32
      %mul3A_1081 = arith.constant 128 : i32
      %mul3A_1082 = arith.muli %mul3A_1080, %mul3A_1081 : i32
      %add3A_1083 = arith.addi %mul3A_2, %mul3A_1082 : i32
      %jit3A_1084 = arith.constant 16384 : i32
      %div3A_1085 = arith.divsi %add3A_1083, %jit3A_1084 : i32
      %sign3A_1086 = arith.constant 0 : i32
      %sign3A_1087 = arith.cmpi sgt, %add3A_1083, %sign3A_1086 : i32
      %sign3A_1088 = arith.extui %sign3A_1087 : i1 to i32
      %sign3A_1089 = arith.constant 0 : i32
      %sign3A_1090 = arith.cmpi slt, %add3A_1083, %sign3A_1089 : i32
      %sign3A_1091 = arith.extui %sign3A_1090 : i1 to i32
      %sign3A_1092 = arith.subi %sign3A_1088, %sign3A_1091 : i32
      %sign3A_1093 = arith.constant 0 : i32
      %sign3A_1094 = arith.cmpi sgt, %jit3A_1084, %sign3A_1093 : i32
      %sign3A_1095 = arith.extui %sign3A_1094 : i1 to i32
      %sign3A_1096 = arith.constant 0 : i32
      %sign3A_1097 = arith.cmpi slt, %jit3A_1084, %sign3A_1096 : i32
      %sign3A_1098 = arith.extui %sign3A_1097 : i1 to i32
      %sign3A_1099 = arith.subi %sign3A_1095, %sign3A_1098 : i32
      %ne3A_1100 = arith.cmpi ne, %sign3A_1092, %sign3A_1099 : i32
      %rem3A_1101 = arith.remsi %add3A_1083, %jit3A_1084 : i32
      %ne3A_1102 = arith.constant 0 : i32
      %ne3A_1103 = arith.cmpi ne, %rem3A_1101, %ne3A_1102 : i32
      %and3A_1104 = arith.andi %ne3A_1100, %ne3A_1103 : i1
      %sub3A_1105 = arith.constant 1 : i32
      %sub3A_1106 = arith.subi %div3A_1085, %sub3A_1105 : i32
      %select_n3A_1107 = arith.select %and3A_1104, %sub3A_1106, %div3A_1085 : i32
      %mul3A_1108 = arith.constant 1000 : i32
      %mul3A_1109 = arith.muli %select_n3A_1107, %mul3A_1108 : i32
      %mul3A_1110 = arith.constant 2 : i32
      %mul3A_1111 = arith.muli %mul3A_1110, %add3A_1078 : i32
      %mul3A_1112 = arith.constant 128 : i32
      %mul3A_1113 = arith.muli %mul3A_1111, %mul3A_1112 : i32
      %dma_start3A_1114 = arith.constant 0 : i32
      %dma_start3A_1115 = arith.constant 0 : i32
      %dma_start3A_1116 = tpu.memref_slice %arg8[%dma_start3A_1114, %dma_start3A_1115] : memref<256x128xf32, #tpu.memory_space<vmem>> -> memref<128x128xf32, #tpu.memory_space<vmem>>
      %dma_start3A_1117 = tpu.memref_slice %arg6[%mul3A_1113] : memref<22016xi32, #tpu.memory_space<vmem>> -> memref<128xi32, #tpu.memory_space<vmem>>
      %dma_start3A_1118 = arith.constant 0 : i32
      %dma_start3A_1119 = tpu.memref_slice %arg2[%mul3A_1109, %dma_start3A_1118] : memref<43000x128xf32, #tpu.memory_space<hbm>> -> memref<1000x128xf32, #tpu.memory_space<hbm>>
      %dma_start3A_1120 = arith.constant 0 : i32
      %dma_start3A_1121 = arith.constant 0 : i32
      %dma_start3A_1122 = tpu.memref_slice %dma_start3A_1119[%dma_start3A_1120, %dma_start3A_1121] : memref<1000x128xf32, #tpu.memory_space<hbm>> -> memref<1000x128xf32, #tpu.memory_space<hbm>>
      tpu.enqueue_indirect_dma source(%dma_start3A_1122 : memref<1000x128xf32, #tpu.memory_space<hbm>>) target(%dma_start3A_1116 : memref<128x128xf32, #tpu.memory_space<vmem>>) offsets(%dma_start3A_1117 : memref<128xi32, #tpu.memory_space<vmem>>) semaphore(%arg10 : memref<!tpu.dma_semaphore, #tpu.memory_space<semaphore_mem>>)
      %mul3A_1123 = arith.constant 2 : i32
      %mul3A_1124 = arith.muli %mul3A_1123, %add3A_1078 : i32
      %add3A_1125 = arith.constant 1 : i32
      %add3A_1126 = arith.addi %mul3A_1124, %add3A_1125 : i32
      %mul3A_1127 = arith.constant 128 : i32
      %mul3A_1128 = arith.muli %add3A_1126, %mul3A_1127 : i32
      %add3A_1129 = arith.addi %mul3A_2, %mul3A_1128 : i32
      %jit3A_1130 = arith.constant 16384 : i32
      %div3A_1131 = arith.divsi %add3A_1129, %jit3A_1130 : i32
      %sign3A_1132 = arith.constant 0 : i32
      %sign3A_1133 = arith.cmpi sgt, %add3A_1129, %sign3A_1132 : i32
      %sign3A_1134 = arith.extui %sign3A_1133 : i1 to i32
      %sign3A_1135 = arith.constant 0 : i32
      %sign3A_1136 = arith.cmpi slt, %add3A_1129, %sign3A_1135 : i32
      %sign3A_1137 = arith.extui %sign3A_1136 : i1 to i32
      %sign3A_1138 = arith.subi %sign3A_1134, %sign3A_1137 : i32
      %sign3A_1139 = arith.constant 0 : i32
      %sign3A_1140 = arith.cmpi sgt, %jit3A_1130, %sign3A_1139 : i32
      %sign3A_1141 = arith.extui %sign3A_1140 : i1 to i32
      %sign3A_1142 = arith.constant 0 : i32
      %sign3A_1143 = arith.cmpi slt, %jit3A_1130, %sign3A_1142 : i32
      %sign3A_1144 = arith.extui %sign3A_1143 : i1 to i32
      %sign3A_1145 = arith.subi %sign3A_1141, %sign3A_1144 : i32
      %ne3A_1146 = arith.cmpi ne, %sign3A_1138, %sign3A_1145 : i32
      %rem3A_1147 = arith.remsi %add3A_1129, %jit3A_1130 : i32
      %ne3A_1148 = arith.constant 0 : i32
      %ne3A_1149 = arith.cmpi ne, %rem3A_1147, %ne3A_1148 : i32
      %and3A_1150 = arith.andi %ne3A_1146, %ne3A_1149 : i1
      %sub3A_1151 = arith.constant 1 : i32
      %sub3A_1152 = arith.subi %div3A_1131, %sub3A_1151 : i32
      %select_n3A_1153 = arith.select %and3A_1150, %sub3A_1152, %div3A_1131 : i32
      %mul3A_1154 = arith.constant 1000 : i32
      %mul3A_1155 = arith.muli %select_n3A_1153, %mul3A_1154 : i32
      %mul3A_1156 = arith.constant 2 : i32
      %mul3A_1157 = arith.muli %mul3A_1156, %add3A_1078 : i32
      %add3A_1158 = arith.constant 1 : i32
      %add3A_1159 = arith.addi %mul3A_1157, %add3A_1158 : i32
      %mul3A_1160 = arith.constant 128 : i32
      %mul3A_1161 = arith.muli %add3A_1159, %mul3A_1160 : i32
      %dma_start3A_1162 = arith.constant 128 : i32
      %dma_start3A_1163 = arith.constant 0 : i32
      %dma_start3A_1164 = tpu.memref_slice %arg8[%dma_start3A_1162, %dma_start3A_1163] : memref<256x128xf32, #tpu.memory_space<vmem>> -> memref<128x128xf32, #tpu.memory_space<vmem>>
      %dma_start3A_1165 = tpu.memref_slice %arg6[%mul3A_1161] : memref<22016xi32, #tpu.memory_space<vmem>> -> memref<128xi32, #tpu.memory_space<vmem>>
      %dma_start3A_1166 = arith.constant 0 : i32
      %dma_start3A_1167 = tpu.memref_slice %arg2[%mul3A_1155, %dma_start3A_1166] : memref<43000x128xf32, #tpu.memory_space<hbm>> -> memref<1000x128xf32, #tpu.memory_space<hbm>>
      %dma_start3A_1168 = arith.constant 0 : i32
      %dma_start3A_1169 = arith.constant 0 : i32
      %dma_start3A_1170 = tpu.memref_slice %dma_start3A_1167[%dma_start3A_1168, %dma_start3A_1169] : memref<1000x128xf32, #tpu.memory_space<hbm>> -> memref<1000x128xf32, #tpu.memory_space<hbm>>
      tpu.enqueue_indirect_dma source(%dma_start3A_1170 : memref<1000x128xf32, #tpu.memory_space<hbm>>) target(%dma_start3A_1164 : memref<128x128xf32, #tpu.memory_space<vmem>>) offsets(%dma_start3A_1165 : memref<128xi32, #tpu.memory_space<vmem>>) semaphore(%arg10 : memref<!tpu.dma_semaphore, #tpu.memory_space<semaphore_mem>>)
      %mul3A_1171 = arith.constant 2 : i32
      %mul3A_1172 = arith.muli %scan3A_581, %mul3A_1171 : i32
      %add3A_1173 = arith.constant 1 : i32
      %add3A_1174 = arith.addi %mul3A_1172, %add3A_1173 : i32
      %mul3A_1175 = arith.constant 2 : i32
      %mul3A_1176 = arith.muli %add3A_1174, %mul3A_1175 : i32
      %mul3A_1177 = arith.constant 128 : i32
      %mul3A_1178 = arith.muli %mul3A_1176, %mul3A_1177 : i32
      %add3A_1179 = arith.addi %mul3A_2, %mul3A_1178 : i32
      %dma_wait3A_1180 = arith.constant 0 : i32
      %dma_wait3A_1181 = tpu.memref_slice %arg5[%add3A_1179, %dma_wait3A_1180] : memref<704512x128xf32, #tpu.memory_space<hbm>> -> memref<256x128xf32, #tpu.memory_space<hbm>>
      %dma_wait3A_1182 = arith.constant 0 : i32
      %dma_wait3A_1183 = tpu.memref_slice %arg5[%add3A_1179, %dma_wait3A_1182] : memref<704512x128xf32, #tpu.memory_space<hbm>> -> memref<256x128xf32, #tpu.memory_space<hbm>>
      tpu.wait_dma2 semaphore(%arg13 : memref<!tpu.dma_semaphore, #tpu.memory_space<semaphore_mem>>) src(%arg9 : memref<256x128xf32, #tpu.memory_space<vmem>>) dst(%dma_wait3A_1183 : memref<256x128xf32, #tpu.memory_space<hbm>>)
      %add3A_1184 = arith.constant 2 : i32
      %add3A_1185 = arith.addi %add3A_1174, %add3A_1184 : i32
      %mul3A_1186 = arith.constant 2 : i32
      %mul3A_1187 = arith.muli %mul3A_1186, %add3A_1185 : i32
      %mul3A_1188 = arith.constant 128 : i32
      %mul3A_1189 = arith.muli %mul3A_1187, %mul3A_1188 : i32
      %add3A_1190 = arith.addi %mul3A_2, %mul3A_1189 : i32
      %jit3A_1191 = arith.constant 16384 : i32
      %div3A_1192 = arith.divsi %add3A_1190, %jit3A_1191 : i32
      %sign3A_1193 = arith.constant 0 : i32
      %sign3A_1194 = arith.cmpi sgt, %add3A_1190, %sign3A_1193 : i32
      %sign3A_1195 = arith.extui %sign3A_1194 : i1 to i32
      %sign3A_1196 = arith.constant 0 : i32
      %sign3A_1197 = arith.cmpi slt, %add3A_1190, %sign3A_1196 : i32
      %sign3A_1198 = arith.extui %sign3A_1197 : i1 to i32
      %sign3A_1199 = arith.subi %sign3A_1195, %sign3A_1198 : i32
      %sign3A_1200 = arith.constant 0 : i32
      %sign3A_1201 = arith.cmpi sgt, %jit3A_1191, %sign3A_1200 : i32
      %sign3A_1202 = arith.extui %sign3A_1201 : i1 to i32
      %sign3A_1203 = arith.constant 0 : i32
      %sign3A_1204 = arith.cmpi slt, %jit3A_1191, %sign3A_1203 : i32
      %sign3A_1205 = arith.extui %sign3A_1204 : i1 to i32
      %sign3A_1206 = arith.subi %sign3A_1202, %sign3A_1205 : i32
      %ne3A_1207 = arith.cmpi ne, %sign3A_1199, %sign3A_1206 : i32
      %rem3A_1208 = arith.remsi %add3A_1190, %jit3A_1191 : i32
      %ne3A_1209 = arith.constant 0 : i32
      %ne3A_1210 = arith.cmpi ne, %rem3A_1208, %ne3A_1209 : i32
      %and3A_1211 = arith.andi %ne3A_1207, %ne3A_1210 : i1
      %sub3A_1212 = arith.constant 1 : i32
      %sub3A_1213 = arith.subi %div3A_1192, %sub3A_1212 : i32
      %select_n3A_1214 = arith.select %and3A_1211, %sub3A_1213, %div3A_1192 : i32
      %mul3A_1215 = arith.constant 1000 : i32
      %mul3A_1216 = arith.muli %select_n3A_1214, %mul3A_1215 : i32
      %mul3A_1217 = arith.constant 2 : i32
      %mul3A_1218 = arith.muli %mul3A_1217, %add3A_1185 : i32
      %mul3A_1219 = arith.constant 128 : i32
      %mul3A_1220 = arith.muli %mul3A_1218, %mul3A_1219 : i32
      %dma_start3A_1221 = arith.constant 0 : i32
      %dma_start3A_1222 = arith.constant 0 : i32
      %dma_start3A_1223 = tpu.memref_slice %arg9[%dma_start3A_1221, %dma_start3A_1222] : memref<256x128xf32, #tpu.memory_space<vmem>> -> memref<128x128xf32, #tpu.memory_space<vmem>>
      %dma_start3A_1224 = tpu.memref_slice %arg6[%mul3A_1220] : memref<22016xi32, #tpu.memory_space<vmem>> -> memref<128xi32, #tpu.memory_space<vmem>>
      %dma_start3A_1225 = arith.constant 0 : i32
      %dma_start3A_1226 = tpu.memref_slice %arg2[%mul3A_1216, %dma_start3A_1225] : memref<43000x128xf32, #tpu.memory_space<hbm>> -> memref<1000x128xf32, #tpu.memory_space<hbm>>
      %dma_start3A_1227 = arith.constant 0 : i32
      %dma_start3A_1228 = arith.constant 0 : i32
      %dma_start3A_1229 = tpu.memref_slice %dma_start3A_1226[%dma_start3A_1227, %dma_start3A_1228] : memref<1000x128xf32, #tpu.memory_space<hbm>> -> memref<1000x128xf32, #tpu.memory_space<hbm>>
      tpu.enqueue_indirect_dma source(%dma_start3A_1229 : memref<1000x128xf32, #tpu.memory_space<hbm>>) target(%dma_start3A_1223 : memref<128x128xf32, #tpu.memory_space<vmem>>) offsets(%dma_start3A_1224 : memref<128xi32, #tpu.memory_space<vmem>>) semaphore(%arg11 : memref<!tpu.dma_semaphore, #tpu.memory_space<semaphore_mem>>)
      %mul3A_1230 = arith.constant 2 : i32
      %mul3A_1231 = arith.muli %mul3A_1230, %add3A_1185 : i32
      %add3A_1232 = arith.constant 1 : i32
      %add3A_1233 = arith.addi %mul3A_1231, %add3A_1232 : i32
      %mul3A_1234 = arith.constant 128 : i32
      %mul3A_1235 = arith.muli %add3A_1233, %mul3A_1234 : i32
      %add3A_1236 = arith.addi %mul3A_2, %mul3A_1235 : i32
      %jit3A_1237 = arith.constant 16384 : i32
      %div3A_1238 = arith.divsi %add3A_1236, %jit3A_1237 : i32
      %sign3A_1239 = arith.constant 0 : i32
      %sign3A_1240 = arith.cmpi sgt, %add3A_1236, %sign3A_1239 : i32
      %sign3A_1241 = arith.extui %sign3A_1240 : i1 to i32
      %sign3A_1242 = arith.constant 0 : i32
      %sign3A_1243 = arith.cmpi slt, %add3A_1236, %sign3A_1242 : i32
      %sign3A_1244 = arith.extui %sign3A_1243 : i1 to i32
      %sign3A_1245 = arith.subi %sign3A_1241, %sign3A_1244 : i32
      %sign3A_1246 = arith.constant 0 : i32
      %sign3A_1247 = arith.cmpi sgt, %jit3A_1237, %sign3A_1246 : i32
      %sign3A_1248 = arith.extui %sign3A_1247 : i1 to i32
      %sign3A_1249 = arith.constant 0 : i32
      %sign3A_1250 = arith.cmpi slt, %jit3A_1237, %sign3A_1249 : i32
      %sign3A_1251 = arith.extui %sign3A_1250 : i1 to i32
      %sign3A_1252 = arith.subi %sign3A_1248, %sign3A_1251 : i32
      %ne3A_1253 = arith.cmpi ne, %sign3A_1245, %sign3A_1252 : i32
      %rem3A_1254 = arith.remsi %add3A_1236, %jit3A_1237 : i32
      %ne3A_1255 = arith.constant 0 : i32
      %ne3A_1256 = arith.cmpi ne, %rem3A_1254, %ne3A_1255 : i32
      %and3A_1257 = arith.andi %ne3A_1253, %ne3A_1256 : i1
      %sub3A_1258 = arith.constant 1 : i32
      %sub3A_1259 = arith.subi %div3A_1238, %sub3A_1258 : i32
      %select_n3A_1260 = arith.select %and3A_1257, %sub3A_1259, %div3A_1238 : i32
      %mul3A_1261 = arith.constant 1000 : i32
      %mul3A_1262 = arith.muli %select_n3A_1260, %mul3A_1261 : i32
      %mul3A_1263 = arith.constant 2 : i32
      %mul3A_1264 = arith.muli %mul3A_1263, %add3A_1185 : i32
      %add3A_1265 = arith.constant 1 : i32
      %add3A_1266 = arith.addi %mul3A_1264, %add3A_1265 : i32
      %mul3A_1267 = arith.constant 128 : i32
      %mul3A_1268 = arith.muli %add3A_1266, %mul3A_1267 : i32
      %dma_start3A_1269 = arith.constant 128 : i32
      %dma_start3A_1270 = arith.constant 0 : i32
      %dma_start3A_1271 = tpu.memref_slice %arg9[%dma_start3A_1269, %dma_start3A_1270] : memref<256x128xf32, #tpu.memory_space<vmem>> -> memref<128x128xf32, #tpu.memory_space<vmem>>
      %dma_start3A_1272 = tpu.memref_slice %arg6[%mul3A_1268] : memref<22016xi32, #tpu.memory_space<vmem>> -> memref<128xi32, #tpu.memory_space<vmem>>
      %dma_start3A_1273 = arith.constant 0 : i32
      %dma_start3A_1274 = tpu.memref_slice %arg2[%mul3A_1262, %dma_start3A_1273] : memref<43000x128xf32, #tpu.memory_space<hbm>> -> memref<1000x128xf32, #tpu.memory_space<hbm>>
      %dma_start3A_1275 = arith.constant 0 : i32
      %dma_start3A_1276 = arith.constant 0 : i32
      %dma_start3A_1277 = tpu.memref_slice %dma_start3A_1274[%dma_start3A_1275, %dma_start3A_1276] : memref<1000x128xf32, #tpu.memory_space<hbm>> -> memref<1000x128xf32, #tpu.memory_space<hbm>>
      tpu.enqueue_indirect_dma source(%dma_start3A_1277 : memref<1000x128xf32, #tpu.memory_space<hbm>>) target(%dma_start3A_1271 : memref<128x128xf32, #tpu.memory_space<vmem>>) offsets(%dma_start3A_1272 : memref<128xi32, #tpu.memory_space<vmem>>) semaphore(%arg11 : memref<!tpu.dma_semaphore, #tpu.memory_space<semaphore_mem>>)
    }
    %scan3A_150 = arith.constant 42 : i32
    %add3A_151 = arith.constant 21504 : i32
    %add3A_152 = arith.addi %mul3A_2, %add3A_151 : i32
    %jit3A_153 = arith.constant 16384 : i32
    %div3A_154 = arith.divsi %add3A_152, %jit3A_153 : i32
    %sign3A_155 = arith.constant 0 : i32
    %sign3A_156 = arith.cmpi sgt, %add3A_152, %sign3A_155 : i32
    %sign3A_157 = arith.extui %sign3A_156 : i1 to i32
    %sign3A_158 = arith.constant 0 : i32
    %sign3A_159 = arith.cmpi slt, %add3A_152, %sign3A_158 : i32
    %sign3A_160 = arith.extui %sign3A_159 : i1 to i32
    %sign3A_161 = arith.subi %sign3A_157, %sign3A_160 : i32
    %sign3A_162 = arith.constant 0 : i32
    %sign3A_163 = arith.cmpi sgt, %jit3A_153, %sign3A_162 : i32
    %sign3A_164 = arith.extui %sign3A_163 : i1 to i32
    %sign3A_165 = arith.constant 0 : i32
    %sign3A_166 = arith.cmpi slt, %jit3A_153, %sign3A_165 : i32
    %sign3A_167 = arith.extui %sign3A_166 : i1 to i32
    %sign3A_168 = arith.subi %sign3A_164, %sign3A_167 : i32
    %ne3A_169 = arith.cmpi ne, %sign3A_161, %sign3A_168 : i32
    %rem3A_170 = arith.remsi %add3A_152, %jit3A_153 : i32
    %ne3A_171 = arith.constant 0 : i32
    %ne3A_172 = arith.cmpi ne, %rem3A_170, %ne3A_171 : i32
    %and3A_173 = arith.andi %ne3A_169, %ne3A_172 : i1
    %sub3A_174 = arith.constant 1 : i32
    %sub3A_175 = arith.subi %div3A_154, %sub3A_174 : i32
    %select_n3A_176 = arith.select %and3A_173, %sub3A_175, %div3A_154 : i32
    %mul3A_177 = arith.constant 1000 : i32
    %mul3A_178 = arith.muli %select_n3A_176, %mul3A_177 : i32
    %dma_wait3A = arith.constant 0 : i32
    %dma_wait3A_179 = arith.constant 0 : i32
    %dma_wait3A_180 = tpu.memref_slice %arg8[%dma_wait3A, %dma_wait3A_179] : memref<256x128xf32, #tpu.memory_space<vmem>> -> memref<128x128xf32, #tpu.memory_space<vmem>>
    %dma_wait3A_181 = arith.constant 21504 : i32
    %dma_wait3A_182 = tpu.memref_slice %arg6[%dma_wait3A_181] : memref<22016xi32, #tpu.memory_space<vmem>> -> memref<128xi32, #tpu.memory_space<vmem>>
    %dma_wait3A_183 = arith.constant 0 : i32
    %dma_wait3A_184 = tpu.memref_slice %arg2[%mul3A_178, %dma_wait3A_183] : memref<43000x128xf32, #tpu.memory_space<hbm>> -> memref<1000x128xf32, #tpu.memory_space<hbm>>
    %dma_wait3A_185 = arith.constant 0 : i32
    %dma_wait3A_186 = arith.constant 0 : i32
    %dma_wait3A_187 = tpu.memref_slice %dma_wait3A_184[%dma_wait3A_185, %dma_wait3A_186] : memref<1000x128xf32, #tpu.memory_space<hbm>> -> memref<1000x128xf32, #tpu.memory_space<hbm>>
    tpu.wait_indirect_dma semaphore(%arg10 : memref<!tpu.dma_semaphore, #tpu.memory_space<semaphore_mem>>) src(%dma_wait3A_187 : memref<1000x128xf32, #tpu.memory_space<hbm>>) dst(%dma_wait3A_180 : memref<128x128xf32, #tpu.memory_space<vmem>>)
    %add3A_188 = arith.constant 21632 : i32
    %add3A_189 = arith.addi %mul3A_2, %add3A_188 : i32
    %jit3A_190 = arith.constant 16384 : i32
    %div3A_191 = arith.divsi %add3A_189, %jit3A_190 : i32
    %sign3A_192 = arith.constant 0 : i32
    %sign3A_193 = arith.cmpi sgt, %add3A_189, %sign3A_192 : i32
    %sign3A_194 = arith.extui %sign3A_193 : i1 to i32
    %sign3A_195 = arith.constant 0 : i32
    %sign3A_196 = arith.cmpi slt, %add3A_189, %sign3A_195 : i32
    %sign3A_197 = arith.extui %sign3A_196 : i1 to i32
    %sign3A_198 = arith.subi %sign3A_194, %sign3A_197 : i32
    %sign3A_199 = arith.constant 0 : i32
    %sign3A_200 = arith.cmpi sgt, %jit3A_190, %sign3A_199 : i32
    %sign3A_201 = arith.extui %sign3A_200 : i1 to i32
    %sign3A_202 = arith.constant 0 : i32
    %sign3A_203 = arith.cmpi slt, %jit3A_190, %sign3A_202 : i32
    %sign3A_204 = arith.extui %sign3A_203 : i1 to i32
    %sign3A_205 = arith.subi %sign3A_201, %sign3A_204 : i32
    %ne3A_206 = arith.cmpi ne, %sign3A_198, %sign3A_205 : i32
    %rem3A_207 = arith.remsi %add3A_189, %jit3A_190 : i32
    %ne3A_208 = arith.constant 0 : i32
    %ne3A_209 = arith.cmpi ne, %rem3A_207, %ne3A_208 : i32
    %and3A_210 = arith.andi %ne3A_206, %ne3A_209 : i1
    %sub3A_211 = arith.constant 1 : i32
    %sub3A_212 = arith.subi %div3A_191, %sub3A_211 : i32
    %select_n3A_213 = arith.select %and3A_210, %sub3A_212, %div3A_191 : i32
    %mul3A_214 = arith.constant 1000 : i32
    %mul3A_215 = arith.muli %select_n3A_213, %mul3A_214 : i32
    %dma_wait3A_216 = arith.constant 128 : i32
    %dma_wait3A_217 = arith.constant 0 : i32
    %dma_wait3A_218 = tpu.memref_slice %arg8[%dma_wait3A_216, %dma_wait3A_217] : memref<256x128xf32, #tpu.memory_space<vmem>> -> memref<128x128xf32, #tpu.memory_space<vmem>>
    %dma_wait3A_219 = arith.constant 21632 : i32
    %dma_wait3A_220 = tpu.memref_slice %arg6[%dma_wait3A_219] : memref<22016xi32, #tpu.memory_space<vmem>> -> memref<128xi32, #tpu.memory_space<vmem>>
    %dma_wait3A_221 = arith.constant 0 : i32
    %dma_wait3A_222 = tpu.memref_slice %arg2[%mul3A_215, %dma_wait3A_221] : memref<43000x128xf32, #tpu.memory_space<hbm>> -> memref<1000x128xf32, #tpu.memory_space<hbm>>
    %dma_wait3A_223 = arith.constant 0 : i32
    %dma_wait3A_224 = arith.constant 0 : i32
    %dma_wait3A_225 = tpu.memref_slice %dma_wait3A_222[%dma_wait3A_223, %dma_wait3A_224] : memref<1000x128xf32, #tpu.memory_space<hbm>> -> memref<1000x128xf32, #tpu.memory_space<hbm>>
    tpu.wait_indirect_dma semaphore(%arg10 : memref<!tpu.dma_semaphore, #tpu.memory_space<semaphore_mem>>) src(%dma_wait3A_225 : memref<1000x128xf32, #tpu.memory_space<hbm>>) dst(%dma_wait3A_218 : memref<128x128xf32, #tpu.memory_space<vmem>>)
    %add3A_226 = arith.constant 21504 : i32
    %add3A_227 = arith.addi %mul3A_2, %add3A_226 : i32
    %jit3A_228 = arith.constant 16384 : i32
    %div3A_229 = arith.divsi %add3A_227, %jit3A_228 : i32
    %sign3A_230 = arith.constant 0 : i32
    %sign3A_231 = arith.cmpi sgt, %add3A_227, %sign3A_230 : i32
    %sign3A_232 = arith.extui %sign3A_231 : i1 to i32
    %sign3A_233 = arith.constant 0 : i32
    %sign3A_234 = arith.cmpi slt, %add3A_227, %sign3A_233 : i32
    %sign3A_235 = arith.extui %sign3A_234 : i1 to i32
    %sign3A_236 = arith.subi %sign3A_232, %sign3A_235 : i32
    %sign3A_237 = arith.constant 0 : i32
    %sign3A_238 = arith.cmpi sgt, %jit3A_228, %sign3A_237 : i32
    %sign3A_239 = arith.extui %sign3A_238 : i1 to i32
    %sign3A_240 = arith.constant 0 : i32
    %sign3A_241 = arith.cmpi slt, %jit3A_228, %sign3A_240 : i32
    %sign3A_242 = arith.extui %sign3A_241 : i1 to i32
    %sign3A_243 = arith.subi %sign3A_239, %sign3A_242 : i32
    %ne3A_244 = arith.cmpi ne, %sign3A_236, %sign3A_243 : i32
    %rem3A_245 = arith.remsi %add3A_227, %jit3A_228 : i32
    %ne3A_246 = arith.constant 0 : i32
    %ne3A_247 = arith.cmpi ne, %rem3A_245, %ne3A_246 : i32
    %and3A_248 = arith.andi %ne3A_244, %ne3A_247 : i1
    %sub3A_249 = arith.constant 1 : i32
    %sub3A_250 = arith.subi %div3A_229, %sub3A_249 : i32
    %select_n3A_251 = arith.select %and3A_248, %sub3A_250, %div3A_229 : i32
    %get3A = arith.index_cast %select_n3A_251 : i32 to index
    %get3A_252 = arith.constant 0 : index
    %get3A_253 = tpu.vector_load %arg7[%get3A, %get3A_252] {strides = array<i32>} : memref<43x128xf32, #tpu.memory_space<vmem>>, vector<1x16xf32>,
    %get3A_254 = vector.shape_cast %get3A_253 : vector<1x16xf32> to vector<16xf32>
    %get3A_255 = arith.index_cast %select_n3A_251 : i32 to index
    %get3A_256 = arith.constant 16 : index
    %get3A_257 = tpu.vector_load %arg7[%get3A_255, %get3A_256] {strides = array<i32>} : memref<43x128xf32, #tpu.memory_space<vmem>>, vector<1x16xf32>,
    %get3A_258 = vector.shape_cast %get3A_257 : vector<1x16xf32> to vector<16xf32>
    %get3A_259 = arith.index_cast %select_n3A_251 : i32 to index
    %get3A_260 = arith.constant 32 : index
    %get3A_261 = tpu.vector_load %arg7[%get3A_259, %get3A_260] {strides = array<i32>} : memref<43x128xf32, #tpu.memory_space<vmem>>, vector<1x16xf32>,
    %get3A_262 = vector.shape_cast %get3A_261 : vector<1x16xf32> to vector<16xf32>
    %get3A_263 = arith.index_cast %select_n3A_251 : i32 to index
    %get3A_264 = arith.constant 48 : index
    %get3A_265 = tpu.vector_load %arg7[%get3A_263, %get3A_264] {strides = array<i32>} : memref<43x128xf32, #tpu.memory_space<vmem>>, vector<1x16xf32>,
    %get3A_266 = vector.shape_cast %get3A_265 : vector<1x16xf32> to vector<16xf32>
    %get3A_267 = arith.index_cast %select_n3A_251 : i32 to index
    %get3A_268 = arith.constant 64 : index
    %get3A_269 = tpu.vector_load %arg7[%get3A_267, %get3A_268] {strides = array<i32>} : memref<43x128xf32, #tpu.memory_space<vmem>>, vector<1x16xf32>,
    %get3A_270 = vector.shape_cast %get3A_269 : vector<1x16xf32> to vector<16xf32>
    %get3A_271 = arith.index_cast %select_n3A_251 : i32 to index
    %get3A_272 = arith.constant 80 : index
    %get3A_273 = tpu.vector_load %arg7[%get3A_271, %get3A_272] {strides = array<i32>} : memref<43x128xf32, #tpu.memory_space<vmem>>, vector<1x16xf32>,
    %get3A_274 = vector.shape_cast %get3A_273 : vector<1x16xf32> to vector<16xf32>
    %get3A_275 = arith.index_cast %select_n3A_251 : i32 to index
    %get3A_276 = arith.constant 96 : index
    %get3A_277 = tpu.vector_load %arg7[%get3A_275, %get3A_276] {strides = array<i32>} : memref<43x128xf32, #tpu.memory_space<vmem>>, vector<1x16xf32>,
    %get3A_278 = vector.shape_cast %get3A_277 : vector<1x16xf32> to vector<16xf32>
    %get3A_279 = arith.index_cast %select_n3A_251 : i32 to index
    %get3A_280 = arith.constant 112 : index
    %get3A_281 = tpu.vector_load %arg7[%get3A_279, %get3A_280] {strides = array<i32>} : memref<43x128xf32, #tpu.memory_space<vmem>>, vector<1x16xf32>,
    %get3A_282 = vector.shape_cast %get3A_281 : vector<1x16xf32> to vector<16xf32>
    %scan3A_283 = arith.constant 0 : i32
    %scan3A_284 = arith.constant 0 : i32
    %scan3A_285 = arith.constant 32 : i32
    %scan3A_286 = arith.addi %scan3A_284, %scan3A_285 : i32
    %scan3A_287 = arith.constant 1 : i32
    scf.for %scan3A_581 = %scan3A_284 to %scan3A_286 step %scan3A_287  : i32 {
      %mul3A_582 = arith.constant 4 : i32
      %mul3A_583 = arith.muli %mul3A_582, %scan3A_581 : i32
      %add3A_584 = arith.constant 0 : i32
      %add3A_585 = arith.addi %add3A_584, %mul3A_583 : i32
      %add3A_586 = arith.constant 0 : i32
      %add3A_587 = arith.addi %add3A_585, %add3A_586 : i32
      %get3A_588 = arith.index_cast %add3A_587 : i32 to index
      %get3A_589 = arith.constant 0 : index
      %get3A_590 = tpu.vector_load %arg8[%get3A_588, %get3A_589] {strides = array<i32>} : memref<256x128xf32, #tpu.memory_space<vmem>>, vector<1x16xf32>,
      %get3A_591 = vector.shape_cast %get3A_590 : vector<1x16xf32> to vector<16xf32>
      %add3A_592 = arith.addf %get3A_591, %get3A_254 : vector<16xf32>
      %add3A_593 = arith.constant 0 : i32
      %add3A_594 = arith.addi %add3A_585, %add3A_593 : i32
      %swap3A = arith.index_cast %add3A_594 : i32 to index
      %swap3A_595 = arith.constant 0 : index
      %swap3A_596 = tpu.vector_load %arg8[%swap3A, %swap3A_595] {strides = array<i32>} : memref<256x128xf32, #tpu.memory_space<vmem>>, vector<1x16xf32>,
      %swap3A_597 = vector.shape_cast %swap3A_596 : vector<1x16xf32> to vector<16xf32>
      %swap3A_598 = vector.shape_cast %add3A_592 : vector<16xf32> to vector<1x16xf32>
      tpu.vector_store %arg8[%swap3A, %swap3A_595], %swap3A_598 {strides = array<i32>} : memref<256x128xf32, #tpu.memory_space<vmem>>, vector<1x16xf32>,
      %add3A_599 = arith.constant 0 : i32
      %add3A_600 = arith.addi %add3A_585, %add3A_599 : i32
      %get3A_601 = arith.index_cast %add3A_600 : i32 to index
      %get3A_602 = arith.constant 16 : index
      %get3A_603 = tpu.vector_load %arg8[%get3A_601, %get3A_602] {strides = array<i32>} : memref<256x128xf32, #tpu.memory_space<vmem>>, vector<1x16xf32>,
      %get3A_604 = vector.shape_cast %get3A_603 : vector<1x16xf32> to vector<16xf32>
      %add3A_605 = arith.addf %get3A_604, %get3A_258 : vector<16xf32>
      %add3A_606 = arith.constant 0 : i32
      %add3A_607 = arith.addi %add3A_585, %add3A_606 : i32
      %swap3A_608 = arith.index_cast %add3A_607 : i32 to index
      %swap3A_609 = arith.constant 16 : index
      %swap3A_610 = tpu.vector_load %arg8[%swap3A_608, %swap3A_609] {strides = array<i32>} : memref<256x128xf32, #tpu.memory_space<vmem>>, vector<1x16xf32>,
      %swap3A_611 = vector.shape_cast %swap3A_610 : vector<1x16xf32> to vector<16xf32>
      %swap3A_612 = vector.shape_cast %add3A_605 : vector<16xf32> to vector<1x16xf32>
      tpu.vector_store %arg8[%swap3A_608, %swap3A_609], %swap3A_612 {strides = array<i32>} : memref<256x128xf32, #tpu.memory_space<vmem>>, vector<1x16xf32>,
      %add3A_613 = arith.constant 0 : i32
      %add3A_614 = arith.addi %add3A_585, %add3A_613 : i32
      %get3A_615 = arith.index_cast %add3A_614 : i32 to index
      %get3A_616 = arith.constant 32 : index
      %get3A_617 = tpu.vector_load %arg8[%get3A_615, %get3A_616] {strides = array<i32>} : memref<256x128xf32, #tpu.memory_space<vmem>>, vector<1x16xf32>,
      %get3A_618 = vector.shape_cast %get3A_617 : vector<1x16xf32> to vector<16xf32>
      %add3A_619 = arith.addf %get3A_618, %get3A_262 : vector<16xf32>
      %add3A_620 = arith.constant 0 : i32
      %add3A_621 = arith.addi %add3A_585, %add3A_620 : i32
      %swap3A_622 = arith.index_cast %add3A_621 : i32 to index
      %swap3A_623 = arith.constant 32 : index
      %swap3A_624 = tpu.vector_load %arg8[%swap3A_622, %swap3A_623] {strides = array<i32>} : memref<256x128xf32, #tpu.memory_space<vmem>>, vector<1x16xf32>,
      %swap3A_625 = vector.shape_cast %swap3A_624 : vector<1x16xf32> to vector<16xf32>
      %swap3A_626 = vector.shape_cast %add3A_619 : vector<16xf32> to vector<1x16xf32>
      tpu.vector_store %arg8[%swap3A_622, %swap3A_623], %swap3A_626 {strides = array<i32>} : memref<256x128xf32, #tpu.memory_space<vmem>>, vector<1x16xf32>,
      %add3A_627 = arith.constant 0 : i32
      %add3A_628 = arith.addi %add3A_585, %add3A_627 : i32
      %get3A_629 = arith.index_cast %add3A_628 : i32 to index
      %get3A_630 = arith.constant 48 : index
      %get3A_631 = tpu.vector_load %arg8[%get3A_629, %get3A_630] {strides = array<i32>} : memref<256x128xf32, #tpu.memory_space<vmem>>, vector<1x16xf32>,
      %get3A_632 = vector.shape_cast %get3A_631 : vector<1x16xf32> to vector<16xf32>
      %add3A_633 = arith.addf %get3A_632, %get3A_266 : vector<16xf32>
      %add3A_634 = arith.constant 0 : i32
      %add3A_635 = arith.addi %add3A_585, %add3A_634 : i32
      %swap3A_636 = arith.index_cast %add3A_635 : i32 to index
      %swap3A_637 = arith.constant 48 : index
      %swap3A_638 = tpu.vector_load %arg8[%swap3A_636, %swap3A_637] {strides = array<i32>} : memref<256x128xf32, #tpu.memory_space<vmem>>, vector<1x16xf32>,
      %swap3A_639 = vector.shape_cast %swap3A_638 : vector<1x16xf32> to vector<16xf32>
      %swap3A_640 = vector.shape_cast %add3A_633 : vector<16xf32> to vector<1x16xf32>
      tpu.vector_store %arg8[%swap3A_636, %swap3A_637], %swap3A_640 {strides = array<i32>} : memref<256x128xf32, #tpu.memory_space<vmem>>, vector<1x16xf32>,
      %add3A_641 = arith.constant 0 : i32
      %add3A_642 = arith.addi %add3A_585, %add3A_641 : i32
      %get3A_643 = arith.index_cast %add3A_642 : i32 to index
      %get3A_644 = arith.constant 64 : index
      %get3A_645 = tpu.vector_load %arg8[%get3A_643, %get3A_644] {strides = array<i32>} : memref<256x128xf32, #tpu.memory_space<vmem>>, vector<1x16xf32>,
      %get3A_646 = vector.shape_cast %get3A_645 : vector<1x16xf32> to vector<16xf32>
      %add3A_647 = arith.addf %get3A_646, %get3A_270 : vector<16xf32>
      %add3A_648 = arith.constant 0 : i32
      %add3A_649 = arith.addi %add3A_585, %add3A_648 : i32
      %swap3A_650 = arith.index_cast %add3A_649 : i32 to index
      %swap3A_651 = arith.constant 64 : index
      %swap3A_652 = tpu.vector_load %arg8[%swap3A_650, %swap3A_651] {strides = array<i32>} : memref<256x128xf32, #tpu.memory_space<vmem>>, vector<1x16xf32>,
      %swap3A_653 = vector.shape_cast %swap3A_652 : vector<1x16xf32> to vector<16xf32>
      %swap3A_654 = vector.shape_cast %add3A_647 : vector<16xf32> to vector<1x16xf32>
      tpu.vector_store %arg8[%swap3A_650, %swap3A_651], %swap3A_654 {strides = array<i32>} : memref<256x128xf32, #tpu.memory_space<vmem>>, vector<1x16xf32>,
      %add3A_655 = arith.constant 0 : i32
      %add3A_656 = arith.addi %add3A_585, %add3A_655 : i32
      %get3A_657 = arith.index_cast %add3A_656 : i32 to index
      %get3A_658 = arith.constant 80 : index
      %get3A_659 = tpu.vector_load %arg8[%get3A_657, %get3A_658] {strides = array<i32>} : memref<256x128xf32, #tpu.memory_space<vmem>>, vector<1x16xf32>,
      %get3A_660 = vector.shape_cast %get3A_659 : vector<1x16xf32> to vector<16xf32>
      %add3A_661 = arith.addf %get3A_660, %get3A_274 : vector<16xf32>
      %add3A_662 = arith.constant 0 : i32
      %add3A_663 = arith.addi %add3A_585, %add3A_662 : i32
      %swap3A_664 = arith.index_cast %add3A_663 : i32 to index
      %swap3A_665 = arith.constant 80 : index
      %swap3A_666 = tpu.vector_load %arg8[%swap3A_664, %swap3A_665] {strides = array<i32>} : memref<256x128xf32, #tpu.memory_space<vmem>>, vector<1x16xf32>,
      %swap3A_667 = vector.shape_cast %swap3A_666 : vector<1x16xf32> to vector<16xf32>
      %swap3A_668 = vector.shape_cast %add3A_661 : vector<16xf32> to vector<1x16xf32>
      tpu.vector_store %arg8[%swap3A_664, %swap3A_665], %swap3A_668 {strides = array<i32>} : memref<256x128xf32, #tpu.memory_space<vmem>>, vector<1x16xf32>,
      %add3A_669 = arith.constant 0 : i32
      %add3A_670 = arith.addi %add3A_585, %add3A_669 : i32
      %get3A_671 = arith.index_cast %add3A_670 : i32 to index
      %get3A_672 = arith.constant 96 : index
      %get3A_673 = tpu.vector_load %arg8[%get3A_671, %get3A_672] {strides = array<i32>} : memref<256x128xf32, #tpu.memory_space<vmem>>, vector<1x16xf32>,
      %get3A_674 = vector.shape_cast %get3A_673 : vector<1x16xf32> to vector<16xf32>
      %add3A_675 = arith.addf %get3A_674, %get3A_278 : vector<16xf32>
      %add3A_676 = arith.constant 0 : i32
      %add3A_677 = arith.addi %add3A_585, %add3A_676 : i32
      %swap3A_678 = arith.index_cast %add3A_677 : i32 to index
      %swap3A_679 = arith.constant 96 : index
      %swap3A_680 = tpu.vector_load %arg8[%swap3A_678, %swap3A_679] {strides = array<i32>} : memref<256x128xf32, #tpu.memory_space<vmem>>, vector<1x16xf32>,
      %swap3A_681 = vector.shape_cast %swap3A_680 : vector<1x16xf32> to vector<16xf32>
      %swap3A_682 = vector.shape_cast %add3A_675 : vector<16xf32> to vector<1x16xf32>
      tpu.vector_store %arg8[%swap3A_678, %swap3A_679], %swap3A_682 {strides = array<i32>} : memref<256x128xf32, #tpu.memory_space<vmem>>, vector<1x16xf32>,
      %add3A_683 = arith.constant 0 : i32
      %add3A_684 = arith.addi %add3A_585, %add3A_683 : i32
      %get3A_685 = arith.index_cast %add3A_684 : i32 to index
      %get3A_686 = arith.constant 112 : index
      %get3A_687 = tpu.vector_load %arg8[%get3A_685, %get3A_686] {strides = array<i32>} : memref<256x128xf32, #tpu.memory_space<vmem>>, vector<1x16xf32>,
      %get3A_688 = vector.shape_cast %get3A_687 : vector<1x16xf32> to vector<16xf32>
      %add3A_689 = arith.addf %get3A_688, %get3A_282 : vector<16xf32>
      %add3A_690 = arith.constant 0 : i32
      %add3A_691 = arith.addi %add3A_585, %add3A_690 : i32
      %swap3A_692 = arith.index_cast %add3A_691 : i32 to index
      %swap3A_693 = arith.constant 112 : index
      %swap3A_694 = tpu.vector_load %arg8[%swap3A_692, %swap3A_693] {strides = array<i32>} : memref<256x128xf32, #tpu.memory_space<vmem>>, vector<1x16xf32>,
      %swap3A_695 = vector.shape_cast %swap3A_694 : vector<1x16xf32> to vector<16xf32>
      %swap3A_696 = vector.shape_cast %add3A_689 : vector<16xf32> to vector<1x16xf32>
      tpu.vector_store %arg8[%swap3A_692, %swap3A_693], %swap3A_696 {strides = array<i32>} : memref<256x128xf32, #tpu.memory_space<vmem>>, vector<1x16xf32>,
      %add3A_697 = arith.constant 1 : i32
      %add3A_698 = arith.addi %add3A_585, %add3A_697 : i32
      %get3A_699 = arith.index_cast %add3A_698 : i32 to index
      %get3A_700 = arith.constant 0 : index
      %get3A_701 = tpu.vector_load %arg8[%get3A_699, %get3A_700] {strides = array<i32>} : memref<256x128xf32, #tpu.memory_space<vmem>>, vector<1x16xf32>,
      %get3A_702 = vector.shape_cast %get3A_701 : vector<1x16xf32> to vector<16xf32>
      %add3A_703 = arith.addf %get3A_702, %get3A_254 : vector<16xf32>
      %add3A_704 = arith.constant 1 : i32
      %add3A_705 = arith.addi %add3A_585, %add3A_704 : i32
      %swap3A_706 = arith.index_cast %add3A_705 : i32 to index
      %swap3A_707 = arith.constant 0 : index
      %swap3A_708 = tpu.vector_load %arg8[%swap3A_706, %swap3A_707] {strides = array<i32>} : memref<256x128xf32, #tpu.memory_space<vmem>>, vector<1x16xf32>,
      %swap3A_709 = vector.shape_cast %swap3A_708 : vector<1x16xf32> to vector<16xf32>
      %swap3A_710 = vector.shape_cast %add3A_703 : vector<16xf32> to vector<1x16xf32>
      tpu.vector_store %arg8[%swap3A_706, %swap3A_707], %swap3A_710 {strides = array<i32>} : memref<256x128xf32, #tpu.memory_space<vmem>>, vector<1x16xf32>,
      %add3A_711 = arith.constant 1 : i32
      %add3A_712 = arith.addi %add3A_585, %add3A_711 : i32
      %get3A_713 = arith.index_cast %add3A_712 : i32 to index
      %get3A_714 = arith.constant 16 : index
      %get3A_715 = tpu.vector_load %arg8[%get3A_713, %get3A_714] {strides = array<i32>} : memref<256x128xf32, #tpu.memory_space<vmem>>, vector<1x16xf32>,
      %get3A_716 = vector.shape_cast %get3A_715 : vector<1x16xf32> to vector<16xf32>
      %add3A_717 = arith.addf %get3A_716, %get3A_258 : vector<16xf32>
      %add3A_718 = arith.constant 1 : i32
      %add3A_719 = arith.addi %add3A_585, %add3A_718 : i32
      %swap3A_720 = arith.index_cast %add3A_719 : i32 to index
      %swap3A_721 = arith.constant 16 : index
      %swap3A_722 = tpu.vector_load %arg8[%swap3A_720, %swap3A_721] {strides = array<i32>} : memref<256x128xf32, #tpu.memory_space<vmem>>, vector<1x16xf32>,
      %swap3A_723 = vector.shape_cast %swap3A_722 : vector<1x16xf32> to vector<16xf32>
      %swap3A_724 = vector.shape_cast %add3A_717 : vector<16xf32> to vector<1x16xf32>
      tpu.vector_store %arg8[%swap3A_720, %swap3A_721], %swap3A_724 {strides = array<i32>} : memref<256x128xf32, #tpu.memory_space<vmem>>, vector<1x16xf32>,
      %add3A_725 = arith.constant 1 : i32
      %add3A_726 = arith.addi %add3A_585, %add3A_725 : i32
      %get3A_727 = arith.index_cast %add3A_726 : i32 to index
      %get3A_728 = arith.constant 32 : index
      %get3A_729 = tpu.vector_load %arg8[%get3A_727, %get3A_728] {strides = array<i32>} : memref<256x128xf32, #tpu.memory_space<vmem>>, vector<1x16xf32>,
      %get3A_730 = vector.shape_cast %get3A_729 : vector<1x16xf32> to vector<16xf32>
      %add3A_731 = arith.addf %get3A_730, %get3A_262 : vector<16xf32>
      %add3A_732 = arith.constant 1 : i32
      %add3A_733 = arith.addi %add3A_585, %add3A_732 : i32
      %swap3A_734 = arith.index_cast %add3A_733 : i32 to index
      %swap3A_735 = arith.constant 32 : index
      %swap3A_736 = tpu.vector_load %arg8[%swap3A_734, %swap3A_735] {strides = array<i32>} : memref<256x128xf32, #tpu.memory_space<vmem>>, vector<1x16xf32>,
      %swap3A_737 = vector.shape_cast %swap3A_736 : vector<1x16xf32> to vector<16xf32>
      %swap3A_738 = vector.shape_cast %add3A_731 : vector<16xf32> to vector<1x16xf32>
      tpu.vector_store %arg8[%swap3A_734, %swap3A_735], %swap3A_738 {strides = array<i32>} : memref<256x128xf32, #tpu.memory_space<vmem>>, vector<1x16xf32>,
      %add3A_739 = arith.constant 1 : i32
      %add3A_740 = arith.addi %add3A_585, %add3A_739 : i32
      %get3A_741 = arith.index_cast %add3A_740 : i32 to index
      %get3A_742 = arith.constant 48 : index
      %get3A_743 = tpu.vector_load %arg8[%get3A_741, %get3A_742] {strides = array<i32>} : memref<256x128xf32, #tpu.memory_space<vmem>>, vector<1x16xf32>,
      %get3A_744 = vector.shape_cast %get3A_743 : vector<1x16xf32> to vector<16xf32>
      %add3A_745 = arith.addf %get3A_744, %get3A_266 : vector<16xf32>
      %add3A_746 = arith.constant 1 : i32
      %add3A_747 = arith.addi %add3A_585, %add3A_746 : i32
      %swap3A_748 = arith.index_cast %add3A_747 : i32 to index
      %swap3A_749 = arith.constant 48 : index
      %swap3A_750 = tpu.vector_load %arg8[%swap3A_748, %swap3A_749] {strides = array<i32>} : memref<256x128xf32, #tpu.memory_space<vmem>>, vector<1x16xf32>,
      %swap3A_751 = vector.shape_cast %swap3A_750 : vector<1x16xf32> to vector<16xf32>
      %swap3A_752 = vector.shape_cast %add3A_745 : vector<16xf32> to vector<1x16xf32>
      tpu.vector_store %arg8[%swap3A_748, %swap3A_749], %swap3A_752 {strides = array<i32>} : memref<256x128xf32, #tpu.memory_space<vmem>>, vector<1x16xf32>,
      %add3A_753 = arith.constant 1 : i32
      %add3A_754 = arith.addi %add3A_585, %add3A_753 : i32
      %get3A_755 = arith.index_cast %add3A_754 : i32 to index
      %get3A_756 = arith.constant 64 : index
      %get3A_757 = tpu.vector_load %arg8[%get3A_755, %get3A_756] {strides = array<i32>} : memref<256x128xf32, #tpu.memory_space<vmem>>, vector<1x16xf32>,
      %get3A_758 = vector.shape_cast %get3A_757 : vector<1x16xf32> to vector<16xf32>
      %add3A_759 = arith.addf %get3A_758, %get3A_270 : vector<16xf32>
      %add3A_760 = arith.constant 1 : i32
      %add3A_761 = arith.addi %add3A_585, %add3A_760 : i32
      %swap3A_762 = arith.index_cast %add3A_761 : i32 to index
      %swap3A_763 = arith.constant 64 : index
      %swap3A_764 = tpu.vector_load %arg8[%swap3A_762, %swap3A_763] {strides = array<i32>} : memref<256x128xf32, #tpu.memory_space<vmem>>, vector<1x16xf32>,
      %swap3A_765 = vector.shape_cast %swap3A_764 : vector<1x16xf32> to vector<16xf32>
      %swap3A_766 = vector.shape_cast %add3A_759 : vector<16xf32> to vector<1x16xf32>
      tpu.vector_store %arg8[%swap3A_762, %swap3A_763], %swap3A_766 {strides = array<i32>} : memref<256x128xf32, #tpu.memory_space<vmem>>, vector<1x16xf32>,
      %add3A_767 = arith.constant 1 : i32
      %add3A_768 = arith.addi %add3A_585, %add3A_767 : i32
      %get3A_769 = arith.index_cast %add3A_768 : i32 to index
      %get3A_770 = arith.constant 80 : index
      %get3A_771 = tpu.vector_load %arg8[%get3A_769, %get3A_770] {strides = array<i32>} : memref<256x128xf32, #tpu.memory_space<vmem>>, vector<1x16xf32>,
      %get3A_772 = vector.shape_cast %get3A_771 : vector<1x16xf32> to vector<16xf32>
      %add3A_773 = arith.addf %get3A_772, %get3A_274 : vector<16xf32>
      %add3A_774 = arith.constant 1 : i32
      %add3A_775 = arith.addi %add3A_585, %add3A_774 : i32
      %swap3A_776 = arith.index_cast %add3A_775 : i32 to index
      %swap3A_777 = arith.constant 80 : index
      %swap3A_778 = tpu.vector_load %arg8[%swap3A_776, %swap3A_777] {strides = array<i32>} : memref<256x128xf32, #tpu.memory_space<vmem>>, vector<1x16xf32>,
      %swap3A_779 = vector.shape_cast %swap3A_778 : vector<1x16xf32> to vector<16xf32>
      %swap3A_780 = vector.shape_cast %add3A_773 : vector<16xf32> to vector<1x16xf32>
      tpu.vector_store %arg8[%swap3A_776, %swap3A_777], %swap3A_780 {strides = array<i32>} : memref<256x128xf32, #tpu.memory_space<vmem>>, vector<1x16xf32>,
      %add3A_781 = arith.constant 1 : i32
      %add3A_782 = arith.addi %add3A_585, %add3A_781 : i32
      %get3A_783 = arith.index_cast %add3A_782 : i32 to index
      %get3A_784 = arith.constant 96 : index
      %get3A_785 = tpu.vector_load %arg8[%get3A_783, %get3A_784] {strides = array<i32>} : memref<256x128xf32, #tpu.memory_space<vmem>>, vector<1x16xf32>,
      %get3A_786 = vector.shape_cast %get3A_785 : vector<1x16xf32> to vector<16xf32>
      %add3A_787 = arith.addf %get3A_786, %get3A_278 : vector<16xf32>
      %add3A_788 = arith.constant 1 : i32
      %add3A_789 = arith.addi %add3A_585, %add3A_788 : i32
      %swap3A_790 = arith.index_cast %add3A_789 : i32 to index
      %swap3A_791 = arith.constant 96 : index
      %swap3A_792 = tpu.vector_load %arg8[%swap3A_790, %swap3A_791] {strides = array<i32>} : memref<256x128xf32, #tpu.memory_space<vmem>>, vector<1x16xf32>,
      %swap3A_793 = vector.shape_cast %swap3A_792 : vector<1x16xf32> to vector<16xf32>
      %swap3A_794 = vector.shape_cast %add3A_787 : vector<16xf32> to vector<1x16xf32>
      tpu.vector_store %arg8[%swap3A_790, %swap3A_791], %swap3A_794 {strides = array<i32>} : memref<256x128xf32, #tpu.memory_space<vmem>>, vector<1x16xf32>,
      %add3A_795 = arith.constant 1 : i32
      %add3A_796 = arith.addi %add3A_585, %add3A_795 : i32
      %get3A_797 = arith.index_cast %add3A_796 : i32 to index
      %get3A_798 = arith.constant 112 : index
      %get3A_799 = tpu.vector_load %arg8[%get3A_797, %get3A_798] {strides = array<i32>} : memref<256x128xf32, #tpu.memory_space<vmem>>, vector<1x16xf32>,
      %get3A_800 = vector.shape_cast %get3A_799 : vector<1x16xf32> to vector<16xf32>
      %add3A_801 = arith.addf %get3A_800, %get3A_282 : vector<16xf32>
      %add3A_802 = arith.constant 1 : i32
      %add3A_803 = arith.addi %add3A_585, %add3A_802 : i32
      %swap3A_804 = arith.index_cast %add3A_803 : i32 to index
      %swap3A_805 = arith.constant 112 : index
      %swap3A_806 = tpu.vector_load %arg8[%swap3A_804, %swap3A_805] {strides = array<i32>} : memref<256x128xf32, #tpu.memory_space<vmem>>, vector<1x16xf32>,
      %swap3A_807 = vector.shape_cast %swap3A_806 : vector<1x16xf32> to vector<16xf32>
      %swap3A_808 = vector.shape_cast %add3A_801 : vector<16xf32> to vector<1x16xf32>
      tpu.vector_store %arg8[%swap3A_804, %swap3A_805], %swap3A_808 {strides = array<i32>} : memref<256x128xf32, #tpu.memory_space<vmem>>, vector<1x16xf32>,
      %add3A_809 = arith.constant 2 : i32
      %add3A_810 = arith.addi %add3A_585, %add3A_809 : i32
      %get3A_811 = arith.index_cast %add3A_810 : i32 to index
      %get3A_812 = arith.constant 0 : index
      %get3A_813 = tpu.vector_load %arg8[%get3A_811, %get3A_812] {strides = array<i32>} : memref<256x128xf32, #tpu.memory_space<vmem>>, vector<1x16xf32>,
      %get3A_814 = vector.shape_cast %get3A_813 : vector<1x16xf32> to vector<16xf32>
      %add3A_815 = arith.addf %get3A_814, %get3A_254 : vector<16xf32>
      %add3A_816 = arith.constant 2 : i32
      %add3A_817 = arith.addi %add3A_585, %add3A_816 : i32
      %swap3A_818 = arith.index_cast %add3A_817 : i32 to index
      %swap3A_819 = arith.constant 0 : index
      %swap3A_820 = tpu.vector_load %arg8[%swap3A_818, %swap3A_819] {strides = array<i32>} : memref<256x128xf32, #tpu.memory_space<vmem>>, vector<1x16xf32>,
      %swap3A_821 = vector.shape_cast %swap3A_820 : vector<1x16xf32> to vector<16xf32>
      %swap3A_822 = vector.shape_cast %add3A_815 : vector<16xf32> to vector<1x16xf32>
      tpu.vector_store %arg8[%swap3A_818, %swap3A_819], %swap3A_822 {strides = array<i32>} : memref<256x128xf32, #tpu.memory_space<vmem>>, vector<1x16xf32>,
      %add3A_823 = arith.constant 2 : i32
      %add3A_824 = arith.addi %add3A_585, %add3A_823 : i32
      %get3A_825 = arith.index_cast %add3A_824 : i32 to index
      %get3A_826 = arith.constant 16 : index
      %get3A_827 = tpu.vector_load %arg8[%get3A_825, %get3A_826] {strides = array<i32>} : memref<256x128xf32, #tpu.memory_space<vmem>>, vector<1x16xf32>,
      %get3A_828 = vector.shape_cast %get3A_827 : vector<1x16xf32> to vector<16xf32>
      %add3A_829 = arith.addf %get3A_828, %get3A_258 : vector<16xf32>
      %add3A_830 = arith.constant 2 : i32
      %add3A_831 = arith.addi %add3A_585, %add3A_830 : i32
      %swap3A_832 = arith.index_cast %add3A_831 : i32 to index
      %swap3A_833 = arith.constant 16 : index
      %swap3A_834 = tpu.vector_load %arg8[%swap3A_832, %swap3A_833] {strides = array<i32>} : memref<256x128xf32, #tpu.memory_space<vmem>>, vector<1x16xf32>,
      %swap3A_835 = vector.shape_cast %swap3A_834 : vector<1x16xf32> to vector<16xf32>
      %swap3A_836 = vector.shape_cast %add3A_829 : vector<16xf32> to vector<1x16xf32>
      tpu.vector_store %arg8[%swap3A_832, %swap3A_833], %swap3A_836 {strides = array<i32>} : memref<256x128xf32, #tpu.memory_space<vmem>>, vector<1x16xf32>,
      %add3A_837 = arith.constant 2 : i32
      %add3A_838 = arith.addi %add3A_585, %add3A_837 : i32
      %get3A_839 = arith.index_cast %add3A_838 : i32 to index
      %get3A_840 = arith.constant 32 : index
      %get3A_841 = tpu.vector_load %arg8[%get3A_839, %get3A_840] {strides = array<i32>} : memref<256x128xf32, #tpu.memory_space<vmem>>, vector<1x16xf32>,
      %get3A_842 = vector.shape_cast %get3A_841 : vector<1x16xf32> to vector<16xf32>
      %add3A_843 = arith.addf %get3A_842, %get3A_262 : vector<16xf32>
      %add3A_844 = arith.constant 2 : i32
      %add3A_845 = arith.addi %add3A_585, %add3A_844 : i32
      %swap3A_846 = arith.index_cast %add3A_845 : i32 to index
      %swap3A_847 = arith.constant 32 : index
      %swap3A_848 = tpu.vector_load %arg8[%swap3A_846, %swap3A_847] {strides = array<i32>} : memref<256x128xf32, #tpu.memory_space<vmem>>, vector<1x16xf32>,
      %swap3A_849 = vector.shape_cast %swap3A_848 : vector<1x16xf32> to vector<16xf32>
      %swap3A_850 = vector.shape_cast %add3A_843 : vector<16xf32> to vector<1x16xf32>
      tpu.vector_store %arg8[%swap3A_846, %swap3A_847], %swap3A_850 {strides = array<i32>} : memref<256x128xf32, #tpu.memory_space<vmem>>, vector<1x16xf32>,
      %add3A_851 = arith.constant 2 : i32
      %add3A_852 = arith.addi %add3A_585, %add3A_851 : i32
      %get3A_853 = arith.index_cast %add3A_852 : i32 to index
      %get3A_854 = arith.constant 48 : index
      %get3A_855 = tpu.vector_load %arg8[%get3A_853, %get3A_854] {strides = array<i32>} : memref<256x128xf32, #tpu.memory_space<vmem>>, vector<1x16xf32>,
      %get3A_856 = vector.shape_cast %get3A_855 : vector<1x16xf32> to vector<16xf32>
      %add3A_857 = arith.addf %get3A_856, %get3A_266 : vector<16xf32>
      %add3A_858 = arith.constant 2 : i32
      %add3A_859 = arith.addi %add3A_585, %add3A_858 : i32
      %swap3A_860 = arith.index_cast %add3A_859 : i32 to index
      %swap3A_861 = arith.constant 48 : index
      %swap3A_862 = tpu.vector_load %arg8[%swap3A_860, %swap3A_861] {strides = array<i32>} : memref<256x128xf32, #tpu.memory_space<vmem>>, vector<1x16xf32>,
      %swap3A_863 = vector.shape_cast %swap3A_862 : vector<1x16xf32> to vector<16xf32>
      %swap3A_864 = vector.shape_cast %add3A_857 : vector<16xf32> to vector<1x16xf32>
      tpu.vector_store %arg8[%swap3A_860, %swap3A_861], %swap3A_864 {strides = array<i32>} : memref<256x128xf32, #tpu.memory_space<vmem>>, vector<1x16xf32>,
      %add3A_865 = arith.constant 2 : i32
      %add3A_866 = arith.addi %add3A_585, %add3A_865 : i32
      %get3A_867 = arith.index_cast %add3A_866 : i32 to index
      %get3A_868 = arith.constant 64 : index
      %get3A_869 = tpu.vector_load %arg8[%get3A_867, %get3A_868] {strides = array<i32>} : memref<256x128xf32, #tpu.memory_space<vmem>>, vector<1x16xf32>,
      %get3A_870 = vector.shape_cast %get3A_869 : vector<1x16xf32> to vector<16xf32>
      %add3A_871 = arith.addf %get3A_870, %get3A_270 : vector<16xf32>
      %add3A_872 = arith.constant 2 : i32
      %add3A_873 = arith.addi %add3A_585, %add3A_872 : i32
      %swap3A_874 = arith.index_cast %add3A_873 : i32 to index
      %swap3A_875 = arith.constant 64 : index
      %swap3A_876 = tpu.vector_load %arg8[%swap3A_874, %swap3A_875] {strides = array<i32>} : memref<256x128xf32, #tpu.memory_space<vmem>>, vector<1x16xf32>,
      %swap3A_877 = vector.shape_cast %swap3A_876 : vector<1x16xf32> to vector<16xf32>
      %swap3A_878 = vector.shape_cast %add3A_871 : vector<16xf32> to vector<1x16xf32>
      tpu.vector_store %arg8[%swap3A_874, %swap3A_875], %swap3A_878 {strides = array<i32>} : memref<256x128xf32, #tpu.memory_space<vmem>>, vector<1x16xf32>,
      %add3A_879 = arith.constant 2 : i32
      %add3A_880 = arith.addi %add3A_585, %add3A_879 : i32
      %get3A_881 = arith.index_cast %add3A_880 : i32 to index
      %get3A_882 = arith.constant 80 : index
      %get3A_883 = tpu.vector_load %arg8[%get3A_881, %get3A_882] {strides = array<i32>} : memref<256x128xf32, #tpu.memory_space<vmem>>, vector<1x16xf32>,
      %get3A_884 = vector.shape_cast %get3A_883 : vector<1x16xf32> to vector<16xf32>
      %add3A_885 = arith.addf %get3A_884, %get3A_274 : vector<16xf32>
      %add3A_886 = arith.constant 2 : i32
      %add3A_887 = arith.addi %add3A_585, %add3A_886 : i32
      %swap3A_888 = arith.index_cast %add3A_887 : i32 to index
      %swap3A_889 = arith.constant 80 : index
      %swap3A_890 = tpu.vector_load %arg8[%swap3A_888, %swap3A_889] {strides = array<i32>} : memref<256x128xf32, #tpu.memory_space<vmem>>, vector<1x16xf32>,
      %swap3A_891 = vector.shape_cast %swap3A_890 : vector<1x16xf32> to vector<16xf32>
      %swap3A_892 = vector.shape_cast %add3A_885 : vector<16xf32> to vector<1x16xf32>
      tpu.vector_store %arg8[%swap3A_888, %swap3A_889], %swap3A_892 {strides = array<i32>} : memref<256x128xf32, #tpu.memory_space<vmem>>, vector<1x16xf32>,
      %add3A_893 = arith.constant 2 : i32
      %add3A_894 = arith.addi %add3A_585, %add3A_893 : i32
      %get3A_895 = arith.index_cast %add3A_894 : i32 to index
      %get3A_896 = arith.constant 96 : index
      %get3A_897 = tpu.vector_load %arg8[%get3A_895, %get3A_896] {strides = array<i32>} : memref<256x128xf32, #tpu.memory_space<vmem>>, vector<1x16xf32>,
      %get3A_898 = vector.shape_cast %get3A_897 : vector<1x16xf32> to vector<16xf32>
      %add3A_899 = arith.addf %get3A_898, %get3A_278 : vector<16xf32>
      %add3A_900 = arith.constant 2 : i32
      %add3A_901 = arith.addi %add3A_585, %add3A_900 : i32
      %swap3A_902 = arith.index_cast %add3A_901 : i32 to index
      %swap3A_903 = arith.constant 96 : index
      %swap3A_904 = tpu.vector_load %arg8[%swap3A_902, %swap3A_903] {strides = array<i32>} : memref<256x128xf32, #tpu.memory_space<vmem>>, vector<1x16xf32>,
      %swap3A_905 = vector.shape_cast %swap3A_904 : vector<1x16xf32> to vector<16xf32>
      %swap3A_906 = vector.shape_cast %add3A_899 : vector<16xf32> to vector<1x16xf32>
      tpu.vector_store %arg8[%swap3A_902, %swap3A_903], %swap3A_906 {strides = array<i32>} : memref<256x128xf32, #tpu.memory_space<vmem>>, vector<1x16xf32>,
      %add3A_907 = arith.constant 2 : i32
      %add3A_908 = arith.addi %add3A_585, %add3A_907 : i32
      %get3A_909 = arith.index_cast %add3A_908 : i32 to index
      %get3A_910 = arith.constant 112 : index
      %get3A_911 = tpu.vector_load %arg8[%get3A_909, %get3A_910] {strides = array<i32>} : memref<256x128xf32, #tpu.memory_space<vmem>>, vector<1x16xf32>,
      %get3A_912 = vector.shape_cast %get3A_911 : vector<1x16xf32> to vector<16xf32>
      %add3A_913 = arith.addf %get3A_912, %get3A_282 : vector<16xf32>
      %add3A_914 = arith.constant 2 : i32
      %add3A_915 = arith.addi %add3A_585, %add3A_914 : i32
      %swap3A_916 = arith.index_cast %add3A_915 : i32 to index
      %swap3A_917 = arith.constant 112 : index
      %swap3A_918 = tpu.vector_load %arg8[%swap3A_916, %swap3A_917] {strides = array<i32>} : memref<256x128xf32, #tpu.memory_space<vmem>>, vector<1x16xf32>,
      %swap3A_919 = vector.shape_cast %swap3A_918 : vector<1x16xf32> to vector<16xf32>
      %swap3A_920 = vector.shape_cast %add3A_913 : vector<16xf32> to vector<1x16xf32>
      tpu.vector_store %arg8[%swap3A_916, %swap3A_917], %swap3A_920 {strides = array<i32>} : memref<256x128xf32, #tpu.memory_space<vmem>>, vector<1x16xf32>,
      %add3A_921 = arith.constant 3 : i32
      %add3A_922 = arith.addi %add3A_585, %add3A_921 : i32
      %get3A_923 = arith.index_cast %add3A_922 : i32 to index
      %get3A_924 = arith.constant 0 : index
      %get3A_925 = tpu.vector_load %arg8[%get3A_923, %get3A_924] {strides = array<i32>} : memref<256x128xf32, #tpu.memory_space<vmem>>, vector<1x16xf32>,
      %get3A_926 = vector.shape_cast %get3A_925 : vector<1x16xf32> to vector<16xf32>
      %add3A_927 = arith.addf %get3A_926, %get3A_254 : vector<16xf32>
      %add3A_928 = arith.constant 3 : i32
      %add3A_929 = arith.addi %add3A_585, %add3A_928 : i32
      %swap3A_930 = arith.index_cast %add3A_929 : i32 to index
      %swap3A_931 = arith.constant 0 : index
      %swap3A_932 = tpu.vector_load %arg8[%swap3A_930, %swap3A_931] {strides = array<i32>} : memref<256x128xf32, #tpu.memory_space<vmem>>, vector<1x16xf32>,
      %swap3A_933 = vector.shape_cast %swap3A_932 : vector<1x16xf32> to vector<16xf32>
      %swap3A_934 = vector.shape_cast %add3A_927 : vector<16xf32> to vector<1x16xf32>
      tpu.vector_store %arg8[%swap3A_930, %swap3A_931], %swap3A_934 {strides = array<i32>} : memref<256x128xf32, #tpu.memory_space<vmem>>, vector<1x16xf32>,
      %add3A_935 = arith.constant 3 : i32
      %add3A_936 = arith.addi %add3A_585, %add3A_935 : i32
      %get3A_937 = arith.index_cast %add3A_936 : i32 to index
      %get3A_938 = arith.constant 16 : index
      %get3A_939 = tpu.vector_load %arg8[%get3A_937, %get3A_938] {strides = array<i32>} : memref<256x128xf32, #tpu.memory_space<vmem>>, vector<1x16xf32>,
      %get3A_940 = vector.shape_cast %get3A_939 : vector<1x16xf32> to vector<16xf32>
      %add3A_941 = arith.addf %get3A_940, %get3A_258 : vector<16xf32>
      %add3A_942 = arith.constant 3 : i32
      %add3A_943 = arith.addi %add3A_585, %add3A_942 : i32
      %swap3A_944 = arith.index_cast %add3A_943 : i32 to index
      %swap3A_945 = arith.constant 16 : index
      %swap3A_946 = tpu.vector_load %arg8[%swap3A_944, %swap3A_945] {strides = array<i32>} : memref<256x128xf32, #tpu.memory_space<vmem>>, vector<1x16xf32>,
      %swap3A_947 = vector.shape_cast %swap3A_946 : vector<1x16xf32> to vector<16xf32>
      %swap3A_948 = vector.shape_cast %add3A_941 : vector<16xf32> to vector<1x16xf32>
      tpu.vector_store %arg8[%swap3A_944, %swap3A_945], %swap3A_948 {strides = array<i32>} : memref<256x128xf32, #tpu.memory_space<vmem>>, vector<1x16xf32>,
      %add3A_949 = arith.constant 3 : i32
      %add3A_950 = arith.addi %add3A_585, %add3A_949 : i32
      %get3A_951 = arith.index_cast %add3A_950 : i32 to index
      %get3A_952 = arith.constant 32 : index
      %get3A_953 = tpu.vector_load %arg8[%get3A_951, %get3A_952] {strides = array<i32>} : memref<256x128xf32, #tpu.memory_space<vmem>>, vector<1x16xf32>,
      %get3A_954 = vector.shape_cast %get3A_953 : vector<1x16xf32> to vector<16xf32>
      %add3A_955 = arith.addf %get3A_954, %get3A_262 : vector<16xf32>
      %add3A_956 = arith.constant 3 : i32
      %add3A_957 = arith.addi %add3A_585, %add3A_956 : i32
      %swap3A_958 = arith.index_cast %add3A_957 : i32 to index
      %swap3A_959 = arith.constant 32 : index
      %swap3A_960 = tpu.vector_load %arg8[%swap3A_958, %swap3A_959] {strides = array<i32>} : memref<256x128xf32, #tpu.memory_space<vmem>>, vector<1x16xf32>,
      %swap3A_961 = vector.shape_cast %swap3A_960 : vector<1x16xf32> to vector<16xf32>
      %swap3A_962 = vector.shape_cast %add3A_955 : vector<16xf32> to vector<1x16xf32>
      tpu.vector_store %arg8[%swap3A_958, %swap3A_959], %swap3A_962 {strides = array<i32>} : memref<256x128xf32, #tpu.memory_space<vmem>>, vector<1x16xf32>,
      %add3A_963 = arith.constant 3 : i32
      %add3A_964 = arith.addi %add3A_585, %add3A_963 : i32
      %get3A_965 = arith.index_cast %add3A_964 : i32 to index
      %get3A_966 = arith.constant 48 : index
      %get3A_967 = tpu.vector_load %arg8[%get3A_965, %get3A_966] {strides = array<i32>} : memref<256x128xf32, #tpu.memory_space<vmem>>, vector<1x16xf32>,
      %get3A_968 = vector.shape_cast %get3A_967 : vector<1x16xf32> to vector<16xf32>
      %add3A_969 = arith.addf %get3A_968, %get3A_266 : vector<16xf32>
      %add3A_970 = arith.constant 3 : i32
      %add3A_971 = arith.addi %add3A_585, %add3A_970 : i32
      %swap3A_972 = arith.index_cast %add3A_971 : i32 to index
      %swap3A_973 = arith.constant 48 : index
      %swap3A_974 = tpu.vector_load %arg8[%swap3A_972, %swap3A_973] {strides = array<i32>} : memref<256x128xf32, #tpu.memory_space<vmem>>, vector<1x16xf32>,
      %swap3A_975 = vector.shape_cast %swap3A_974 : vector<1x16xf32> to vector<16xf32>
      %swap3A_976 = vector.shape_cast %add3A_969 : vector<16xf32> to vector<1x16xf32>
      tpu.vector_store %arg8[%swap3A_972, %swap3A_973], %swap3A_976 {strides = array<i32>} : memref<256x128xf32, #tpu.memory_space<vmem>>, vector<1x16xf32>,
      %add3A_977 = arith.constant 3 : i32
      %add3A_978 = arith.addi %add3A_585, %add3A_977 : i32
      %get3A_979 = arith.index_cast %add3A_978 : i32 to index
      %get3A_980 = arith.constant 64 : index
      %get3A_981 = tpu.vector_load %arg8[%get3A_979, %get3A_980] {strides = array<i32>} : memref<256x128xf32, #tpu.memory_space<vmem>>, vector<1x16xf32>,
      %get3A_982 = vector.shape_cast %get3A_981 : vector<1x16xf32> to vector<16xf32>
      %add3A_983 = arith.addf %get3A_982, %get3A_270 : vector<16xf32>
      %add3A_984 = arith.constant 3 : i32
      %add3A_985 = arith.addi %add3A_585, %add3A_984 : i32
      %swap3A_986 = arith.index_cast %add3A_985 : i32 to index
      %swap3A_987 = arith.constant 64 : index
      %swap3A_988 = tpu.vector_load %arg8[%swap3A_986, %swap3A_987] {strides = array<i32>} : memref<256x128xf32, #tpu.memory_space<vmem>>, vector<1x16xf32>,
      %swap3A_989 = vector.shape_cast %swap3A_988 : vector<1x16xf32> to vector<16xf32>
      %swap3A_990 = vector.shape_cast %add3A_983 : vector<16xf32> to vector<1x16xf32>
      tpu.vector_store %arg8[%swap3A_986, %swap3A_987], %swap3A_990 {strides = array<i32>} : memref<256x128xf32, #tpu.memory_space<vmem>>, vector<1x16xf32>,
      %add3A_991 = arith.constant 3 : i32
      %add3A_992 = arith.addi %add3A_585, %add3A_991 : i32
      %get3A_993 = arith.index_cast %add3A_992 : i32 to index
      %get3A_994 = arith.constant 80 : index
      %get3A_995 = tpu.vector_load %arg8[%get3A_993, %get3A_994] {strides = array<i32>} : memref<256x128xf32, #tpu.memory_space<vmem>>, vector<1x16xf32>,
      %get3A_996 = vector.shape_cast %get3A_995 : vector<1x16xf32> to vector<16xf32>
      %add3A_997 = arith.addf %get3A_996, %get3A_274 : vector<16xf32>
      %add3A_998 = arith.constant 3 : i32
      %add3A_999 = arith.addi %add3A_585, %add3A_998 : i32
      %swap3A_1000 = arith.index_cast %add3A_999 : i32 to index
      %swap3A_1001 = arith.constant 80 : index
      %swap3A_1002 = tpu.vector_load %arg8[%swap3A_1000, %swap3A_1001] {strides = array<i32>} : memref<256x128xf32, #tpu.memory_space<vmem>>, vector<1x16xf32>,
      %swap3A_1003 = vector.shape_cast %swap3A_1002 : vector<1x16xf32> to vector<16xf32>
      %swap3A_1004 = vector.shape_cast %add3A_997 : vector<16xf32> to vector<1x16xf32>
      tpu.vector_store %arg8[%swap3A_1000, %swap3A_1001], %swap3A_1004 {strides = array<i32>} : memref<256x128xf32, #tpu.memory_space<vmem>>, vector<1x16xf32>,
      %add3A_1005 = arith.constant 3 : i32
      %add3A_1006 = arith.addi %add3A_585, %add3A_1005 : i32
      %get3A_1007 = arith.index_cast %add3A_1006 : i32 to index
      %get3A_1008 = arith.constant 96 : index
      %get3A_1009 = tpu.vector_load %arg8[%get3A_1007, %get3A_1008] {strides = array<i32>} : memref<256x128xf32, #tpu.memory_space<vmem>>, vector<1x16xf32>,
      %get3A_1010 = vector.shape_cast %get3A_1009 : vector<1x16xf32> to vector<16xf32>
      %add3A_1011 = arith.addf %get3A_1010, %get3A_278 : vector<16xf32>
      %add3A_1012 = arith.constant 3 : i32
      %add3A_1013 = arith.addi %add3A_585, %add3A_1012 : i32
      %swap3A_1014 = arith.index_cast %add3A_1013 : i32 to index
      %swap3A_1015 = arith.constant 96 : index
      %swap3A_1016 = tpu.vector_load %arg8[%swap3A_1014, %swap3A_1015] {strides = array<i32>} : memref<256x128xf32, #tpu.memory_space<vmem>>, vector<1x16xf32>,
      %swap3A_1017 = vector.shape_cast %swap3A_1016 : vector<1x16xf32> to vector<16xf32>
      %swap3A_1018 = vector.shape_cast %add3A_1011 : vector<16xf32> to vector<1x16xf32>
      tpu.vector_store %arg8[%swap3A_1014, %swap3A_1015], %swap3A_1018 {strides = array<i32>} : memref<256x128xf32, #tpu.memory_space<vmem>>, vector<1x16xf32>,
      %add3A_1019 = arith.constant 3 : i32
      %add3A_1020 = arith.addi %add3A_585, %add3A_1019 : i32
      %get3A_1021 = arith.index_cast %add3A_1020 : i32 to index
      %get3A_1022 = arith.constant 112 : index
      %get3A_1023 = tpu.vector_load %arg8[%get3A_1021, %get3A_1022] {strides = array<i32>} : memref<256x128xf32, #tpu.memory_space<vmem>>, vector<1x16xf32>,
      %get3A_1024 = vector.shape_cast %get3A_1023 : vector<1x16xf32> to vector<16xf32>
      %add3A_1025 = arith.addf %get3A_1024, %get3A_282 : vector<16xf32>
      %add3A_1026 = arith.constant 3 : i32
      %add3A_1027 = arith.addi %add3A_585, %add3A_1026 : i32
      %swap3A_1028 = arith.index_cast %add3A_1027 : i32 to index
      %swap3A_1029 = arith.constant 112 : index
      %swap3A_1030 = tpu.vector_load %arg8[%swap3A_1028, %swap3A_1029] {strides = array<i32>} : memref<256x128xf32, #tpu.memory_space<vmem>>, vector<1x16xf32>,
      %swap3A_1031 = vector.shape_cast %swap3A_1030 : vector<1x16xf32> to vector<16xf32>
      %swap3A_1032 = vector.shape_cast %add3A_1025 : vector<16xf32> to vector<1x16xf32>
      tpu.vector_store %arg8[%swap3A_1028, %swap3A_1029], %swap3A_1032 {strides = array<i32>} : memref<256x128xf32, #tpu.memory_space<vmem>>, vector<1x16xf32>,
    }
    %scan3A_288 = arith.constant 32 : i32
    %add3A_289 = arith.constant 21632 : i32
    %add3A_290 = arith.addi %mul3A_2, %add3A_289 : i32
    %jit3A_291 = arith.constant 16384 : i32
    %div3A_292 = arith.divsi %add3A_290, %jit3A_291 : i32
    %sign3A_293 = arith.constant 0 : i32
    %sign3A_294 = arith.cmpi sgt, %add3A_290, %sign3A_293 : i32
    %sign3A_295 = arith.extui %sign3A_294 : i1 to i32
    %sign3A_296 = arith.constant 0 : i32
    %sign3A_297 = arith.cmpi slt, %add3A_290, %sign3A_296 : i32
    %sign3A_298 = arith.extui %sign3A_297 : i1 to i32
    %sign3A_299 = arith.subi %sign3A_295, %sign3A_298 : i32
    %sign3A_300 = arith.constant 0 : i32
    %sign3A_301 = arith.cmpi sgt, %jit3A_291, %sign3A_300 : i32
    %sign3A_302 = arith.extui %sign3A_301 : i1 to i32
    %sign3A_303 = arith.constant 0 : i32
    %sign3A_304 = arith.cmpi slt, %jit3A_291, %sign3A_303 : i32
    %sign3A_305 = arith.extui %sign3A_304 : i1 to i32
    %sign3A_306 = arith.subi %sign3A_302, %sign3A_305 : i32
    %ne3A_307 = arith.cmpi ne, %sign3A_299, %sign3A_306 : i32
    %rem3A_308 = arith.remsi %add3A_290, %jit3A_291 : i32
    %ne3A_309 = arith.constant 0 : i32
    %ne3A_310 = arith.cmpi ne, %rem3A_308, %ne3A_309 : i32
    %and3A_311 = arith.andi %ne3A_307, %ne3A_310 : i1
    %sub3A_312 = arith.constant 1 : i32
    %sub3A_313 = arith.subi %div3A_292, %sub3A_312 : i32
    %select_n3A_314 = arith.select %and3A_311, %sub3A_313, %div3A_292 : i32
    %get3A_315 = arith.index_cast %select_n3A_314 : i32 to index
    %get3A_316 = arith.constant 0 : index
    %get3A_317 = tpu.vector_load %arg7[%get3A_315, %get3A_316] {strides = array<i32>} : memref<43x128xf32, #tpu.memory_space<vmem>>, vector<1x16xf32>,
    %get3A_318 = vector.shape_cast %get3A_317 : vector<1x16xf32> to vector<16xf32>
    %get3A_319 = arith.index_cast %select_n3A_314 : i32 to index
    %get3A_320 = arith.constant 16 : index
    %get3A_321 = tpu.vector_load %arg7[%get3A_319, %get3A_320] {strides = array<i32>} : memref<43x128xf32, #tpu.memory_space<vmem>>, vector<1x16xf32>,
    %get3A_322 = vector.shape_cast %get3A_321 : vector<1x16xf32> to vector<16xf32>
    %get3A_323 = arith.index_cast %select_n3A_314 : i32 to index
    %get3A_324 = arith.constant 32 : index
    %get3A_325 = tpu.vector_load %arg7[%get3A_323, %get3A_324] {strides = array<i32>} : memref<43x128xf32, #tpu.memory_space<vmem>>, vector<1x16xf32>,
    %get3A_326 = vector.shape_cast %get3A_325 : vector<1x16xf32> to vector<16xf32>
    %get3A_327 = arith.index_cast %select_n3A_314 : i32 to index
    %get3A_328 = arith.constant 48 : index
    %get3A_329 = tpu.vector_load %arg7[%get3A_327, %get3A_328] {strides = array<i32>} : memref<43x128xf32, #tpu.memory_space<vmem>>, vector<1x16xf32>,
    %get3A_330 = vector.shape_cast %get3A_329 : vector<1x16xf32> to vector<16xf32>
    %get3A_331 = arith.index_cast %select_n3A_314 : i32 to index
    %get3A_332 = arith.constant 64 : index
    %get3A_333 = tpu.vector_load %arg7[%get3A_331, %get3A_332] {strides = array<i32>} : memref<43x128xf32, #tpu.memory_space<vmem>>, vector<1x16xf32>,
    %get3A_334 = vector.shape_cast %get3A_333 : vector<1x16xf32> to vector<16xf32>
    %get3A_335 = arith.index_cast %select_n3A_314 : i32 to index
    %get3A_336 = arith.constant 80 : index
    %get3A_337 = tpu.vector_load %arg7[%get3A_335, %get3A_336] {strides = array<i32>} : memref<43x128xf32, #tpu.memory_space<vmem>>, vector<1x16xf32>,
    %get3A_338 = vector.shape_cast %get3A_337 : vector<1x16xf32> to vector<16xf32>
    %get3A_339 = arith.index_cast %select_n3A_314 : i32 to index
    %get3A_340 = arith.constant 96 : index
    %get3A_341 = tpu.vector_load %arg7[%get3A_339, %get3A_340] {strides = array<i32>} : memref<43x128xf32, #tpu.memory_space<vmem>>, vector<1x16xf32>,
    %get3A_342 = vector.shape_cast %get3A_341 : vector<1x16xf32> to vector<16xf32>
    %get3A_343 = arith.index_cast %select_n3A_314 : i32 to index
    %get3A_344 = arith.constant 112 : index
    %get3A_345 = tpu.vector_load %arg7[%get3A_343, %get3A_344] {strides = array<i32>} : memref<43x128xf32, #tpu.memory_space<vmem>>, vector<1x16xf32>,
    %get3A_346 = vector.shape_cast %get3A_345 : vector<1x16xf32> to vector<16xf32>
    %scan3A_347 = arith.constant 0 : i32
    %scan3A_348 = arith.constant 0 : i32
    %scan3A_349 = arith.constant 32 : i32
    %scan3A_350 = arith.addi %scan3A_348, %scan3A_349 : i32
    %scan3A_351 = arith.constant 1 : i32
    scf.for %scan3A_581 = %scan3A_348 to %scan3A_350 step %scan3A_351  : i32 {
      %mul3A_582 = arith.constant 4 : i32
      %mul3A_583 = arith.muli %mul3A_582, %scan3A_581 : i32
      %add3A_584 = arith.constant 128 : i32
      %add3A_585 = arith.addi %add3A_584, %mul3A_583 : i32
      %add3A_586 = arith.constant 0 : i32
      %add3A_587 = arith.addi %add3A_585, %add3A_586 : i32
      %get3A_588 = arith.index_cast %add3A_587 : i32 to index
      %get3A_589 = arith.constant 0 : index
      %get3A_590 = tpu.vector_load %arg8[%get3A_588, %get3A_589] {strides = array<i32>} : memref<256x128xf32, #tpu.memory_space<vmem>>, vector<1x16xf32>,
      %get3A_591 = vector.shape_cast %get3A_590 : vector<1x16xf32> to vector<16xf32>
      %add3A_592 = arith.addf %get3A_591, %get3A_318 : vector<16xf32>
      %add3A_593 = arith.constant 0 : i32
      %add3A_594 = arith.addi %add3A_585, %add3A_593 : i32
      %swap3A = arith.index_cast %add3A_594 : i32 to index
      %swap3A_595 = arith.constant 0 : index
      %swap3A_596 = tpu.vector_load %arg8[%swap3A, %swap3A_595] {strides = array<i32>} : memref<256x128xf32, #tpu.memory_space<vmem>>, vector<1x16xf32>,
      %swap3A_597 = vector.shape_cast %swap3A_596 : vector<1x16xf32> to vector<16xf32>
      %swap3A_598 = vector.shape_cast %add3A_592 : vector<16xf32> to vector<1x16xf32>
      tpu.vector_store %arg8[%swap3A, %swap3A_595], %swap3A_598 {strides = array<i32>} : memref<256x128xf32, #tpu.memory_space<vmem>>, vector<1x16xf32>,
      %add3A_599 = arith.constant 0 : i32
      %add3A_600 = arith.addi %add3A_585, %add3A_599 : i32
      %get3A_601 = arith.index_cast %add3A_600 : i32 to index
      %get3A_602 = arith.constant 16 : index
      %get3A_603 = tpu.vector_load %arg8[%get3A_601, %get3A_602] {strides = array<i32>} : memref<256x128xf32, #tpu.memory_space<vmem>>, vector<1x16xf32>,
      %get3A_604 = vector.shape_cast %get3A_603 : vector<1x16xf32> to vector<16xf32>
      %add3A_605 = arith.addf %get3A_604, %get3A_322 : vector<16xf32>
      %add3A_606 = arith.constant 0 : i32
      %add3A_607 = arith.addi %add3A_585, %add3A_606 : i32
      %swap3A_608 = arith.index_cast %add3A_607 : i32 to index
      %swap3A_609 = arith.constant 16 : index
      %swap3A_610 = tpu.vector_load %arg8[%swap3A_608, %swap3A_609] {strides = array<i32>} : memref<256x128xf32, #tpu.memory_space<vmem>>, vector<1x16xf32>,
      %swap3A_611 = vector.shape_cast %swap3A_610 : vector<1x16xf32> to vector<16xf32>
      %swap3A_612 = vector.shape_cast %add3A_605 : vector<16xf32> to vector<1x16xf32>
      tpu.vector_store %arg8[%swap3A_608, %swap3A_609], %swap3A_612 {strides = array<i32>} : memref<256x128xf32, #tpu.memory_space<vmem>>, vector<1x16xf32>,
      %add3A_613 = arith.constant 0 : i32
      %add3A_614 = arith.addi %add3A_585, %add3A_613 : i32
      %get3A_615 = arith.index_cast %add3A_614 : i32 to index
      %get3A_616 = arith.constant 32 : index
      %get3A_617 = tpu.vector_load %arg8[%get3A_615, %get3A_616] {strides = array<i32>} : memref<256x128xf32, #tpu.memory_space<vmem>>, vector<1x16xf32>,
      %get3A_618 = vector.shape_cast %get3A_617 : vector<1x16xf32> to vector<16xf32>
      %add3A_619 = arith.addf %get3A_618, %get3A_326 : vector<16xf32>
      %add3A_620 = arith.constant 0 : i32
      %add3A_621 = arith.addi %add3A_585, %add3A_620 : i32
      %swap3A_622 = arith.index_cast %add3A_621 : i32 to index
      %swap3A_623 = arith.constant 32 : index
      %swap3A_624 = tpu.vector_load %arg8[%swap3A_622, %swap3A_623] {strides = array<i32>} : memref<256x128xf32, #tpu.memory_space<vmem>>, vector<1x16xf32>,
      %swap3A_625 = vector.shape_cast %swap3A_624 : vector<1x16xf32> to vector<16xf32>
      %swap3A_626 = vector.shape_cast %add3A_619 : vector<16xf32> to vector<1x16xf32>
      tpu.vector_store %arg8[%swap3A_622, %swap3A_623], %swap3A_626 {strides = array<i32>} : memref<256x128xf32, #tpu.memory_space<vmem>>, vector<1x16xf32>,
      %add3A_627 = arith.constant 0 : i32
      %add3A_628 = arith.addi %add3A_585, %add3A_627 : i32
      %get3A_629 = arith.index_cast %add3A_628 : i32 to index
      %get3A_630 = arith.constant 48 : index
      %get3A_631 = tpu.vector_load %arg8[%get3A_629, %get3A_630] {strides = array<i32>} : memref<256x128xf32, #tpu.memory_space<vmem>>, vector<1x16xf32>,
      %get3A_632 = vector.shape_cast %get3A_631 : vector<1x16xf32> to vector<16xf32>
      %add3A_633 = arith.addf %get3A_632, %get3A_330 : vector<16xf32>
      %add3A_634 = arith.constant 0 : i32
      %add3A_635 = arith.addi %add3A_585, %add3A_634 : i32
      %swap3A_636 = arith.index_cast %add3A_635 : i32 to index
      %swap3A_637 = arith.constant 48 : index
      %swap3A_638 = tpu.vector_load %arg8[%swap3A_636, %swap3A_637] {strides = array<i32>} : memref<256x128xf32, #tpu.memory_space<vmem>>, vector<1x16xf32>,
      %swap3A_639 = vector.shape_cast %swap3A_638 : vector<1x16xf32> to vector<16xf32>
      %swap3A_640 = vector.shape_cast %add3A_633 : vector<16xf32> to vector<1x16xf32>
      tpu.vector_store %arg8[%swap3A_636, %swap3A_637], %swap3A_640 {strides = array<i32>} : memref<256x128xf32, #tpu.memory_space<vmem>>, vector<1x16xf32>,
      %add3A_641 = arith.constant 0 : i32
      %add3A_642 = arith.addi %add3A_585, %add3A_641 : i32
      %get3A_643 = arith.index_cast %add3A_642 : i32 to index
      %get3A_644 = arith.constant 64 : index
      %get3A_645 = tpu.vector_load %arg8[%get3A_643, %get3A_644] {strides = array<i32>} : memref<256x128xf32, #tpu.memory_space<vmem>>, vector<1x16xf32>,
      %get3A_646 = vector.shape_cast %get3A_645 : vector<1x16xf32> to vector<16xf32>
      %add3A_647 = arith.addf %get3A_646, %get3A_334 : vector<16xf32>
      %add3A_648 = arith.constant 0 : i32
      %add3A_649 = arith.addi %add3A_585, %add3A_648 : i32
      %swap3A_650 = arith.index_cast %add3A_649 : i32 to index
      %swap3A_651 = arith.constant 64 : index
      %swap3A_652 = tpu.vector_load %arg8[%swap3A_650, %swap3A_651] {strides = array<i32>} : memref<256x128xf32, #tpu.memory_space<vmem>>, vector<1x16xf32>,
      %swap3A_653 = vector.shape_cast %swap3A_652 : vector<1x16xf32> to vector<16xf32>
      %swap3A_654 = vector.shape_cast %add3A_647 : vector<16xf32> to vector<1x16xf32>
      tpu.vector_store %arg8[%swap3A_650, %swap3A_651], %swap3A_654 {strides = array<i32>} : memref<256x128xf32, #tpu.memory_space<vmem>>, vector<1x16xf32>,
      %add3A_655 = arith.constant 0 : i32
      %add3A_656 = arith.addi %add3A_585, %add3A_655 : i32
      %get3A_657 = arith.index_cast %add3A_656 : i32 to index
      %get3A_658 = arith.constant 80 : index
      %get3A_659 = tpu.vector_load %arg8[%get3A_657, %get3A_658] {strides = array<i32>} : memref<256x128xf32, #tpu.memory_space<vmem>>, vector<1x16xf32>,
      %get3A_660 = vector.shape_cast %get3A_659 : vector<1x16xf32> to vector<16xf32>
      %add3A_661 = arith.addf %get3A_660, %get3A_338 : vector<16xf32>
      %add3A_662 = arith.constant 0 : i32
      %add3A_663 = arith.addi %add3A_585, %add3A_662 : i32
      %swap3A_664 = arith.index_cast %add3A_663 : i32 to index
      %swap3A_665 = arith.constant 80 : index
      %swap3A_666 = tpu.vector_load %arg8[%swap3A_664, %swap3A_665] {strides = array<i32>} : memref<256x128xf32, #tpu.memory_space<vmem>>, vector<1x16xf32>,
      %swap3A_667 = vector.shape_cast %swap3A_666 : vector<1x16xf32> to vector<16xf32>
      %swap3A_668 = vector.shape_cast %add3A_661 : vector<16xf32> to vector<1x16xf32>
      tpu.vector_store %arg8[%swap3A_664, %swap3A_665], %swap3A_668 {strides = array<i32>} : memref<256x128xf32, #tpu.memory_space<vmem>>, vector<1x16xf32>,
      %add3A_669 = arith.constant 0 : i32
      %add3A_670 = arith.addi %add3A_585, %add3A_669 : i32
      %get3A_671 = arith.index_cast %add3A_670 : i32 to index
      %get3A_672 = arith.constant 96 : index
      %get3A_673 = tpu.vector_load %arg8[%get3A_671, %get3A_672] {strides = array<i32>} : memref<256x128xf32, #tpu.memory_space<vmem>>, vector<1x16xf32>,
      %get3A_674 = vector.shape_cast %get3A_673 : vector<1x16xf32> to vector<16xf32>
      %add3A_675 = arith.addf %get3A_674, %get3A_342 : vector<16xf32>
      %add3A_676 = arith.constant 0 : i32
      %add3A_677 = arith.addi %add3A_585, %add3A_676 : i32
      %swap3A_678 = arith.index_cast %add3A_677 : i32 to index
      %swap3A_679 = arith.constant 96 : index
      %swap3A_680 = tpu.vector_load %arg8[%swap3A_678, %swap3A_679] {strides = array<i32>} : memref<256x128xf32, #tpu.memory_space<vmem>>, vector<1x16xf32>,
      %swap3A_681 = vector.shape_cast %swap3A_680 : vector<1x16xf32> to vector<16xf32>
      %swap3A_682 = vector.shape_cast %add3A_675 : vector<16xf32> to vector<1x16xf32>
      tpu.vector_store %arg8[%swap3A_678, %swap3A_679], %swap3A_682 {strides = array<i32>} : memref<256x128xf32, #tpu.memory_space<vmem>>, vector<1x16xf32>,
      %add3A_683 = arith.constant 0 : i32
      %add3A_684 = arith.addi %add3A_585, %add3A_683 : i32
      %get3A_685 = arith.index_cast %add3A_684 : i32 to index
      %get3A_686 = arith.constant 112 : index
      %get3A_687 = tpu.vector_load %arg8[%get3A_685, %get3A_686] {strides = array<i32>} : memref<256x128xf32, #tpu.memory_space<vmem>>, vector<1x16xf32>,
      %get3A_688 = vector.shape_cast %get3A_687 : vector<1x16xf32> to vector<16xf32>
      %add3A_689 = arith.addf %get3A_688, %get3A_346 : vector<16xf32>
      %add3A_690 = arith.constant 0 : i32
      %add3A_691 = arith.addi %add3A_585, %add3A_690 : i32
      %swap3A_692 = arith.index_cast %add3A_691 : i32 to index
      %swap3A_693 = arith.constant 112 : index
      %swap3A_694 = tpu.vector_load %arg8[%swap3A_692, %swap3A_693] {strides = array<i32>} : memref<256x128xf32, #tpu.memory_space<vmem>>, vector<1x16xf32>,
      %swap3A_695 = vector.shape_cast %swap3A_694 : vector<1x16xf32> to vector<16xf32>
      %swap3A_696 = vector.shape_cast %add3A_689 : vector<16xf32> to vector<1x16xf32>
      tpu.vector_store %arg8[%swap3A_692, %swap3A_693], %swap3A_696 {strides = array<i32>} : memref<256x128xf32, #tpu.memory_space<vmem>>, vector<1x16xf32>,
      %add3A_697 = arith.constant 1 : i32
      %add3A_698 = arith.addi %add3A_585, %add3A_697 : i32
      %get3A_699 = arith.index_cast %add3A_698 : i32 to index
      %get3A_700 = arith.constant 0 : index
      %get3A_701 = tpu.vector_load %arg8[%get3A_699, %get3A_700] {strides = array<i32>} : memref<256x128xf32, #tpu.memory_space<vmem>>, vector<1x16xf32>,
      %get3A_702 = vector.shape_cast %get3A_701 : vector<1x16xf32> to vector<16xf32>
      %add3A_703 = arith.addf %get3A_702, %get3A_318 : vector<16xf32>
      %add3A_704 = arith.constant 1 : i32
      %add3A_705 = arith.addi %add3A_585, %add3A_704 : i32
      %swap3A_706 = arith.index_cast %add3A_705 : i32 to index
      %swap3A_707 = arith.constant 0 : index
      %swap3A_708 = tpu.vector_load %arg8[%swap3A_706, %swap3A_707] {strides = array<i32>} : memref<256x128xf32, #tpu.memory_space<vmem>>, vector<1x16xf32>,
      %swap3A_709 = vector.shape_cast %swap3A_708 : vector<1x16xf32> to vector<16xf32>
      %swap3A_710 = vector.shape_cast %add3A_703 : vector<16xf32> to vector<1x16xf32>
      tpu.vector_store %arg8[%swap3A_706, %swap3A_707], %swap3A_710 {strides = array<i32>} : memref<256x128xf32, #tpu.memory_space<vmem>>, vector<1x16xf32>,
      %add3A_711 = arith.constant 1 : i32
      %add3A_712 = arith.addi %add3A_585, %add3A_711 : i32
      %get3A_713 = arith.index_cast %add3A_712 : i32 to index
      %get3A_714 = arith.constant 16 : index
      %get3A_715 = tpu.vector_load %arg8[%get3A_713, %get3A_714] {strides = array<i32>} : memref<256x128xf32, #tpu.memory_space<vmem>>, vector<1x16xf32>,
      %get3A_716 = vector.shape_cast %get3A_715 : vector<1x16xf32> to vector<16xf32>
      %add3A_717 = arith.addf %get3A_716, %get3A_322 : vector<16xf32>
      %add3A_718 = arith.constant 1 : i32
      %add3A_719 = arith.addi %add3A_585, %add3A_718 : i32
      %swap3A_720 = arith.index_cast %add3A_719 : i32 to index
      %swap3A_721 = arith.constant 16 : index
      %swap3A_722 = tpu.vector_load %arg8[%swap3A_720, %swap3A_721] {strides = array<i32>} : memref<256x128xf32, #tpu.memory_space<vmem>>, vector<1x16xf32>,
      %swap3A_723 = vector.shape_cast %swap3A_722 : vector<1x16xf32> to vector<16xf32>
      %swap3A_724 = vector.shape_cast %add3A_717 : vector<16xf32> to vector<1x16xf32>
      tpu.vector_store %arg8[%swap3A_720, %swap3A_721], %swap3A_724 {strides = array<i32>} : memref<256x128xf32, #tpu.memory_space<vmem>>, vector<1x16xf32>,
      %add3A_725 = arith.constant 1 : i32
      %add3A_726 = arith.addi %add3A_585, %add3A_725 : i32
      %get3A_727 = arith.index_cast %add3A_726 : i32 to index
      %get3A_728 = arith.constant 32 : index
      %get3A_729 = tpu.vector_load %arg8[%get3A_727, %get3A_728] {strides = array<i32>} : memref<256x128xf32, #tpu.memory_space<vmem>>, vector<1x16xf32>,
      %get3A_730 = vector.shape_cast %get3A_729 : vector<1x16xf32> to vector<16xf32>
      %add3A_731 = arith.addf %get3A_730, %get3A_326 : vector<16xf32>
      %add3A_732 = arith.constant 1 : i32
      %add3A_733 = arith.addi %add3A_585, %add3A_732 : i32
      %swap3A_734 = arith.index_cast %add3A_733 : i32 to index
      %swap3A_735 = arith.constant 32 : index
      %swap3A_736 = tpu.vector_load %arg8[%swap3A_734, %swap3A_735] {strides = array<i32>} : memref<256x128xf32, #tpu.memory_space<vmem>>, vector<1x16xf32>,
      %swap3A_737 = vector.shape_cast %swap3A_736 : vector<1x16xf32> to vector<16xf32>
      %swap3A_738 = vector.shape_cast %add3A_731 : vector<16xf32> to vector<1x16xf32>
      tpu.vector_store %arg8[%swap3A_734, %swap3A_735], %swap3A_738 {strides = array<i32>} : memref<256x128xf32, #tpu.memory_space<vmem>>, vector<1x16xf32>,
      %add3A_739 = arith.constant 1 : i32
      %add3A_740 = arith.addi %add3A_585, %add3A_739 : i32
      %get3A_741 = arith.index_cast %add3A_740 : i32 to index
      %get3A_742 = arith.constant 48 : index
      %get3A_743 = tpu.vector_load %arg8[%get3A_741, %get3A_742] {strides = array<i32>} : memref<256x128xf32, #tpu.memory_space<vmem>>, vector<1x16xf32>,
      %get3A_744 = vector.shape_cast %get3A_743 : vector<1x16xf32> to vector<16xf32>
      %add3A_745 = arith.addf %get3A_744, %get3A_330 : vector<16xf32>
      %add3A_746 = arith.constant 1 : i32
      %add3A_747 = arith.addi %add3A_585, %add3A_746 : i32
      %swap3A_748 = arith.index_cast %add3A_747 : i32 to index
      %swap3A_749 = arith.constant 48 : index
      %swap3A_750 = tpu.vector_load %arg8[%swap3A_748, %swap3A_749] {strides = array<i32>} : memref<256x128xf32, #tpu.memory_space<vmem>>, vector<1x16xf32>,
      %swap3A_751 = vector.shape_cast %swap3A_750 : vector<1x16xf32> to vector<16xf32>
      %swap3A_752 = vector.shape_cast %add3A_745 : vector<16xf32> to vector<1x16xf32>
      tpu.vector_store %arg8[%swap3A_748, %swap3A_749], %swap3A_752 {strides = array<i32>} : memref<256x128xf32, #tpu.memory_space<vmem>>, vector<1x16xf32>,
      %add3A_753 = arith.constant 1 : i32
      %add3A_754 = arith.addi %add3A_585, %add3A_753 : i32
      %get3A_755 = arith.index_cast %add3A_754 : i32 to index
      %get3A_756 = arith.constant 64 : index
      %get3A_757 = tpu.vector_load %arg8[%get3A_755, %get3A_756] {strides = array<i32>} : memref<256x128xf32, #tpu.memory_space<vmem>>, vector<1x16xf32>,
      %get3A_758 = vector.shape_cast %get3A_757 : vector<1x16xf32> to vector<16xf32>
      %add3A_759 = arith.addf %get3A_758, %get3A_334 : vector<16xf32>
      %add3A_760 = arith.constant 1 : i32
      %add3A_761 = arith.addi %add3A_585, %add3A_760 : i32
      %swap3A_762 = arith.index_cast %add3A_761 : i32 to index
      %swap3A_763 = arith.constant 64 : index
      %swap3A_764 = tpu.vector_load %arg8[%swap3A_762, %swap3A_763] {strides = array<i32>} : memref<256x128xf32, #tpu.memory_space<vmem>>, vector<1x16xf32>,
      %swap3A_765 = vector.shape_cast %swap3A_764 : vector<1x16xf32> to vector<16xf32>
      %swap3A_766 = vector.shape_cast %add3A_759 : vector<16xf32> to vector<1x16xf32>
      tpu.vector_store %arg8[%swap3A_762, %swap3A_763], %swap3A_766 {strides = array<i32>} : memref<256x128xf32, #tpu.memory_space<vmem>>, vector<1x16xf32>,
      %add3A_767 = arith.constant 1 : i32
      %add3A_768 = arith.addi %add3A_585, %add3A_767 : i32
      %get3A_769 = arith.index_cast %add3A_768 : i32 to index
      %get3A_770 = arith.constant 80 : index
      %get3A_771 = tpu.vector_load %arg8[%get3A_769, %get3A_770] {strides = array<i32>} : memref<256x128xf32, #tpu.memory_space<vmem>>, vector<1x16xf32>,
      %get3A_772 = vector.shape_cast %get3A_771 : vector<1x16xf32> to vector<16xf32>
      %add3A_773 = arith.addf %get3A_772, %get3A_338 : vector<16xf32>
      %add3A_774 = arith.constant 1 : i32
      %add3A_775 = arith.addi %add3A_585, %add3A_774 : i32
      %swap3A_776 = arith.index_cast %add3A_775 : i32 to index
      %swap3A_777 = arith.constant 80 : index
      %swap3A_778 = tpu.vector_load %arg8[%swap3A_776, %swap3A_777] {strides = array<i32>} : memref<256x128xf32, #tpu.memory_space<vmem>>, vector<1x16xf32>,
      %swap3A_779 = vector.shape_cast %swap3A_778 : vector<1x16xf32> to vector<16xf32>
      %swap3A_780 = vector.shape_cast %add3A_773 : vector<16xf32> to vector<1x16xf32>
      tpu.vector_store %arg8[%swap3A_776, %swap3A_777], %swap3A_780 {strides = array<i32>} : memref<256x128xf32, #tpu.memory_space<vmem>>, vector<1x16xf32>,
      %add3A_781 = arith.constant 1 : i32
      %add3A_782 = arith.addi %add3A_585, %add3A_781 : i32
      %get3A_783 = arith.index_cast %add3A_782 : i32 to index
      %get3A_784 = arith.constant 96 : index
      %get3A_785 = tpu.vector_load %arg8[%get3A_783, %get3A_784] {strides = array<i32>} : memref<256x128xf32, #tpu.memory_space<vmem>>, vector<1x16xf32>,
      %get3A_786 = vector.shape_cast %get3A_785 : vector<1x16xf32> to vector<16xf32>
      %add3A_787 = arith.addf %get3A_786, %get3A_342 : vector<16xf32>
      %add3A_788 = arith.constant 1 : i32
      %add3A_789 = arith.addi %add3A_585, %add3A_788 : i32
      %swap3A_790 = arith.index_cast %add3A_789 : i32 to index
      %swap3A_791 = arith.constant 96 : index
      %swap3A_792 = tpu.vector_load %arg8[%swap3A_790, %swap3A_791] {strides = array<i32>} : memref<256x128xf32, #tpu.memory_space<vmem>>, vector<1x16xf32>,
      %swap3A_793 = vector.shape_cast %swap3A_792 : vector<1x16xf32> to vector<16xf32>
      %swap3A_794 = vector.shape_cast %add3A_787 : vector<16xf32> to vector<1x16xf32>
      tpu.vector_store %arg8[%swap3A_790, %swap3A_791], %swap3A_794 {strides = array<i32>} : memref<256x128xf32, #tpu.memory_space<vmem>>, vector<1x16xf32>,
      %add3A_795 = arith.constant 1 : i32
      %add3A_796 = arith.addi %add3A_585, %add3A_795 : i32
      %get3A_797 = arith.index_cast %add3A_796 : i32 to index
      %get3A_798 = arith.constant 112 : index
      %get3A_799 = tpu.vector_load %arg8[%get3A_797, %get3A_798] {strides = array<i32>} : memref<256x128xf32, #tpu.memory_space<vmem>>, vector<1x16xf32>,
      %get3A_800 = vector.shape_cast %get3A_799 : vector<1x16xf32> to vector<16xf32>
      %add3A_801 = arith.addf %get3A_800, %get3A_346 : vector<16xf32>
      %add3A_802 = arith.constant 1 : i32
      %add3A_803 = arith.addi %add3A_585, %add3A_802 : i32
      %swap3A_804 = arith.index_cast %add3A_803 : i32 to index
      %swap3A_805 = arith.constant 112 : index
      %swap3A_806 = tpu.vector_load %arg8[%swap3A_804, %swap3A_805] {strides = array<i32>} : memref<256x128xf32, #tpu.memory_space<vmem>>, vector<1x16xf32>,
      %swap3A_807 = vector.shape_cast %swap3A_806 : vector<1x16xf32> to vector<16xf32>
      %swap3A_808 = vector.shape_cast %add3A_801 : vector<16xf32> to vector<1x16xf32>
      tpu.vector_store %arg8[%swap3A_804, %swap3A_805], %swap3A_808 {strides = array<i32>} : memref<256x128xf32, #tpu.memory_space<vmem>>, vector<1x16xf32>,
      %add3A_809 = arith.constant 2 : i32
      %add3A_810 = arith.addi %add3A_585, %add3A_809 : i32
      %get3A_811 = arith.index_cast %add3A_810 : i32 to index
      %get3A_812 = arith.constant 0 : index
      %get3A_813 = tpu.vector_load %arg8[%get3A_811, %get3A_812] {strides = array<i32>} : memref<256x128xf32, #tpu.memory_space<vmem>>, vector<1x16xf32>,
      %get3A_814 = vector.shape_cast %get3A_813 : vector<1x16xf32> to vector<16xf32>
      %add3A_815 = arith.addf %get3A_814, %get3A_318 : vector<16xf32>
      %add3A_816 = arith.constant 2 : i32
      %add3A_817 = arith.addi %add3A_585, %add3A_816 : i32
      %swap3A_818 = arith.index_cast %add3A_817 : i32 to index
      %swap3A_819 = arith.constant 0 : index
      %swap3A_820 = tpu.vector_load %arg8[%swap3A_818, %swap3A_819] {strides = array<i32>} : memref<256x128xf32, #tpu.memory_space<vmem>>, vector<1x16xf32>,
      %swap3A_821 = vector.shape_cast %swap3A_820 : vector<1x16xf32> to vector<16xf32>
      %swap3A_822 = vector.shape_cast %add3A_815 : vector<16xf32> to vector<1x16xf32>
      tpu.vector_store %arg8[%swap3A_818, %swap3A_819], %swap3A_822 {strides = array<i32>} : memref<256x128xf32, #tpu.memory_space<vmem>>, vector<1x16xf32>,
      %add3A_823 = arith.constant 2 : i32
      %add3A_824 = arith.addi %add3A_585, %add3A_823 : i32
      %get3A_825 = arith.index_cast %add3A_824 : i32 to index
      %get3A_826 = arith.constant 16 : index
      %get3A_827 = tpu.vector_load %arg8[%get3A_825, %get3A_826] {strides = array<i32>} : memref<256x128xf32, #tpu.memory_space<vmem>>, vector<1x16xf32>,
      %get3A_828 = vector.shape_cast %get3A_827 : vector<1x16xf32> to vector<16xf32>
      %add3A_829 = arith.addf %get3A_828, %get3A_322 : vector<16xf32>
      %add3A_830 = arith.constant 2 : i32
      %add3A_831 = arith.addi %add3A_585, %add3A_830 : i32
      %swap3A_832 = arith.index_cast %add3A_831 : i32 to index
      %swap3A_833 = arith.constant 16 : index
      %swap3A_834 = tpu.vector_load %arg8[%swap3A_832, %swap3A_833] {strides = array<i32>} : memref<256x128xf32, #tpu.memory_space<vmem>>, vector<1x16xf32>,
      %swap3A_835 = vector.shape_cast %swap3A_834 : vector<1x16xf32> to vector<16xf32>
      %swap3A_836 = vector.shape_cast %add3A_829 : vector<16xf32> to vector<1x16xf32>
      tpu.vector_store %arg8[%swap3A_832, %swap3A_833], %swap3A_836 {strides = array<i32>} : memref<256x128xf32, #tpu.memory_space<vmem>>, vector<1x16xf32>,
      %add3A_837 = arith.constant 2 : i32
      %add3A_838 = arith.addi %add3A_585, %add3A_837 : i32
      %get3A_839 = arith.index_cast %add3A_838 : i32 to index
      %get3A_840 = arith.constant 32 : index
      %get3A_841 = tpu.vector_load %arg8[%get3A_839, %get3A_840] {strides = array<i32>} : memref<256x128xf32, #tpu.memory_space<vmem>>, vector<1x16xf32>,
      %get3A_842 = vector.shape_cast %get3A_841 : vector<1x16xf32> to vector<16xf32>
      %add3A_843 = arith.addf %get3A_842, %get3A_326 : vector<16xf32>
      %add3A_844 = arith.constant 2 : i32
      %add3A_845 = arith.addi %add3A_585, %add3A_844 : i32
      %swap3A_846 = arith.index_cast %add3A_845 : i32 to index
      %swap3A_847 = arith.constant 32 : index
      %swap3A_848 = tpu.vector_load %arg8[%swap3A_846, %swap3A_847] {strides = array<i32>} : memref<256x128xf32, #tpu.memory_space<vmem>>, vector<1x16xf32>,
      %swap3A_849 = vector.shape_cast %swap3A_848 : vector<1x16xf32> to vector<16xf32>
      %swap3A_850 = vector.shape_cast %add3A_843 : vector<16xf32> to vector<1x16xf32>
      tpu.vector_store %arg8[%swap3A_846, %swap3A_847], %swap3A_850 {strides = array<i32>} : memref<256x128xf32, #tpu.memory_space<vmem>>, vector<1x16xf32>,
      %add3A_851 = arith.constant 2 : i32
      %add3A_852 = arith.addi %add3A_585, %add3A_851 : i32
      %get3A_853 = arith.index_cast %add3A_852 : i32 to index
      %get3A_854 = arith.constant 48 : index
      %get3A_855 = tpu.vector_load %arg8[%get3A_853, %get3A_854] {strides = array<i32>} : memref<256x128xf32, #tpu.memory_space<vmem>>, vector<1x16xf32>,
      %get3A_856 = vector.shape_cast %get3A_855 : vector<1x16xf32> to vector<16xf32>
      %add3A_857 = arith.addf %get3A_856, %get3A_330 : vector<16xf32>
      %add3A_858 = arith.constant 2 : i32
      %add3A_859 = arith.addi %add3A_585, %add3A_858 : i32
      %swap3A_860 = arith.index_cast %add3A_859 : i32 to index
      %swap3A_861 = arith.constant 48 : index
      %swap3A_862 = tpu.vector_load %arg8[%swap3A_860, %swap3A_861] {strides = array<i32>} : memref<256x128xf32, #tpu.memory_space<vmem>>, vector<1x16xf32>,
      %swap3A_863 = vector.shape_cast %swap3A_862 : vector<1x16xf32> to vector<16xf32>
      %swap3A_864 = vector.shape_cast %add3A_857 : vector<16xf32> to vector<1x16xf32>
      tpu.vector_store %arg8[%swap3A_860, %swap3A_861], %swap3A_864 {strides = array<i32>} : memref<256x128xf32, #tpu.memory_space<vmem>>, vector<1x16xf32>,
      %add3A_865 = arith.constant 2 : i32
      %add3A_866 = arith.addi %add3A_585, %add3A_865 : i32
      %get3A_867 = arith.index_cast %add3A_866 : i32 to index
      %get3A_868 = arith.constant 64 : index
      %get3A_869 = tpu.vector_load %arg8[%get3A_867, %get3A_868] {strides = array<i32>} : memref<256x128xf32, #tpu.memory_space<vmem>>, vector<1x16xf32>,
      %get3A_870 = vector.shape_cast %get3A_869 : vector<1x16xf32> to vector<16xf32>
      %add3A_871 = arith.addf %get3A_870, %get3A_334 : vector<16xf32>
      %add3A_872 = arith.constant 2 : i32
      %add3A_873 = arith.addi %add3A_585, %add3A_872 : i32
      %swap3A_874 = arith.index_cast %add3A_873 : i32 to index
      %swap3A_875 = arith.constant 64 : index
      %swap3A_876 = tpu.vector_load %arg8[%swap3A_874, %swap3A_875] {strides = array<i32>} : memref<256x128xf32, #tpu.memory_space<vmem>>, vector<1x16xf32>,
      %swap3A_877 = vector.shape_cast %swap3A_876 : vector<1x16xf32> to vector<16xf32>
      %swap3A_878 = vector.shape_cast %add3A_871 : vector<16xf32> to vector<1x16xf32>
      tpu.vector_store %arg8[%swap3A_874, %swap3A_875], %swap3A_878 {strides = array<i32>} : memref<256x128xf32, #tpu.memory_space<vmem>>, vector<1x16xf32>,
      %add3A_879 = arith.constant 2 : i32
      %add3A_880 = arith.addi %add3A_585, %add3A_879 : i32
      %get3A_881 = arith.index_cast %add3A_880 : i32 to index
      %get3A_882 = arith.constant 80 : index
      %get3A_883 = tpu.vector_load %arg8[%get3A_881, %get3A_882] {strides = array<i32>} : memref<256x128xf32, #tpu.memory_space<vmem>>, vector<1x16xf32>,
      %get3A_884 = vector.shape_cast %get3A_883 : vector<1x16xf32> to vector<16xf32>
      %add3A_885 = arith.addf %get3A_884, %get3A_338 : vector<16xf32>
      %add3A_886 = arith.constant 2 : i32
      %add3A_887 = arith.addi %add3A_585, %add3A_886 : i32
      %swap3A_888 = arith.index_cast %add3A_887 : i32 to index
      %swap3A_889 = arith.constant 80 : index
      %swap3A_890 = tpu.vector_load %arg8[%swap3A_888, %swap3A_889] {strides = array<i32>} : memref<256x128xf32, #tpu.memory_space<vmem>>, vector<1x16xf32>,
      %swap3A_891 = vector.shape_cast %swap3A_890 : vector<1x16xf32> to vector<16xf32>
      %swap3A_892 = vector.shape_cast %add3A_885 : vector<16xf32> to vector<1x16xf32>
      tpu.vector_store %arg8[%swap3A_888, %swap3A_889], %swap3A_892 {strides = array<i32>} : memref<256x128xf32, #tpu.memory_space<vmem>>, vector<1x16xf32>,
      %add3A_893 = arith.constant 2 : i32
      %add3A_894 = arith.addi %add3A_585, %add3A_893 : i32
      %get3A_895 = arith.index_cast %add3A_894 : i32 to index
      %get3A_896 = arith.constant 96 : index
      %get3A_897 = tpu.vector_load %arg8[%get3A_895, %get3A_896] {strides = array<i32>} : memref<256x128xf32, #tpu.memory_space<vmem>>, vector<1x16xf32>,
      %get3A_898 = vector.shape_cast %get3A_897 : vector<1x16xf32> to vector<16xf32>
      %add3A_899 = arith.addf %get3A_898, %get3A_342 : vector<16xf32>
      %add3A_900 = arith.constant 2 : i32
      %add3A_901 = arith.addi %add3A_585, %add3A_900 : i32
      %swap3A_902 = arith.index_cast %add3A_901 : i32 to index
      %swap3A_903 = arith.constant 96 : index
      %swap3A_904 = tpu.vector_load %arg8[%swap3A_902, %swap3A_903] {strides = array<i32>} : memref<256x128xf32, #tpu.memory_space<vmem>>, vector<1x16xf32>,
      %swap3A_905 = vector.shape_cast %swap3A_904 : vector<1x16xf32> to vector<16xf32>
      %swap3A_906 = vector.shape_cast %add3A_899 : vector<16xf32> to vector<1x16xf32>
      tpu.vector_store %arg8[%swap3A_902, %swap3A_903], %swap3A_906 {strides = array<i32>} : memref<256x128xf32, #tpu.memory_space<vmem>>, vector<1x16xf32>,
      %add3A_907 = arith.constant 2 : i32
      %add3A_908 = arith.addi %add3A_585, %add3A_907 : i32
      %get3A_909 = arith.index_cast %add3A_908 : i32 to index
      %get3A_910 = arith.constant 112 : index
      %get3A_911 = tpu.vector_load %arg8[%get3A_909, %get3A_910] {strides = array<i32>} : memref<256x128xf32, #tpu.memory_space<vmem>>, vector<1x16xf32>,
      %get3A_912 = vector.shape_cast %get3A_911 : vector<1x16xf32> to vector<16xf32>
      %add3A_913 = arith.addf %get3A_912, %get3A_346 : vector<16xf32>
      %add3A_914 = arith.constant 2 : i32
      %add3A_915 = arith.addi %add3A_585, %add3A_914 : i32
      %swap3A_916 = arith.index_cast %add3A_915 : i32 to index
      %swap3A_917 = arith.constant 112 : index
      %swap3A_918 = tpu.vector_load %arg8[%swap3A_916, %swap3A_917] {strides = array<i32>} : memref<256x128xf32, #tpu.memory_space<vmem>>, vector<1x16xf32>,
      %swap3A_919 = vector.shape_cast %swap3A_918 : vector<1x16xf32> to vector<16xf32>
      %swap3A_920 = vector.shape_cast %add3A_913 : vector<16xf32> to vector<1x16xf32>
      tpu.vector_store %arg8[%swap3A_916, %swap3A_917], %swap3A_920 {strides = array<i32>} : memref<256x128xf32, #tpu.memory_space<vmem>>, vector<1x16xf32>,
      %add3A_921 = arith.constant 3 : i32
      %add3A_922 = arith.addi %add3A_585, %add3A_921 : i32
      %get3A_923 = arith.index_cast %add3A_922 : i32 to index
      %get3A_924 = arith.constant 0 : index
      %get3A_925 = tpu.vector_load %arg8[%get3A_923, %get3A_924] {strides = array<i32>} : memref<256x128xf32, #tpu.memory_space<vmem>>, vector<1x16xf32>,
      %get3A_926 = vector.shape_cast %get3A_925 : vector<1x16xf32> to vector<16xf32>
      %add3A_927 = arith.addf %get3A_926, %get3A_318 : vector<16xf32>
      %add3A_928 = arith.constant 3 : i32
      %add3A_929 = arith.addi %add3A_585, %add3A_928 : i32
      %swap3A_930 = arith.index_cast %add3A_929 : i32 to index
      %swap3A_931 = arith.constant 0 : index
      %swap3A_932 = tpu.vector_load %arg8[%swap3A_930, %swap3A_931] {strides = array<i32>} : memref<256x128xf32, #tpu.memory_space<vmem>>, vector<1x16xf32>,
      %swap3A_933 = vector.shape_cast %swap3A_932 : vector<1x16xf32> to vector<16xf32>
      %swap3A_934 = vector.shape_cast %add3A_927 : vector<16xf32> to vector<1x16xf32>
      tpu.vector_store %arg8[%swap3A_930, %swap3A_931], %swap3A_934 {strides = array<i32>} : memref<256x128xf32, #tpu.memory_space<vmem>>, vector<1x16xf32>,
      %add3A_935 = arith.constant 3 : i32
      %add3A_936 = arith.addi %add3A_585, %add3A_935 : i32
      %get3A_937 = arith.index_cast %add3A_936 : i32 to index
      %get3A_938 = arith.constant 16 : index
      %get3A_939 = tpu.vector_load %arg8[%get3A_937, %get3A_938] {strides = array<i32>} : memref<256x128xf32, #tpu.memory_space<vmem>>, vector<1x16xf32>,
      %get3A_940 = vector.shape_cast %get3A_939 : vector<1x16xf32> to vector<16xf32>
      %add3A_941 = arith.addf %get3A_940, %get3A_322 : vector<16xf32>
      %add3A_942 = arith.constant 3 : i32
      %add3A_943 = arith.addi %add3A_585, %add3A_942 : i32
      %swap3A_944 = arith.index_cast %add3A_943 : i32 to index
      %swap3A_945 = arith.constant 16 : index
      %swap3A_946 = tpu.vector_load %arg8[%swap3A_944, %swap3A_945] {strides = array<i32>} : memref<256x128xf32, #tpu.memory_space<vmem>>, vector<1x16xf32>,
      %swap3A_947 = vector.shape_cast %swap3A_946 : vector<1x16xf32> to vector<16xf32>
      %swap3A_948 = vector.shape_cast %add3A_941 : vector<16xf32> to vector<1x16xf32>
      tpu.vector_store %arg8[%swap3A_944, %swap3A_945], %swap3A_948 {strides = array<i32>} : memref<256x128xf32, #tpu.memory_space<vmem>>, vector<1x16xf32>,
      %add3A_949 = arith.constant 3 : i32
      %add3A_950 = arith.addi %add3A_585, %add3A_949 : i32
      %get3A_951 = arith.index_cast %add3A_950 : i32 to index
      %get3A_952 = arith.constant 32 : index
      %get3A_953 = tpu.vector_load %arg8[%get3A_951, %get3A_952] {strides = array<i32>} : memref<256x128xf32, #tpu.memory_space<vmem>>, vector<1x16xf32>,
      %get3A_954 = vector.shape_cast %get3A_953 : vector<1x16xf32> to vector<16xf32>
      %add3A_955 = arith.addf %get3A_954, %get3A_326 : vector<16xf32>
      %add3A_956 = arith.constant 3 : i32
      %add3A_957 = arith.addi %add3A_585, %add3A_956 : i32
      %swap3A_958 = arith.index_cast %add3A_957 : i32 to index
      %swap3A_959 = arith.constant 32 : index
      %swap3A_960 = tpu.vector_load %arg8[%swap3A_958, %swap3A_959] {strides = array<i32>} : memref<256x128xf32, #tpu.memory_space<vmem>>, vector<1x16xf32>,
      %swap3A_961 = vector.shape_cast %swap3A_960 : vector<1x16xf32> to vector<16xf32>
      %swap3A_962 = vector.shape_cast %add3A_955 : vector<16xf32> to vector<1x16xf32>
      tpu.vector_store %arg8[%swap3A_958, %swap3A_959], %swap3A_962 {strides = array<i32>} : memref<256x128xf32, #tpu.memory_space<vmem>>, vector<1x16xf32>,
      %add3A_963 = arith.constant 3 : i32
      %add3A_964 = arith.addi %add3A_585, %add3A_963 : i32
      %get3A_965 = arith.index_cast %add3A_964 : i32 to index
      %get3A_966 = arith.constant 48 : index
      %get3A_967 = tpu.vector_load %arg8[%get3A_965, %get3A_966] {strides = array<i32>} : memref<256x128xf32, #tpu.memory_space<vmem>>, vector<1x16xf32>,
      %get3A_968 = vector.shape_cast %get3A_967 : vector<1x16xf32> to vector<16xf32>
      %add3A_969 = arith.addf %get3A_968, %get3A_330 : vector<16xf32>
      %add3A_970 = arith.constant 3 : i32
      %add3A_971 = arith.addi %add3A_585, %add3A_970 : i32
      %swap3A_972 = arith.index_cast %add3A_971 : i32 to index
      %swap3A_973 = arith.constant 48 : index
      %swap3A_974 = tpu.vector_load %arg8[%swap3A_972, %swap3A_973] {strides = array<i32>} : memref<256x128xf32, #tpu.memory_space<vmem>>, vector<1x16xf32>,
      %swap3A_975 = vector.shape_cast %swap3A_974 : vector<1x16xf32> to vector<16xf32>
      %swap3A_976 = vector.shape_cast %add3A_969 : vector<16xf32> to vector<1x16xf32>
      tpu.vector_store %arg8[%swap3A_972, %swap3A_973], %swap3A_976 {strides = array<i32>} : memref<256x128xf32, #tpu.memory_space<vmem>>, vector<1x16xf32>,
      %add3A_977 = arith.constant 3 : i32
      %add3A_978 = arith.addi %add3A_585, %add3A_977 : i32
      %get3A_979 = arith.index_cast %add3A_978 : i32 to index
      %get3A_980 = arith.constant 64 : index
      %get3A_981 = tpu.vector_load %arg8[%get3A_979, %get3A_980] {strides = array<i32>} : memref<256x128xf32, #tpu.memory_space<vmem>>, vector<1x16xf32>,
      %get3A_982 = vector.shape_cast %get3A_981 : vector<1x16xf32> to vector<16xf32>
      %add3A_983 = arith.addf %get3A_982, %get3A_334 : vector<16xf32>
      %add3A_984 = arith.constant 3 : i32
      %add3A_985 = arith.addi %add3A_585, %add3A_984 : i32
      %swap3A_986 = arith.index_cast %add3A_985 : i32 to index
      %swap3A_987 = arith.constant 64 : index
      %swap3A_988 = tpu.vector_load %arg8[%swap3A_986, %swap3A_987] {strides = array<i32>} : memref<256x128xf32, #tpu.memory_space<vmem>>, vector<1x16xf32>,
      %swap3A_989 = vector.shape_cast %swap3A_988 : vector<1x16xf32> to vector<16xf32>
      %swap3A_990 = vector.shape_cast %add3A_983 : vector<16xf32> to vector<1x16xf32>
      tpu.vector_store %arg8[%swap3A_986, %swap3A_987], %swap3A_990 {strides = array<i32>} : memref<256x128xf32, #tpu.memory_space<vmem>>, vector<1x16xf32>,
      %add3A_991 = arith.constant 3 : i32
      %add3A_992 = arith.addi %add3A_585, %add3A_991 : i32
      %get3A_993 = arith.index_cast %add3A_992 : i32 to index
      %get3A_994 = arith.constant 80 : index
      %get3A_995 = tpu.vector_load %arg8[%get3A_993, %get3A_994] {strides = array<i32>} : memref<256x128xf32, #tpu.memory_space<vmem>>, vector<1x16xf32>,
      %get3A_996 = vector.shape_cast %get3A_995 : vector<1x16xf32> to vector<16xf32>
      %add3A_997 = arith.addf %get3A_996, %get3A_338 : vector<16xf32>
      %add3A_998 = arith.constant 3 : i32
      %add3A_999 = arith.addi %add3A_585, %add3A_998 : i32
      %swap3A_1000 = arith.index_cast %add3A_999 : i32 to index
      %swap3A_1001 = arith.constant 80 : index
      %swap3A_1002 = tpu.vector_load %arg8[%swap3A_1000, %swap3A_1001] {strides = array<i32>} : memref<256x128xf32, #tpu.memory_space<vmem>>, vector<1x16xf32>,
      %swap3A_1003 = vector.shape_cast %swap3A_1002 : vector<1x16xf32> to vector<16xf32>
      %swap3A_1004 = vector.shape_cast %add3A_997 : vector<16xf32> to vector<1x16xf32>
      tpu.vector_store %arg8[%swap3A_1000, %swap3A_1001], %swap3A_1004 {strides = array<i32>} : memref<256x128xf32, #tpu.memory_space<vmem>>, vector<1x16xf32>,
      %add3A_1005 = arith.constant 3 : i32
      %add3A_1006 = arith.addi %add3A_585, %add3A_1005 : i32
      %get3A_1007 = arith.index_cast %add3A_1006 : i32 to index
      %get3A_1008 = arith.constant 96 : index
      %get3A_1009 = tpu.vector_load %arg8[%get3A_1007, %get3A_1008] {strides = array<i32>} : memref<256x128xf32, #tpu.memory_space<vmem>>, vector<1x16xf32>,
      %get3A_1010 = vector.shape_cast %get3A_1009 : vector<1x16xf32> to vector<16xf32>
      %add3A_1011 = arith.addf %get3A_1010, %get3A_342 : vector<16xf32>
      %add3A_1012 = arith.constant 3 : i32
      %add3A_1013 = arith.addi %add3A_585, %add3A_1012 : i32
      %swap3A_1014 = arith.index_cast %add3A_1013 : i32 to index
      %swap3A_1015 = arith.constant 96 : index
      %swap3A_1016 = tpu.vector_load %arg8[%swap3A_1014, %swap3A_1015] {strides = array<i32>} : memref<256x128xf32, #tpu.memory_space<vmem>>, vector<1x16xf32>,
      %swap3A_1017 = vector.shape_cast %swap3A_1016 : vector<1x16xf32> to vector<16xf32>
      %swap3A_1018 = vector.shape_cast %add3A_1011 : vector<16xf32> to vector<1x16xf32>
      tpu.vector_store %arg8[%swap3A_1014, %swap3A_1015], %swap3A_1018 {strides = array<i32>} : memref<256x128xf32, #tpu.memory_space<vmem>>, vector<1x16xf32>,
      %add3A_1019 = arith.constant 3 : i32
      %add3A_1020 = arith.addi %add3A_585, %add3A_1019 : i32
      %get3A_1021 = arith.index_cast %add3A_1020 : i32 to index
      %get3A_1022 = arith.constant 112 : index
      %get3A_1023 = tpu.vector_load %arg8[%get3A_1021, %get3A_1022] {strides = array<i32>} : memref<256x128xf32, #tpu.memory_space<vmem>>, vector<1x16xf32>,
      %get3A_1024 = vector.shape_cast %get3A_1023 : vector<1x16xf32> to vector<16xf32>
      %add3A_1025 = arith.addf %get3A_1024, %get3A_346 : vector<16xf32>
      %add3A_1026 = arith.constant 3 : i32
      %add3A_1027 = arith.addi %add3A_585, %add3A_1026 : i32
      %swap3A_1028 = arith.index_cast %add3A_1027 : i32 to index
      %swap3A_1029 = arith.constant 112 : index
      %swap3A_1030 = tpu.vector_load %arg8[%swap3A_1028, %swap3A_1029] {strides = array<i32>} : memref<256x128xf32, #tpu.memory_space<vmem>>, vector<1x16xf32>,
      %swap3A_1031 = vector.shape_cast %swap3A_1030 : vector<1x16xf32> to vector<16xf32>
      %swap3A_1032 = vector.shape_cast %add3A_1025 : vector<16xf32> to vector<1x16xf32>
      tpu.vector_store %arg8[%swap3A_1028, %swap3A_1029], %swap3A_1032 {strides = array<i32>} : memref<256x128xf32, #tpu.memory_space<vmem>>, vector<1x16xf32>,
    }
    %scan3A_352 = arith.constant 32 : i32
    %add3A_353 = arith.constant 21504 : i32
    %add3A_354 = arith.addi %mul3A_2, %add3A_353 : i32
    %dma_start3A_355 = arith.constant 0 : i32
    %dma_start3A_356 = tpu.memref_slice %arg5[%add3A_354, %dma_start3A_355] : memref<704512x128xf32, #tpu.memory_space<hbm>> -> memref<256x128xf32, #tpu.memory_space<hbm>>
    %dma_start3A_357 = arith.constant 0 : i32
    %dma_start3A_358 = tpu.memref_slice %arg5[%add3A_354, %dma_start3A_357] : memref<704512x128xf32, #tpu.memory_space<hbm>> -> memref<256x128xf32, #tpu.memory_space<hbm>>
    tpu.enqueue_dma source(%arg8 : memref<256x128xf32, #tpu.memory_space<vmem>>) target(%dma_start3A_358 : memref<256x128xf32, #tpu.memory_space<hbm>>) target_semaphore(%arg12 : memref<!tpu.dma_semaphore, #tpu.memory_space<semaphore_mem>>)
    %add3A_359 = arith.constant 21760 : i32
    %add3A_360 = arith.addi %mul3A_2, %add3A_359 : i32
    %jit3A_361 = arith.constant 16384 : i32
    %div3A_362 = arith.divsi %add3A_360, %jit3A_361 : i32
    %sign3A_363 = arith.constant 0 : i32
    %sign3A_364 = arith.cmpi sgt, %add3A_360, %sign3A_363 : i32
    %sign3A_365 = arith.extui %sign3A_364 : i1 to i32
    %sign3A_366 = arith.constant 0 : i32
    %sign3A_367 = arith.cmpi slt, %add3A_360, %sign3A_366 : i32
    %sign3A_368 = arith.extui %sign3A_367 : i1 to i32
    %sign3A_369 = arith.subi %sign3A_365, %sign3A_368 : i32
    %sign3A_370 = arith.constant 0 : i32
    %sign3A_371 = arith.cmpi sgt, %jit3A_361, %sign3A_370 : i32
    %sign3A_372 = arith.extui %sign3A_371 : i1 to i32
    %sign3A_373 = arith.constant 0 : i32
    %sign3A_374 = arith.cmpi slt, %jit3A_361, %sign3A_373 : i32
    %sign3A_375 = arith.extui %sign3A_374 : i1 to i32
    %sign3A_376 = arith.subi %sign3A_372, %sign3A_375 : i32
    %ne3A_377 = arith.cmpi ne, %sign3A_369, %sign3A_376 : i32
    %rem3A_378 = arith.remsi %add3A_360, %jit3A_361 : i32
    %ne3A_379 = arith.constant 0 : i32
    %ne3A_380 = arith.cmpi ne, %rem3A_378, %ne3A_379 : i32
    %and3A_381 = arith.andi %ne3A_377, %ne3A_380 : i1
    %sub3A_382 = arith.constant 1 : i32
    %sub3A_383 = arith.subi %div3A_362, %sub3A_382 : i32
    %select_n3A_384 = arith.select %and3A_381, %sub3A_383, %div3A_362 : i32
    %mul3A_385 = arith.constant 1000 : i32
    %mul3A_386 = arith.muli %select_n3A_384, %mul3A_385 : i32
    %dma_wait3A_387 = arith.constant 0 : i32
    %dma_wait3A_388 = arith.constant 0 : i32
    %dma_wait3A_389 = tpu.memref_slice %arg9[%dma_wait3A_387, %dma_wait3A_388] : memref<256x128xf32, #tpu.memory_space<vmem>> -> memref<128x128xf32, #tpu.memory_space<vmem>>
    %dma_wait3A_390 = arith.constant 21760 : i32
    %dma_wait3A_391 = tpu.memref_slice %arg6[%dma_wait3A_390] : memref<22016xi32, #tpu.memory_space<vmem>> -> memref<128xi32, #tpu.memory_space<vmem>>
    %dma_wait3A_392 = arith.constant 0 : i32
    %dma_wait3A_393 = tpu.memref_slice %arg2[%mul3A_386, %dma_wait3A_392] : memref<43000x128xf32, #tpu.memory_space<hbm>> -> memref<1000x128xf32, #tpu.memory_space<hbm>>
    %dma_wait3A_394 = arith.constant 0 : i32
    %dma_wait3A_395 = arith.constant 0 : i32
    %dma_wait3A_396 = tpu.memref_slice %dma_wait3A_393[%dma_wait3A_394, %dma_wait3A_395] : memref<1000x128xf32, #tpu.memory_space<hbm>> -> memref<1000x128xf32, #tpu.memory_space<hbm>>
    tpu.wait_indirect_dma semaphore(%arg11 : memref<!tpu.dma_semaphore, #tpu.memory_space<semaphore_mem>>) src(%dma_wait3A_396 : memref<1000x128xf32, #tpu.memory_space<hbm>>) dst(%dma_wait3A_389 : memref<128x128xf32, #tpu.memory_space<vmem>>)
    %add3A_397 = arith.constant 21888 : i32
    %add3A_398 = arith.addi %mul3A_2, %add3A_397 : i32
    %jit3A_399 = arith.constant 16384 : i32
    %div3A_400 = arith.divsi %add3A_398, %jit3A_399 : i32
    %sign3A_401 = arith.constant 0 : i32
    %sign3A_402 = arith.cmpi sgt, %add3A_398, %sign3A_401 : i32
    %sign3A_403 = arith.extui %sign3A_402 : i1 to i32
    %sign3A_404 = arith.constant 0 : i32
    %sign3A_405 = arith.cmpi slt, %add3A_398, %sign3A_404 : i32
    %sign3A_406 = arith.extui %sign3A_405 : i1 to i32
    %sign3A_407 = arith.subi %sign3A_403, %sign3A_406 : i32
    %sign3A_408 = arith.constant 0 : i32
    %sign3A_409 = arith.cmpi sgt, %jit3A_399, %sign3A_408 : i32
    %sign3A_410 = arith.extui %sign3A_409 : i1 to i32
    %sign3A_411 = arith.constant 0 : i32
    %sign3A_412 = arith.cmpi slt, %jit3A_399, %sign3A_411 : i32
    %sign3A_413 = arith.extui %sign3A_412 : i1 to i32
    %sign3A_414 = arith.subi %sign3A_410, %sign3A_413 : i32
    %ne3A_415 = arith.cmpi ne, %sign3A_407, %sign3A_414 : i32
    %rem3A_416 = arith.remsi %add3A_398, %jit3A_399 : i32
    %ne3A_417 = arith.constant 0 : i32
    %ne3A_418 = arith.cmpi ne, %rem3A_416, %ne3A_417 : i32
    %and3A_419 = arith.andi %ne3A_415, %ne3A_418 : i1
    %sub3A_420 = arith.constant 1 : i32
    %sub3A_421 = arith.subi %div3A_400, %sub3A_420 : i32
    %select_n3A_422 = arith.select %and3A_419, %sub3A_421, %div3A_400 : i32
    %mul3A_423 = arith.constant 1000 : i32
    %mul3A_424 = arith.muli %select_n3A_422, %mul3A_423 : i32
    %dma_wait3A_425 = arith.constant 128 : i32
    %dma_wait3A_426 = arith.constant 0 : i32
    %dma_wait3A_427 = tpu.memref_slice %arg9[%dma_wait3A_425, %dma_wait3A_426] : memref<256x128xf32, #tpu.memory_space<vmem>> -> memref<128x128xf32, #tpu.memory_space<vmem>>
    %dma_wait3A_428 = arith.constant 21888 : i32
    %dma_wait3A_429 = tpu.memref_slice %arg6[%dma_wait3A_428] : memref<22016xi32, #tpu.memory_space<vmem>> -> memref<128xi32, #tpu.memory_space<vmem>>
    %dma_wait3A_430 = arith.constant 0 : i32
    %dma_wait3A_431 = tpu.memref_slice %arg2[%mul3A_424, %dma_wait3A_430] : memref<43000x128xf32, #tpu.memory_space<hbm>> -> memref<1000x128xf32, #tpu.memory_space<hbm>>
    %dma_wait3A_432 = arith.constant 0 : i32
    %dma_wait3A_433 = arith.constant 0 : i32
    %dma_wait3A_434 = tpu.memref_slice %dma_wait3A_431[%dma_wait3A_432, %dma_wait3A_433] : memref<1000x128xf32, #tpu.memory_space<hbm>> -> memref<1000x128xf32, #tpu.memory_space<hbm>>
    tpu.wait_indirect_dma semaphore(%arg11 : memref<!tpu.dma_semaphore, #tpu.memory_space<semaphore_mem>>) src(%dma_wait3A_434 : memref<1000x128xf32, #tpu.memory_space<hbm>>) dst(%dma_wait3A_427 : memref<128x128xf32, #tpu.memory_space<vmem>>)
    %add3A_435 = arith.constant 21760 : i32
    %add3A_436 = arith.addi %mul3A_2, %add3A_435 : i32
    %jit3A_437 = arith.constant 16384 : i32
    %div3A_438 = arith.divsi %add3A_436, %jit3A_437 : i32
    %sign3A_439 = arith.constant 0 : i32
    %sign3A_440 = arith.cmpi sgt, %add3A_436, %sign3A_439 : i32
    %sign3A_441 = arith.extui %sign3A_440 : i1 to i32
    %sign3A_442 = arith.constant 0 : i32
    %sign3A_443 = arith.cmpi slt, %add3A_436, %sign3A_442 : i32
    %sign3A_444 = arith.extui %sign3A_443 : i1 to i32
    %sign3A_445 = arith.subi %sign3A_441, %sign3A_444 : i32
    %sign3A_446 = arith.constant 0 : i32
    %sign3A_447 = arith.cmpi sgt, %jit3A_437, %sign3A_446 : i32
    %sign3A_448 = arith.extui %sign3A_447 : i1 to i32
    %sign3A_449 = arith.constant 0 : i32
    %sign3A_450 = arith.cmpi slt, %jit3A_437, %sign3A_449 : i32
    %sign3A_451 = arith.extui %sign3A_450 : i1 to i32
    %sign3A_452 = arith.subi %sign3A_448, %sign3A_451 : i32
    %ne3A_453 = arith.cmpi ne, %sign3A_445, %sign3A_452 : i32
    %rem3A_454 = arith.remsi %add3A_436, %jit3A_437 : i32
    %ne3A_455 = arith.constant 0 : i32
    %ne3A_456 = arith.cmpi ne, %rem3A_454, %ne3A_455 : i32
    %and3A_457 = arith.andi %ne3A_453, %ne3A_456 : i1
    %sub3A_458 = arith.constant 1 : i32
    %sub3A_459 = arith.subi %div3A_438, %sub3A_458 : i32
    %select_n3A_460 = arith.select %and3A_457, %sub3A_459, %div3A_438 : i32
    %get3A_461 = arith.index_cast %select_n3A_460 : i32 to index
    %get3A_462 = arith.constant 0 : index
    %get3A_463 = tpu.vector_load %arg7[%get3A_461, %get3A_462] {strides = array<i32>} : memref<43x128xf32, #tpu.memory_space<vmem>>, vector<1x16xf32>,
    %get3A_464 = vector.shape_cast %get3A_463 : vector<1x16xf32> to vector<16xf32>
    %get3A_465 = arith.index_cast %select_n3A_460 : i32 to index
    %get3A_466 = arith.constant 16 : index
    %get3A_467 = tpu.vector_load %arg7[%get3A_465, %get3A_466] {strides = array<i32>} : memref<43x128xf32, #tpu.memory_space<vmem>>, vector<1x16xf32>,
    %get3A_468 = vector.shape_cast %get3A_467 : vector<1x16xf32> to vector<16xf32>
    %get3A_469 = arith.index_cast %select_n3A_460 : i32 to index
    %get3A_470 = arith.constant 32 : index
    %get3A_471 = tpu.vector_load %arg7[%get3A_469, %get3A_470] {strides = array<i32>} : memref<43x128xf32, #tpu.memory_space<vmem>>, vector<1x16xf32>,
    %get3A_472 = vector.shape_cast %get3A_471 : vector<1x16xf32> to vector<16xf32>
    %get3A_473 = arith.index_cast %select_n3A_460 : i32 to index
    %get3A_474 = arith.constant 48 : index
    %get3A_475 = tpu.vector_load %arg7[%get3A_473, %get3A_474] {strides = array<i32>} : memref<43x128xf32, #tpu.memory_space<vmem>>, vector<1x16xf32>,
    %get3A_476 = vector.shape_cast %get3A_475 : vector<1x16xf32> to vector<16xf32>
    %get3A_477 = arith.index_cast %select_n3A_460 : i32 to index
    %get3A_478 = arith.constant 64 : index
    %get3A_479 = tpu.vector_load %arg7[%get3A_477, %get3A_478] {strides = array<i32>} : memref<43x128xf32, #tpu.memory_space<vmem>>, vector<1x16xf32>,
    %get3A_480 = vector.shape_cast %get3A_479 : vector<1x16xf32> to vector<16xf32>
    %get3A_481 = arith.index_cast %select_n3A_460 : i32 to index
    %get3A_482 = arith.constant 80 : index
    %get3A_483 = tpu.vector_load %arg7[%get3A_481, %get3A_482] {strides = array<i32>} : memref<43x128xf32, #tpu.memory_space<vmem>>, vector<1x16xf32>,
    %get3A_484 = vector.shape_cast %get3A_483 : vector<1x16xf32> to vector<16xf32>
    %get3A_485 = arith.index_cast %select_n3A_460 : i32 to index
    %get3A_486 = arith.constant 96 : index
    %get3A_487 = tpu.vector_load %arg7[%get3A_485, %get3A_486] {strides = array<i32>} : memref<43x128xf32, #tpu.memory_space<vmem>>, vector<1x16xf32>,
    %get3A_488 = vector.shape_cast %get3A_487 : vector<1x16xf32> to vector<16xf32>
    %get3A_489 = arith.index_cast %select_n3A_460 : i32 to index
    %get3A_490 = arith.constant 112 : index
    %get3A_491 = tpu.vector_load %arg7[%get3A_489, %get3A_490] {strides = array<i32>} : memref<43x128xf32, #tpu.memory_space<vmem>>, vector<1x16xf32>,
    %get3A_492 = vector.shape_cast %get3A_491 : vector<1x16xf32> to vector<16xf32>
    %scan3A_493 = arith.constant 0 : i32
    %scan3A_494 = arith.constant 0 : i32
    %scan3A_495 = arith.constant 32 : i32
    %scan3A_496 = arith.addi %scan3A_494, %scan3A_495 : i32
    %scan3A_497 = arith.constant 1 : i32
    scf.for %scan3A_581 = %scan3A_494 to %scan3A_496 step %scan3A_497  : i32 {
      %mul3A_582 = arith.constant 4 : i32
      %mul3A_583 = arith.muli %mul3A_582, %scan3A_581 : i32
      %add3A_584 = arith.constant 0 : i32
      %add3A_585 = arith.addi %add3A_584, %mul3A_583 : i32
      %add3A_586 = arith.constant 0 : i32
      %add3A_587 = arith.addi %add3A_585, %add3A_586 : i32
      %get3A_588 = arith.index_cast %add3A_587 : i32 to index
      %get3A_589 = arith.constant 0 : index
      %get3A_590 = tpu.vector_load %arg9[%get3A_588, %get3A_589] {strides = array<i32>} : memref<256x128xf32, #tpu.memory_space<vmem>>, vector<1x16xf32>,
      %get3A_591 = vector.shape_cast %get3A_590 : vector<1x16xf32> to vector<16xf32>
      %add3A_592 = arith.addf %get3A_591, %get3A_464 : vector<16xf32>
      %add3A_593 = arith.constant 0 : i32
      %add3A_594 = arith.addi %add3A_585, %add3A_593 : i32
      %swap3A = arith.index_cast %add3A_594 : i32 to index
      %swap3A_595 = arith.constant 0 : index
      %swap3A_596 = tpu.vector_load %arg9[%swap3A, %swap3A_595] {strides = array<i32>} : memref<256x128xf32, #tpu.memory_space<vmem>>, vector<1x16xf32>,
      %swap3A_597 = vector.shape_cast %swap3A_596 : vector<1x16xf32> to vector<16xf32>
      %swap3A_598 = vector.shape_cast %add3A_592 : vector<16xf32> to vector<1x16xf32>
      tpu.vector_store %arg9[%swap3A, %swap3A_595], %swap3A_598 {strides = array<i32>} : memref<256x128xf32, #tpu.memory_space<vmem>>, vector<1x16xf32>,
      %add3A_599 = arith.constant 0 : i32
      %add3A_600 = arith.addi %add3A_585, %add3A_599 : i32
      %get3A_601 = arith.index_cast %add3A_600 : i32 to index
      %get3A_602 = arith.constant 16 : index
      %get3A_603 = tpu.vector_load %arg9[%get3A_601, %get3A_602] {strides = array<i32>} : memref<256x128xf32, #tpu.memory_space<vmem>>, vector<1x16xf32>,
      %get3A_604 = vector.shape_cast %get3A_603 : vector<1x16xf32> to vector<16xf32>
      %add3A_605 = arith.addf %get3A_604, %get3A_468 : vector<16xf32>
      %add3A_606 = arith.constant 0 : i32
      %add3A_607 = arith.addi %add3A_585, %add3A_606 : i32
      %swap3A_608 = arith.index_cast %add3A_607 : i32 to index
      %swap3A_609 = arith.constant 16 : index
      %swap3A_610 = tpu.vector_load %arg9[%swap3A_608, %swap3A_609] {strides = array<i32>} : memref<256x128xf32, #tpu.memory_space<vmem>>, vector<1x16xf32>,
      %swap3A_611 = vector.shape_cast %swap3A_610 : vector<1x16xf32> to vector<16xf32>
      %swap3A_612 = vector.shape_cast %add3A_605 : vector<16xf32> to vector<1x16xf32>
      tpu.vector_store %arg9[%swap3A_608, %swap3A_609], %swap3A_612 {strides = array<i32>} : memref<256x128xf32, #tpu.memory_space<vmem>>, vector<1x16xf32>,
      %add3A_613 = arith.constant 0 : i32
      %add3A_614 = arith.addi %add3A_585, %add3A_613 : i32
      %get3A_615 = arith.index_cast %add3A_614 : i32 to index
      %get3A_616 = arith.constant 32 : index
      %get3A_617 = tpu.vector_load %arg9[%get3A_615, %get3A_616] {strides = array<i32>} : memref<256x128xf32, #tpu.memory_space<vmem>>, vector<1x16xf32>,
      %get3A_618 = vector.shape_cast %get3A_617 : vector<1x16xf32> to vector<16xf32>
      %add3A_619 = arith.addf %get3A_618, %get3A_472 : vector<16xf32>
      %add3A_620 = arith.constant 0 : i32
      %add3A_621 = arith.addi %add3A_585, %add3A_620 : i32
      %swap3A_622 = arith.index_cast %add3A_621 : i32 to index
      %swap3A_623 = arith.constant 32 : index
      %swap3A_624 = tpu.vector_load %arg9[%swap3A_622, %swap3A_623] {strides = array<i32>} : memref<256x128xf32, #tpu.memory_space<vmem>>, vector<1x16xf32>,
      %swap3A_625 = vector.shape_cast %swap3A_624 : vector<1x16xf32> to vector<16xf32>
      %swap3A_626 = vector.shape_cast %add3A_619 : vector<16xf32> to vector<1x16xf32>
      tpu.vector_store %arg9[%swap3A_622, %swap3A_623], %swap3A_626 {strides = array<i32>} : memref<256x128xf32, #tpu.memory_space<vmem>>, vector<1x16xf32>,
      %add3A_627 = arith.constant 0 : i32
      %add3A_628 = arith.addi %add3A_585, %add3A_627 : i32
      %get3A_629 = arith.index_cast %add3A_628 : i32 to index
      %get3A_630 = arith.constant 48 : index
      %get3A_631 = tpu.vector_load %arg9[%get3A_629, %get3A_630] {strides = array<i32>} : memref<256x128xf32, #tpu.memory_space<vmem>>, vector<1x16xf32>,
      %get3A_632 = vector.shape_cast %get3A_631 : vector<1x16xf32> to vector<16xf32>
      %add3A_633 = arith.addf %get3A_632, %get3A_476 : vector<16xf32>
      %add3A_634 = arith.constant 0 : i32
      %add3A_635 = arith.addi %add3A_585, %add3A_634 : i32
      %swap3A_636 = arith.index_cast %add3A_635 : i32 to index
      %swap3A_637 = arith.constant 48 : index
      %swap3A_638 = tpu.vector_load %arg9[%swap3A_636, %swap3A_637] {strides = array<i32>} : memref<256x128xf32, #tpu.memory_space<vmem>>, vector<1x16xf32>,
      %swap3A_639 = vector.shape_cast %swap3A_638 : vector<1x16xf32> to vector<16xf32>
      %swap3A_640 = vector.shape_cast %add3A_633 : vector<16xf32> to vector<1x16xf32>
      tpu.vector_store %arg9[%swap3A_636, %swap3A_637], %swap3A_640 {strides = array<i32>} : memref<256x128xf32, #tpu.memory_space<vmem>>, vector<1x16xf32>,
      %add3A_641 = arith.constant 0 : i32
      %add3A_642 = arith.addi %add3A_585, %add3A_641 : i32
      %get3A_643 = arith.index_cast %add3A_642 : i32 to index
      %get3A_644 = arith.constant 64 : index
      %get3A_645 = tpu.vector_load %arg9[%get3A_643, %get3A_644] {strides = array<i32>} : memref<256x128xf32, #tpu.memory_space<vmem>>, vector<1x16xf32>,
      %get3A_646 = vector.shape_cast %get3A_645 : vector<1x16xf32> to vector<16xf32>
      %add3A_647 = arith.addf %get3A_646, %get3A_480 : vector<16xf32>
      %add3A_648 = arith.constant 0 : i32
      %add3A_649 = arith.addi %add3A_585, %add3A_648 : i32
      %swap3A_650 = arith.index_cast %add3A_649 : i32 to index
      %swap3A_651 = arith.constant 64 : index
      %swap3A_652 = tpu.vector_load %arg9[%swap3A_650, %swap3A_651] {strides = array<i32>} : memref<256x128xf32, #tpu.memory_space<vmem>>, vector<1x16xf32>,
      %swap3A_653 = vector.shape_cast %swap3A_652 : vector<1x16xf32> to vector<16xf32>
      %swap3A_654 = vector.shape_cast %add3A_647 : vector<16xf32> to vector<1x16xf32>
      tpu.vector_store %arg9[%swap3A_650, %swap3A_651], %swap3A_654 {strides = array<i32>} : memref<256x128xf32, #tpu.memory_space<vmem>>, vector<1x16xf32>,
      %add3A_655 = arith.constant 0 : i32
      %add3A_656 = arith.addi %add3A_585, %add3A_655 : i32
      %get3A_657 = arith.index_cast %add3A_656 : i32 to index
      %get3A_658 = arith.constant 80 : index
      %get3A_659 = tpu.vector_load %arg9[%get3A_657, %get3A_658] {strides = array<i32>} : memref<256x128xf32, #tpu.memory_space<vmem>>, vector<1x16xf32>,
      %get3A_660 = vector.shape_cast %get3A_659 : vector<1x16xf32> to vector<16xf32>
      %add3A_661 = arith.addf %get3A_660, %get3A_484 : vector<16xf32>
      %add3A_662 = arith.constant 0 : i32
      %add3A_663 = arith.addi %add3A_585, %add3A_662 : i32
      %swap3A_664 = arith.index_cast %add3A_663 : i32 to index
      %swap3A_665 = arith.constant 80 : index
      %swap3A_666 = tpu.vector_load %arg9[%swap3A_664, %swap3A_665] {strides = array<i32>} : memref<256x128xf32, #tpu.memory_space<vmem>>, vector<1x16xf32>,
      %swap3A_667 = vector.shape_cast %swap3A_666 : vector<1x16xf32> to vector<16xf32>
      %swap3A_668 = vector.shape_cast %add3A_661 : vector<16xf32> to vector<1x16xf32>
      tpu.vector_store %arg9[%swap3A_664, %swap3A_665], %swap3A_668 {strides = array<i32>} : memref<256x128xf32, #tpu.memory_space<vmem>>, vector<1x16xf32>,
      %add3A_669 = arith.constant 0 : i32
      %add3A_670 = arith.addi %add3A_585, %add3A_669 : i32
      %get3A_671 = arith.index_cast %add3A_670 : i32 to index
      %get3A_672 = arith.constant 96 : index
      %get3A_673 = tpu.vector_load %arg9[%get3A_671, %get3A_672] {strides = array<i32>} : memref<256x128xf32, #tpu.memory_space<vmem>>, vector<1x16xf32>,
      %get3A_674 = vector.shape_cast %get3A_673 : vector<1x16xf32> to vector<16xf32>
      %add3A_675 = arith.addf %get3A_674, %get3A_488 : vector<16xf32>
      %add3A_676 = arith.constant 0 : i32
      %add3A_677 = arith.addi %add3A_585, %add3A_676 : i32
      %swap3A_678 = arith.index_cast %add3A_677 : i32 to index
      %swap3A_679 = arith.constant 96 : index
      %swap3A_680 = tpu.vector_load %arg9[%swap3A_678, %swap3A_679] {strides = array<i32>} : memref<256x128xf32, #tpu.memory_space<vmem>>, vector<1x16xf32>,
      %swap3A_681 = vector.shape_cast %swap3A_680 : vector<1x16xf32> to vector<16xf32>
      %swap3A_682 = vector.shape_cast %add3A_675 : vector<16xf32> to vector<1x16xf32>
      tpu.vector_store %arg9[%swap3A_678, %swap3A_679], %swap3A_682 {strides = array<i32>} : memref<256x128xf32, #tpu.memory_space<vmem>>, vector<1x16xf32>,
      %add3A_683 = arith.constant 0 : i32
      %add3A_684 = arith.addi %add3A_585, %add3A_683 : i32
      %get3A_685 = arith.index_cast %add3A_684 : i32 to index
      %get3A_686 = arith.constant 112 : index
      %get3A_687 = tpu.vector_load %arg9[%get3A_685, %get3A_686] {strides = array<i32>} : memref<256x128xf32, #tpu.memory_space<vmem>>, vector<1x16xf32>,
      %get3A_688 = vector.shape_cast %get3A_687 : vector<1x16xf32> to vector<16xf32>
      %add3A_689 = arith.addf %get3A_688, %get3A_492 : vector<16xf32>
      %add3A_690 = arith.constant 0 : i32
      %add3A_691 = arith.addi %add3A_585, %add3A_690 : i32
      %swap3A_692 = arith.index_cast %add3A_691 : i32 to index
      %swap3A_693 = arith.constant 112 : index
      %swap3A_694 = tpu.vector_load %arg9[%swap3A_692, %swap3A_693] {strides = array<i32>} : memref<256x128xf32, #tpu.memory_space<vmem>>, vector<1x16xf32>,
      %swap3A_695 = vector.shape_cast %swap3A_694 : vector<1x16xf32> to vector<16xf32>
      %swap3A_696 = vector.shape_cast %add3A_689 : vector<16xf32> to vector<1x16xf32>
      tpu.vector_store %arg9[%swap3A_692, %swap3A_693], %swap3A_696 {strides = array<i32>} : memref<256x128xf32, #tpu.memory_space<vmem>>, vector<1x16xf32>,
      %add3A_697 = arith.constant 1 : i32
      %add3A_698 = arith.addi %add3A_585, %add3A_697 : i32
      %get3A_699 = arith.index_cast %add3A_698 : i32 to index
      %get3A_700 = arith.constant 0 : index
      %get3A_701 = tpu.vector_load %arg9[%get3A_699, %get3A_700] {strides = array<i32>} : memref<256x128xf32, #tpu.memory_space<vmem>>, vector<1x16xf32>,
      %get3A_702 = vector.shape_cast %get3A_701 : vector<1x16xf32> to vector<16xf32>
      %add3A_703 = arith.addf %get3A_702, %get3A_464 : vector<16xf32>
      %add3A_704 = arith.constant 1 : i32
      %add3A_705 = arith.addi %add3A_585, %add3A_704 : i32
      %swap3A_706 = arith.index_cast %add3A_705 : i32 to index
      %swap3A_707 = arith.constant 0 : index
      %swap3A_708 = tpu.vector_load %arg9[%swap3A_706, %swap3A_707] {strides = array<i32>} : memref<256x128xf32, #tpu.memory_space<vmem>>, vector<1x16xf32>,
      %swap3A_709 = vector.shape_cast %swap3A_708 : vector<1x16xf32> to vector<16xf32>
      %swap3A_710 = vector.shape_cast %add3A_703 : vector<16xf32> to vector<1x16xf32>
      tpu.vector_store %arg9[%swap3A_706, %swap3A_707], %swap3A_710 {strides = array<i32>} : memref<256x128xf32, #tpu.memory_space<vmem>>, vector<1x16xf32>,
      %add3A_711 = arith.constant 1 : i32
      %add3A_712 = arith.addi %add3A_585, %add3A_711 : i32
      %get3A_713 = arith.index_cast %add3A_712 : i32 to index
      %get3A_714 = arith.constant 16 : index
      %get3A_715 = tpu.vector_load %arg9[%get3A_713, %get3A_714] {strides = array<i32>} : memref<256x128xf32, #tpu.memory_space<vmem>>, vector<1x16xf32>,
      %get3A_716 = vector.shape_cast %get3A_715 : vector<1x16xf32> to vector<16xf32>
      %add3A_717 = arith.addf %get3A_716, %get3A_468 : vector<16xf32>
      %add3A_718 = arith.constant 1 : i32
      %add3A_719 = arith.addi %add3A_585, %add3A_718 : i32
      %swap3A_720 = arith.index_cast %add3A_719 : i32 to index
      %swap3A_721 = arith.constant 16 : index
      %swap3A_722 = tpu.vector_load %arg9[%swap3A_720, %swap3A_721] {strides = array<i32>} : memref<256x128xf32, #tpu.memory_space<vmem>>, vector<1x16xf32>,
      %swap3A_723 = vector.shape_cast %swap3A_722 : vector<1x16xf32> to vector<16xf32>
      %swap3A_724 = vector.shape_cast %add3A_717 : vector<16xf32> to vector<1x16xf32>
      tpu.vector_store %arg9[%swap3A_720, %swap3A_721], %swap3A_724 {strides = array<i32>} : memref<256x128xf32, #tpu.memory_space<vmem>>, vector<1x16xf32>,
      %add3A_725 = arith.constant 1 : i32
      %add3A_726 = arith.addi %add3A_585, %add3A_725 : i32
      %get3A_727 = arith.index_cast %add3A_726 : i32 to index
      %get3A_728 = arith.constant 32 : index
      %get3A_729 = tpu.vector_load %arg9[%get3A_727, %get3A_728] {strides = array<i32>} : memref<256x128xf32, #tpu.memory_space<vmem>>, vector<1x16xf32>,
      %get3A_730 = vector.shape_cast %get3A_729 : vector<1x16xf32> to vector<16xf32>
      %add3A_731 = arith.addf %get3A_730, %get3A_472 : vector<16xf32>
      %add3A_732 = arith.constant 1 : i32
      %add3A_733 = arith.addi %add3A_585, %add3A_732 : i32
      %swap3A_734 = arith.index_cast %add3A_733 : i32 to index
      %swap3A_735 = arith.constant 32 : index
      %swap3A_736 = tpu.vector_load %arg9[%swap3A_734, %swap3A_735] {strides = array<i32>} : memref<256x128xf32, #tpu.memory_space<vmem>>, vector<1x16xf32>,
      %swap3A_737 = vector.shape_cast %swap3A_736 : vector<1x16xf32> to vector<16xf32>
      %swap3A_738 = vector.shape_cast %add3A_731 : vector<16xf32> to vector<1x16xf32>
      tpu.vector_store %arg9[%swap3A_734, %swap3A_735], %swap3A_738 {strides = array<i32>} : memref<256x128xf32, #tpu.memory_space<vmem>>, vector<1x16xf32>,
      %add3A_739 = arith.constant 1 : i32
      %add3A_740 = arith.addi %add3A_585, %add3A_739 : i32
      %get3A_741 = arith.index_cast %add3A_740 : i32 to index
      %get3A_742 = arith.constant 48 : index
      %get3A_743 = tpu.vector_load %arg9[%get3A_741, %get3A_742] {strides = array<i32>} : memref<256x128xf32, #tpu.memory_space<vmem>>, vector<1x16xf32>,
      %get3A_744 = vector.shape_cast %get3A_743 : vector<1x16xf32> to vector<16xf32>
      %add3A_745 = arith.addf %get3A_744, %get3A_476 : vector<16xf32>
      %add3A_746 = arith.constant 1 : i32
      %add3A_747 = arith.addi %add3A_585, %add3A_746 : i32
      %swap3A_748 = arith.index_cast %add3A_747 : i32 to index
      %swap3A_749 = arith.constant 48 : index
      %swap3A_750 = tpu.vector_load %arg9[%swap3A_748, %swap3A_749] {strides = array<i32>} : memref<256x128xf32, #tpu.memory_space<vmem>>, vector<1x16xf32>,
      %swap3A_751 = vector.shape_cast %swap3A_750 : vector<1x16xf32> to vector<16xf32>
      %swap3A_752 = vector.shape_cast %add3A_745 : vector<16xf32> to vector<1x16xf32>
      tpu.vector_store %arg9[%swap3A_748, %swap3A_749], %swap3A_752 {strides = array<i32>} : memref<256x128xf32, #tpu.memory_space<vmem>>, vector<1x16xf32>,
      %add3A_753 = arith.constant 1 : i32
      %add3A_754 = arith.addi %add3A_585, %add3A_753 : i32
      %get3A_755 = arith.index_cast %add3A_754 : i32 to index
      %get3A_756 = arith.constant 64 : index
      %get3A_757 = tpu.vector_load %arg9[%get3A_755, %get3A_756] {strides = array<i32>} : memref<256x128xf32, #tpu.memory_space<vmem>>, vector<1x16xf32>,
      %get3A_758 = vector.shape_cast %get3A_757 : vector<1x16xf32> to vector<16xf32>
      %add3A_759 = arith.addf %get3A_758, %get3A_480 : vector<16xf32>
      %add3A_760 = arith.constant 1 : i32
      %add3A_761 = arith.addi %add3A_585, %add3A_760 : i32
      %swap3A_762 = arith.index_cast %add3A_761 : i32 to index
      %swap3A_763 = arith.constant 64 : index
      %swap3A_764 = tpu.vector_load %arg9[%swap3A_762, %swap3A_763] {strides = array<i32>} : memref<256x128xf32, #tpu.memory_space<vmem>>, vector<1x16xf32>,
      %swap3A_765 = vector.shape_cast %swap3A_764 : vector<1x16xf32> to vector<16xf32>
      %swap3A_766 = vector.shape_cast %add3A_759 : vector<16xf32> to vector<1x16xf32>
      tpu.vector_store %arg9[%swap3A_762, %swap3A_763], %swap3A_766 {strides = array<i32>} : memref<256x128xf32, #tpu.memory_space<vmem>>, vector<1x16xf32>,
      %add3A_767 = arith.constant 1 : i32
      %add3A_768 = arith.addi %add3A_585, %add3A_767 : i32
      %get3A_769 = arith.index_cast %add3A_768 : i32 to index
      %get3A_770 = arith.constant 80 : index
      %get3A_771 = tpu.vector_load %arg9[%get3A_769, %get3A_770] {strides = array<i32>} : memref<256x128xf32, #tpu.memory_space<vmem>>, vector<1x16xf32>,
      %get3A_772 = vector.shape_cast %get3A_771 : vector<1x16xf32> to vector<16xf32>
      %add3A_773 = arith.addf %get3A_772, %get3A_484 : vector<16xf32>
      %add3A_774 = arith.constant 1 : i32
      %add3A_775 = arith.addi %add3A_585, %add3A_774 : i32
      %swap3A_776 = arith.index_cast %add3A_775 : i32 to index
      %swap3A_777 = arith.constant 80 : index
      %swap3A_778 = tpu.vector_load %arg9[%swap3A_776, %swap3A_777] {strides = array<i32>} : memref<256x128xf32, #tpu.memory_space<vmem>>, vector<1x16xf32>,
      %swap3A_779 = vector.shape_cast %swap3A_778 : vector<1x16xf32> to vector<16xf32>
      %swap3A_780 = vector.shape_cast %add3A_773 : vector<16xf32> to vector<1x16xf32>
      tpu.vector_store %arg9[%swap3A_776, %swap3A_777], %swap3A_780 {strides = array<i32>} : memref<256x128xf32, #tpu.memory_space<vmem>>, vector<1x16xf32>,
      %add3A_781 = arith.constant 1 : i32
      %add3A_782 = arith.addi %add3A_585, %add3A_781 : i32
      %get3A_783 = arith.index_cast %add3A_782 : i32 to index
      %get3A_784 = arith.constant 96 : index
      %get3A_785 = tpu.vector_load %arg9[%get3A_783, %get3A_784] {strides = array<i32>} : memref<256x128xf32, #tpu.memory_space<vmem>>, vector<1x16xf32>,
      %get3A_786 = vector.shape_cast %get3A_785 : vector<1x16xf32> to vector<16xf32>
      %add3A_787 = arith.addf %get3A_786, %get3A_488 : vector<16xf32>
      %add3A_788 = arith.constant 1 : i32
      %add3A_789 = arith.addi %add3A_585, %add3A_788 : i32
      %swap3A_790 = arith.index_cast %add3A_789 : i32 to index
      %swap3A_791 = arith.constant 96 : index
      %swap3A_792 = tpu.vector_load %arg9[%swap3A_790, %swap3A_791] {strides = array<i32>} : memref<256x128xf32, #tpu.memory_space<vmem>>, vector<1x16xf32>,
      %swap3A_793 = vector.shape_cast %swap3A_792 : vector<1x16xf32> to vector<16xf32>
      %swap3A_794 = vector.shape_cast %add3A_787 : vector<16xf32> to vector<1x16xf32>
      tpu.vector_store %arg9[%swap3A_790, %swap3A_791], %swap3A_794 {strides = array<i32>} : memref<256x128xf32, #tpu.memory_space<vmem>>, vector<1x16xf32>,
      %add3A_795 = arith.constant 1 : i32
      %add3A_796 = arith.addi %add3A_585, %add3A_795 : i32
      %get3A_797 = arith.index_cast %add3A_796 : i32 to index
      %get3A_798 = arith.constant 112 : index
      %get3A_799 = tpu.vector_load %arg9[%get3A_797, %get3A_798] {strides = array<i32>} : memref<256x128xf32, #tpu.memory_space<vmem>>, vector<1x16xf32>,
      %get3A_800 = vector.shape_cast %get3A_799 : vector<1x16xf32> to vector<16xf32>
      %add3A_801 = arith.addf %get3A_800, %get3A_492 : vector<16xf32>
      %add3A_802 = arith.constant 1 : i32
      %add3A_803 = arith.addi %add3A_585, %add3A_802 : i32
      %swap3A_804 = arith.index_cast %add3A_803 : i32 to index
      %swap3A_805 = arith.constant 112 : index
      %swap3A_806 = tpu.vector_load %arg9[%swap3A_804, %swap3A_805] {strides = array<i32>} : memref<256x128xf32, #tpu.memory_space<vmem>>, vector<1x16xf32>,
      %swap3A_807 = vector.shape_cast %swap3A_806 : vector<1x16xf32> to vector<16xf32>
      %swap3A_808 = vector.shape_cast %add3A_801 : vector<16xf32> to vector<1x16xf32>
      tpu.vector_store %arg9[%swap3A_804, %swap3A_805], %swap3A_808 {strides = array<i32>} : memref<256x128xf32, #tpu.memory_space<vmem>>, vector<1x16xf32>,
      %add3A_809 = arith.constant 2 : i32
      %add3A_810 = arith.addi %add3A_585, %add3A_809 : i32
      %get3A_811 = arith.index_cast %add3A_810 : i32 to index
      %get3A_812 = arith.constant 0 : index
      %get3A_813 = tpu.vector_load %arg9[%get3A_811, %get3A_812] {strides = array<i32>} : memref<256x128xf32, #tpu.memory_space<vmem>>, vector<1x16xf32>,
      %get3A_814 = vector.shape_cast %get3A_813 : vector<1x16xf32> to vector<16xf32>
      %add3A_815 = arith.addf %get3A_814, %get3A_464 : vector<16xf32>
      %add3A_816 = arith.constant 2 : i32
      %add3A_817 = arith.addi %add3A_585, %add3A_816 : i32
      %swap3A_818 = arith.index_cast %add3A_817 : i32 to index
      %swap3A_819 = arith.constant 0 : index
      %swap3A_820 = tpu.vector_load %arg9[%swap3A_818, %swap3A_819] {strides = array<i32>} : memref<256x128xf32, #tpu.memory_space<vmem>>, vector<1x16xf32>,
      %swap3A_821 = vector.shape_cast %swap3A_820 : vector<1x16xf32> to vector<16xf32>
      %swap3A_822 = vector.shape_cast %add3A_815 : vector<16xf32> to vector<1x16xf32>
      tpu.vector_store %arg9[%swap3A_818, %swap3A_819], %swap3A_822 {strides = array<i32>} : memref<256x128xf32, #tpu.memory_space<vmem>>, vector<1x16xf32>,
      %add3A_823 = arith.constant 2 : i32
      %add3A_824 = arith.addi %add3A_585, %add3A_823 : i32
      %get3A_825 = arith.index_cast %add3A_824 : i32 to index
      %get3A_826 = arith.constant 16 : index
      %get3A_827 = tpu.vector_load %arg9[%get3A_825, %get3A_826] {strides = array<i32>} : memref<256x128xf32, #tpu.memory_space<vmem>>, vector<1x16xf32>,
      %get3A_828 = vector.shape_cast %get3A_827 : vector<1x16xf32> to vector<16xf32>
      %add3A_829 = arith.addf %get3A_828, %get3A_468 : vector<16xf32>
      %add3A_830 = arith.constant 2 : i32
      %add3A_831 = arith.addi %add3A_585, %add3A_830 : i32
      %swap3A_832 = arith.index_cast %add3A_831 : i32 to index
      %swap3A_833 = arith.constant 16 : index
      %swap3A_834 = tpu.vector_load %arg9[%swap3A_832, %swap3A_833] {strides = array<i32>} : memref<256x128xf32, #tpu.memory_space<vmem>>, vector<1x16xf32>,
      %swap3A_835 = vector.shape_cast %swap3A_834 : vector<1x16xf32> to vector<16xf32>
      %swap3A_836 = vector.shape_cast %add3A_829 : vector<16xf32> to vector<1x16xf32>
      tpu.vector_store %arg9[%swap3A_832, %swap3A_833], %swap3A_836 {strides = array<i32>} : memref<256x128xf32, #tpu.memory_space<vmem>>, vector<1x16xf32>,
      %add3A_837 = arith.constant 2 : i32
      %add3A_838 = arith.addi %add3A_585, %add3A_837 : i32
      %get3A_839 = arith.index_cast %add3A_838 : i32 to index
      %get3A_840 = arith.constant 32 : index
      %get3A_841 = tpu.vector_load %arg9[%get3A_839, %get3A_840] {strides = array<i32>} : memref<256x128xf32, #tpu.memory_space<vmem>>, vector<1x16xf32>,
      %get3A_842 = vector.shape_cast %get3A_841 : vector<1x16xf32> to vector<16xf32>
      %add3A_843 = arith.addf %get3A_842, %get3A_472 : vector<16xf32>
      %add3A_844 = arith.constant 2 : i32
      %add3A_845 = arith.addi %add3A_585, %add3A_844 : i32
      %swap3A_846 = arith.index_cast %add3A_845 : i32 to index
      %swap3A_847 = arith.constant 32 : index
      %swap3A_848 = tpu.vector_load %arg9[%swap3A_846, %swap3A_847] {strides = array<i32>} : memref<256x128xf32, #tpu.memory_space<vmem>>, vector<1x16xf32>,
      %swap3A_849 = vector.shape_cast %swap3A_848 : vector<1x16xf32> to vector<16xf32>
      %swap3A_850 = vector.shape_cast %add3A_843 : vector<16xf32> to vector<1x16xf32>
      tpu.vector_store %arg9[%swap3A_846, %swap3A_847], %swap3A_850 {strides = array<i32>} : memref<256x128xf32, #tpu.memory_space<vmem>>, vector<1x16xf32>,
      %add3A_851 = arith.constant 2 : i32
      %add3A_852 = arith.addi %add3A_585, %add3A_851 : i32
      %get3A_853 = arith.index_cast %add3A_852 : i32 to index
      %get3A_854 = arith.constant 48 : index
      %get3A_855 = tpu.vector_load %arg9[%get3A_853, %get3A_854] {strides = array<i32>} : memref<256x128xf32, #tpu.memory_space<vmem>>, vector<1x16xf32>,
      %get3A_856 = vector.shape_cast %get3A_855 : vector<1x16xf32> to vector<16xf32>
      %add3A_857 = arith.addf %get3A_856, %get3A_476 : vector<16xf32>
      %add3A_858 = arith.constant 2 : i32
      %add3A_859 = arith.addi %add3A_585, %add3A_858 : i32
      %swap3A_860 = arith.index_cast %add3A_859 : i32 to index
      %swap3A_861 = arith.constant 48 : index
      %swap3A_862 = tpu.vector_load %arg9[%swap3A_860, %swap3A_861] {strides = array<i32>} : memref<256x128xf32, #tpu.memory_space<vmem>>, vector<1x16xf32>,
      %swap3A_863 = vector.shape_cast %swap3A_862 : vector<1x16xf32> to vector<16xf32>
      %swap3A_864 = vector.shape_cast %add3A_857 : vector<16xf32> to vector<1x16xf32>
      tpu.vector_store %arg9[%swap3A_860, %swap3A_861], %swap3A_864 {strides = array<i32>} : memref<256x128xf32, #tpu.memory_space<vmem>>, vector<1x16xf32>,
      %add3A_865 = arith.constant 2 : i32
      %add3A_866 = arith.addi %add3A_585, %add3A_865 : i32
      %get3A_867 = arith.index_cast %add3A_866 : i32 to index
      %get3A_868 = arith.constant 64 : index
      %get3A_869 = tpu.vector_load %arg9[%get3A_867, %get3A_868] {strides = array<i32>} : memref<256x128xf32, #tpu.memory_space<vmem>>, vector<1x16xf32>,
      %get3A_870 = vector.shape_cast %get3A_869 : vector<1x16xf32> to vector<16xf32>
      %add3A_871 = arith.addf %get3A_870, %get3A_480 : vector<16xf32>
      %add3A_872 = arith.constant 2 : i32
      %add3A_873 = arith.addi %add3A_585, %add3A_872 : i32
      %swap3A_874 = arith.index_cast %add3A_873 : i32 to index
      %swap3A_875 = arith.constant 64 : index
      %swap3A_876 = tpu.vector_load %arg9[%swap3A_874, %swap3A_875] {strides = array<i32>} : memref<256x128xf32, #tpu.memory_space<vmem>>, vector<1x16xf32>,
      %swap3A_877 = vector.shape_cast %swap3A_876 : vector<1x16xf32> to vector<16xf32>
      %swap3A_878 = vector.shape_cast %add3A_871 : vector<16xf32> to vector<1x16xf32>
      tpu.vector_store %arg9[%swap3A_874, %swap3A_875], %swap3A_878 {strides = array<i32>} : memref<256x128xf32, #tpu.memory_space<vmem>>, vector<1x16xf32>,
      %add3A_879 = arith.constant 2 : i32
      %add3A_880 = arith.addi %add3A_585, %add3A_879 : i32
      %get3A_881 = arith.index_cast %add3A_880 : i32 to index
      %get3A_882 = arith.constant 80 : index
      %get3A_883 = tpu.vector_load %arg9[%get3A_881, %get3A_882] {strides = array<i32>} : memref<256x128xf32, #tpu.memory_space<vmem>>, vector<1x16xf32>,
      %get3A_884 = vector.shape_cast %get3A_883 : vector<1x16xf32> to vector<16xf32>
      %add3A_885 = arith.addf %get3A_884, %get3A_484 : vector<16xf32>
      %add3A_886 = arith.constant 2 : i32
      %add3A_887 = arith.addi %add3A_585, %add3A_886 : i32
      %swap3A_888 = arith.index_cast %add3A_887 : i32 to index
      %swap3A_889 = arith.constant 80 : index
      %swap3A_890 = tpu.vector_load %arg9[%swap3A_888, %swap3A_889] {strides = array<i32>} : memref<256x128xf32, #tpu.memory_space<vmem>>, vector<1x16xf32>,
      %swap3A_891 = vector.shape_cast %swap3A_890 : vector<1x16xf32> to vector<16xf32>
      %swap3A_892 = vector.shape_cast %add3A_885 : vector<16xf32> to vector<1x16xf32>
      tpu.vector_store %arg9[%swap3A_888, %swap3A_889], %swap3A_892 {strides = array<i32>} : memref<256x128xf32, #tpu.memory_space<vmem>>, vector<1x16xf32>,
      %add3A_893 = arith.constant 2 : i32
      %add3A_894 = arith.addi %add3A_585, %add3A_893 : i32
      %get3A_895 = arith.index_cast %add3A_894 : i32 to index
      %get3A_896 = arith.constant 96 : index
      %get3A_897 = tpu.vector_load %arg9[%get3A_895, %get3A_896] {strides = array<i32>} : memref<256x128xf32, #tpu.memory_space<vmem>>, vector<1x16xf32>,
      %get3A_898 = vector.shape_cast %get3A_897 : vector<1x16xf32> to vector<16xf32>
      %add3A_899 = arith.addf %get3A_898, %get3A_488 : vector<16xf32>
      %add3A_900 = arith.constant 2 : i32
      %add3A_901 = arith.addi %add3A_585, %add3A_900 : i32
      %swap3A_902 = arith.index_cast %add3A_901 : i32 to index
      %swap3A_903 = arith.constant 96 : index
      %swap3A_904 = tpu.vector_load %arg9[%swap3A_902, %swap3A_903] {strides = array<i32>} : memref<256x128xf32, #tpu.memory_space<vmem>>, vector<1x16xf32>,
      %swap3A_905 = vector.shape_cast %swap3A_904 : vector<1x16xf32> to vector<16xf32>
      %swap3A_906 = vector.shape_cast %add3A_899 : vector<16xf32> to vector<1x16xf32>
      tpu.vector_store %arg9[%swap3A_902, %swap3A_903], %swap3A_906 {strides = array<i32>} : memref<256x128xf32, #tpu.memory_space<vmem>>, vector<1x16xf32>,
      %add3A_907 = arith.constant 2 : i32
      %add3A_908 = arith.addi %add3A_585, %add3A_907 : i32
      %get3A_909 = arith.index_cast %add3A_908 : i32 to index
      %get3A_910 = arith.constant 112 : index
      %get3A_911 = tpu.vector_load %arg9[%get3A_909, %get3A_910] {strides = array<i32>} : memref<256x128xf32, #tpu.memory_space<vmem>>, vector<1x16xf32>,
      %get3A_912 = vector.shape_cast %get3A_911 : vector<1x16xf32> to vector<16xf32>
      %add3A_913 = arith.addf %get3A_912, %get3A_492 : vector<16xf32>
      %add3A_914 = arith.constant 2 : i32
      %add3A_915 = arith.addi %add3A_585, %add3A_914 : i32
      %swap3A_916 = arith.index_cast %add3A_915 : i32 to index
      %swap3A_917 = arith.constant 112 : index
      %swap3A_918 = tpu.vector_load %arg9[%swap3A_916, %swap3A_917] {strides = array<i32>} : memref<256x128xf32, #tpu.memory_space<vmem>>, vector<1x16xf32>,
      %swap3A_919 = vector.shape_cast %swap3A_918 : vector<1x16xf32> to vector<16xf32>
      %swap3A_920 = vector.shape_cast %add3A_913 : vector<16xf32> to vector<1x16xf32>
      tpu.vector_store %arg9[%swap3A_916, %swap3A_917], %swap3A_920 {strides = array<i32>} : memref<256x128xf32, #tpu.memory_space<vmem>>, vector<1x16xf32>,
      %add3A_921 = arith.constant 3 : i32
      %add3A_922 = arith.addi %add3A_585, %add3A_921 : i32
      %get3A_923 = arith.index_cast %add3A_922 : i32 to index
      %get3A_924 = arith.constant 0 : index
      %get3A_925 = tpu.vector_load %arg9[%get3A_923, %get3A_924] {strides = array<i32>} : memref<256x128xf32, #tpu.memory_space<vmem>>, vector<1x16xf32>,
      %get3A_926 = vector.shape_cast %get3A_925 : vector<1x16xf32> to vector<16xf32>
      %add3A_927 = arith.addf %get3A_926, %get3A_464 : vector<16xf32>
      %add3A_928 = arith.constant 3 : i32
      %add3A_929 = arith.addi %add3A_585, %add3A_928 : i32
      %swap3A_930 = arith.index_cast %add3A_929 : i32 to index
      %swap3A_931 = arith.constant 0 : index
      %swap3A_932 = tpu.vector_load %arg9[%swap3A_930, %swap3A_931] {strides = array<i32>} : memref<256x128xf32, #tpu.memory_space<vmem>>, vector<1x16xf32>,
      %swap3A_933 = vector.shape_cast %swap3A_932 : vector<1x16xf32> to vector<16xf32>
      %swap3A_934 = vector.shape_cast %add3A_927 : vector<16xf32> to vector<1x16xf32>
      tpu.vector_store %arg9[%swap3A_930, %swap3A_931], %swap3A_934 {strides = array<i32>} : memref<256x128xf32, #tpu.memory_space<vmem>>, vector<1x16xf32>,
      %add3A_935 = arith.constant 3 : i32
      %add3A_936 = arith.addi %add3A_585, %add3A_935 : i32
      %get3A_937 = arith.index_cast %add3A_936 : i32 to index
      %get3A_938 = arith.constant 16 : index
      %get3A_939 = tpu.vector_load %arg9[%get3A_937, %get3A_938] {strides = array<i32>} : memref<256x128xf32, #tpu.memory_space<vmem>>, vector<1x16xf32>,
      %get3A_940 = vector.shape_cast %get3A_939 : vector<1x16xf32> to vector<16xf32>
      %add3A_941 = arith.addf %get3A_940, %get3A_468 : vector<16xf32>
      %add3A_942 = arith.constant 3 : i32
      %add3A_943 = arith.addi %add3A_585, %add3A_942 : i32
      %swap3A_944 = arith.index_cast %add3A_943 : i32 to index
      %swap3A_945 = arith.constant 16 : index
      %swap3A_946 = tpu.vector_load %arg9[%swap3A_944, %swap3A_945] {strides = array<i32>} : memref<256x128xf32, #tpu.memory_space<vmem>>, vector<1x16xf32>,
      %swap3A_947 = vector.shape_cast %swap3A_946 : vector<1x16xf32> to vector<16xf32>
      %swap3A_948 = vector.shape_cast %add3A_941 : vector<16xf32> to vector<1x16xf32>
      tpu.vector_store %arg9[%swap3A_944, %swap3A_945], %swap3A_948 {strides = array<i32>} : memref<256x128xf32, #tpu.memory_space<vmem>>, vector<1x16xf32>,
      %add3A_949 = arith.constant 3 : i32
      %add3A_950 = arith.addi %add3A_585, %add3A_949 : i32
      %get3A_951 = arith.index_cast %add3A_950 : i32 to index
      %get3A_952 = arith.constant 32 : index
      %get3A_953 = tpu.vector_load %arg9[%get3A_951, %get3A_952] {strides = array<i32>} : memref<256x128xf32, #tpu.memory_space<vmem>>, vector<1x16xf32>,
      %get3A_954 = vector.shape_cast %get3A_953 : vector<1x16xf32> to vector<16xf32>
      %add3A_955 = arith.addf %get3A_954, %get3A_472 : vector<16xf32>
      %add3A_956 = arith.constant 3 : i32
      %add3A_957 = arith.addi %add3A_585, %add3A_956 : i32
      %swap3A_958 = arith.index_cast %add3A_957 : i32 to index
      %swap3A_959 = arith.constant 32 : index
      %swap3A_960 = tpu.vector_load %arg9[%swap3A_958, %swap3A_959] {strides = array<i32>} : memref<256x128xf32, #tpu.memory_space<vmem>>, vector<1x16xf32>,
      %swap3A_961 = vector.shape_cast %swap3A_960 : vector<1x16xf32> to vector<16xf32>
      %swap3A_962 = vector.shape_cast %add3A_955 : vector<16xf32> to vector<1x16xf32>
      tpu.vector_store %arg9[%swap3A_958, %swap3A_959], %swap3A_962 {strides = array<i32>} : memref<256x128xf32, #tpu.memory_space<vmem>>, vector<1x16xf32>,
      %add3A_963 = arith.constant 3 : i32
      %add3A_964 = arith.addi %add3A_585, %add3A_963 : i32
      %get3A_965 = arith.index_cast %add3A_964 : i32 to index
      %get3A_966 = arith.constant 48 : index
      %get3A_967 = tpu.vector_load %arg9[%get3A_965, %get3A_966] {strides = array<i32>} : memref<256x128xf32, #tpu.memory_space<vmem>>, vector<1x16xf32>,
      %get3A_968 = vector.shape_cast %get3A_967 : vector<1x16xf32> to vector<16xf32>
      %add3A_969 = arith.addf %get3A_968, %get3A_476 : vector<16xf32>
      %add3A_970 = arith.constant 3 : i32
      %add3A_971 = arith.addi %add3A_585, %add3A_970 : i32
      %swap3A_972 = arith.index_cast %add3A_971 : i32 to index
      %swap3A_973 = arith.constant 48 : index
      %swap3A_974 = tpu.vector_load %arg9[%swap3A_972, %swap3A_973] {strides = array<i32>} : memref<256x128xf32, #tpu.memory_space<vmem>>, vector<1x16xf32>,
      %swap3A_975 = vector.shape_cast %swap3A_974 : vector<1x16xf32> to vector<16xf32>
      %swap3A_976 = vector.shape_cast %add3A_969 : vector<16xf32> to vector<1x16xf32>
      tpu.vector_store %arg9[%swap3A_972, %swap3A_973], %swap3A_976 {strides = array<i32>} : memref<256x128xf32, #tpu.memory_space<vmem>>, vector<1x16xf32>,
      %add3A_977 = arith.constant 3 : i32
      %add3A_978 = arith.addi %add3A_585, %add3A_977 : i32
      %get3A_979 = arith.index_cast %add3A_978 : i32 to index
      %get3A_980 = arith.constant 64 : index
      %get3A_981 = tpu.vector_load %arg9[%get3A_979, %get3A_980] {strides = array<i32>} : memref<256x128xf32, #tpu.memory_space<vmem>>, vector<1x16xf32>,
      %get3A_982 = vector.shape_cast %get3A_981 : vector<1x16xf32> to vector<16xf32>
      %add3A_983 = arith.addf %get3A_982, %get3A_480 : vector<16xf32>
      %add3A_984 = arith.constant 3 : i32
      %add3A_985 = arith.addi %add3A_585, %add3A_984 : i32
      %swap3A_986 = arith.index_cast %add3A_985 : i32 to index
      %swap3A_987 = arith.constant 64 : index
      %swap3A_988 = tpu.vector_load %arg9[%swap3A_986, %swap3A_987] {strides = array<i32>} : memref<256x128xf32, #tpu.memory_space<vmem>>, vector<1x16xf32>,
      %swap3A_989 = vector.shape_cast %swap3A_988 : vector<1x16xf32> to vector<16xf32>
      %swap3A_990 = vector.shape_cast %add3A_983 : vector<16xf32> to vector<1x16xf32>
      tpu.vector_store %arg9[%swap3A_986, %swap3A_987], %swap3A_990 {strides = array<i32>} : memref<256x128xf32, #tpu.memory_space<vmem>>, vector<1x16xf32>,
      %add3A_991 = arith.constant 3 : i32
      %add3A_992 = arith.addi %add3A_585, %add3A_991 : i32
      %get3A_993 = arith.index_cast %add3A_992 : i32 to index
      %get3A_994 = arith.constant 80 : index
      %get3A_995 = tpu.vector_load %arg9[%get3A_993, %get3A_994] {strides = array<i32>} : memref<256x128xf32, #tpu.memory_space<vmem>>, vector<1x16xf32>,
      %get3A_996 = vector.shape_cast %get3A_995 : vector<1x16xf32> to vector<16xf32>
      %add3A_997 = arith.addf %get3A_996, %get3A_484 : vector<16xf32>
      %add3A_998 = arith.constant 3 : i32
      %add3A_999 = arith.addi %add3A_585, %add3A_998 : i32
      %swap3A_1000 = arith.index_cast %add3A_999 : i32 to index
      %swap3A_1001 = arith.constant 80 : index
      %swap3A_1002 = tpu.vector_load %arg9[%swap3A_1000, %swap3A_1001] {strides = array<i32>} : memref<256x128xf32, #tpu.memory_space<vmem>>, vector<1x16xf32>,
      %swap3A_1003 = vector.shape_cast %swap3A_1002 : vector<1x16xf32> to vector<16xf32>
      %swap3A_1004 = vector.shape_cast %add3A_997 : vector<16xf32> to vector<1x16xf32>
      tpu.vector_store %arg9[%swap3A_1000, %swap3A_1001], %swap3A_1004 {strides = array<i32>} : memref<256x128xf32, #tpu.memory_space<vmem>>, vector<1x16xf32>,
      %add3A_1005 = arith.constant 3 : i32
      %add3A_1006 = arith.addi %add3A_585, %add3A_1005 : i32
      %get3A_1007 = arith.index_cast %add3A_1006 : i32 to index
      %get3A_1008 = arith.constant 96 : index
      %get3A_1009 = tpu.vector_load %arg9[%get3A_1007, %get3A_1008] {strides = array<i32>} : memref<256x128xf32, #tpu.memory_space<vmem>>, vector<1x16xf32>,
      %get3A_1010 = vector.shape_cast %get3A_1009 : vector<1x16xf32> to vector<16xf32>
      %add3A_1011 = arith.addf %get3A_1010, %get3A_488 : vector<16xf32>
      %add3A_1012 = arith.constant 3 : i32
      %add3A_1013 = arith.addi %add3A_585, %add3A_1012 : i32
      %swap3A_1014 = arith.index_cast %add3A_1013 : i32 to index
      %swap3A_1015 = arith.constant 96 : index
      %swap3A_1016 = tpu.vector_load %arg9[%swap3A_1014, %swap3A_1015] {strides = array<i32>} : memref<256x128xf32, #tpu.memory_space<vmem>>, vector<1x16xf32>,
      %swap3A_1017 = vector.shape_cast %swap3A_1016 : vector<1x16xf32> to vector<16xf32>
      %swap3A_1018 = vector.shape_cast %add3A_1011 : vector<16xf32> to vector<1x16xf32>
      tpu.vector_store %arg9[%swap3A_1014, %swap3A_1015], %swap3A_1018 {strides = array<i32>} : memref<256x128xf32, #tpu.memory_space<vmem>>, vector<1x16xf32>,
      %add3A_1019 = arith.constant 3 : i32
      %add3A_1020 = arith.addi %add3A_585, %add3A_1019 : i32
      %get3A_1021 = arith.index_cast %add3A_1020 : i32 to index
      %get3A_1022 = arith.constant 112 : index
      %get3A_1023 = tpu.vector_load %arg9[%get3A_1021, %get3A_1022] {strides = array<i32>} : memref<256x128xf32, #tpu.memory_space<vmem>>, vector<1x16xf32>,
      %get3A_1024 = vector.shape_cast %get3A_1023 : vector<1x16xf32> to vector<16xf32>
      %add3A_1025 = arith.addf %get3A_1024, %get3A_492 : vector<16xf32>
      %add3A_1026 = arith.constant 3 : i32
      %add3A_1027 = arith.addi %add3A_585, %add3A_1026 : i32
      %swap3A_1028 = arith.index_cast %add3A_1027 : i32 to index
      %swap3A_1029 = arith.constant 112 : index
      %swap3A_1030 = tpu.vector_load %arg9[%swap3A_1028, %swap3A_1029] {strides = array<i32>} : memref<256x128xf32, #tpu.memory_space<vmem>>, vector<1x16xf32>,
      %swap3A_1031 = vector.shape_cast %swap3A_1030 : vector<1x16xf32> to vector<16xf32>
      %swap3A_1032 = vector.shape_cast %add3A_1025 : vector<16xf32> to vector<1x16xf32>
      tpu.vector_store %arg9[%swap3A_1028, %swap3A_1029], %swap3A_1032 {strides = array<i32>} : memref<256x128xf32, #tpu.memory_space<vmem>>, vector<1x16xf32>,
    }
    %scan3A_498 = arith.constant 32 : i32
    %add3A_499 = arith.constant 21888 : i32
    %add3A_500 = arith.addi %mul3A_2, %add3A_499 : i32
    %jit3A_501 = arith.constant 16384 : i32
    %div3A_502 = arith.divsi %add3A_500, %jit3A_501 : i32
    %sign3A_503 = arith.constant 0 : i32
    %sign3A_504 = arith.cmpi sgt, %add3A_500, %sign3A_503 : i32
    %sign3A_505 = arith.extui %sign3A_504 : i1 to i32
    %sign3A_506 = arith.constant 0 : i32
    %sign3A_507 = arith.cmpi slt, %add3A_500, %sign3A_506 : i32
    %sign3A_508 = arith.extui %sign3A_507 : i1 to i32
    %sign3A_509 = arith.subi %sign3A_505, %sign3A_508 : i32
    %sign3A_510 = arith.constant 0 : i32
    %sign3A_511 = arith.cmpi sgt, %jit3A_501, %sign3A_510 : i32
    %sign3A_512 = arith.extui %sign3A_511 : i1 to i32
    %sign3A_513 = arith.constant 0 : i32
    %sign3A_514 = arith.cmpi slt, %jit3A_501, %sign3A_513 : i32
    %sign3A_515 = arith.extui %sign3A_514 : i1 to i32
    %sign3A_516 = arith.subi %sign3A_512, %sign3A_515 : i32
    %ne3A_517 = arith.cmpi ne, %sign3A_509, %sign3A_516 : i32
    %rem3A_518 = arith.remsi %add3A_500, %jit3A_501 : i32
    %ne3A_519 = arith.constant 0 : i32
    %ne3A_520 = arith.cmpi ne, %rem3A_518, %ne3A_519 : i32
    %and3A_521 = arith.andi %ne3A_517, %ne3A_520 : i1
    %sub3A_522 = arith.constant 1 : i32
    %sub3A_523 = arith.subi %div3A_502, %sub3A_522 : i32
    %select_n3A_524 = arith.select %and3A_521, %sub3A_523, %div3A_502 : i32
    %get3A_525 = arith.index_cast %select_n3A_524 : i32 to index
    %get3A_526 = arith.constant 0 : index
    %get3A_527 = tpu.vector_load %arg7[%get3A_525, %get3A_526] {strides = array<i32>} : memref<43x128xf32, #tpu.memory_space<vmem>>, vector<1x16xf32>,
    %get3A_528 = vector.shape_cast %get3A_527 : vector<1x16xf32> to vector<16xf32>
    %get3A_529 = arith.index_cast %select_n3A_524 : i32 to index
    %get3A_530 = arith.constant 16 : index
    %get3A_531 = tpu.vector_load %arg7[%get3A_529, %get3A_530] {strides = array<i32>} : memref<43x128xf32, #tpu.memory_space<vmem>>, vector<1x16xf32>,
    %get3A_532 = vector.shape_cast %get3A_531 : vector<1x16xf32> to vector<16xf32>
    %get3A_533 = arith.index_cast %select_n3A_524 : i32 to index
    %get3A_534 = arith.constant 32 : index
    %get3A_535 = tpu.vector_load %arg7[%get3A_533, %get3A_534] {strides = array<i32>} : memref<43x128xf32, #tpu.memory_space<vmem>>, vector<1x16xf32>,
    %get3A_536 = vector.shape_cast %get3A_535 : vector<1x16xf32> to vector<16xf32>
    %get3A_537 = arith.index_cast %select_n3A_524 : i32 to index
    %get3A_538 = arith.constant 48 : index
    %get3A_539 = tpu.vector_load %arg7[%get3A_537, %get3A_538] {strides = array<i32>} : memref<43x128xf32, #tpu.memory_space<vmem>>, vector<1x16xf32>,
    %get3A_540 = vector.shape_cast %get3A_539 : vector<1x16xf32> to vector<16xf32>
    %get3A_541 = arith.index_cast %select_n3A_524 : i32 to index
    %get3A_542 = arith.constant 64 : index
    %get3A_543 = tpu.vector_load %arg7[%get3A_541, %get3A_542] {strides = array<i32>} : memref<43x128xf32, #tpu.memory_space<vmem>>, vector<1x16xf32>,
    %get3A_544 = vector.shape_cast %get3A_543 : vector<1x16xf32> to vector<16xf32>
    %get3A_545 = arith.index_cast %select_n3A_524 : i32 to index
    %get3A_546 = arith.constant 80 : index
    %get3A_547 = tpu.vector_load %arg7[%get3A_545, %get3A_546] {strides = array<i32>} : memref<43x128xf32, #tpu.memory_space<vmem>>, vector<1x16xf32>,
    %get3A_548 = vector.shape_cast %get3A_547 : vector<1x16xf32> to vector<16xf32>
    %get3A_549 = arith.index_cast %select_n3A_524 : i32 to index
    %get3A_550 = arith.constant 96 : index
    %get3A_551 = tpu.vector_load %arg7[%get3A_549, %get3A_550] {strides = array<i32>} : memref<43x128xf32, #tpu.memory_space<vmem>>, vector<1x16xf32>,
    %get3A_552 = vector.shape_cast %get3A_551 : vector<1x16xf32> to vector<16xf32>
    %get3A_553 = arith.index_cast %select_n3A_524 : i32 to index
    %get3A_554 = arith.constant 112 : index
    %get3A_555 = tpu.vector_load %arg7[%get3A_553, %get3A_554] {strides = array<i32>} : memref<43x128xf32, #tpu.memory_space<vmem>>, vector<1x16xf32>,
    %get3A_556 = vector.shape_cast %get3A_555 : vector<1x16xf32> to vector<16xf32>
    %scan3A_557 = arith.constant 0 : i32
    %scan3A_558 = arith.constant 0 : i32
    %scan3A_559 = arith.constant 32 : i32
    %scan3A_560 = arith.addi %scan3A_558, %scan3A_559 : i32
    %scan3A_561 = arith.constant 1 : i32
    scf.for %scan3A_581 = %scan3A_558 to %scan3A_560 step %scan3A_561  : i32 {
      %mul3A_582 = arith.constant 4 : i32
      %mul3A_583 = arith.muli %mul3A_582, %scan3A_581 : i32
      %add3A_584 = arith.constant 128 : i32
      %add3A_585 = arith.addi %add3A_584, %mul3A_583 : i32
      %add3A_586 = arith.constant 0 : i32
      %add3A_587 = arith.addi %add3A_585, %add3A_586 : i32
      %get3A_588 = arith.index_cast %add3A_587 : i32 to index
      %get3A_589 = arith.constant 0 : index
      %get3A_590 = tpu.vector_load %arg9[%get3A_588, %get3A_589] {strides = array<i32>} : memref<256x128xf32, #tpu.memory_space<vmem>>, vector<1x16xf32>,
      %get3A_591 = vector.shape_cast %get3A_590 : vector<1x16xf32> to vector<16xf32>
      %add3A_592 = arith.addf %get3A_591, %get3A_528 : vector<16xf32>
      %add3A_593 = arith.constant 0 : i32
      %add3A_594 = arith.addi %add3A_585, %add3A_593 : i32
      %swap3A = arith.index_cast %add3A_594 : i32 to index
      %swap3A_595 = arith.constant 0 : index
      %swap3A_596 = tpu.vector_load %arg9[%swap3A, %swap3A_595] {strides = array<i32>} : memref<256x128xf32, #tpu.memory_space<vmem>>, vector<1x16xf32>,
      %swap3A_597 = vector.shape_cast %swap3A_596 : vector<1x16xf32> to vector<16xf32>
      %swap3A_598 = vector.shape_cast %add3A_592 : vector<16xf32> to vector<1x16xf32>
      tpu.vector_store %arg9[%swap3A, %swap3A_595], %swap3A_598 {strides = array<i32>} : memref<256x128xf32, #tpu.memory_space<vmem>>, vector<1x16xf32>,
      %add3A_599 = arith.constant 0 : i32
      %add3A_600 = arith.addi %add3A_585, %add3A_599 : i32
      %get3A_601 = arith.index_cast %add3A_600 : i32 to index
      %get3A_602 = arith.constant 16 : index
      %get3A_603 = tpu.vector_load %arg9[%get3A_601, %get3A_602] {strides = array<i32>} : memref<256x128xf32, #tpu.memory_space<vmem>>, vector<1x16xf32>,
      %get3A_604 = vector.shape_cast %get3A_603 : vector<1x16xf32> to vector<16xf32>
      %add3A_605 = arith.addf %get3A_604, %get3A_532 : vector<16xf32>
      %add3A_606 = arith.constant 0 : i32
      %add3A_607 = arith.addi %add3A_585, %add3A_606 : i32
      %swap3A_608 = arith.index_cast %add3A_607 : i32 to index
      %swap3A_609 = arith.constant 16 : index
      %swap3A_610 = tpu.vector_load %arg9[%swap3A_608, %swap3A_609] {strides = array<i32>} : memref<256x128xf32, #tpu.memory_space<vmem>>, vector<1x16xf32>,
      %swap3A_611 = vector.shape_cast %swap3A_610 : vector<1x16xf32> to vector<16xf32>
      %swap3A_612 = vector.shape_cast %add3A_605 : vector<16xf32> to vector<1x16xf32>
      tpu.vector_store %arg9[%swap3A_608, %swap3A_609], %swap3A_612 {strides = array<i32>} : memref<256x128xf32, #tpu.memory_space<vmem>>, vector<1x16xf32>,
      %add3A_613 = arith.constant 0 : i32
      %add3A_614 = arith.addi %add3A_585, %add3A_613 : i32
      %get3A_615 = arith.index_cast %add3A_614 : i32 to index
      %get3A_616 = arith.constant 32 : index
      %get3A_617 = tpu.vector_load %arg9[%get3A_615, %get3A_616] {strides = array<i32>} : memref<256x128xf32, #tpu.memory_space<vmem>>, vector<1x16xf32>,
      %get3A_618 = vector.shape_cast %get3A_617 : vector<1x16xf32> to vector<16xf32>
      %add3A_619 = arith.addf %get3A_618, %get3A_536 : vector<16xf32>
      %add3A_620 = arith.constant 0 : i32
      %add3A_621 = arith.addi %add3A_585, %add3A_620 : i32
      %swap3A_622 = arith.index_cast %add3A_621 : i32 to index
      %swap3A_623 = arith.constant 32 : index
      %swap3A_624 = tpu.vector_load %arg9[%swap3A_622, %swap3A_623] {strides = array<i32>} : memref<256x128xf32, #tpu.memory_space<vmem>>, vector<1x16xf32>,
      %swap3A_625 = vector.shape_cast %swap3A_624 : vector<1x16xf32> to vector<16xf32>
      %swap3A_626 = vector.shape_cast %add3A_619 : vector<16xf32> to vector<1x16xf32>
      tpu.vector_store %arg9[%swap3A_622, %swap3A_623], %swap3A_626 {strides = array<i32>} : memref<256x128xf32, #tpu.memory_space<vmem>>, vector<1x16xf32>,
      %add3A_627 = arith.constant 0 : i32
      %add3A_628 = arith.addi %add3A_585, %add3A_627 : i32
      %get3A_629 = arith.index_cast %add3A_628 : i32 to index
      %get3A_630 = arith.constant 48 : index
      %get3A_631 = tpu.vector_load %arg9[%get3A_629, %get3A_630] {strides = array<i32>} : memref<256x128xf32, #tpu.memory_space<vmem>>, vector<1x16xf32>,
      %get3A_632 = vector.shape_cast %get3A_631 : vector<1x16xf32> to vector<16xf32>
      %add3A_633 = arith.addf %get3A_632, %get3A_540 : vector<16xf32>
      %add3A_634 = arith.constant 0 : i32
      %add3A_635 = arith.addi %add3A_585, %add3A_634 : i32
      %swap3A_636 = arith.index_cast %add3A_635 : i32 to index
      %swap3A_637 = arith.constant 48 : index
      %swap3A_638 = tpu.vector_load %arg9[%swap3A_636, %swap3A_637] {strides = array<i32>} : memref<256x128xf32, #tpu.memory_space<vmem>>, vector<1x16xf32>,
      %swap3A_639 = vector.shape_cast %swap3A_638 : vector<1x16xf32> to vector<16xf32>
      %swap3A_640 = vector.shape_cast %add3A_633 : vector<16xf32> to vector<1x16xf32>
      tpu.vector_store %arg9[%swap3A_636, %swap3A_637], %swap3A_640 {strides = array<i32>} : memref<256x128xf32, #tpu.memory_space<vmem>>, vector<1x16xf32>,
      %add3A_641 = arith.constant 0 : i32
      %add3A_642 = arith.addi %add3A_585, %add3A_641 : i32
      %get3A_643 = arith.index_cast %add3A_642 : i32 to index
      %get3A_644 = arith.constant 64 : index
      %get3A_645 = tpu.vector_load %arg9[%get3A_643, %get3A_644] {strides = array<i32>} : memref<256x128xf32, #tpu.memory_space<vmem>>, vector<1x16xf32>,
      %get3A_646 = vector.shape_cast %get3A_645 : vector<1x16xf32> to vector<16xf32>
      %add3A_647 = arith.addf %get3A_646, %get3A_544 : vector<16xf32>
      %add3A_648 = arith.constant 0 : i32
      %add3A_649 = arith.addi %add3A_585, %add3A_648 : i32
      %swap3A_650 = arith.index_cast %add3A_649 : i32 to index
      %swap3A_651 = arith.constant 64 : index
      %swap3A_652 = tpu.vector_load %arg9[%swap3A_650, %swap3A_651] {strides = array<i32>} : memref<256x128xf32, #tpu.memory_space<vmem>>, vector<1x16xf32>,
      %swap3A_653 = vector.shape_cast %swap3A_652 : vector<1x16xf32> to vector<16xf32>
      %swap3A_654 = vector.shape_cast %add3A_647 : vector<16xf32> to vector<1x16xf32>
      tpu.vector_store %arg9[%swap3A_650, %swap3A_651], %swap3A_654 {strides = array<i32>} : memref<256x128xf32, #tpu.memory_space<vmem>>, vector<1x16xf32>,
      %add3A_655 = arith.constant 0 : i32
      %add3A_656 = arith.addi %add3A_585, %add3A_655 : i32
      %get3A_657 = arith.index_cast %add3A_656 : i32 to index
      %get3A_658 = arith.constant 80 : index
      %get3A_659 = tpu.vector_load %arg9[%get3A_657, %get3A_658] {strides = array<i32>} : memref<256x128xf32, #tpu.memory_space<vmem>>, vector<1x16xf32>,
      %get3A_660 = vector.shape_cast %get3A_659 : vector<1x16xf32> to vector<16xf32>
      %add3A_661 = arith.addf %get3A_660, %get3A_548 : vector<16xf32>
      %add3A_662 = arith.constant 0 : i32
      %add3A_663 = arith.addi %add3A_585, %add3A_662 : i32
      %swap3A_664 = arith.index_cast %add3A_663 : i32 to index
      %swap3A_665 = arith.constant 80 : index
      %swap3A_666 = tpu.vector_load %arg9[%swap3A_664, %swap3A_665] {strides = array<i32>} : memref<256x128xf32, #tpu.memory_space<vmem>>, vector<1x16xf32>,
      %swap3A_667 = vector.shape_cast %swap3A_666 : vector<1x16xf32> to vector<16xf32>
      %swap3A_668 = vector.shape_cast %add3A_661 : vector<16xf32> to vector<1x16xf32>
      tpu.vector_store %arg9[%swap3A_664, %swap3A_665], %swap3A_668 {strides = array<i32>} : memref<256x128xf32, #tpu.memory_space<vmem>>, vector<1x16xf32>,
      %add3A_669 = arith.constant 0 : i32
      %add3A_670 = arith.addi %add3A_585, %add3A_669 : i32
      %get3A_671 = arith.index_cast %add3A_670 : i32 to index
      %get3A_672 = arith.constant 96 : index
      %get3A_673 = tpu.vector_load %arg9[%get3A_671, %get3A_672] {strides = array<i32>} : memref<256x128xf32, #tpu.memory_space<vmem>>, vector<1x16xf32>,
      %get3A_674 = vector.shape_cast %get3A_673 : vector<1x16xf32> to vector<16xf32>
      %add3A_675 = arith.addf %get3A_674, %get3A_552 : vector<16xf32>
      %add3A_676 = arith.constant 0 : i32
      %add3A_677 = arith.addi %add3A_585, %add3A_676 : i32
      %swap3A_678 = arith.index_cast %add3A_677 : i32 to index
      %swap3A_679 = arith.constant 96 : index
      %swap3A_680 = tpu.vector_load %arg9[%swap3A_678, %swap3A_679] {strides = array<i32>} : memref<256x128xf32, #tpu.memory_space<vmem>>, vector<1x16xf32>,
      %swap3A_681 = vector.shape_cast %swap3A_680 : vector<1x16xf32> to vector<16xf32>
      %swap3A_682 = vector.shape_cast %add3A_675 : vector<16xf32> to vector<1x16xf32>
      tpu.vector_store %arg9[%swap3A_678, %swap3A_679], %swap3A_682 {strides = array<i32>} : memref<256x128xf32, #tpu.memory_space<vmem>>, vector<1x16xf32>,
      %add3A_683 = arith.constant 0 : i32
      %add3A_684 = arith.addi %add3A_585, %add3A_683 : i32
      %get3A_685 = arith.index_cast %add3A_684 : i32 to index
      %get3A_686 = arith.constant 112 : index
      %get3A_687 = tpu.vector_load %arg9[%get3A_685, %get3A_686] {strides = array<i32>} : memref<256x128xf32, #tpu.memory_space<vmem>>, vector<1x16xf32>,
      %get3A_688 = vector.shape_cast %get3A_687 : vector<1x16xf32> to vector<16xf32>
      %add3A_689 = arith.addf %get3A_688, %get3A_556 : vector<16xf32>
      %add3A_690 = arith.constant 0 : i32
      %add3A_691 = arith.addi %add3A_585, %add3A_690 : i32
      %swap3A_692 = arith.index_cast %add3A_691 : i32 to index
      %swap3A_693 = arith.constant 112 : index
      %swap3A_694 = tpu.vector_load %arg9[%swap3A_692, %swap3A_693] {strides = array<i32>} : memref<256x128xf32, #tpu.memory_space<vmem>>, vector<1x16xf32>,
      %swap3A_695 = vector.shape_cast %swap3A_694 : vector<1x16xf32> to vector<16xf32>
      %swap3A_696 = vector.shape_cast %add3A_689 : vector<16xf32> to vector<1x16xf32>
      tpu.vector_store %arg9[%swap3A_692, %swap3A_693], %swap3A_696 {strides = array<i32>} : memref<256x128xf32, #tpu.memory_space<vmem>>, vector<1x16xf32>,
      %add3A_697 = arith.constant 1 : i32
      %add3A_698 = arith.addi %add3A_585, %add3A_697 : i32
      %get3A_699 = arith.index_cast %add3A_698 : i32 to index
      %get3A_700 = arith.constant 0 : index
      %get3A_701 = tpu.vector_load %arg9[%get3A_699, %get3A_700] {strides = array<i32>} : memref<256x128xf32, #tpu.memory_space<vmem>>, vector<1x16xf32>,
      %get3A_702 = vector.shape_cast %get3A_701 : vector<1x16xf32> to vector<16xf32>
      %add3A_703 = arith.addf %get3A_702, %get3A_528 : vector<16xf32>
      %add3A_704 = arith.constant 1 : i32
      %add3A_705 = arith.addi %add3A_585, %add3A_704 : i32
      %swap3A_706 = arith.index_cast %add3A_705 : i32 to index
      %swap3A_707 = arith.constant 0 : index
      %swap3A_708 = tpu.vector_load %arg9[%swap3A_706, %swap3A_707] {strides = array<i32>} : memref<256x128xf32, #tpu.memory_space<vmem>>, vector<1x16xf32>,
      %swap3A_709 = vector.shape_cast %swap3A_708 : vector<1x16xf32> to vector<16xf32>
      %swap3A_710 = vector.shape_cast %add3A_703 : vector<16xf32> to vector<1x16xf32>
      tpu.vector_store %arg9[%swap3A_706, %swap3A_707], %swap3A_710 {strides = array<i32>} : memref<256x128xf32, #tpu.memory_space<vmem>>, vector<1x16xf32>,
      %add3A_711 = arith.constant 1 : i32
      %add3A_712 = arith.addi %add3A_585, %add3A_711 : i32
      %get3A_713 = arith.index_cast %add3A_712 : i32 to index
      %get3A_714 = arith.constant 16 : index
      %get3A_715 = tpu.vector_load %arg9[%get3A_713, %get3A_714] {strides = array<i32>} : memref<256x128xf32, #tpu.memory_space<vmem>>, vector<1x16xf32>,
      %get3A_716 = vector.shape_cast %get3A_715 : vector<1x16xf32> to vector<16xf32>
      %add3A_717 = arith.addf %get3A_716, %get3A_532 : vector<16xf32>
      %add3A_718 = arith.constant 1 : i32
      %add3A_719 = arith.addi %add3A_585, %add3A_718 : i32
      %swap3A_720 = arith.index_cast %add3A_719 : i32 to index
      %swap3A_721 = arith.constant 16 : index
      %swap3A_722 = tpu.vector_load %arg9[%swap3A_720, %swap3A_721] {strides = array<i32>} : memref<256x128xf32, #tpu.memory_space<vmem>>, vector<1x16xf32>,
      %swap3A_723 = vector.shape_cast %swap3A_722 : vector<1x16xf32> to vector<16xf32>
      %swap3A_724 = vector.shape_cast %add3A_717 : vector<16xf32> to vector<1x16xf32>
      tpu.vector_store %arg9[%swap3A_720, %swap3A_721], %swap3A_724 {strides = array<i32>} : memref<256x128xf32, #tpu.memory_space<vmem>>, vector<1x16xf32>,
      %add3A_725 = arith.constant 1 : i32
      %add3A_726 = arith.addi %add3A_585, %add3A_725 : i32
      %get3A_727 = arith.index_cast %add3A_726 : i32 to index
      %get3A_728 = arith.constant 32 : index
      %get3A_729 = tpu.vector_load %arg9[%get3A_727, %get3A_728] {strides = array<i32>} : memref<256x128xf32, #tpu.memory_space<vmem>>, vector<1x16xf32>,
      %get3A_730 = vector.shape_cast %get3A_729 : vector<1x16xf32> to vector<16xf32>
      %add3A_731 = arith.addf %get3A_730, %get3A_536 : vector<16xf32>
      %add3A_732 = arith.constant 1 : i32
      %add3A_733 = arith.addi %add3A_585, %add3A_732 : i32
      %swap3A_734 = arith.index_cast %add3A_733 : i32 to index
      %swap3A_735 = arith.constant 32 : index
      %swap3A_736 = tpu.vector_load %arg9[%swap3A_734, %swap3A_735] {strides = array<i32>} : memref<256x128xf32, #tpu.memory_space<vmem>>, vector<1x16xf32>,
      %swap3A_737 = vector.shape_cast %swap3A_736 : vector<1x16xf32> to vector<16xf32>
      %swap3A_738 = vector.shape_cast %add3A_731 : vector<16xf32> to vector<1x16xf32>
      tpu.vector_store %arg9[%swap3A_734, %swap3A_735], %swap3A_738 {strides = array<i32>} : memref<256x128xf32, #tpu.memory_space<vmem>>, vector<1x16xf32>,
      %add3A_739 = arith.constant 1 : i32
      %add3A_740 = arith.addi %add3A_585, %add3A_739 : i32
      %get3A_741 = arith.index_cast %add3A_740 : i32 to index
      %get3A_742 = arith.constant 48 : index
      %get3A_743 = tpu.vector_load %arg9[%get3A_741, %get3A_742] {strides = array<i32>} : memref<256x128xf32, #tpu.memory_space<vmem>>, vector<1x16xf32>,
      %get3A_744 = vector.shape_cast %get3A_743 : vector<1x16xf32> to vector<16xf32>
      %add3A_745 = arith.addf %get3A_744, %get3A_540 : vector<16xf32>
      %add3A_746 = arith.constant 1 : i32
      %add3A_747 = arith.addi %add3A_585, %add3A_746 : i32
      %swap3A_748 = arith.index_cast %add3A_747 : i32 to index
      %swap3A_749 = arith.constant 48 : index
      %swap3A_750 = tpu.vector_load %arg9[%swap3A_748, %swap3A_749] {strides = array<i32>} : memref<256x128xf32, #tpu.memory_space<vmem>>, vector<1x16xf32>,
      %swap3A_751 = vector.shape_cast %swap3A_750 : vector<1x16xf32> to vector<16xf32>
      %swap3A_752 = vector.shape_cast %add3A_745 : vector<16xf32> to vector<1x16xf32>
      tpu.vector_store %arg9[%swap3A_748, %swap3A_749], %swap3A_752 {strides = array<i32>} : memref<256x128xf32, #tpu.memory_space<vmem>>, vector<1x16xf32>,
      %add3A_753 = arith.constant 1 : i32
      %add3A_754 = arith.addi %add3A_585, %add3A_753 : i32
      %get3A_755 = arith.index_cast %add3A_754 : i32 to index
      %get3A_756 = arith.constant 64 : index
      %get3A_757 = tpu.vector_load %arg9[%get3A_755, %get3A_756] {strides = array<i32>} : memref<256x128xf32, #tpu.memory_space<vmem>>, vector<1x16xf32>,
      %get3A_758 = vector.shape_cast %get3A_757 : vector<1x16xf32> to vector<16xf32>
      %add3A_759 = arith.addf %get3A_758, %get3A_544 : vector<16xf32>
      %add3A_760 = arith.constant 1 : i32
      %add3A_761 = arith.addi %add3A_585, %add3A_760 : i32
      %swap3A_762 = arith.index_cast %add3A_761 : i32 to index
      %swap3A_763 = arith.constant 64 : index
      %swap3A_764 = tpu.vector_load %arg9[%swap3A_762, %swap3A_763] {strides = array<i32>} : memref<256x128xf32, #tpu.memory_space<vmem>>, vector<1x16xf32>,
      %swap3A_765 = vector.shape_cast %swap3A_764 : vector<1x16xf32> to vector<16xf32>
      %swap3A_766 = vector.shape_cast %add3A_759 : vector<16xf32> to vector<1x16xf32>
      tpu.vector_store %arg9[%swap3A_762, %swap3A_763], %swap3A_766 {strides = array<i32>} : memref<256x128xf32, #tpu.memory_space<vmem>>, vector<1x16xf32>,
      %add3A_767 = arith.constant 1 : i32
      %add3A_768 = arith.addi %add3A_585, %add3A_767 : i32
      %get3A_769 = arith.index_cast %add3A_768 : i32 to index
      %get3A_770 = arith.constant 80 : index
      %get3A_771 = tpu.vector_load %arg9[%get3A_769, %get3A_770] {strides = array<i32>} : memref<256x128xf32, #tpu.memory_space<vmem>>, vector<1x16xf32>,
      %get3A_772 = vector.shape_cast %get3A_771 : vector<1x16xf32> to vector<16xf32>
      %add3A_773 = arith.addf %get3A_772, %get3A_548 : vector<16xf32>
      %add3A_774 = arith.constant 1 : i32
      %add3A_775 = arith.addi %add3A_585, %add3A_774 : i32
      %swap3A_776 = arith.index_cast %add3A_775 : i32 to index
      %swap3A_777 = arith.constant 80 : index
      %swap3A_778 = tpu.vector_load %arg9[%swap3A_776, %swap3A_777] {strides = array<i32>} : memref<256x128xf32, #tpu.memory_space<vmem>>, vector<1x16xf32>,
      %swap3A_779 = vector.shape_cast %swap3A_778 : vector<1x16xf32> to vector<16xf32>
      %swap3A_780 = vector.shape_cast %add3A_773 : vector<16xf32> to vector<1x16xf32>
      tpu.vector_store %arg9[%swap3A_776, %swap3A_777], %swap3A_780 {strides = array<i32>} : memref<256x128xf32, #tpu.memory_space<vmem>>, vector<1x16xf32>,
      %add3A_781 = arith.constant 1 : i32
      %add3A_782 = arith.addi %add3A_585, %add3A_781 : i32
      %get3A_783 = arith.index_cast %add3A_782 : i32 to index
      %get3A_784 = arith.constant 96 : index
      %get3A_785 = tpu.vector_load %arg9[%get3A_783, %get3A_784] {strides = array<i32>} : memref<256x128xf32, #tpu.memory_space<vmem>>, vector<1x16xf32>,
      %get3A_786 = vector.shape_cast %get3A_785 : vector<1x16xf32> to vector<16xf32>
      %add3A_787 = arith.addf %get3A_786, %get3A_552 : vector<16xf32>
      %add3A_788 = arith.constant 1 : i32
      %add3A_789 = arith.addi %add3A_585, %add3A_788 : i32
      %swap3A_790 = arith.index_cast %add3A_789 : i32 to index
      %swap3A_791 = arith.constant 96 : index
      %swap3A_792 = tpu.vector_load %arg9[%swap3A_790, %swap3A_791] {strides = array<i32>} : memref<256x128xf32, #tpu.memory_space<vmem>>, vector<1x16xf32>,
      %swap3A_793 = vector.shape_cast %swap3A_792 : vector<1x16xf32> to vector<16xf32>
      %swap3A_794 = vector.shape_cast %add3A_787 : vector<16xf32> to vector<1x16xf32>
      tpu.vector_store %arg9[%swap3A_790, %swap3A_791], %swap3A_794 {strides = array<i32>} : memref<256x128xf32, #tpu.memory_space<vmem>>, vector<1x16xf32>,
      %add3A_795 = arith.constant 1 : i32
      %add3A_796 = arith.addi %add3A_585, %add3A_795 : i32
      %get3A_797 = arith.index_cast %add3A_796 : i32 to index
      %get3A_798 = arith.constant 112 : index
      %get3A_799 = tpu.vector_load %arg9[%get3A_797, %get3A_798] {strides = array<i32>} : memref<256x128xf32, #tpu.memory_space<vmem>>, vector<1x16xf32>,
      %get3A_800 = vector.shape_cast %get3A_799 : vector<1x16xf32> to vector<16xf32>
      %add3A_801 = arith.addf %get3A_800, %get3A_556 : vector<16xf32>
      %add3A_802 = arith.constant 1 : i32
      %add3A_803 = arith.addi %add3A_585, %add3A_802 : i32
      %swap3A_804 = arith.index_cast %add3A_803 : i32 to index
      %swap3A_805 = arith.constant 112 : index
      %swap3A_806 = tpu.vector_load %arg9[%swap3A_804, %swap3A_805] {strides = array<i32>} : memref<256x128xf32, #tpu.memory_space<vmem>>, vector<1x16xf32>,
      %swap3A_807 = vector.shape_cast %swap3A_806 : vector<1x16xf32> to vector<16xf32>
      %swap3A_808 = vector.shape_cast %add3A_801 : vector<16xf32> to vector<1x16xf32>
      tpu.vector_store %arg9[%swap3A_804, %swap3A_805], %swap3A_808 {strides = array<i32>} : memref<256x128xf32, #tpu.memory_space<vmem>>, vector<1x16xf32>,
      %add3A_809 = arith.constant 2 : i32
      %add3A_810 = arith.addi %add3A_585, %add3A_809 : i32
      %get3A_811 = arith.index_cast %add3A_810 : i32 to index
      %get3A_812 = arith.constant 0 : index
      %get3A_813 = tpu.vector_load %arg9[%get3A_811, %get3A_812] {strides = array<i32>} : memref<256x128xf32, #tpu.memory_space<vmem>>, vector<1x16xf32>,
      %get3A_814 = vector.shape_cast %get3A_813 : vector<1x16xf32> to vector<16xf32>
      %add3A_815 = arith.addf %get3A_814, %get3A_528 : vector<16xf32>
      %add3A_816 = arith.constant 2 : i32
      %add3A_817 = arith.addi %add3A_585, %add3A_816 : i32
      %swap3A_818 = arith.index_cast %add3A_817 : i32 to index
      %swap3A_819 = arith.constant 0 : index
      %swap3A_820 = tpu.vector_load %arg9[%swap3A_818, %swap3A_819] {strides = array<i32>} : memref<256x128xf32, #tpu.memory_space<vmem>>, vector<1x16xf32>,
      %swap3A_821 = vector.shape_cast %swap3A_820 : vector<1x16xf32> to vector<16xf32>
      %swap3A_822 = vector.shape_cast %add3A_815 : vector<16xf32> to vector<1x16xf32>
      tpu.vector_store %arg9[%swap3A_818, %swap3A_819], %swap3A_822 {strides = array<i32>} : memref<256x128xf32, #tpu.memory_space<vmem>>, vector<1x16xf32>,
      %add3A_823 = arith.constant 2 : i32
      %add3A_824 = arith.addi %add3A_585, %add3A_823 : i32
      %get3A_825 = arith.index_cast %add3A_824 : i32 to index
      %get3A_826 = arith.constant 16 : index
      %get3A_827 = tpu.vector_load %arg9[%get3A_825, %get3A_826] {strides = array<i32>} : memref<256x128xf32, #tpu.memory_space<vmem>>, vector<1x16xf32>,
      %get3A_828 = vector.shape_cast %get3A_827 : vector<1x16xf32> to vector<16xf32>
      %add3A_829 = arith.addf %get3A_828, %get3A_532 : vector<16xf32>
      %add3A_830 = arith.constant 2 : i32
      %add3A_831 = arith.addi %add3A_585, %add3A_830 : i32
      %swap3A_832 = arith.index_cast %add3A_831 : i32 to index
      %swap3A_833 = arith.constant 16 : index
      %swap3A_834 = tpu.vector_load %arg9[%swap3A_832, %swap3A_833] {strides = array<i32>} : memref<256x128xf32, #tpu.memory_space<vmem>>, vector<1x16xf32>,
      %swap3A_835 = vector.shape_cast %swap3A_834 : vector<1x16xf32> to vector<16xf32>
      %swap3A_836 = vector.shape_cast %add3A_829 : vector<16xf32> to vector<1x16xf32>
      tpu.vector_store %arg9[%swap3A_832, %swap3A_833], %swap3A_836 {strides = array<i32>} : memref<256x128xf32, #tpu.memory_space<vmem>>, vector<1x16xf32>,
      %add3A_837 = arith.constant 2 : i32
      %add3A_838 = arith.addi %add3A_585, %add3A_837 : i32
      %get3A_839 = arith.index_cast %add3A_838 : i32 to index
      %get3A_840 = arith.constant 32 : index
      %get3A_841 = tpu.vector_load %arg9[%get3A_839, %get3A_840] {strides = array<i32>} : memref<256x128xf32, #tpu.memory_space<vmem>>, vector<1x16xf32>,
      %get3A_842 = vector.shape_cast %get3A_841 : vector<1x16xf32> to vector<16xf32>
      %add3A_843 = arith.addf %get3A_842, %get3A_536 : vector<16xf32>
      %add3A_844 = arith.constant 2 : i32
      %add3A_845 = arith.addi %add3A_585, %add3A_844 : i32
      %swap3A_846 = arith.index_cast %add3A_845 : i32 to index
      %swap3A_847 = arith.constant 32 : index
      %swap3A_848 = tpu.vector_load %arg9[%swap3A_846, %swap3A_847] {strides = array<i32>} : memref<256x128xf32, #tpu.memory_space<vmem>>, vector<1x16xf32>,
      %swap3A_849 = vector.shape_cast %swap3A_848 : vector<1x16xf32> to vector<16xf32>
      %swap3A_850 = vector.shape_cast %add3A_843 : vector<16xf32> to vector<1x16xf32>
      tpu.vector_store %arg9[%swap3A_846, %swap3A_847], %swap3A_850 {strides = array<i32>} : memref<256x128xf32, #tpu.memory_space<vmem>>, vector<1x16xf32>,
      %add3A_851 = arith.constant 2 : i32
      %add3A_852 = arith.addi %add3A_585, %add3A_851 : i32
      %get3A_853 = arith.index_cast %add3A_852 : i32 to index
      %get3A_854 = arith.constant 48 : index
      %get3A_855 = tpu.vector_load %arg9[%get3A_853, %get3A_854] {strides = array<i32>} : memref<256x128xf32, #tpu.memory_space<vmem>>, vector<1x16xf32>,
      %get3A_856 = vector.shape_cast %get3A_855 : vector<1x16xf32> to vector<16xf32>
      %add3A_857 = arith.addf %get3A_856, %get3A_540 : vector<16xf32>
      %add3A_858 = arith.constant 2 : i32
      %add3A_859 = arith.addi %add3A_585, %add3A_858 : i32
      %swap3A_860 = arith.index_cast %add3A_859 : i32 to index
      %swap3A_861 = arith.constant 48 : index
      %swap3A_862 = tpu.vector_load %arg9[%swap3A_860, %swap3A_861] {strides = array<i32>} : memref<256x128xf32, #tpu.memory_space<vmem>>, vector<1x16xf32>,
      %swap3A_863 = vector.shape_cast %swap3A_862 : vector<1x16xf32> to vector<16xf32>
      %swap3A_864 = vector.shape_cast %add3A_857 : vector<16xf32> to vector<1x16xf32>
      tpu.vector_store %arg9[%swap3A_860, %swap3A_861], %swap3A_864 {strides = array<i32>} : memref<256x128xf32, #tpu.memory_space<vmem>>, vector<1x16xf32>,
      %add3A_865 = arith.constant 2 : i32
      %add3A_866 = arith.addi %add3A_585, %add3A_865 : i32
      %get3A_867 = arith.index_cast %add3A_866 : i32 to index
      %get3A_868 = arith.constant 64 : index
      %get3A_869 = tpu.vector_load %arg9[%get3A_867, %get3A_868] {strides = array<i32>} : memref<256x128xf32, #tpu.memory_space<vmem>>, vector<1x16xf32>,
      %get3A_870 = vector.shape_cast %get3A_869 : vector<1x16xf32> to vector<16xf32>
      %add3A_871 = arith.addf %get3A_870, %get3A_544 : vector<16xf32>
      %add3A_872 = arith.constant 2 : i32
      %add3A_873 = arith.addi %add3A_585, %add3A_872 : i32
      %swap3A_874 = arith.index_cast %add3A_873 : i32 to index
      %swap3A_875 = arith.constant 64 : index
      %swap3A_876 = tpu.vector_load %arg9[%swap3A_874, %swap3A_875] {strides = array<i32>} : memref<256x128xf32, #tpu.memory_space<vmem>>, vector<1x16xf32>,
      %swap3A_877 = vector.shape_cast %swap3A_876 : vector<1x16xf32> to vector<16xf32>
      %swap3A_878 = vector.shape_cast %add3A_871 : vector<16xf32> to vector<1x16xf32>
      tpu.vector_store %arg9[%swap3A_874, %swap3A_875], %swap3A_878 {strides = array<i32>} : memref<256x128xf32, #tpu.memory_space<vmem>>, vector<1x16xf32>,
      %add3A_879 = arith.constant 2 : i32
      %add3A_880 = arith.addi %add3A_585, %add3A_879 : i32
      %get3A_881 = arith.index_cast %add3A_880 : i32 to index
      %get3A_882 = arith.constant 80 : index
      %get3A_883 = tpu.vector_load %arg9[%get3A_881, %get3A_882] {strides = array<i32>} : memref<256x128xf32, #tpu.memory_space<vmem>>, vector<1x16xf32>,
      %get3A_884 = vector.shape_cast %get3A_883 : vector<1x16xf32> to vector<16xf32>
      %add3A_885 = arith.addf %get3A_884, %get3A_548 : vector<16xf32>
      %add3A_886 = arith.constant 2 : i32
      %add3A_887 = arith.addi %add3A_585, %add3A_886 : i32
      %swap3A_888 = arith.index_cast %add3A_887 : i32 to index
      %swap3A_889 = arith.constant 80 : index
      %swap3A_890 = tpu.vector_load %arg9[%swap3A_888, %swap3A_889] {strides = array<i32>} : memref<256x128xf32, #tpu.memory_space<vmem>>, vector<1x16xf32>,
      %swap3A_891 = vector.shape_cast %swap3A_890 : vector<1x16xf32> to vector<16xf32>
      %swap3A_892 = vector.shape_cast %add3A_885 : vector<16xf32> to vector<1x16xf32>
      tpu.vector_store %arg9[%swap3A_888, %swap3A_889], %swap3A_892 {strides = array<i32>} : memref<256x128xf32, #tpu.memory_space<vmem>>, vector<1x16xf32>,
      %add3A_893 = arith.constant 2 : i32
      %add3A_894 = arith.addi %add3A_585, %add3A_893 : i32
      %get3A_895 = arith.index_cast %add3A_894 : i32 to index
      %get3A_896 = arith.constant 96 : index
      %get3A_897 = tpu.vector_load %arg9[%get3A_895, %get3A_896] {strides = array<i32>} : memref<256x128xf32, #tpu.memory_space<vmem>>, vector<1x16xf32>,
      %get3A_898 = vector.shape_cast %get3A_897 : vector<1x16xf32> to vector<16xf32>
      %add3A_899 = arith.addf %get3A_898, %get3A_552 : vector<16xf32>
      %add3A_900 = arith.constant 2 : i32
      %add3A_901 = arith.addi %add3A_585, %add3A_900 : i32
      %swap3A_902 = arith.index_cast %add3A_901 : i32 to index
      %swap3A_903 = arith.constant 96 : index
      %swap3A_904 = tpu.vector_load %arg9[%swap3A_902, %swap3A_903] {strides = array<i32>} : memref<256x128xf32, #tpu.memory_space<vmem>>, vector<1x16xf32>,
      %swap3A_905 = vector.shape_cast %swap3A_904 : vector<1x16xf32> to vector<16xf32>
      %swap3A_906 = vector.shape_cast %add3A_899 : vector<16xf32> to vector<1x16xf32>
      tpu.vector_store %arg9[%swap3A_902, %swap3A_903], %swap3A_906 {strides = array<i32>} : memref<256x128xf32, #tpu.memory_space<vmem>>, vector<1x16xf32>,
      %add3A_907 = arith.constant 2 : i32
      %add3A_908 = arith.addi %add3A_585, %add3A_907 : i32
      %get3A_909 = arith.index_cast %add3A_908 : i32 to index
      %get3A_910 = arith.constant 112 : index
      %get3A_911 = tpu.vector_load %arg9[%get3A_909, %get3A_910] {strides = array<i32>} : memref<256x128xf32, #tpu.memory_space<vmem>>, vector<1x16xf32>,
      %get3A_912 = vector.shape_cast %get3A_911 : vector<1x16xf32> to vector<16xf32>
      %add3A_913 = arith.addf %get3A_912, %get3A_556 : vector<16xf32>
      %add3A_914 = arith.constant 2 : i32
      %add3A_915 = arith.addi %add3A_585, %add3A_914 : i32
      %swap3A_916 = arith.index_cast %add3A_915 : i32 to index
      %swap3A_917 = arith.constant 112 : index
      %swap3A_918 = tpu.vector_load %arg9[%swap3A_916, %swap3A_917] {strides = array<i32>} : memref<256x128xf32, #tpu.memory_space<vmem>>, vector<1x16xf32>,
      %swap3A_919 = vector.shape_cast %swap3A_918 : vector<1x16xf32> to vector<16xf32>
      %swap3A_920 = vector.shape_cast %add3A_913 : vector<16xf32> to vector<1x16xf32>
      tpu.vector_store %arg9[%swap3A_916, %swap3A_917], %swap3A_920 {strides = array<i32>} : memref<256x128xf32, #tpu.memory_space<vmem>>, vector<1x16xf32>,
      %add3A_921 = arith.constant 3 : i32
      %add3A_922 = arith.addi %add3A_585, %add3A_921 : i32
      %get3A_923 = arith.index_cast %add3A_922 : i32 to index
      %get3A_924 = arith.constant 0 : index
      %get3A_925 = tpu.vector_load %arg9[%get3A_923, %get3A_924] {strides = array<i32>} : memref<256x128xf32, #tpu.memory_space<vmem>>, vector<1x16xf32>,
      %get3A_926 = vector.shape_cast %get3A_925 : vector<1x16xf32> to vector<16xf32>
      %add3A_927 = arith.addf %get3A_926, %get3A_528 : vector<16xf32>
      %add3A_928 = arith.constant 3 : i32
      %add3A_929 = arith.addi %add3A_585, %add3A_928 : i32
      %swap3A_930 = arith.index_cast %add3A_929 : i32 to index
      %swap3A_931 = arith.constant 0 : index
      %swap3A_932 = tpu.vector_load %arg9[%swap3A_930, %swap3A_931] {strides = array<i32>} : memref<256x128xf32, #tpu.memory_space<vmem>>, vector<1x16xf32>,
      %swap3A_933 = vector.shape_cast %swap3A_932 : vector<1x16xf32> to vector<16xf32>
      %swap3A_934 = vector.shape_cast %add3A_927 : vector<16xf32> to vector<1x16xf32>
      tpu.vector_store %arg9[%swap3A_930, %swap3A_931], %swap3A_934 {strides = array<i32>} : memref<256x128xf32, #tpu.memory_space<vmem>>, vector<1x16xf32>,
      %add3A_935 = arith.constant 3 : i32
      %add3A_936 = arith.addi %add3A_585, %add3A_935 : i32
      %get3A_937 = arith.index_cast %add3A_936 : i32 to index
      %get3A_938 = arith.constant 16 : index
      %get3A_939 = tpu.vector_load %arg9[%get3A_937, %get3A_938] {strides = array<i32>} : memref<256x128xf32, #tpu.memory_space<vmem>>, vector<1x16xf32>,
      %get3A_940 = vector.shape_cast %get3A_939 : vector<1x16xf32> to vector<16xf32>
      %add3A_941 = arith.addf %get3A_940, %get3A_532 : vector<16xf32>
      %add3A_942 = arith.constant 3 : i32
      %add3A_943 = arith.addi %add3A_585, %add3A_942 : i32
      %swap3A_944 = arith.index_cast %add3A_943 : i32 to index
      %swap3A_945 = arith.constant 16 : index
      %swap3A_946 = tpu.vector_load %arg9[%swap3A_944, %swap3A_945] {strides = array<i32>} : memref<256x128xf32, #tpu.memory_space<vmem>>, vector<1x16xf32>,
      %swap3A_947 = vector.shape_cast %swap3A_946 : vector<1x16xf32> to vector<16xf32>
      %swap3A_948 = vector.shape_cast %add3A_941 : vector<16xf32> to vector<1x16xf32>
      tpu.vector_store %arg9[%swap3A_944, %swap3A_945], %swap3A_948 {strides = array<i32>} : memref<256x128xf32, #tpu.memory_space<vmem>>, vector<1x16xf32>,
      %add3A_949 = arith.constant 3 : i32
      %add3A_950 = arith.addi %add3A_585, %add3A_949 : i32
      %get3A_951 = arith.index_cast %add3A_950 : i32 to index
      %get3A_952 = arith.constant 32 : index
      %get3A_953 = tpu.vector_load %arg9[%get3A_951, %get3A_952] {strides = array<i32>} : memref<256x128xf32, #tpu.memory_space<vmem>>, vector<1x16xf32>,
      %get3A_954 = vector.shape_cast %get3A_953 : vector<1x16xf32> to vector<16xf32>
      %add3A_955 = arith.addf %get3A_954, %get3A_536 : vector<16xf32>
      %add3A_956 = arith.constant 3 : i32
      %add3A_957 = arith.addi %add3A_585, %add3A_956 : i32
      %swap3A_958 = arith.index_cast %add3A_957 : i32 to index
      %swap3A_959 = arith.constant 32 : index
      %swap3A_960 = tpu.vector_load %arg9[%swap3A_958, %swap3A_959] {strides = array<i32>} : memref<256x128xf32, #tpu.memory_space<vmem>>, vector<1x16xf32>,
      %swap3A_961 = vector.shape_cast %swap3A_960 : vector<1x16xf32> to vector<16xf32>
      %swap3A_962 = vector.shape_cast %add3A_955 : vector<16xf32> to vector<1x16xf32>
      tpu.vector_store %arg9[%swap3A_958, %swap3A_959], %swap3A_962 {strides = array<i32>} : memref<256x128xf32, #tpu.memory_space<vmem>>, vector<1x16xf32>,
      %add3A_963 = arith.constant 3 : i32
      %add3A_964 = arith.addi %add3A_585, %add3A_963 : i32
      %get3A_965 = arith.index_cast %add3A_964 : i32 to index
      %get3A_966 = arith.constant 48 : index
      %get3A_967 = tpu.vector_load %arg9[%get3A_965, %get3A_966] {strides = array<i32>} : memref<256x128xf32, #tpu.memory_space<vmem>>, vector<1x16xf32>,
      %get3A_968 = vector.shape_cast %get3A_967 : vector<1x16xf32> to vector<16xf32>
      %add3A_969 = arith.addf %get3A_968, %get3A_540 : vector<16xf32>
      %add3A_970 = arith.constant 3 : i32
      %add3A_971 = arith.addi %add3A_585, %add3A_970 : i32
      %swap3A_972 = arith.index_cast %add3A_971 : i32 to index
      %swap3A_973 = arith.constant 48 : index
      %swap3A_974 = tpu.vector_load %arg9[%swap3A_972, %swap3A_973] {strides = array<i32>} : memref<256x128xf32, #tpu.memory_space<vmem>>, vector<1x16xf32>,
      %swap3A_975 = vector.shape_cast %swap3A_974 : vector<1x16xf32> to vector<16xf32>
      %swap3A_976 = vector.shape_cast %add3A_969 : vector<16xf32> to vector<1x16xf32>
      tpu.vector_store %arg9[%swap3A_972, %swap3A_973], %swap3A_976 {strides = array<i32>} : memref<256x128xf32, #tpu.memory_space<vmem>>, vector<1x16xf32>,
      %add3A_977 = arith.constant 3 : i32
      %add3A_978 = arith.addi %add3A_585, %add3A_977 : i32
      %get3A_979 = arith.index_cast %add3A_978 : i32 to index
      %get3A_980 = arith.constant 64 : index
      %get3A_981 = tpu.vector_load %arg9[%get3A_979, %get3A_980] {strides = array<i32>} : memref<256x128xf32, #tpu.memory_space<vmem>>, vector<1x16xf32>,
      %get3A_982 = vector.shape_cast %get3A_981 : vector<1x16xf32> to vector<16xf32>
      %add3A_983 = arith.addf %get3A_982, %get3A_544 : vector<16xf32>
      %add3A_984 = arith.constant 3 : i32
      %add3A_985 = arith.addi %add3A_585, %add3A_984 : i32
      %swap3A_986 = arith.index_cast %add3A_985 : i32 to index
      %swap3A_987 = arith.constant 64 : index
      %swap3A_988 = tpu.vector_load %arg9[%swap3A_986, %swap3A_987] {strides = array<i32>} : memref<256x128xf32, #tpu.memory_space<vmem>>, vector<1x16xf32>,
      %swap3A_989 = vector.shape_cast %swap3A_988 : vector<1x16xf32> to vector<16xf32>
      %swap3A_990 = vector.shape_cast %add3A_983 : vector<16xf32> to vector<1x16xf32>
      tpu.vector_store %arg9[%swap3A_986, %swap3A_987], %swap3A_990 {strides = array<i32>} : memref<256x128xf32, #tpu.memory_space<vmem>>, vector<1x16xf32>,
      %add3A_991 = arith.constant 3 : i32
      %add3A_992 = arith.addi %add3A_585, %add3A_991 : i32
      %get3A_993 = arith.index_cast %add3A_992 : i32 to index
      %get3A_994 = arith.constant 80 : index
      %get3A_995 = tpu.vector_load %arg9[%get3A_993, %get3A_994] {strides = array<i32>} : memref<256x128xf32, #tpu.memory_space<vmem>>, vector<1x16xf32>,
      %get3A_996 = vector.shape_cast %get3A_995 : vector<1x16xf32> to vector<16xf32>
      %add3A_997 = arith.addf %get3A_996, %get3A_548 : vector<16xf32>
      %add3A_998 = arith.constant 3 : i32
      %add3A_999 = arith.addi %add3A_585, %add3A_998 : i32
      %swap3A_1000 = arith.index_cast %add3A_999 : i32 to index
      %swap3A_1001 = arith.constant 80 : index
      %swap3A_1002 = tpu.vector_load %arg9[%swap3A_1000, %swap3A_1001] {strides = array<i32>} : memref<256x128xf32, #tpu.memory_space<vmem>>, vector<1x16xf32>,
      %swap3A_1003 = vector.shape_cast %swap3A_1002 : vector<1x16xf32> to vector<16xf32>
      %swap3A_1004 = vector.shape_cast %add3A_997 : vector<16xf32> to vector<1x16xf32>
      tpu.vector_store %arg9[%swap3A_1000, %swap3A_1001], %swap3A_1004 {strides = array<i32>} : memref<256x128xf32, #tpu.memory_space<vmem>>, vector<1x16xf32>,
      %add3A_1005 = arith.constant 3 : i32
      %add3A_1006 = arith.addi %add3A_585, %add3A_1005 : i32
      %get3A_1007 = arith.index_cast %add3A_1006 : i32 to index
      %get3A_1008 = arith.constant 96 : index
      %get3A_1009 = tpu.vector_load %arg9[%get3A_1007, %get3A_1008] {strides = array<i32>} : memref<256x128xf32, #tpu.memory_space<vmem>>, vector<1x16xf32>,
      %get3A_1010 = vector.shape_cast %get3A_1009 : vector<1x16xf32> to vector<16xf32>
      %add3A_1011 = arith.addf %get3A_1010, %get3A_552 : vector<16xf32>
      %add3A_1012 = arith.constant 3 : i32
      %add3A_1013 = arith.addi %add3A_585, %add3A_1012 : i32
      %swap3A_1014 = arith.index_cast %add3A_1013 : i32 to index
      %swap3A_1015 = arith.constant 96 : index
      %swap3A_1016 = tpu.vector_load %arg9[%swap3A_1014, %swap3A_1015] {strides = array<i32>} : memref<256x128xf32, #tpu.memory_space<vmem>>, vector<1x16xf32>,
      %swap3A_1017 = vector.shape_cast %swap3A_1016 : vector<1x16xf32> to vector<16xf32>
      %swap3A_1018 = vector.shape_cast %add3A_1011 : vector<16xf32> to vector<1x16xf32>
      tpu.vector_store %arg9[%swap3A_1014, %swap3A_1015], %swap3A_1018 {strides = array<i32>} : memref<256x128xf32, #tpu.memory_space<vmem>>, vector<1x16xf32>,
      %add3A_1019 = arith.constant 3 : i32
      %add3A_1020 = arith.addi %add3A_585, %add3A_1019 : i32
      %get3A_1021 = arith.index_cast %add3A_1020 : i32 to index
      %get3A_1022 = arith.constant 112 : index
      %get3A_1023 = tpu.vector_load %arg9[%get3A_1021, %get3A_1022] {strides = array<i32>} : memref<256x128xf32, #tpu.memory_space<vmem>>, vector<1x16xf32>,
      %get3A_1024 = vector.shape_cast %get3A_1023 : vector<1x16xf32> to vector<16xf32>
      %add3A_1025 = arith.addf %get3A_1024, %get3A_556 : vector<16xf32>
      %add3A_1026 = arith.constant 3 : i32
      %add3A_1027 = arith.addi %add3A_585, %add3A_1026 : i32
      %swap3A_1028 = arith.index_cast %add3A_1027 : i32 to index
      %swap3A_1029 = arith.constant 112 : index
      %swap3A_1030 = tpu.vector_load %arg9[%swap3A_1028, %swap3A_1029] {strides = array<i32>} : memref<256x128xf32, #tpu.memory_space<vmem>>, vector<1x16xf32>,
      %swap3A_1031 = vector.shape_cast %swap3A_1030 : vector<1x16xf32> to vector<16xf32>
      %swap3A_1032 = vector.shape_cast %add3A_1025 : vector<16xf32> to vector<1x16xf32>
      tpu.vector_store %arg9[%swap3A_1028, %swap3A_1029], %swap3A_1032 {strides = array<i32>} : memref<256x128xf32, #tpu.memory_space<vmem>>, vector<1x16xf32>,
    }
    %scan3A_562 = arith.constant 32 : i32
    %add3A_563 = arith.constant 21760 : i32
    %add3A_564 = arith.addi %mul3A_2, %add3A_563 : i32
    %dma_start3A_565 = arith.constant 0 : i32
    %dma_start3A_566 = tpu.memref_slice %arg5[%add3A_564, %dma_start3A_565] : memref<704512x128xf32, #tpu.memory_space<hbm>> -> memref<256x128xf32, #tpu.memory_space<hbm>>
    %dma_start3A_567 = arith.constant 0 : i32
    %dma_start3A_568 = tpu.memref_slice %arg5[%add3A_564, %dma_start3A_567] : memref<704512x128xf32, #tpu.memory_space<hbm>> -> memref<256x128xf32, #tpu.memory_space<hbm>>
    tpu.enqueue_dma source(%arg9 : memref<256x128xf32, #tpu.memory_space<vmem>>) target(%dma_start3A_568 : memref<256x128xf32, #tpu.memory_space<hbm>>) target_semaphore(%arg13 : memref<!tpu.dma_semaphore, #tpu.memory_space<semaphore_mem>>)
    %add3A_569 = arith.constant 21504 : i32
    %add3A_570 = arith.addi %mul3A_2, %add3A_569 : i32
    %dma_wait3A_571 = arith.constant 0 : i32
    %dma_wait3A_572 = tpu.memref_slice %arg5[%add3A_570, %dma_wait3A_571] : memref<704512x128xf32, #tpu.memory_space<hbm>> -> memref<256x128xf32, #tpu.memory_space<hbm>>
    %dma_wait3A_573 = arith.constant 0 : i32
    %dma_wait3A_574 = tpu.memref_slice %arg5[%add3A_570, %dma_wait3A_573] : memref<704512x128xf32, #tpu.memory_space<hbm>> -> memref<256x128xf32, #tpu.memory_space<hbm>>
    tpu.wait_dma2 semaphore(%arg12 : memref<!tpu.dma_semaphore, #tpu.memory_space<semaphore_mem>>) src(%arg8 : memref<256x128xf32, #tpu.memory_space<vmem>>) dst(%dma_wait3A_574 : memref<256x128xf32, #tpu.memory_space<hbm>>)
    %add3A_575 = arith.constant 21760 : i32
    %add3A_576 = arith.addi %mul3A_2, %add3A_575 : i32
    %dma_wait3A_577 = arith.constant 0 : i32
    %dma_wait3A_578 = tpu.memref_slice %arg5[%add3A_576, %dma_wait3A_577] : memref<704512x128xf32, #tpu.memory_space<hbm>> -> memref<256x128xf32, #tpu.memory_space<hbm>>
    %dma_wait3A_579 = arith.constant 0 : i32
    %dma_wait3A_580 = tpu.memref_slice %arg5[%add3A_576, %dma_wait3A_579] : memref<704512x128xf32, #tpu.memory_space<hbm>> -> memref<256x128xf32, #tpu.memory_space<hbm>>
    tpu.wait_dma2 semaphore(%arg13 : memref<!tpu.dma_semaphore, #tpu.memory_space<semaphore_mem>>) src(%arg9 : memref<256x128xf32, #tpu.memory_space<vmem>>) dst(%dma_wait3A_580 : memref<256x128xf32, #tpu.memory_space<hbm>>)
    return
  }
}

module attributes {stable_mosaic.version = 14 : i64} {
  func.func @_bias_body(%arg0: memref<1x43x128xf32, #tpu.memory_space<vmem>>, %arg1: memref<1x1x128xf32, #tpu.memory_space<vmem>>, %arg2: memref<43x128xf32, #tpu.memory_space<vmem>>) attributes {dimension_semantics = [], scalar_prefetch = 0 : i64, scratch_operands = 0 : i64, tpu.core_type = #tpu.core_type<tc>} {
    %get3A = arith.constant 0 : index
    %get3A_0 = arith.constant 0 : index
    %get3A_1 = arith.constant 0 : index
    %get3A_2 = vector.load %arg0[%get3A, %get3A_0, %get3A_1] : memref<1x43x128xf32, #tpu.memory_space<vmem>>, vector<1x43x128xf32>
    %get3A_3 = vector.shape_cast %get3A_2 : vector<1x43x128xf32> to vector<43x128xf32>
    %get3A_4 = arith.constant 0 : index
    %get3A_5 = arith.constant 0 : index
    %get3A_6 = arith.constant 0 : index
    %get3A_7 = vector.load %arg1[%get3A_4, %get3A_5, %get3A_6] : memref<1x1x128xf32, #tpu.memory_space<vmem>>, vector<1x1x128xf32>
    %get3A_8 = vector.shape_cast %get3A_7 : vector<1x1x128xf32> to vector<1x128xf32>
    %add3A = vector.broadcast %get3A_8 : vector<1x128xf32> to vector<43x128xf32>
    %add3A_9 = arith.addf %get3A_3, %add3A : vector<43x128xf32>
    %swap3A = arith.constant 0 : index
    %swap3A_10 = arith.constant 0 : index
    %swap3A_11 = vector.load %arg2[%swap3A, %swap3A_10] : memref<43x128xf32, #tpu.memory_space<vmem>>, vector<43x128xf32>
    tpu.vector_store %arg2[%swap3A, %swap3A_10], %add3A_9 {strides = array<i32>} : memref<43x128xf32, #tpu.memory_space<vmem>>, vector<43x128xf32>,
    return
  }
}

</mosaic_0001>

<sc_bundles>
// kernel: kernel.4.cloned.1.call-start
scs
__scs_entry_jumppad:
0x0: {  	(pc) =	sbr.rel $0x88, $3  }
0x1: {  	(tag) =	ssettag $0x0;
	lr =	simm.s32 $0x1  }
0x2: {  	[smem:$0x3F9D] =	sst lr;
	_ =	strace $0xD0000000  }
0x3: {  	_ = 	snop  }
0x4: {  	_ = 	snop  }
0x5: {  	_ = 	snop  }
0x6: {  	_ = 	snop  }
0x7: {  	_ = 	snop  }
__scs_overlays_trampoline_lowered:
0x8: {  	[smem:$0x3FAC] =	sst s0  }
0x9: {  	[smem:$0x3FAD] =	sst s1  }
0xa: {  	[smem:$0x3FAE] =	sst s2  }
0xb: {  	[smem:$0x3FAF] =	sst s3  }
0xc: {  	[smem:$0x3FB0] =	sst s4  }
0xd: {  	[smem:$0x3FB1] =	sst s5  }
0xe: {  	[smem:$0x3FB2] =	sst s6  }
0xf: {  	[smem:$0x3FB3] =	sst s7  }
0x10: {  	[smem:$0x3FB4] =	sst s8  }
0x11: {  	[smem:$0x3FB5] =	sst s9;
	s0 =	simm.s32 @!p0 $0x0  }
0x12: {  	s1 =	sld [smem:$0x3F9B];
	s0 =	simm.s32 @p0 $0x1  }
0x13: {  	[smem:$0x3FB6] =	sst s0;
	s0 =	simm.s32 @!p1 $0x0  }
0x14: {  	s2 =	sld [smem:$0x3F9A];
	s0 =	simm.s32 @p1 $0x1  }
0x15: {  	[smem:$0x3FB7] =	sst s0;
	s0 =	simm.s32 @!p2 $0x0  }
0x16: {  	s3 =	sld [smem:$0x3FDB];
	s0 =	simm.s32 @p2 $0x1  }
0x17: {  	s4 =	simm.s32 $0x1BF5;
	[smem:$0x3FB9] =	sst s0  }
0x18: {  	s0 =	sld [smem:$0x3F9C];
	_ =	swait.ge [sflag:s4], $0x0  }
0x19: {  	s7 =	sld [smem:$0x3F9D]  }
0x1a: {  	s8 =	sadd.s32 $0xFFFFE003, lr  }
0x1b: {  	s9 =	sadd.s32 $0xFFFFFEF7, lr;
	s5 =	simm.s32 $0xFFFFFFFF;
	p2 =	slt.u32 s8, $0xFFFFF086  }
0x1c: {  	p1 =	slt.u32 s9, $0xF7A;
	s5 =	simm.s32 @!p2 $0x0  }
0x1d: {  	s5 =	simm.s32 @p1 $0x1;
	p0 =	seq.s32 s7, s2  }
0x1e: {  	s7 =	smul.u32 @!p0 $0xF7A, s2;
	p2 =	seq.s32 @!p0 s5, $0x0  }
0x1f: {  	s9 =	smul.u32 $0xF7A, s1;
	s8 =	simm.s32 @!p0 $0x1BF5;
	p2 =	por !p2, p0  }
0x20: {  	[sflag:s8] =	ssyncset.s32 @!p0 $0xFFFFF086;
	s6 =	sadd.s32 @!p0 s3, s7;
	s7 =	simm.s32 @!p0 $0x108  }
0x21: {  	s3 =	sadd.s32 s3, s9;
	s6 =	sadd.s32 @!p0 $0x88, s6;
	s7 =	simm.s32 @p2 $0x1082  }
0x22: {  	[simem:s7], [sflag:s8] =	dma.local @!p0 [hbm:s6], $0xF7A  }
0x23: {  	s9 =	sor.u32 $0xD0000000, s2;
	s6 =	simm.s32 $0x108;
	_ =	swait.ge @!p0 [sflag:s8], $0x0  }
0x24: {  	s3 =	sadd.s32 $0x88, s3;
	s6 =	simm.s32 @!p1 $0x1082;
	[sflag:s4] =	ssyncset.s32 $0xFFFFF086  }
0x25: {  	[simem:s6], [sflag:s4] =	dma.local [hbm:s3], $0xF7A  }
0x26: {  	[smem:$0x3F9D] =	sst s1;
	(tag) =	ssettag s2;
	_ =	strace s9  }
0x27: {  	s1 =	sld [smem:$0x3FAD]  }
0x28: {  	s2 =	sld [smem:$0x3FAE]  }
0x29: {  	s4 =	sld [smem:$0x3FB0]  }
0x2a: {  	p0 =	seq.s32 s5, $0x0;
	s5 =	sld [smem:$0x3FB1]  }
0x2b: {  	s6 =	sld [smem:$0x3FB2]  }
0x2c: {  	s7 =	sld [smem:$0x3FB3]  }
0x2d: {  	s3 =	simm.s32 $0x108;
	s8 =	sld [smem:$0x3FB4]  }
0x2e: {  	s3 =	simm.s32 @!p0 $0x1082;
	s9 =	sld [smem:$0x3FB5]  }
0x2f: {  	lr =	sadd.s32 s0, s3;
	s0 =	sld [smem:$0x3FAC]  }
0x30: {  	s3 =	sld [smem:$0x3FAF]  }
0x31: {  	[smem:$0x3FB8] =	sst s10  }
0x32: {  	s10 =	sld [smem:$0x3FB6];
	_ =	sdelay $0x3  }
0x33: {  	p0 =	seq.s32 s10, $0x1;
	s10 =	sld [smem:$0x3FB8];
	_ =	sdelay $0x3  }
0x34: {  	[smem:$0x3FB8] =	sst s10  }
0x35: {  	s10 =	sld [smem:$0x3FB7];
	_ =	sdelay $0x3  }
0x36: {  	p1 =	seq.s32 s10, $0x1;
	s10 =	sld [smem:$0x3FB8];
	_ =	sdelay $0x3  }
0x37: {  	[smem:$0x3FB8] =	sst s10  }
0x38: {  	s10 =	sld [smem:$0x3FB9]  }
0x39: {  	_ = 	snop;
	(pc) =	sbr.ind lr, $3  }
0x3a: {  	_ = 	snop  }
0x3b: {  	_ = 	snop  }
0x3c: {  	p2 =	seq.s32 s10, $0x1;
	s10 =	sld [smem:$0x3FB8]  }
0x3d: {  	_ =	shalt  }
0x3e: {  	_ =	shalt  }
0x3f: {  	_ =	shalt  }
0x40: {  	_ =	shalt  }
0x41: {  	_ =	shalt  }
0x42: {  	_ =	shalt  }
0x43: {  	_ =	shalt  }
0x44: {  	_ =	shalt  }
0x45: {  	_ =	shalt  }
0x46: {  	_ =	shalt  }
0x47: {  	_ =	shalt  }
0x48: {  	_ =	shalt  }
0x49: {  	_ =	shalt  }
0x4a: {  	_ =	shalt  }
0x4b: {  	_ =	shalt  }
0x4c: {  	_ =	shalt  }
0x4d: {  	_ =	shalt  }
0x4e: {  	_ =	shalt  }
0x4f: {  	_ =	shalt  }
0x50: {  	_ =	shalt  }
0x51: {  	_ =	shalt  }
0x52: {  	_ =	shalt  }
0x53: {  	_ =	shalt  }
0x54: {  	_ =	shalt  }
0x55: {  	_ =	shalt  }
0x56: {  	_ =	shalt  }
0x57: {  	_ =	shalt  }
0x58: {  	_ =	shalt  }
0x59: {  	_ =	shalt  }
0x5a: {  	_ =	shalt  }
0x5b: {  	_ =	shalt  }
0x5c: {  	_ =	shalt  }
0x5d: {  	_ =	shalt  }
0x5e: {  	_ =	shalt  }
0x5f: {  	_ =	shalt  }
0x60: {  	_ =	shalt  }
0x61: {  	_ =	shalt  }
0x62: {  	_ =	shalt  }
0x63: {  	_ =	shalt  }
0x64: {  	_ =	shalt  }
0x65: {  	_ =	shalt  }
0x66: {  	_ =	shalt  }
0x67: {  	_ =	shalt  }
0x68: {  	_ =	shalt  }
0x69: {  	_ =	shalt  }
0x6a: {  	_ =	shalt  }
0x6b: {  	_ =	shalt  }
0x6c: {  	_ =	shalt  }
0x6d: {  	_ =	shalt  }
0x6e: {  	_ =	shalt  }
0x6f: {  	_ =	shalt  }
0x70: {  	_ =	shalt  }
0x71: {  	_ =	shalt  }
0x72: {  	_ =	shalt  }
0x73: {  	_ =	shalt  }
0x74: {  	_ =	shalt  }
0x75: {  	_ =	shalt  }
0x76: {  	_ =	shalt  }
0x77: {  	_ =	shalt  }
0x78: {  	_ =	shalt  }
0x79: {  	_ =	shalt  }
0x7a: {  	_ =	shalt  }
0x7b: {  	_ =	shalt  }
0x7c: {  	_ =	shalt  }
0x7d: {  	_ =	shalt  }
0x7e: {  	_ =	shalt  }
0x7f: {  	_ =	shalt  }
0x80: {  	_ =	shalt  }
0x81: {  	_ =	shalt  }
0x82: {  	_ =	shalt  }
0x83: {  	_ =	shalt  }
0x84: {  	_ =	shalt  }
0x85: {  	_ =	shalt  }
0x86: {  	_ =	shalt  }
0x87: {  	_ =	shalt  }
.Lfunc_end0:
.L_simem_size_0:
called_computation_lowered:
.L_overlay_start_0:
0x88: {  	s2 =	sld [smem:$0x3FD9]  }
0x89: {  	s3 =	sld [smem:$0x3FFE];
	_ =	sdelay $0x1  }
0x8a: {  	s1 =	srdreg.scid  }
0x8b: {  	s0 =	sand.u32 $0x1, s1  }
0x8c: {  	s17 =	sshll.u32 s0, $0xA;
	s2 =	sadd.s32 s3, s2  }
0x8d: {  	s2 =	sadd.s32 s2, s17  }
0x8e: {  	[smem:$0x3FC4] =	sst s2  }
0x8f: {  	_ = 	snop  }
0x90: {  	s2 =	sld [smem:$0x3FC8]  }
0x91: {  	s18 =	sld [smem:$0x3FD0];
	(tm) =	ssettm $0x1  }
0x92: {  	s4 =	sld [smem:$0x3FFB];
	_ =	sdelay $0x3  }
0x93: {  	_ =	strace s4  }
0x94: {  	s4 =	sld [smem:$0x3FFC];
	_ =	sdelay $0x3  }
0x95: {  	_ =	strace s4  }
0x96: {  	s4 =	sld [smem:$0x3FFD];
	_ =	sdelay $0x3  }
0x97: {  	_ =	strace s4  }
0x98: {  	_ =	strace $0x8FFFFFFF  }
0x99: {  	s19 =	sld [smem:$0x3FDB];
	_ =	sdelay $0x1  }
0x9a: {  	s5 =	simm.s32 $_scs_section_size  }
0x9b: {  	s6 =	simm.s32 $_size__tile_overlayer_lowered;
	s7 =	simm.s32 $_tile_overlayer_lowered  }
0x9c: {  	s22 =	simm.s32 $0x1BFF;
	s21 =	sshll.u32 s7, $0x1;
	s4 =	sadd.s32 s5, s19  }
0x9d: {  	s8 =	simm.s32 $0x0;
	s20 =	sshll.u32 s6, $0x1;
	s6 =	sadd.s32 s21, s4  }
0x9e: {  	[timem:s8], [sflag:s22] =	dma.local [hbm:s6], s20  }
0x9f: {  	_ =	swait.ge [sflag:s22], s20  }
0xa0: {  	s5 =	ssub.s32 $0x0, s20;
	[sflag:s22] =	ssyncset.done $0x0  }
0xa1: {  	[sflag:s22] =	ssyncadd.s32 s5;
	_ =	sdelay $0x1  }
0xa2: {  	s23 =	simm.s32 $0x1B8B  }
0xa3: {  	_ =	swait.ge [sflag:s23], $0x1  }
0xa4: {  	[sflag:s23] =	ssyncset.done $0x0  }
0xa5: {  	s25 =	simm.s32 $0x1B8E;
	s24 =	sld [smem:$0x3FFE];
	[sflag:s23] =	ssyncadd.s32 $0xFFFFFFFF  }
0xa6: {  	s26 =	simm.s32 $execute0_lowered;
	[smem:$0x3FD2] =	sst s25  }
0xa7: {  	s6 =	sshll.u32 s26, $0x1;
	_ =	strace $0x80000046;
	[dreg:$0x1] =	wrdreg $0xFFFFFFFF  }
0xa8: {  	s28 =	simm.s32 $_size_execute0_lowered;
	s4 =	sadd.s32 s4, s6;
	[dreg:$0x0] =	wrdreg $0x0  }
0xa9: {  	s6 =	sshll.u32 s28, $0x1;
	[dreg:$0x2] =	wrdreg s4  }
0xaa: {  	[dreg:$0x3] =	wrdreg s6  }
0xab: {  	[dreg:$0x4] =	wrdreg $0xC0  }
0xac: {  	_ =	task [dreg:s8], $0x5FFFF  }
0xad: {  	[dreg:$0x1] =	wrdreg $0xFFFFFFFF  }
0xae: {  	[dreg:$0x0] =	wrdreg $0x60  }
0xaf: {  	[dreg:$0x2] =	wrdreg s2  }
0xb0: {  	[dreg:$0x3] =	wrdreg s24  }
0xb1: {  	[dreg:$0x4] =	wrdreg s18  }
0xb2: {  	[dreg:$0x5] =	wrdreg $0x9  }
0xb3: {  	_ =	task.clear_ibuf [dreg:s8], $0x6FFFF;
	_ =	strace $0x90000046  }
0xb4: {  	s29 =	simm.s32 $0x9;
	_ =	strace $0x80000048  }
0xb5: {  	_ =	swait.ge [sflag:s29], $0x1  }
0xb6: {  	[sflag:s29] =	ssyncadd.s32 $0xFFFFFFFF  }
0xb7: {  	_ =	strace $0x90000048  }
0xb8: {  	_ =	sfence  }
0xb9: {  	s30 =	sld [smem:$0x0];
	_ =	sdelay $0x2  }
0xba: {  	s31 =	sshll.u32 s1, $0xD;
	s1 =	sshrl.u32 s1, $0x2  }
0xbb: {  	s3 =	sand.u32 $0x4000, s31;
	s1 =	sadd.s32 s1, s30  }
0xbc: {  	s0 =	sor.u32 s3, s0;
	s1 =	sshll.u32 s1, $0x11  }
0xbd: {  	s0 =	sor.u32 s1, s0  }
0xbe: {  	s0 =	sadd.s32 $0x8F2B, s0  }
0xbf: {  	[sflag:s0] =	ssyncadd.remote.s32 $0x1  }
0xc0: {  	_ =	sfence.sel $0xFFFF  }
0xc1: {  	[dreg:$0x0] =	wrdreg $0xFFFFFFFF;
	(pc) =	sbr.abs _section_cstart, $3  }
0xc2: {  	[dreg:$0x1] =	wrdreg $0xFFFFFFFF  }
0xc3: {  	_ =	task.clear_ibuf [dreg:s8], $0x2FFFF;
	_ =	strace $0x9FFFFFFF  }
0xc4: {  	(tm) =	ssettm $0x7FFFFFFF  }
0xc5: {  	_ =	shalt  }
tec
execute0_lowered:
.L_overlay_start_1:
0x0: {  	(tag) =	ssettag $0x1  }
0x1: {  	s1 =	rddreg [dreg:$0x0]  }
0x2: {  	s0 =	srdreg.scid;
	s6 =	rddreg [dreg:$0x1]  }
0x3: {  	s2 =	stileid.u32;
	s3 =	rddreg [dreg:$0x2];
	s5 =	simm.s32 $0x0  }
0x4: {  	s14 =	simm.s32 $0x5;
	s16 =	simm.s32 $0x80;
	s17 =	simm.s32 $0x6E00  }
0x5: {  	s18 =	simm.s32 $0xAE00;
	s20 =	simm.s32 $0xEE00;
	s21 =	simm.s32 $0x180  }
0x6: {  	s22 =	simm.s32 $0x12E00;
	s23 =	simm.s32 $0x1;
	s24 =	simm.s32 $0x2  }
0x7: {  	s25 =	simm.s32 $0x3;
	s0 =	sand.u32 $0x1, s0;
	s2 =	sshll.u32 s2, $0x1  }
0x8: {  	s26 =	simm.s32 $0x4;
	s2 =	sor.u32 s0, s2;
	s0 =	ssub.s32 $0x2, s0  }
0x9: {  	[smem:$0x7FF] =	sst s5;
	s4 =	smul.u32 $0x5600, s2;
	s8 =	sshrl.u32 s0, $0x1  }
0xa: {  	s28 =	simm.s32 $0x0;
	_ =	strace $0x80000047;
	s0 =	ssub.s32 s0, s8  }
0xb: {  	s2 =	sshrl.u32 s4, $0x3;
	s7 =	sshrl.u32 s4, $0xE;
	s10 =	sadd.s32 $0x5400, s4  }
0xc: {  	s31 =	sadd.s32 $0x5500, s4;
	s13 =	smax.u32 s0, $0x1;
	s2 =	sadd.s32 s2, s6  }
0xd: {  	s6 =	sadd.s32 $0x16000, s6;
	s9 =	smul.u32 $0x3E80, s7;
	s30 =	sshrl.u32 s10, $0x7  }
0xe: {  	s10 =	sshll.u32 s10, $0x4;
	s11 =	sshrl.u32 s31, $0x7;
	s7 =	sadd.s32 $0x800, s2  }
0xf: {  	s2 =	sshll.u32 s31, $0x4;
	s10 =	sadd.s32 s3, s10;
	s11 =	sand.u32 $0x3F80, s11  }
0x10: {  	s8 =	sadd.s32 s1, s9;
	s9 =	sand.u32 $0x3F80, s30;
	s12 =	sadd.s32 s3, s2  }
.LBB2_1:
0x11: {  	[tilespmem:s5], [sflag:$0x5] =	stream.linear.gather [hbm4b:s7+s5], $0x5600, $0x38;
	[tilespmem:$0x16E00] =	vst v63  }
0x12: {  	_ =	swait.ge [sflag:s14], $0x5600  }
0x13: {  	[sflag:s14] =	ssyncset.done $0x0  }
0x14: {  	s0 =	simm.s32 $0x5600;
	[sflag:s14] =	ssyncadd.s32 $0xFFFFAA00  }
0x15: {  	[tilespmem:s0], [sflag:$0x5] =	stream.linear.gather [hbm4b:s6+s5], $0x1580, $0x38;
	[tilespmem:$0x16E00] =	vst v63  }
0x16: {  	_ =	swait.ge [sflag:s14], $0x1580  }
0x17: {  	[sflag:s14] =	ssyncset.done $0x0  }
0x18: {  	[sflag:s14] =	ssyncadd.s32 $0xFFFFEA80  }
0x19: {  	[tilespmem:s17], [sflag:$0x1] =	stream.indirect.gather [hbm4b:s8+s16], $0x80, s5, s16, $0xb8;
	[tilespmem:$0x16E00] =	vst v63  }
0x1a: {  	_ = 	snop  }
0x1b: {  	[tilespmem:s18], [sflag:$0x1] =	stream.indirect.gather [hbm4b:s8+s16], $0x80, s16, s16, $0xb8;
	[tilespmem:$0x16E00] =	vst v63  }
0x1c: {  	s31 =	simm.s32 $0x100  }
0x1d: {  	[tilespmem:s20], [sflag:$0x2] =	stream.indirect.gather [hbm4b:s8+s16], $0x80, s31, s16, $0xb8;
	[tilespmem:$0x16E00] =	vst v63  }
0x1e: {  	s29 =	simm.s32 $0x0  }
0x1f: {  	[tilespmem:s22], [sflag:$0x2] =	stream.indirect.gather [hbm4b:s8+s16], $0x80, s21, s16, $0xb8;
	[tilespmem:$0x16E00] =	vst v63  }
.LBB2_2:
0x20: {  	_ =	swait.ge [sflag:s23], $0x4000  }
0x21: {  	[sflag:s23] =	ssyncset.done $0x0  }
0x22: {  	s30 =	sshll.u32 s29, $0x9;
	[sflag:s23] =	ssyncadd.s32 $0xFFFFC000  }
0x23: {  	s2 =	sadd.s32 s4, s30;
	_ =	swait.ge [sflag:s23], $0x4000  }
0x24: {  	s0 =	sshrl.u32 s2, $0x7;
	[sflag:s23] =	ssyncset.done $0x0  }
0x25: {  	s31 =	sand.u32 $0xFFFF80, s0;
	[sflag:s23] =	ssyncadd.s32 $0xFFFFC000  }
0x26: {  	v6 =	vld [tilespmem:s31+$0x5600]  }
0x27: {  	v7 =	vld [tilespmem:s31+$0x5610]  }
0x28: {  	v5 =	vld [tilespmem:s31+$0x5620]  }
0x29: {  	v4 =	vld [tilespmem:s31+$0x5630]  }
0x2a: {  	v3 =	vld [tilespmem:s31+$0x5640]  }
0x2b: {  	v2 =	vld [tilespmem:s31+$0x5650]  }
0x2c: {  	v1 =	vld [tilespmem:s31+$0x5660]  }
0x2d: {  	s0 =	simm.s32 $0x0;
	v0 =	vld [tilespmem:s31+$0x5670]  }
0x2e: {  	v8 =	vld [tilespmem:s0+$0x6E00]  }
0x2f: {  	v9 =	vld [tilespmem:s0+$0x6E10]  }
0x30: {  	v10 =	vld [tilespmem:s0+$0x6E20]  }
0x31: {  	v11 =	vld [tilespmem:s0+$0x6E30]  }
0x32: {  	v12 =	vld [tilespmem:s0+$0x6E40]  }
0x33: {  	v13 =	vld [tilespmem:s0+$0x6E50];
	v8 =	vadd.f32 v8, v6  }
0x34: {  	v14 =	vld [tilespmem:s0+$0x6E60];
	v9 =	vadd.f32 v9, v7  }
0x35: {  	v10 =	vadd.f32 v10, v5;
	[tilespmem:s0+$0x6E00] =	vst v8;
	v8 =	vld [tilespmem:s0+$0x6E70]  }
0x36: {  	v11 =	vadd.f32 v11, v4;
	[tilespmem:s0+$0x6E10] =	vst v9;
	v9 =	vld [tilespmem:s0+$0x6E80]  }
0x37: {  	v12 =	vadd.f32 v12, v3;
	[tilespmem:s0+$0x6E20] =	vst v10;
	v10 =	vld [tilespmem:s0+$0x6E90]  }
0x38: {  	v13 =	vadd.f32 v13, v2;
	[tilespmem:s0+$0x6E30] =	vst v11;
	v11 =	vld [tilespmem:s0+$0x6EA0]  }
0x39: {  	v14 =	vadd.f32 v14, v1;
	[tilespmem:s0+$0x6E40] =	vst v12;
	v12 =	vld [tilespmem:s0+$0x6EB0]  }
0x3a: {  	[tilespmem:s0+$0x6E50] =	vst v13;
	v13 =	vld [tilespmem:s0+$0x6EC0];
	v8 =	vadd.f32 v8, v0  }
0x3b: {  	[tilespmem:s0+$0x6E60] =	vst v14;
	v14 =	vld [tilespmem:s0+$0x6ED0];
	v9 =	vadd.f32 v9, v6  }
0x3c: {  	v10 =	vadd.f32 v10, v7;
	[tilespmem:s0+$0x6E70] =	vst v8;
	v8 =	vld [tilespmem:s0+$0x6EE0]  }
0x3d: {  	v11 =	vadd.f32 v11, v5;
	[tilespmem:s0+$0x6E80] =	vst v9;
	v9 =	vld [tilespmem:s0+$0x6EF0]  }
0x3e: {  	v12 =	vadd.f32 v12, v4;
	[tilespmem:s0+$0x6E90] =	vst v10;
	v10 =	vld [tilespmem:s0+$0x6F00]  }
0x3f: {  	v13 =	vadd.f32 v13, v3;
	[tilespmem:s0+$0x6EA0] =	vst v11;
	v11 =	vld [tilespmem:s0+$0x6F10]  }
0x40: {  	v14 =	vadd.f32 v14, v2;
	[tilespmem:s0+$0x6EB0] =	vst v12;
	v12 =	vld [tilespmem:s0+$0x6F20]  }
0x41: {  	[tilespmem:s0+$0x6EC0] =	vst v13;
	v13 =	vld [tilespmem:s0+$0x6F30];
	v8 =	vadd.f32 v8, v1  }
0x42: {  	[tilespmem:s0+$0x6ED0] =	vst v14;
	v14 =	vld [tilespmem:s0+$0x6F40]  }
0x43: {  	v9 =	vadd.f32 v9, v0;
	[tilespmem:s0+$0x6EE0] =	vst v8;
	v8 =	vld [tilespmem:s0+$0x6F50]  }
0x44: {  	v10 =	vadd.f32 v10, v6  }
0x45: {  	[tilespmem:s0+$0x6EF0] =	vst v9;
	v9 =	vadd.f32 v11, v7;
	v11 =	vld [tilespmem:s0+$0x6F70]  }
0x46: {  	v15 =	vld [tilespmem:s0+$0x6F60];
	[tilespmem:s0+$0x6F00] =	vst v10;
	v10 =	vadd.f32 v12, v5  }
0x47: {  	v12 =	vld [tilespmem:s0+$0x6F80];
	[tilespmem:s0+$0x6F10] =	vst v9;
	v9 =	vadd.f32 v13, v4  }
0x48: {  	[tilespmem:s0+$0x6F20] =	vst v10;
	v13 =	vld [tilespmem:s0+$0x6F90];
	v10 =	vadd.f32 v14, v3;
	v14 =	vadd.f32 v8, v2  }
0x49: {  	[tilespmem:s0+$0x6F30] =	vst v9;
	v9 =	vld [tilespmem:s0+$0x6FA0]  }
0x4a: {  	v8 =	vld [tilespmem:s0+$0x6FB0];
	[tilespmem:s0+$0x6F50] =	vst v14;
	v14 =	vadd.f32 v11, v0  }
0x4b: {  	v15 =	vadd.f32 v15, v1;
	[tilespmem:s0+$0x6F40] =	vst v10;
	v10 =	vld [tilespmem:s0+$0x6FC0]  }
0x4c: {  	v11 =	vld [tilespmem:s0+$0x6FD0];
	[tilespmem:s0+$0x6F70] =	vst v14;
	v14 =	vadd.f32 v12, v6  }
0x4d: {  	s15 =	simm.s32 $0x800;
	[tilespmem:s0+$0x6F60] =	vst v15;
	v13 =	vadd.f32 v13, v7;
	v12 =	vld [tilespmem:s0+$0x6FE0]  }
.LBB2_3:
0x4e: {  	s19 =	sshra.s32 s15, $0x2;
	p0 =	sne.s32 s15, $0xF800;
	[tilespmem:s0+$0x6F80] =	vst v14;
	v9 =	vadd.f32 v9, v5;
	v14 =	vld [tilespmem:s0+$0x6FF0]  }
0x4f: {  	v15 =	vld [tilespmem:s19+$0x6E00];
	[tilespmem:s0+$0x6F90] =	vst v13;
	v8 =	vadd.f32 v8, v4  }
0x50: {  	v13 =	vld [tilespmem:s19+$0x6E10];
	[tilespmem:s0+$0x6FA0] =	vst v9;
	v9 =	vadd.f32 v10, v3  }
0x51: {  	v10 =	vld [tilespmem:s19+$0x6E20];
	[tilespmem:s0+$0x6FB0] =	vst v8;
	v8 =	vadd.f32 v11, v2  }
0x52: {  	v11 =	vld [tilespmem:s19+$0x6E30];
	[tilespmem:s0+$0x6FC0] =	vst v9;
	v9 =	vadd.f32 v12, v1  }
0x53: {  	v12 =	vld [tilespmem:s19+$0x6E40];
	[tilespmem:s0+$0x6FD0] =	vst v8;
	v8 =	vadd.f32 v14, v0  }
0x54: {  	v14 =	vadd.f32 v15, v6;
	v15 =	vld [tilespmem:s19+$0x6E50];
	[tilespmem:s0+$0x6FE0] =	vst v9  }
0x55: {  	v9 =	vadd.f32 v13, v7;
	v13 =	vld [tilespmem:s19+$0x6E60];
	[tilespmem:s0+$0x6FF0] =	vst v8;
	s0 =	smov.u32 s19  }
0x56: {  	[tilespmem:s0+$0x6E00] =	vst v14;
	v8 =	vadd.f32 v10, v5;
	v10 =	vld [tilespmem:s0+$0x6E70]  }
0x57: {  	[tilespmem:s0+$0x6E10] =	vst v9;
	v9 =	vadd.f32 v11, v4;
	v11 =	vld [tilespmem:s0+$0x6E80]  }
0x58: {  	[tilespmem:s0+$0x6E20] =	vst v8;
	v8 =	vadd.f32 v12, v3;
	v12 =	vld [tilespmem:s0+$0x6E90]  }
0x59: {  	[tilespmem:s0+$0x6E30] =	vst v9;
	v9 =	vadd.f32 v15, v2;
	v14 =	vld [tilespmem:s0+$0x6EA0]  }
0x5a: {  	[tilespmem:s0+$0x6E40] =	vst v8;
	v8 =	vadd.f32 v13, v1;
	v13 =	vld [tilespmem:s0+$0x6EB0]  }
0x5b: {  	[tilespmem:s0+$0x6E50] =	vst v9;
	v9 =	vadd.f32 v10, v0;
	v10 =	vld [tilespmem:s0+$0x6EC0]  }
0x5c: {  	[tilespmem:s0+$0x6E60] =	vst v8;
	v8 =	vadd.f32 v11, v6;
	v11 =	vld [tilespmem:s0+$0x6ED0]  }
0x5d: {  	[tilespmem:s0+$0x6E70] =	vst v9;
	v9 =	vadd.f32 v12, v7;
	v12 =	vld [tilespmem:s0+$0x6EE0]  }
0x5e: {  	[tilespmem:s0+$0x6E80] =	vst v8;
	v8 =	vadd.f32 v14, v5;
	v14 =	vld [tilespmem:s0+$0x6EF0]  }
0x5f: {  	[tilespmem:s0+$0x6E90] =	vst v9;
	v9 =	vadd.f32 v13, v4;
	v13 =	vld [tilespmem:s0+$0x6F00]  }
0x60: {  	[tilespmem:s0+$0x6EA0] =	vst v8;
	v8 =	vadd.f32 v10, v3;
	v10 =	vld [tilespmem:s0+$0x6F10]  }
0x61: {  	[tilespmem:s0+$0x6EB0] =	vst v9;
	v9 =	vadd.f32 v11, v2;
	v11 =	vld [tilespmem:s0+$0x6F20]  }
0x62: {  	[tilespmem:s0+$0x6EC0] =	vst v8;
	v8 =	vadd.f32 v12, v1;
	v12 =	vld [tilespmem:s0+$0x6F30]  }
0x63: {  	[tilespmem:s0+$0x6ED0] =	vst v9;
	v9 =	vadd.f32 v14, v0;
	v14 =	vld [tilespmem:s0+$0x6F40]  }
0x64: {  	[tilespmem:s0+$0x6EE0] =	vst v8;
	v8 =	vadd.f32 v13, v6;
	v13 =	vld [tilespmem:s0+$0x6F50]  }
0x65: {  	[tilespmem:s0+$0x6EF0] =	vst v9;
	v9 =	vadd.f32 v10, v7;
	v10 =	vld [tilespmem:s0+$0x6F60]  }
0x66: {  	[tilespmem:s0+$0x6F00] =	vst v8;
	v8 =	vadd.f32 v11, v5;
	v11 =	vld [tilespmem:s0+$0x6F70]  }
0x67: {  	[tilespmem:s0+$0x6F10] =	vst v9;
	v9 =	vadd.f32 v12, v4;
	v12 =	vld [tilespmem:s0+$0x6F80]  }
0x68: {  	[tilespmem:s0+$0x6F20] =	vst v8;
	v8 =	vadd.f32 v14, v3;
	v15 =	vld [tilespmem:s0+$0x6F90]  }
.Ltmp0:
0x69: {  	[tilespmem:s0+$0x6F30] =	vst v9;
	v13 =	vadd.f32 v13, v2;
	v9 =	vld [tilespmem:s0+$0x6FA0];
	(pc) =	sbr.rel @p0 .LBB2_3-.Ltmp0, $4  }
0x6a: {  	[tilespmem:s0+$0x6F40] =	vst v8;
	v14 =	vadd.f32 v10, v1;
	v8 =	vld [tilespmem:s0+$0x6FB0]  }
0x6b: {  	[tilespmem:s0+$0x6F50] =	vst v13;
	v13 =	vadd.f32 v11, v0;
	v10 =	vld [tilespmem:s0+$0x6FC0]  }
0x6c: {  	[tilespmem:s0+$0x6F60] =	vst v14;
	v14 =	vadd.f32 v12, v6;
	v11 =	vld [tilespmem:s0+$0x6FD0]  }
0x6d: {  	s15 =	sadd.s32 $0x800, s15;
	[tilespmem:s0+$0x6F70] =	vst v13;
	v13 =	vadd.f32 v15, v7;
	v12 =	vld [tilespmem:s0+$0x6FE0]  }
0x6e: {  	[tilespmem:s0+$0x6F80] =	vst v14;
	v5 =	vadd.f32 v9, v5;
	v6 =	vld [tilespmem:s0+$0x6FF0]  }
0x6f: {  	[tilespmem:s0+$0x6F90] =	vst v13;
	v4 =	vadd.f32 v8, v4  }
0x70: {  	[tilespmem:s0+$0x6FA0] =	vst v5;
	v3 =	vadd.f32 v10, v3  }
0x71: {  	[tilespmem:s0+$0x6FB0] =	vst v4;
	v2 =	vadd.f32 v11, v2  }
0x72: {  	[tilespmem:s0+$0x6FC0] =	vst v3;
	v1 =	vadd.f32 v12, v1  }
0x73: {  	[tilespmem:s0+$0x6FD0] =	vst v2;
	v0 =	vadd.f32 v6, v0  }
0x74: {  	[tilespmem:s0+$0x6FE0] =	vst v1  }
0x75: {  	[tilespmem:s0+$0x6FF0] =	vst v0  }
0x76: {  	v6 =	vld [tilespmem:s31+$0x5600]  }
0x77: {  	v7 =	vld [tilespmem:s31+$0x5610]  }
0x78: {  	v5 =	vld [tilespmem:s31+$0x5620]  }
0x79: {  	v4 =	vld [tilespmem:s31+$0x5630]  }
0x7a: {  	v3 =	vld [tilespmem:s31+$0x5640]  }
0x7b: {  	v2 =	vld [tilespmem:s31+$0x5650]  }
0x7c: {  	v1 =	vld [tilespmem:s31+$0x5660]  }
0x7d: {  	s0 =	simm.s32 $0x0;
	v0 =	vld [tilespmem:s31+$0x5670]  }
0x7e: {  	v8 =	vld [tilespmem:s0+$0xAE00]  }
0x7f: {  	v9 =	vld [tilespmem:s0+$0xAE10]  }
0x80: {  	v10 =	vld [tilespmem:s0+$0xAE20]  }
0x81: {  	v11 =	vld [tilespmem:s0+$0xAE30]  }
0x82: {  	v12 =	vld [tilespmem:s0+$0xAE40]  }
0x83: {  	v13 =	vld [tilespmem:s0+$0xAE50];
	v8 =	vadd.f32 v8, v6  }
0x84: {  	v14 =	vld [tilespmem:s0+$0xAE60];
	v9 =	vadd.f32 v9, v7  }
0x85: {  	v10 =	vadd.f32 v10, v5;
	[tilespmem:s0+$0xAE00] =	vst v8;
	v8 =	vld [tilespmem:s0+$0xAE70]  }
0x86: {  	v11 =	vadd.f32 v11, v4;
	[tilespmem:s0+$0xAE10] =	vst v9;
	v9 =	vld [tilespmem:s0+$0xAE80]  }
0x87: {  	v12 =	vadd.f32 v12, v3;
	[tilespmem:s0+$0xAE20] =	vst v10;
	v10 =	vld [tilespmem:s0+$0xAE90]  }
0x88: {  	v13 =	vadd.f32 v13, v2;
	[tilespmem:s0+$0xAE30] =	vst v11;
	v11 =	vld [tilespmem:s0+$0xAEA0]  }
0x89: {  	v14 =	vadd.f32 v14, v1;
	[tilespmem:s0+$0xAE40] =	vst v12;
	v12 =	vld [tilespmem:s0+$0xAEB0]  }
0x8a: {  	[tilespmem:s0+$0xAE50] =	vst v13;
	v13 =	vld [tilespmem:s0+$0xAEC0];
	v8 =	vadd.f32 v8, v0  }
0x8b: {  	[tilespmem:s0+$0xAE60] =	vst v14;
	v14 =	vld [tilespmem:s0+$0xAED0];
	v9 =	vadd.f32 v9, v6  }
0x8c: {  	v10 =	vadd.f32 v10, v7;
	[tilespmem:s0+$0xAE70] =	vst v8;
	v8 =	vld [tilespmem:s0+$0xAEE0]  }
0x8d: {  	v11 =	vadd.f32 v11, v5;
	[tilespmem:s0+$0xAE80] =	vst v9;
	v9 =	vld [tilespmem:s0+$0xAEF0]  }
0x8e: {  	v12 =	vadd.f32 v12, v4;
	[tilespmem:s0+$0xAE90] =	vst v10;
	v10 =	vld [tilespmem:s0+$0xAF00]  }
0x8f: {  	v13 =	vadd.f32 v13, v3;
	[tilespmem:s0+$0xAEA0] =	vst v11;
	v11 =	vld [tilespmem:s0+$0xAF10]  }
0x90: {  	v14 =	vadd.f32 v14, v2;
	[tilespmem:s0+$0xAEB0] =	vst v12;
	v12 =	vld [tilespmem:s0+$0xAF20]  }
0x91: {  	[tilespmem:s0+$0xAEC0] =	vst v13;
	v13 =	vld [tilespmem:s0+$0xAF30];
	v8 =	vadd.f32 v8, v1  }
0x92: {  	[tilespmem:s0+$0xAED0] =	vst v14;
	v14 =	vld [tilespmem:s0+$0xAF40]  }
0x93: {  	v9 =	vadd.f32 v9, v0;
	[tilespmem:s0+$0xAEE0] =	vst v8;
	v8 =	vld [tilespmem:s0+$0xAF50]  }
0x94: {  	v10 =	vadd.f32 v10, v6  }
0x95: {  	[tilespmem:s0+$0xAEF0] =	vst v9;
	v9 =	vadd.f32 v11, v7;
	v11 =	vld [tilespmem:s0+$0xAF70]  }
0x96: {  	v15 =	vld [tilespmem:s0+$0xAF60];
	[tilespmem:s0+$0xAF00] =	vst v10;
	v10 =	vadd.f32 v12, v5  }
0x97: {  	v12 =	vld [tilespmem:s0+$0xAF80];
	[tilespmem:s0+$0xAF10] =	vst v9;
	v9 =	vadd.f32 v13, v4  }
0x98: {  	[tilespmem:s0+$0xAF20] =	vst v10;
	v13 =	vld [tilespmem:s0+$0xAF90];
	v10 =	vadd.f32 v14, v3;
	v14 =	vadd.f32 v8, v2  }
0x99: {  	[tilespmem:s0+$0xAF30] =	vst v9;
	v9 =	vld [tilespmem:s0+$0xAFA0]  }
0x9a: {  	v8 =	vld [tilespmem:s0+$0xAFB0];
	[tilespmem:s0+$0xAF50] =	vst v14;
	v14 =	vadd.f32 v11, v0  }
0x9b: {  	v15 =	vadd.f32 v15, v1;
	[tilespmem:s0+$0xAF40] =	vst v10;
	v10 =	vld [tilespmem:s0+$0xAFC0]  }
0x9c: {  	v11 =	vld [tilespmem:s0+$0xAFD0];
	[tilespmem:s0+$0xAF70] =	vst v14;
	v14 =	vadd.f32 v12, v6  }
0x9d: {  	s15 =	simm.s32 $0x800;
	[tilespmem:s0+$0xAF60] =	vst v15;
	v13 =	vadd.f32 v13, v7;
	v12 =	vld [tilespmem:s0+$0xAFE0]  }
.LBB2_5:
0x9e: {  	s19 =	sshra.s32 s15, $0x2;
	p0 =	sne.s32 s15, $0xF800;
	[tilespmem:s0+$0xAF80] =	vst v14;
	v9 =	vadd.f32 v9, v5;
	v14 =	vld [tilespmem:s0+$0xAFF0]  }
0x9f: {  	v15 =	vld [tilespmem:s19+$0xAE00];
	[tilespmem:s0+$0xAF90] =	vst v13;
	v8 =	vadd.f32 v8, v4  }
0xa0: {  	v13 =	vld [tilespmem:s19+$0xAE10];
	[tilespmem:s0+$0xAFA0] =	vst v9;
	v9 =	vadd.f32 v10, v3  }
0xa1: {  	v10 =	vld [tilespmem:s19+$0xAE20];
	[tilespmem:s0+$0xAFB0] =	vst v8;
	v8 =	vadd.f32 v11, v2  }
0xa2: {  	v11 =	vld [tilespmem:s19+$0xAE30];
	[tilespmem:s0+$0xAFC0] =	vst v9;
	v9 =	vadd.f32 v12, v1  }
0xa3: {  	v12 =	vld [tilespmem:s19+$0xAE40];
	[tilespmem:s0+$0xAFD0] =	vst v8;
	v8 =	vadd.f32 v14, v0  }
0xa4: {  	v14 =	vadd.f32 v15, v6;
	v15 =	vld [tilespmem:s19+$0xAE50];
	[tilespmem:s0+$0xAFE0] =	vst v9  }
0xa5: {  	v9 =	vadd.f32 v13, v7;
	v13 =	vld [tilespmem:s19+$0xAE60];
	[tilespmem:s0+$0xAFF0] =	vst v8;
	s0 =	smov.u32 s19  }
0xa6: {  	[tilespmem:s0+$0xAE00] =	vst v14;
	v8 =	vadd.f32 v10, v5;
	v10 =	vld [tilespmem:s0+$0xAE70]  }
0xa7: {  	[tilespmem:s0+$0xAE10] =	vst v9;
	v9 =	vadd.f32 v11, v4;
	v11 =	vld [tilespmem:s0+$0xAE80]  }
0xa8: {  	[tilespmem:s0+$0xAE20] =	vst v8;
	v8 =	vadd.f32 v12, v3;
	v12 =	vld [tilespmem:s0+$0xAE90]  }
0xa9: {  	[tilespmem:s0+$0xAE30] =	vst v9;
	v9 =	vadd.f32 v15, v2;
	v14 =	vld [tilespmem:s0+$0xAEA0]  }
0xaa: {  	[tilespmem:s0+$0xAE40] =	vst v8;
	v8 =	vadd.f32 v13, v1;
	v13 =	vld [tilespmem:s0+$0xAEB0]  }
0xab: {  	[tilespmem:s0+$0xAE50] =	vst v9;
	v9 =	vadd.f32 v10, v0;
	v10 =	vld [tilespmem:s0+$0xAEC0]  }
0xac: {  	[tilespmem:s0+$0xAE60] =	vst v8;
	v8 =	vadd.f32 v11, v6;
	v11 =	vld [tilespmem:s0+$0xAED0]  }
0xad: {  	[tilespmem:s0+$0xAE70] =	vst v9;
	v9 =	vadd.f32 v12, v7;
	v12 =	vld [tilespmem:s0+$0xAEE0]  }
0xae: {  	[tilespmem:s0+$0xAE80] =	vst v8;
	v8 =	vadd.f32 v14, v5;
	v14 =	vld [tilespmem:s0+$0xAEF0]  }
0xaf: {  	[tilespmem:s0+$0xAE90] =	vst v9;
	v9 =	vadd.f32 v13, v4;
	v13 =	vld [tilespmem:s0+$0xAF00]  }
0xb0: {  	[tilespmem:s0+$0xAEA0] =	vst v8;
	v8 =	vadd.f32 v10, v3;
	v10 =	vld [tilespmem:s0+$0xAF10]  }
0xb1: {  	[tilespmem:s0+$0xAEB0] =	vst v9;
	v9 =	vadd.f32 v11, v2;
	v11 =	vld [tilespmem:s0+$0xAF20]  }
0xb2: {  	[tilespmem:s0+$0xAEC0] =	vst v8;
	v8 =	vadd.f32 v12, v1;
	v12 =	vld [tilespmem:s0+$0xAF30]  }
0xb3: {  	[tilespmem:s0+$0xAED0] =	vst v9;
	v9 =	vadd.f32 v14, v0;
	v14 =	vld [tilespmem:s0+$0xAF40]  }
0xb4: {  	[tilespmem:s0+$0xAEE0] =	vst v8;
	v8 =	vadd.f32 v13, v6;
	v13 =	vld [tilespmem:s0+$0xAF50]  }
0xb5: {  	[tilespmem:s0+$0xAEF0] =	vst v9;
	v9 =	vadd.f32 v10, v7;
	v10 =	vld [tilespmem:s0+$0xAF60]  }
0xb6: {  	[tilespmem:s0+$0xAF00] =	vst v8;
	v8 =	vadd.f32 v11, v5;
	v11 =	vld [tilespmem:s0+$0xAF70]  }
0xb7: {  	[tilespmem:s0+$0xAF10] =	vst v9;
	v9 =	vadd.f32 v12, v4;
	v12 =	vld [tilespmem:s0+$0xAF80]  }
0xb8: {  	[tilespmem:s0+$0xAF20] =	vst v8;
	v8 =	vadd.f32 v14, v3;
	v15 =	vld [tilespmem:s0+$0xAF90]  }
.Ltmp1:
0xb9: {  	[tilespmem:s0+$0xAF30] =	vst v9;
	v13 =	vadd.f32 v13, v2;
	v9 =	vld [tilespmem:s0+$0xAFA0];
	(pc) =	sbr.rel @p0 .LBB2_5-.Ltmp1, $4  }
0xba: {  	[tilespmem:s0+$0xAF40] =	vst v8;
	v14 =	vadd.f32 v10, v1;
	v8 =	vld [tilespmem:s0+$0xAFB0]  }
0xbb: {  	[tilespmem:s0+$0xAF50] =	vst v13;
	v13 =	vadd.f32 v11, v0;
	v10 =	vld [tilespmem:s0+$0xAFC0]  }
0xbc: {  	[tilespmem:s0+$0xAF60] =	vst v14;
	v14 =	vadd.f32 v12, v6;
	v11 =	vld [tilespmem:s0+$0xAFD0]  }
0xbd: {  	s15 =	sadd.s32 $0x800, s15;
	[tilespmem:s0+$0xAF70] =	vst v13;
	v13 =	vadd.f32 v15, v7;
	v12 =	vld [tilespmem:s0+$0xAFE0]  }
0xbe: {  	[tilespmem:s0+$0xAF80] =	vst v14;
	v5 =	vadd.f32 v9, v5;
	v6 =	vld [tilespmem:s0+$0xAFF0]  }
0xbf: {  	[tilespmem:s0+$0xAF90] =	vst v13;
	v4 =	vadd.f32 v8, v4  }
0xc0: {  	[tilespmem:s0+$0xAFA0] =	vst v5;
	v3 =	vadd.f32 v10, v3  }
0xc1: {  	[tilespmem:s0+$0xAFB0] =	vst v4;
	v2 =	vadd.f32 v11, v2  }
0xc2: {  	[tilespmem:s0+$0xAFC0] =	vst v3;
	v1 =	vadd.f32 v12, v1  }
0xc3: {  	[tilespmem:s0+$0xAFD0] =	vst v2;
	v0 =	vadd.f32 v6, v0  }
0xc4: {  	s2 =	sshll.u32 s2, $0x4;
	[tilespmem:s0+$0xAFE0] =	vst v1  }
0xc5: {  	s15 =	simm.s32 $0x0;
	s2 =	sadd.s32 s3, s2;
	[tilespmem:s0+$0xAFF0] =	vst v0  }
0xc6: {  	[hbm4b:s2+s15] =	stream.linear.scatter [tilespmem:s17], [sflag:$0x3], $0x8000, $0x38;
	[tilespmem:$0x16E00] =	vst v63  }
0xc7: {  	_ =	swait.ge [sflag:s24], $0x4000  }
0xc8: {  	[sflag:s24] =	ssyncset.done $0x0  }
0xc9: {  	s19 =	sadd.s32 s30, s4;
	[sflag:s24] =	ssyncadd.s32 $0xFFFFC000  }
0xca: {  	s2 =	sadd.s32 $0x100, s19;
	_ =	swait.ge [sflag:s24], $0x4000  }
0xcb: {  	s0 =	sshrl.u32 s2, $0x7;
	[sflag:s24] =	ssyncset.done $0x0  }
0xcc: {  	s0 =	sand.u32 $0xFFFF80, s0;
	[sflag:s24] =	ssyncadd.s32 $0xFFFFC000  }
0xcd: {  	v6 =	vld [tilespmem:s0+$0x5600]  }
0xce: {  	v7 =	vld [tilespmem:s0+$0x5610]  }
0xcf: {  	v5 =	vld [tilespmem:s0+$0x5620]  }
0xd0: {  	v4 =	vld [tilespmem:s0+$0x5630]  }
0xd1: {  	v3 =	vld [tilespmem:s0+$0x5640]  }
0xd2: {  	v2 =	vld [tilespmem:s0+$0x5650]  }
0xd3: {  	v1 =	vld [tilespmem:s0+$0x5660]  }
0xd4: {  	v0 =	vld [tilespmem:s0+$0x5670];
	s0 =	simm.s32 $0x0  }
0xd5: {  	v8 =	vld [tilespmem:s0+$0xEE00]  }
0xd6: {  	v9 =	vld [tilespmem:s0+$0xEE10]  }
0xd7: {  	v10 =	vld [tilespmem:s0+$0xEE20]  }
0xd8: {  	v11 =	vld [tilespmem:s0+$0xEE30]  }
0xd9: {  	v12 =	vld [tilespmem:s0+$0xEE40]  }
0xda: {  	v13 =	vld [tilespmem:s0+$0xEE50];
	v8 =	vadd.f32 v8, v6  }
0xdb: {  	v14 =	vld [tilespmem:s0+$0xEE60];
	v9 =	vadd.f32 v9, v7  }
0xdc: {  	v10 =	vadd.f32 v10, v5;
	[tilespmem:s0+$0xEE00] =	vst v8;
	v8 =	vld [tilespmem:s0+$0xEE70]  }
0xdd: {  	v11 =	vadd.f32 v11, v4;
	[tilespmem:s0+$0xEE10] =	vst v9;
	v9 =	vld [tilespmem:s0+$0xEE80]  }
0xde: {  	v12 =	vadd.f32 v12, v3;
	[tilespmem:s0+$0xEE20] =	vst v10;
	v10 =	vld [tilespmem:s0+$0xEE90]  }
0xdf: {  	v13 =	vadd.f32 v13, v2;
	[tilespmem:s0+$0xEE30] =	vst v11;
	v11 =	vld [tilespmem:s0+$0xEEA0]  }
0xe0: {  	v14 =	vadd.f32 v14, v1;
	[tilespmem:s0+$0xEE40] =	vst v12;
	v12 =	vld [tilespmem:s0+$0xEEB0]  }
0xe1: {  	[tilespmem:s0+$0xEE50] =	vst v13;
	v13 =	vld [tilespmem:s0+$0xEEC0];
	v8 =	vadd.f32 v8, v0  }
0xe2: {  	[tilespmem:s0+$0xEE60] =	vst v14;
	v14 =	vld [tilespmem:s0+$0xEED0];
	v9 =	vadd.f32 v9, v6  }
0xe3: {  	v10 =	vadd.f32 v10, v7;
	[tilespmem:s0+$0xEE70] =	vst v8;
	v8 =	vld [tilespmem:s0+$0xEEE0]  }
0xe4: {  	v11 =	vadd.f32 v11, v5;
	[tilespmem:s0+$0xEE80] =	vst v9;
	v9 =	vld [tilespmem:s0+$0xEEF0]  }
0xe5: {  	v12 =	vadd.f32 v12, v4;
	[tilespmem:s0+$0xEE90] =	vst v10;
	v10 =	vld [tilespmem:s0+$0xEF00]  }
0xe6: {  	v13 =	vadd.f32 v13, v3;
	[tilespmem:s0+$0xEEA0] =	vst v11;
	v11 =	vld [tilespmem:s0+$0xEF10]  }
0xe7: {  	v14 =	vadd.f32 v14, v2;
	[tilespmem:s0+$0xEEB0] =	vst v12;
	v12 =	vld [tilespmem:s0+$0xEF20]  }
0xe8: {  	[tilespmem:s0+$0xEEC0] =	vst v13;
	v13 =	vld [tilespmem:s0+$0xEF30];
	v8 =	vadd.f32 v8, v1  }
0xe9: {  	[tilespmem:s0+$0xEED0] =	vst v14;
	v14 =	vld [tilespmem:s0+$0xEF40]  }
0xea: {  	v9 =	vadd.f32 v9, v0;
	[tilespmem:s0+$0xEEE0] =	vst v8;
	v8 =	vld [tilespmem:s0+$0xEF50]  }
0xeb: {  	v10 =	vadd.f32 v10, v6  }
0xec: {  	[tilespmem:s0+$0xEEF0] =	vst v9;
	v9 =	vadd.f32 v11, v7;
	v11 =	vld [tilespmem:s0+$0xEF70]  }
0xed: {  	v15 =	vld [tilespmem:s0+$0xEF60];
	[tilespmem:s0+$0xEF00] =	vst v10;
	v10 =	vadd.f32 v12, v5  }
0xee: {  	v12 =	vld [tilespmem:s0+$0xEF80];
	[tilespmem:s0+$0xEF10] =	vst v9;
	v9 =	vadd.f32 v13, v4  }
0xef: {  	[tilespmem:s0+$0xEF20] =	vst v10;
	v13 =	vld [tilespmem:s0+$0xEF90];
	v10 =	vadd.f32 v14, v3;
	v14 =	vadd.f32 v8, v2  }
0xf0: {  	[tilespmem:s0+$0xEF30] =	vst v9;
	v9 =	vld [tilespmem:s0+$0xEFA0]  }
0xf1: {  	v8 =	vld [tilespmem:s0+$0xEFB0];
	[tilespmem:s0+$0xEF50] =	vst v14;
	v14 =	vadd.f32 v11, v0  }
0xf2: {  	v15 =	vadd.f32 v15, v1;
	[tilespmem:s0+$0xEF40] =	vst v10;
	v10 =	vld [tilespmem:s0+$0xEFC0]  }
0xf3: {  	v11 =	vld [tilespmem:s0+$0xEFD0];
	[tilespmem:s0+$0xEF70] =	vst v14;
	v14 =	vadd.f32 v12, v6  }
0xf4: {  	s15 =	simm.s32 $0x800;
	[tilespmem:s0+$0xEF60] =	vst v15;
	v13 =	vadd.f32 v13, v7;
	v12 =	vld [tilespmem:s0+$0xEFE0]  }
.LBB2_7:
0xf5: {  	s19 =	sshra.s32 s15, $0x2;
	p0 =	sne.s32 s15, $0xF800;
	[tilespmem:s0+$0xEF80] =	vst v14;
	v9 =	vadd.f32 v9, v5;
	v14 =	vld [tilespmem:s0+$0xEFF0]  }
0xf6: {  	v15 =	vld [tilespmem:s19+$0xEE00];
	[tilespmem:s0+$0xEF90] =	vst v13;
	v8 =	vadd.f32 v8, v4  }
0xf7: {  	v13 =	vld [tilespmem:s19+$0xEE10];
	[tilespmem:s0+$0xEFA0] =	vst v9;
	v9 =	vadd.f32 v10, v3  }
0xf8: {  	v10 =	vld [tilespmem:s19+$0xEE20];
	[tilespmem:s0+$0xEFB0] =	vst v8;
	v8 =	vadd.f32 v11, v2  }
0xf9: {  	v11 =	vld [tilespmem:s19+$0xEE30];
	[tilespmem:s0+$0xEFC0] =	vst v9;
	v9 =	vadd.f32 v12, v1  }
0xfa: {  	v12 =	vld [tilespmem:s19+$0xEE40];
	[tilespmem:s0+$0xEFD0] =	vst v8;
	v8 =	vadd.f32 v14, v0  }
0xfb: {  	v14 =	vadd.f32 v15, v6;
	v15 =	vld [tilespmem:s19+$0xEE50];
	[tilespmem:s0+$0xEFE0] =	vst v9  }
0xfc: {  	v9 =	vadd.f32 v13, v7;
	v13 =	vld [tilespmem:s19+$0xEE60];
	[tilespmem:s0+$0xEFF0] =	vst v8;
	s0 =	smov.u32 s19  }
0xfd: {  	[tilespmem:s0+$0xEE00] =	vst v14;
	v8 =	vadd.f32 v10, v5;
	v10 =	vld [tilespmem:s0+$0xEE70]  }
0xfe: {  	[tilespmem:s0+$0xEE10] =	vst v9;
	v9 =	vadd.f32 v11, v4;
	v11 =	vld [tilespmem:s0+$0xEE80]  }
0xff: {  	[tilespmem:s0+$0xEE20] =	vst v8;
	v8 =	vadd.f32 v12, v3;
	v12 =	vld [tilespmem:s0+$0xEE90]  }
0x100: {  	[tilespmem:s0+$0xEE30] =	vst v9;
	v9 =	vadd.f32 v15, v2;
	v14 =	vld [tilespmem:s0+$0xEEA0]  }
0x101: {  	[tilespmem:s0+$0xEE40] =	vst v8;
	v8 =	vadd.f32 v13, v1;
	v13 =	vld [tilespmem:s0+$0xEEB0]  }
0x102: {  	[tilespmem:s0+$0xEE50] =	vst v9;
	v9 =	vadd.f32 v10, v0;
	v10 =	vld [tilespmem:s0+$0xEEC0]  }
0x103: {  	[tilespmem:s0+$0xEE60] =	vst v8;
	v8 =	vadd.f32 v11, v6;
	v11 =	vld [tilespmem:s0+$0xEED0]  }
0x104: {  	[tilespmem:s0+$0xEE70] =	vst v9;
	v9 =	vadd.f32 v12, v7;
	v12 =	vld [tilespmem:s0+$0xEEE0]  }
0x105: {  	[tilespmem:s0+$0xEE80] =	vst v8;
	v8 =	vadd.f32 v14, v5;
	v14 =	vld [tilespmem:s0+$0xEEF0]  }
0x106: {  	[tilespmem:s0+$0xEE90] =	vst v9;
	v9 =	vadd.f32 v13, v4;
	v13 =	vld [tilespmem:s0+$0xEF00]  }
0x107: {  	[tilespmem:s0+$0xEEA0] =	vst v8;
	v8 =	vadd.f32 v10, v3;
	v10 =	vld [tilespmem:s0+$0xEF10]  }
0x108: {  	[tilespmem:s0+$0xEEB0] =	vst v9;
	v9 =	vadd.f32 v11, v2;
	v11 =	vld [tilespmem:s0+$0xEF20]  }
0x109: {  	[tilespmem:s0+$0xEEC0] =	vst v8;
	v8 =	vadd.f32 v12, v1;
	v12 =	vld [tilespmem:s0+$0xEF30]  }
0x10a: {  	[tilespmem:s0+$0xEED0] =	vst v9;
	v9 =	vadd.f32 v14, v0;
	v14 =	vld [tilespmem:s0+$0xEF40]  }
0x10b: {  	[tilespmem:s0+$0xEEE0] =	vst v8;
	v8 =	vadd.f32 v13, v6;
	v13 =	vld [tilespmem:s0+$0xEF50]  }
0x10c: {  	[tilespmem:s0+$0xEEF0] =	vst v9;
	v9 =	vadd.f32 v10, v7;
	v10 =	vld [tilespmem:s0+$0xEF60]  }
0x10d: {  	[tilespmem:s0+$0xEF00] =	vst v8;
	v8 =	vadd.f32 v11, v5;
	v11 =	vld [tilespmem:s0+$0xEF70]  }
0x10e: {  	[tilespmem:s0+$0xEF10] =	vst v9;
	v9 =	vadd.f32 v12, v4;
	v12 =	vld [tilespmem:s0+$0xEF80]  }
0x10f: {  	[tilespmem:s0+$0xEF20] =	vst v8;
	v8 =	vadd.f32 v14, v3;
	v15 =	vld [tilespmem:s0+$0xEF90]  }
.Ltmp2:
0x110: {  	[tilespmem:s0+$0xEF30] =	vst v9;
	v13 =	vadd.f32 v13, v2;
	v9 =	vld [tilespmem:s0+$0xEFA0];
	(pc) =	sbr.rel @p0 .LBB2_7-.Ltmp2, $4  }
0x111: {  	[tilespmem:s0+$0xEF40] =	vst v8;
	v14 =	vadd.f32 v10, v1;
	v8 =	vld [tilespmem:s0+$0xEFB0]  }
0x112: {  	[tilespmem:s0+$0xEF50] =	vst v13;
	v13 =	vadd.f32 v11, v0;
	v10 =	vld [tilespmem:s0+$0xEFC0]  }
0x113: {  	[tilespmem:s0+$0xEF60] =	vst v14;
	v14 =	vadd.f32 v12, v6;
	v11 =	vld [tilespmem:s0+$0xEFD0]  }
0x114: {  	s15 =	sadd.s32 $0x800, s15;
	[tilespmem:s0+$0xEF70] =	vst v13;
	v13 =	vadd.f32 v15, v7;
	v12 =	vld [tilespmem:s0+$0xEFE0]  }
0x115: {  	[tilespmem:s0+$0xEF80] =	vst v14;
	v5 =	vadd.f32 v9, v5;
	v6 =	vld [tilespmem:s0+$0xEFF0]  }
0x116: {  	[tilespmem:s0+$0xEF90] =	vst v13;
	v4 =	vadd.f32 v8, v4  }
0x117: {  	[tilespmem:s0+$0xEFA0] =	vst v5;
	v3 =	vadd.f32 v10, v3  }
0x118: {  	[tilespmem:s0+$0xEFB0] =	vst v4;
	v2 =	vadd.f32 v11, v2  }
0x119: {  	[tilespmem:s0+$0xEFC0] =	vst v3;
	v1 =	vadd.f32 v12, v1  }
0x11a: {  	[tilespmem:s0+$0xEFD0] =	vst v2;
	v0 =	vadd.f32 v6, v0  }
0x11b: {  	[tilespmem:s0+$0xEFE0] =	vst v1  }
0x11c: {  	[tilespmem:s0+$0xEFF0] =	vst v0  }
0x11d: {  	v6 =	vld [tilespmem:s31+$0x5600]  }
0x11e: {  	v7 =	vld [tilespmem:s31+$0x5610]  }
0x11f: {  	v5 =	vld [tilespmem:s31+$0x5620]  }
0x120: {  	v4 =	vld [tilespmem:s31+$0x5630]  }
0x121: {  	v3 =	vld [tilespmem:s31+$0x5640]  }
0x122: {  	v2 =	vld [tilespmem:s31+$0x5650]  }
0x123: {  	v1 =	vld [tilespmem:s31+$0x5660]  }
0x124: {  	s0 =	simm.s32 $0x0;
	v0 =	vld [tilespmem:s31+$0x5670]  }
0x125: {  	v8 =	vld [tilespmem:s0+$0x12E00]  }
0x126: {  	v9 =	vld [tilespmem:s0+$0x12E10]  }
0x127: {  	v10 =	vld [tilespmem:s0+$0x12E20]  }
0x128: {  	v11 =	vld [tilespmem:s0+$0x12E30]  }
0x129: {  	v12 =	vld [tilespmem:s0+$0x12E40]  }
0x12a: {  	v13 =	vld [tilespmem:s0+$0x12E50];
	v8 =	vadd.f32 v8, v6  }
0x12b: {  	v14 =	vld [tilespmem:s0+$0x12E60];
	v9 =	vadd.f32 v9, v7  }
0x12c: {  	v10 =	vadd.f32 v10, v5;
	[tilespmem:s0+$0x12E00] =	vst v8;
	v8 =	vld [tilespmem:s0+$0x12E70]  }
0x12d: {  	v11 =	vadd.f32 v11, v4;
	[tilespmem:s0+$0x12E10] =	vst v9;
	v9 =	vld [tilespmem:s0+$0x12E80]  }
0x12e: {  	v12 =	vadd.f32 v12, v3;
	[tilespmem:s0+$0x12E20] =	vst v10;
	v10 =	vld [tilespmem:s0+$0x12E90]  }
0x12f: {  	v13 =	vadd.f32 v13, v2;
	[tilespmem:s0+$0x12E30] =	vst v11;
	v11 =	vld [tilespmem:s0+$0x12EA0]  }
0x130: {  	v14 =	vadd.f32 v14, v1;
	[tilespmem:s0+$0x12E40] =	vst v12;
	v12 =	vld [tilespmem:s0+$0x12EB0]  }
0x131: {  	[tilespmem:s0+$0x12E50] =	vst v13;
	v13 =	vld [tilespmem:s0+$0x12EC0];
	v8 =	vadd.f32 v8, v0  }
0x132: {  	[tilespmem:s0+$0x12E60] =	vst v14;
	v14 =	vld [tilespmem:s0+$0x12ED0];
	v9 =	vadd.f32 v9, v6  }
0x133: {  	v10 =	vadd.f32 v10, v7;
	[tilespmem:s0+$0x12E70] =	vst v8;
	v8 =	vld [tilespmem:s0+$0x12EE0]  }
0x134: {  	v11 =	vadd.f32 v11, v5;
	[tilespmem:s0+$0x12E80] =	vst v9;
	v9 =	vld [tilespmem:s0+$0x12EF0]  }
0x135: {  	v12 =	vadd.f32 v12, v4;
	[tilespmem:s0+$0x12E90] =	vst v10;
	v10 =	vld [tilespmem:s0+$0x12F00]  }
0x136: {  	v13 =	vadd.f32 v13, v3;
	[tilespmem:s0+$0x12EA0] =	vst v11;
	v11 =	vld [tilespmem:s0+$0x12F10]  }
0x137: {  	v14 =	vadd.f32 v14, v2;
	[tilespmem:s0+$0x12EB0] =	vst v12;
	v12 =	vld [tilespmem:s0+$0x12F20]  }
0x138: {  	[tilespmem:s0+$0x12EC0] =	vst v13;
	v13 =	vld [tilespmem:s0+$0x12F30];
	v8 =	vadd.f32 v8, v1  }
0x139: {  	[tilespmem:s0+$0x12ED0] =	vst v14;
	v14 =	vld [tilespmem:s0+$0x12F40]  }
0x13a: {  	v9 =	vadd.f32 v9, v0;
	[tilespmem:s0+$0x12EE0] =	vst v8;
	v8 =	vld [tilespmem:s0+$0x12F50]  }
0x13b: {  	v10 =	vadd.f32 v10, v6  }
0x13c: {  	[tilespmem:s0+$0x12EF0] =	vst v9;
	v9 =	vadd.f32 v11, v7;
	v11 =	vld [tilespmem:s0+$0x12F70]  }
0x13d: {  	v15 =	vld [tilespmem:s0+$0x12F60];
	[tilespmem:s0+$0x12F00] =	vst v10;
	v10 =	vadd.f32 v12, v5  }
0x13e: {  	v12 =	vld [tilespmem:s0+$0x12F80];
	[tilespmem:s0+$0x12F10] =	vst v9;
	v9 =	vadd.f32 v13, v4  }
0x13f: {  	[tilespmem:s0+$0x12F20] =	vst v10;
	v13 =	vld [tilespmem:s0+$0x12F90];
	v10 =	vadd.f32 v14, v3;
	v14 =	vadd.f32 v8, v2  }
0x140: {  	[tilespmem:s0+$0x12F30] =	vst v9;
	v9 =	vld [tilespmem:s0+$0x12FA0]  }
0x141: {  	v8 =	vld [tilespmem:s0+$0x12FB0];
	[tilespmem:s0+$0x12F50] =	vst v14;
	v14 =	vadd.f32 v11, v0  }
0x142: {  	v15 =	vadd.f32 v15, v1;
	[tilespmem:s0+$0x12F40] =	vst v10;
	v10 =	vld [tilespmem:s0+$0x12FC0]  }
0x143: {  	v11 =	vld [tilespmem:s0+$0x12FD0];
	[tilespmem:s0+$0x12F70] =	vst v14;
	v14 =	vadd.f32 v12, v6  }
0x144: {  	s15 =	simm.s32 $0x800;
	[tilespmem:s0+$0x12F60] =	vst v15;
	v13 =	vadd.f32 v13, v7;
	v12 =	vld [tilespmem:s0+$0x12FE0]  }
.LBB2_9:
0x145: {  	s19 =	sshra.s32 s15, $0x2;
	p0 =	sne.s32 s15, $0xF800;
	[tilespmem:s0+$0x12F80] =	vst v14;
	v9 =	vadd.f32 v9, v5;
	v14 =	vld [tilespmem:s0+$0x12FF0]  }
0x146: {  	v15 =	vld [tilespmem:s19+$0x12E00];
	[tilespmem:s0+$0x12F90] =	vst v13;
	v8 =	vadd.f32 v8, v4  }
0x147: {  	v13 =	vld [tilespmem:s19+$0x12E10];
	[tilespmem:s0+$0x12FA0] =	vst v9;
	v9 =	vadd.f32 v10, v3  }
0x148: {  	v10 =	vld [tilespmem:s19+$0x12E20];
	[tilespmem:s0+$0x12FB0] =	vst v8;
	v8 =	vadd.f32 v11, v2  }
0x149: {  	v11 =	vld [tilespmem:s19+$0x12E30];
	[tilespmem:s0+$0x12FC0] =	vst v9;
	v9 =	vadd.f32 v12, v1  }
0x14a: {  	v12 =	vld [tilespmem:s19+$0x12E40];
	[tilespmem:s0+$0x12FD0] =	vst v8;
	v8 =	vadd.f32 v14, v0  }
0x14b: {  	v14 =	vadd.f32 v15, v6;
	v15 =	vld [tilespmem:s19+$0x12E50];
	[tilespmem:s0+$0x12FE0] =	vst v9  }
0x14c: {  	v9 =	vadd.f32 v13, v7;
	v13 =	vld [tilespmem:s19+$0x12E60];
	[tilespmem:s0+$0x12FF0] =	vst v8;
	s0 =	smov.u32 s19  }
0x14d: {  	[tilespmem:s0+$0x12E00] =	vst v14;
	v8 =	vadd.f32 v10, v5;
	v10 =	vld [tilespmem:s0+$0x12E70]  }
0x14e: {  	[tilespmem:s0+$0x12E10] =	vst v9;
	v9 =	vadd.f32 v11, v4;
	v11 =	vld [tilespmem:s0+$0x12E80]  }
0x14f: {  	[tilespmem:s0+$0x12E20] =	vst v8;
	v8 =	vadd.f32 v12, v3;
	v12 =	vld [tilespmem:s0+$0x12E90]  }
0x150: {  	[tilespmem:s0+$0x12E30] =	vst v9;
	v9 =	vadd.f32 v15, v2;
	v14 =	vld [tilespmem:s0+$0x12EA0]  }
0x151: {  	[tilespmem:s0+$0x12E40] =	vst v8;
	v8 =	vadd.f32 v13, v1;
	v13 =	vld [tilespmem:s0+$0x12EB0]  }
0x152: {  	[tilespmem:s0+$0x12E50] =	vst v9;
	v9 =	vadd.f32 v10, v0;
	v10 =	vld [tilespmem:s0+$0x12EC0]  }
0x153: {  	[tilespmem:s0+$0x12E60] =	vst v8;
	v8 =	vadd.f32 v11, v6;
	v11 =	vld [tilespmem:s0+$0x12ED0]  }
0x154: {  	[tilespmem:s0+$0x12E70] =	vst v9;
	v9 =	vadd.f32 v12, v7;
	v12 =	vld [tilespmem:s0+$0x12EE0]  }
0x155: {  	[tilespmem:s0+$0x12E80] =	vst v8;
	v8 =	vadd.f32 v14, v5;
	v14 =	vld [tilespmem:s0+$0x12EF0]  }
0x156: {  	[tilespmem:s0+$0x12E90] =	vst v9;
	v9 =	vadd.f32 v13, v4;
	v13 =	vld [tilespmem:s0+$0x12F00]  }
0x157: {  	[tilespmem:s0+$0x12EA0] =	vst v8;
	v8 =	vadd.f32 v10, v3;
	v10 =	vld [tilespmem:s0+$0x12F10]  }
0x158: {  	[tilespmem:s0+$0x12EB0] =	vst v9;
	v9 =	vadd.f32 v11, v2;
	v11 =	vld [tilespmem:s0+$0x12F20]  }
0x159: {  	[tilespmem:s0+$0x12EC0] =	vst v8;
	v8 =	vadd.f32 v12, v1;
	v12 =	vld [tilespmem:s0+$0x12F30]  }
0x15a: {  	[tilespmem:s0+$0x12ED0] =	vst v9;
	v9 =	vadd.f32 v14, v0;
	v14 =	vld [tilespmem:s0+$0x12F40]  }
0x15b: {  	[tilespmem:s0+$0x12EE0] =	vst v8;
	v8 =	vadd.f32 v13, v6;
	v13 =	vld [tilespmem:s0+$0x12F50]  }
0x15c: {  	[tilespmem:s0+$0x12EF0] =	vst v9;
	v9 =	vadd.f32 v10, v7;
	v10 =	vld [tilespmem:s0+$0x12F60]  }
0x15d: {  	[tilespmem:s0+$0x12F00] =	vst v8;
	v8 =	vadd.f32 v11, v5;
	v11 =	vld [tilespmem:s0+$0x12F70]  }
0x15e: {  	[tilespmem:s0+$0x12F10] =	vst v9;
	v9 =	vadd.f32 v12, v4;
	v12 =	vld [tilespmem:s0+$0x12F80]  }
0x15f: {  	[tilespmem:s0+$0x12F20] =	vst v8;
	v8 =	vadd.f32 v14, v3;
	v15 =	vld [tilespmem:s0+$0x12F90]  }
.Ltmp3:
0x160: {  	[tilespmem:s0+$0x12F30] =	vst v9;
	v13 =	vadd.f32 v13, v2;
	v9 =	vld [tilespmem:s0+$0x12FA0];
	(pc) =	sbr.rel @p0 .LBB2_9-.Ltmp3, $4  }
0x161: {  	[tilespmem:s0+$0x12F40] =	vst v8;
	v14 =	vadd.f32 v10, v1;
	v8 =	vld [tilespmem:s0+$0x12FB0]  }
0x162: {  	[tilespmem:s0+$0x12F50] =	vst v13;
	v13 =	vadd.f32 v11, v0;
	v10 =	vld [tilespmem:s0+$0x12FC0]  }
0x163: {  	[tilespmem:s0+$0x12F60] =	vst v14;
	v14 =	vadd.f32 v12, v6;
	v11 =	vld [tilespmem:s0+$0x12FD0]  }
0x164: {  	s15 =	sadd.s32 $0x800, s15;
	[tilespmem:s0+$0x12F70] =	vst v13;
	v13 =	vadd.f32 v15, v7;
	v12 =	vld [tilespmem:s0+$0x12FE0]  }
0x165: {  	[tilespmem:s0+$0x12F80] =	vst v14;
	v5 =	vadd.f32 v9, v5;
	v6 =	vld [tilespmem:s0+$0x12FF0]  }
0x166: {  	[tilespmem:s0+$0x12F90] =	vst v13;
	v4 =	vadd.f32 v8, v4  }
0x167: {  	[tilespmem:s0+$0x12FA0] =	vst v5;
	v3 =	vadd.f32 v10, v3  }
0x168: {  	[tilespmem:s0+$0x12FB0] =	vst v4;
	v2 =	vadd.f32 v11, v2  }
0x169: {  	[tilespmem:s0+$0x12FC0] =	vst v3;
	v1 =	vadd.f32 v12, v1  }
0x16a: {  	[tilespmem:s0+$0x12FD0] =	vst v2;
	v0 =	vadd.f32 v6, v0  }
0x16b: {  	s2 =	sshll.u32 s2, $0x4;
	s15 =	sadd.s32 $0x200, s30;
	[tilespmem:s0+$0x12FE0] =	vst v1  }
0x16c: {  	s2 =	sadd.s32 s3, s2;
	s19 =	sadd.s32 s4, s15;
	[tilespmem:s0+$0x12FF0] =	vst v0  }
0x16d: {  	[hbm4b:s2+s5] =	stream.linear.scatter [tilespmem:s20], [sflag:$0x4], $0x8000, $0x38;
	[tilespmem:$0x16E00] =	vst v63  }
0x16e: {  	s2 =	sshrl.u32 s19, $0xE  }
0x16f: {  	_ =	swait.ge [sflag:s25], $0x8000;
	s2 =	smul.u32 $0x3E80, s2  }
0x170: {  	[sflag:s25] =	ssyncset.done $0x0  }
0x171: {  	[sflag:s25] =	ssyncadd.s32 $0xFFFF8000;
	s2 =	sadd.s32 s1, s2  }
0x172: {  	[tilespmem:s17], [sflag:$0x1] =	stream.indirect.gather [hbm4b:s2+s16], $0x80, s15, s16, $0xb8;
	[tilespmem:$0x16E00] =	vst v63  }
0x173: {  	s15 =	sadd.s32 $0x300, s30  }
0x174: {  	s31 =	sadd.s32 $0x280, s30;
	s19 =	sadd.s32 s4, s15  }
0x175: {  	[tilespmem:s18], [sflag:$0x1] =	stream.indirect.gather [hbm4b:s2+s16], $0x80, s31, s16, $0xb8;
	[tilespmem:$0x16E00] =	vst v63  }
0x176: {  	s29 =	sadd.s32 $0x1, s29;
	s2 =	sshrl.u32 s19, $0xE  }
0x177: {  	p0 =	sne.s32 s29, $0x2A;
	_ =	swait.ge [sflag:s26], $0x8000;
	s2 =	smul.u32 $0x3E80, s2  }
.Ltmp4:
0x178: {  	[sflag:s26] =	ssyncset.done $0x0;
	(pc) =	sbr.rel @p0 .LBB2_2-.Ltmp4, $4  }
0x179: {  	[sflag:s26] =	ssyncadd.s32 $0xFFFF8000;
	s2 =	sadd.s32 s1, s2  }
0x17a: {  	[tilespmem:s20], [sflag:$0x2] =	stream.indirect.gather [hbm4b:s2+s16], $0x80, s15, s16, $0xb8;
	[tilespmem:$0x16E00] =	vst v63  }
0x17b: {  	s31 =	sadd.s32 $0x380, s30  }
0x17c: {  	[tilespmem:s22], [sflag:$0x2] =	stream.indirect.gather [hbm4b:s2+s16], $0x80, s31, s16, $0xb8;
	[tilespmem:$0x16E00] =	vst v63  }
0x17d: {  	_ =	swait.ge [sflag:s23], $0x4000  }
0x17e: {  	[sflag:s23] =	ssyncset.done $0x0  }
0x17f: {  	[sflag:s23] =	ssyncadd.s32 $0xFFFFC000  }
0x180: {  	_ =	swait.ge [sflag:s23], $0x4000  }
0x181: {  	[sflag:s23] =	ssyncset.done $0x0  }
0x182: {  	[sflag:s23] =	ssyncadd.s32 $0xFFFFC000  }
0x183: {  	v6 =	vld [tilespmem:s9+$0x5600]  }
0x184: {  	v7 =	vld [tilespmem:s9+$0x5610]  }
0x185: {  	v5 =	vld [tilespmem:s9+$0x5620]  }
0x186: {  	v4 =	vld [tilespmem:s9+$0x5630]  }
0x187: {  	v3 =	vld [tilespmem:s9+$0x5640]  }
0x188: {  	v2 =	vld [tilespmem:s9+$0x5650]  }
0x189: {  	v1 =	vld [tilespmem:s9+$0x5660]  }
0x18a: {  	s0 =	simm.s32 $0x0;
	v0 =	vld [tilespmem:s9+$0x5670]  }
0x18b: {  	v8 =	vld [tilespmem:s0+$0x6E00]  }
0x18c: {  	v9 =	vld [tilespmem:s0+$0x6E10]  }
0x18d: {  	v10 =	vld [tilespmem:s0+$0x6E20]  }
0x18e: {  	v11 =	vld [tilespmem:s0+$0x6E30]  }
0x18f: {  	v12 =	vld [tilespmem:s0+$0x6E40]  }
0x190: {  	v13 =	vld [tilespmem:s0+$0x6E50];
	v8 =	vadd.f32 v8, v6  }
0x191: {  	v14 =	vld [tilespmem:s0+$0x6E60];
	v9 =	vadd.f32 v9, v7  }
0x192: {  	v10 =	vadd.f32 v10, v5;
	[tilespmem:s0+$0x6E00] =	vst v8;
	v8 =	vld [tilespmem:s0+$0x6E70]  }
0x193: {  	v11 =	vadd.f32 v11, v4;
	[tilespmem:s0+$0x6E10] =	vst v9;
	v9 =	vld [tilespmem:s0+$0x6E80]  }
0x194: {  	v12 =	vadd.f32 v12, v3;
	[tilespmem:s0+$0x6E20] =	vst v10;
	v10 =	vld [tilespmem:s0+$0x6E90]  }
0x195: {  	v13 =	vadd.f32 v13, v2;
	[tilespmem:s0+$0x6E30] =	vst v11;
	v11 =	vld [tilespmem:s0+$0x6EA0]  }
0x196: {  	v14 =	vadd.f32 v14, v1;
	[tilespmem:s0+$0x6E40] =	vst v12;
	v12 =	vld [tilespmem:s0+$0x6EB0]  }
0x197: {  	[tilespmem:s0+$0x6E50] =	vst v13;
	v13 =	vld [tilespmem:s0+$0x6EC0];
	v8 =	vadd.f32 v8, v0  }
0x198: {  	[tilespmem:s0+$0x6E60] =	vst v14;
	v14 =	vld [tilespmem:s0+$0x6ED0];
	v9 =	vadd.f32 v9, v6  }
0x199: {  	v10 =	vadd.f32 v10, v7;
	[tilespmem:s0+$0x6E70] =	vst v8;
	v8 =	vld [tilespmem:s0+$0x6EE0]  }
0x19a: {  	v11 =	vadd.f32 v11, v5;
	[tilespmem:s0+$0x6E80] =	vst v9;
	v9 =	vld [tilespmem:s0+$0x6EF0]  }
0x19b: {  	v12 =	vadd.f32 v12, v4;
	[tilespmem:s0+$0x6E90] =	vst v10;
	v10 =	vld [tilespmem:s0+$0x6F00]  }
0x19c: {  	v13 =	vadd.f32 v13, v3;
	[tilespmem:s0+$0x6EA0] =	vst v11;
	v11 =	vld [tilespmem:s0+$0x6F10]  }
0x19d: {  	v14 =	vadd.f32 v14, v2;
	[tilespmem:s0+$0x6EB0] =	vst v12;
	v12 =	vld [tilespmem:s0+$0x6F20]  }
0x19e: {  	[tilespmem:s0+$0x6EC0] =	vst v13;
	v13 =	vld [tilespmem:s0+$0x6F30];
	v8 =	vadd.f32 v8, v1  }
0x19f: {  	[tilespmem:s0+$0x6ED0] =	vst v14;
	v14 =	vld [tilespmem:s0+$0x6F40]  }
0x1a0: {  	v9 =	vadd.f32 v9, v0;
	[tilespmem:s0+$0x6EE0] =	vst v8;
	v8 =	vld [tilespmem:s0+$0x6F50]  }
0x1a1: {  	v10 =	vadd.f32 v10, v6  }
0x1a2: {  	[tilespmem:s0+$0x6EF0] =	vst v9;
	v9 =	vadd.f32 v11, v7;
	v11 =	vld [tilespmem:s0+$0x6F70]  }
0x1a3: {  	v15 =	vld [tilespmem:s0+$0x6F60];
	[tilespmem:s0+$0x6F00] =	vst v10;
	v10 =	vadd.f32 v12, v5  }
0x1a4: {  	v12 =	vld [tilespmem:s0+$0x6F80];
	[tilespmem:s0+$0x6F10] =	vst v9;
	v9 =	vadd.f32 v13, v4  }
0x1a5: {  	[tilespmem:s0+$0x6F20] =	vst v10;
	v13 =	vld [tilespmem:s0+$0x6F90];
	v10 =	vadd.f32 v14, v3;
	v14 =	vadd.f32 v8, v2  }
0x1a6: {  	[tilespmem:s0+$0x6F30] =	vst v9;
	v9 =	vld [tilespmem:s0+$0x6FA0]  }
0x1a7: {  	v8 =	vld [tilespmem:s0+$0x6FB0];
	[tilespmem:s0+$0x6F50] =	vst v14;
	v14 =	vadd.f32 v11, v0  }
0x1a8: {  	v15 =	vadd.f32 v15, v1;
	[tilespmem:s0+$0x6F40] =	vst v10;
	v10 =	vld [tilespmem:s0+$0x6FC0]  }
0x1a9: {  	v11 =	vld [tilespmem:s0+$0x6FD0];
	[tilespmem:s0+$0x6F70] =	vst v14;
	v14 =	vadd.f32 v12, v6  }
0x1aa: {  	s2 =	simm.s32 $0x800;
	[tilespmem:s0+$0x6F60] =	vst v15;
	v13 =	vadd.f32 v13, v7;
	v12 =	vld [tilespmem:s0+$0x6FE0]  }
.LBB2_12:
0x1ab: {  	s15 =	sshra.s32 s2, $0x2;
	p0 =	sne.s32 s2, $0xF800;
	[tilespmem:s0+$0x6F80] =	vst v14;
	v9 =	vadd.f32 v9, v5;
	v14 =	vld [tilespmem:s0+$0x6FF0]  }
0x1ac: {  	v15 =	vld [tilespmem:s15+$0x6E00];
	[tilespmem:s0+$0x6F90] =	vst v13;
	v8 =	vadd.f32 v8, v4  }
0x1ad: {  	v13 =	vld [tilespmem:s15+$0x6E10];
	[tilespmem:s0+$0x6FA0] =	vst v9;
	v9 =	vadd.f32 v10, v3  }
0x1ae: {  	v10 =	vld [tilespmem:s15+$0x6E20];
	[tilespmem:s0+$0x6FB0] =	vst v8;
	v8 =	vadd.f32 v11, v2  }
0x1af: {  	v11 =	vld [tilespmem:s15+$0x6E30];
	[tilespmem:s0+$0x6FC0] =	vst v9;
	v9 =	vadd.f32 v12, v1  }
0x1b0: {  	v12 =	vld [tilespmem:s15+$0x6E40];
	[tilespmem:s0+$0x6FD0] =	vst v8;
	v8 =	vadd.f32 v14, v0  }
0x1b1: {  	v14 =	vadd.f32 v15, v6;
	v15 =	vld [tilespmem:s15+$0x6E50];
	[tilespmem:s0+$0x6FE0] =	vst v9  }
0x1b2: {  	v9 =	vadd.f32 v13, v7;
	v13 =	vld [tilespmem:s15+$0x6E60];
	[tilespmem:s0+$0x6FF0] =	vst v8;
	s0 =	smov.u32 s15  }
0x1b3: {  	[tilespmem:s0+$0x6E00] =	vst v14;
	v8 =	vadd.f32 v10, v5;
	v10 =	vld [tilespmem:s0+$0x6E70]  }
0x1b4: {  	[tilespmem:s0+$0x6E10] =	vst v9;
	v9 =	vadd.f32 v11, v4;
	v11 =	vld [tilespmem:s0+$0x6E80]  }
0x1b5: {  	[tilespmem:s0+$0x6E20] =	vst v8;
	v8 =	vadd.f32 v12, v3;
	v12 =	vld [tilespmem:s0+$0x6E90]  }
0x1b6: {  	[tilespmem:s0+$0x6E30] =	vst v9;
	v9 =	vadd.f32 v15, v2;
	v14 =	vld [tilespmem:s0+$0x6EA0]  }
0x1b7: {  	[tilespmem:s0+$0x6E40] =	vst v8;
	v8 =	vadd.f32 v13, v1;
	v13 =	vld [tilespmem:s0+$0x6EB0]  }
0x1b8: {  	[tilespmem:s0+$0x6E50] =	vst v9;
	v9 =	vadd.f32 v10, v0;
	v10 =	vld [tilespmem:s0+$0x6EC0]  }
0x1b9: {  	[tilespmem:s0+$0x6E60] =	vst v8;
	v8 =	vadd.f32 v11, v6;
	v11 =	vld [tilespmem:s0+$0x6ED0]  }
0x1ba: {  	[tilespmem:s0+$0x6E70] =	vst v9;
	v9 =	vadd.f32 v12, v7;
	v12 =	vld [tilespmem:s0+$0x6EE0]  }
0x1bb: {  	[tilespmem:s0+$0x6E80] =	vst v8;
	v8 =	vadd.f32 v14, v5;
	v14 =	vld [tilespmem:s0+$0x6EF0]  }
0x1bc: {  	[tilespmem:s0+$0x6E90] =	vst v9;
	v9 =	vadd.f32 v13, v4;
	v13 =	vld [tilespmem:s0+$0x6F00]  }
0x1bd: {  	[tilespmem:s0+$0x6EA0] =	vst v8;
	v8 =	vadd.f32 v10, v3;
	v10 =	vld [tilespmem:s0+$0x6F10]  }
0x1be: {  	[tilespmem:s0+$0x6EB0] =	vst v9;
	v9 =	vadd.f32 v11, v2;
	v11 =	vld [tilespmem:s0+$0x6F20]  }
0x1bf: {  	[tilespmem:s0+$0x6EC0] =	vst v8;
	v8 =	vadd.f32 v12, v1;
	v12 =	vld [tilespmem:s0+$0x6F30]  }
0x1c0: {  	[tilespmem:s0+$0x6ED0] =	vst v9;
	v9 =	vadd.f32 v14, v0;
	v14 =	vld [tilespmem:s0+$0x6F40]  }
0x1c1: {  	[tilespmem:s0+$0x6EE0] =	vst v8;
	v8 =	vadd.f32 v13, v6;
	v13 =	vld [tilespmem:s0+$0x6F50]  }
0x1c2: {  	[tilespmem:s0+$0x6EF0] =	vst v9;
	v9 =	vadd.f32 v10, v7;
	v10 =	vld [tilespmem:s0+$0x6F60]  }
0x1c3: {  	[tilespmem:s0+$0x6F00] =	vst v8;
	v8 =	vadd.f32 v11, v5;
	v11 =	vld [tilespmem:s0+$0x6F70]  }
0x1c4: {  	[tilespmem:s0+$0x6F10] =	vst v9;
	v9 =	vadd.f32 v12, v4;
	v12 =	vld [tilespmem:s0+$0x6F80]  }
0x1c5: {  	[tilespmem:s0+$0x6F20] =	vst v8;
	v8 =	vadd.f32 v14, v3;
	v15 =	vld [tilespmem:s0+$0x6F90]  }
.Ltmp5:
0x1c6: {  	[tilespmem:s0+$0x6F30] =	vst v9;
	v13 =	vadd.f32 v13, v2;
	v9 =	vld [tilespmem:s0+$0x6FA0];
	(pc) =	sbr.rel @p0 .LBB2_12-.Ltmp5, $4  }
0x1c7: {  	[tilespmem:s0+$0x6F40] =	vst v8;
	v14 =	vadd.f32 v10, v1;
	v8 =	vld [tilespmem:s0+$0x6FB0]  }
0x1c8: {  	[tilespmem:s0+$0x6F50] =	vst v13;
	v13 =	vadd.f32 v11, v0;
	v10 =	vld [tilespmem:s0+$0x6FC0]  }
0x1c9: {  	[tilespmem:s0+$0x6F60] =	vst v14;
	v14 =	vadd.f32 v12, v6;
	v11 =	vld [tilespmem:s0+$0x6FD0]  }
0x1ca: {  	s2 =	sadd.s32 $0x800, s2;
	[tilespmem:s0+$0x6F70] =	vst v13;
	v13 =	vadd.f32 v15, v7;
	v12 =	vld [tilespmem:s0+$0x6FE0]  }
0x1cb: {  	[tilespmem:s0+$0x6F80] =	vst v14;
	v5 =	vadd.f32 v9, v5;
	v6 =	vld [tilespmem:s0+$0x6FF0]  }
0x1cc: {  	[tilespmem:s0+$0x6F90] =	vst v13;
	v4 =	vadd.f32 v8, v4  }
0x1cd: {  	[tilespmem:s0+$0x6FA0] =	vst v5;
	v3 =	vadd.f32 v10, v3  }
0x1ce: {  	[tilespmem:s0+$0x6FB0] =	vst v4;
	v2 =	vadd.f32 v11, v2  }
0x1cf: {  	[tilespmem:s0+$0x6FC0] =	vst v3;
	v1 =	vadd.f32 v12, v1  }
0x1d0: {  	[tilespmem:s0+$0x6FD0] =	vst v2;
	v0 =	vadd.f32 v6, v0  }
0x1d1: {  	[tilespmem:s0+$0x6FE0] =	vst v1  }
0x1d2: {  	[tilespmem:s0+$0x6FF0] =	vst v0  }
0x1d3: {  	v6 =	vld [tilespmem:s9+$0x5600]  }
0x1d4: {  	v7 =	vld [tilespmem:s9+$0x5610]  }
0x1d5: {  	v5 =	vld [tilespmem:s9+$0x5620]  }
0x1d6: {  	v4 =	vld [tilespmem:s9+$0x5630]  }
0x1d7: {  	v3 =	vld [tilespmem:s9+$0x5640]  }
0x1d8: {  	v2 =	vld [tilespmem:s9+$0x5650]  }
0x1d9: {  	v1 =	vld [tilespmem:s9+$0x5660]  }
0x1da: {  	s0 =	simm.s32 $0x0;
	v0 =	vld [tilespmem:s9+$0x5670]  }
0x1db: {  	v8 =	vld [tilespmem:s0+$0xAE00]  }
0x1dc: {  	v9 =	vld [tilespmem:s0+$0xAE10]  }
0x1dd: {  	v10 =	vld [tilespmem:s0+$0xAE20]  }
0x1de: {  	v11 =	vld [tilespmem:s0+$0xAE30]  }
0x1df: {  	v12 =	vld [tilespmem:s0+$0xAE40]  }
0x1e0: {  	v13 =	vld [tilespmem:s0+$0xAE50];
	v8 =	vadd.f32 v8, v6  }
0x1e1: {  	v14 =	vld [tilespmem:s0+$0xAE60];
	v9 =	vadd.f32 v9, v7  }
0x1e2: {  	v10 =	vadd.f32 v10, v5;
	[tilespmem:s0+$0xAE00] =	vst v8;
	v8 =	vld [tilespmem:s0+$0xAE70]  }
0x1e3: {  	v11 =	vadd.f32 v11, v4;
	[tilespmem:s0+$0xAE10] =	vst v9;
	v9 =	vld [tilespmem:s0+$0xAE80]  }
0x1e4: {  	v12 =	vadd.f32 v12, v3;
	[tilespmem:s0+$0xAE20] =	vst v10;
	v10 =	vld [tilespmem:s0+$0xAE90]  }
0x1e5: {  	v13 =	vadd.f32 v13, v2;
	[tilespmem:s0+$0xAE30] =	vst v11;
	v11 =	vld [tilespmem:s0+$0xAEA0]  }
0x1e6: {  	v14 =	vadd.f32 v14, v1;
	[tilespmem:s0+$0xAE40] =	vst v12;
	v12 =	vld [tilespmem:s0+$0xAEB0]  }
0x1e7: {  	[tilespmem:s0+$0xAE50] =	vst v13;
	v13 =	vld [tilespmem:s0+$0xAEC0];
	v8 =	vadd.f32 v8, v0  }
0x1e8: {  	[tilespmem:s0+$0xAE60] =	vst v14;
	v14 =	vld [tilespmem:s0+$0xAED0];
	v9 =	vadd.f32 v9, v6  }
0x1e9: {  	v10 =	vadd.f32 v10, v7;
	[tilespmem:s0+$0xAE70] =	vst v8;
	v8 =	vld [tilespmem:s0+$0xAEE0]  }
0x1ea: {  	v11 =	vadd.f32 v11, v5;
	[tilespmem:s0+$0xAE80] =	vst v9;
	v9 =	vld [tilespmem:s0+$0xAEF0]  }
0x1eb: {  	v12 =	vadd.f32 v12, v4;
	[tilespmem:s0+$0xAE90] =	vst v10;
	v10 =	vld [tilespmem:s0+$0xAF00]  }
0x1ec: {  	v13 =	vadd.f32 v13, v3;
	[tilespmem:s0+$0xAEA0] =	vst v11;
	v11 =	vld [tilespmem:s0+$0xAF10]  }
0x1ed: {  	v14 =	vadd.f32 v14, v2;
	[tilespmem:s0+$0xAEB0] =	vst v12;
	v12 =	vld [tilespmem:s0+$0xAF20]  }
0x1ee: {  	[tilespmem:s0+$0xAEC0] =	vst v13;
	v13 =	vld [tilespmem:s0+$0xAF30];
	v8 =	vadd.f32 v8, v1  }
0x1ef: {  	[tilespmem:s0+$0xAED0] =	vst v14;
	v14 =	vld [tilespmem:s0+$0xAF40]  }
0x1f0: {  	v9 =	vadd.f32 v9, v0;
	[tilespmem:s0+$0xAEE0] =	vst v8;
	v8 =	vld [tilespmem:s0+$0xAF50]  }
0x1f1: {  	v10 =	vadd.f32 v10, v6  }
0x1f2: {  	[tilespmem:s0+$0xAEF0] =	vst v9;
	v9 =	vadd.f32 v11, v7;
	v11 =	vld [tilespmem:s0+$0xAF70]  }
0x1f3: {  	v15 =	vld [tilespmem:s0+$0xAF60];
	[tilespmem:s0+$0xAF00] =	vst v10;
	v10 =	vadd.f32 v12, v5  }
0x1f4: {  	v12 =	vld [tilespmem:s0+$0xAF80];
	[tilespmem:s0+$0xAF10] =	vst v9;
	v9 =	vadd.f32 v13, v4  }
0x1f5: {  	[tilespmem:s0+$0xAF20] =	vst v10;
	v13 =	vld [tilespmem:s0+$0xAF90];
	v10 =	vadd.f32 v14, v3;
	v14 =	vadd.f32 v8, v2  }
0x1f6: {  	[tilespmem:s0+$0xAF30] =	vst v9;
	v9 =	vld [tilespmem:s0+$0xAFA0]  }
0x1f7: {  	v8 =	vld [tilespmem:s0+$0xAFB0];
	[tilespmem:s0+$0xAF50] =	vst v14;
	v14 =	vadd.f32 v11, v0  }
0x1f8: {  	v15 =	vadd.f32 v15, v1;
	[tilespmem:s0+$0xAF40] =	vst v10;
	v10 =	vld [tilespmem:s0+$0xAFC0]  }
0x1f9: {  	v11 =	vld [tilespmem:s0+$0xAFD0];
	[tilespmem:s0+$0xAF70] =	vst v14;
	v14 =	vadd.f32 v12, v6  }
0x1fa: {  	s2 =	simm.s32 $0x800;
	[tilespmem:s0+$0xAF60] =	vst v15;
	v13 =	vadd.f32 v13, v7;
	v12 =	vld [tilespmem:s0+$0xAFE0]  }
.LBB2_14:
0x1fb: {  	s15 =	sshra.s32 s2, $0x2;
	p0 =	sne.s32 s2, $0xF800;
	[tilespmem:s0+$0xAF80] =	vst v14;
	v9 =	vadd.f32 v9, v5;
	v14 =	vld [tilespmem:s0+$0xAFF0]  }
0x1fc: {  	v15 =	vld [tilespmem:s15+$0xAE00];
	[tilespmem:s0+$0xAF90] =	vst v13;
	v8 =	vadd.f32 v8, v4  }
0x1fd: {  	v13 =	vld [tilespmem:s15+$0xAE10];
	[tilespmem:s0+$0xAFA0] =	vst v9;
	v9 =	vadd.f32 v10, v3  }
0x1fe: {  	v10 =	vld [tilespmem:s15+$0xAE20];
	[tilespmem:s0+$0xAFB0] =	vst v8;
	v8 =	vadd.f32 v11, v2  }
0x1ff: {  	v11 =	vld [tilespmem:s15+$0xAE30];
	[tilespmem:s0+$0xAFC0] =	vst v9;
	v9 =	vadd.f32 v12, v1  }
0x200: {  	v12 =	vld [tilespmem:s15+$0xAE40];
	[tilespmem:s0+$0xAFD0] =	vst v8;
	v8 =	vadd.f32 v14, v0  }
0x201: {  	v14 =	vadd.f32 v15, v6;
	v15 =	vld [tilespmem:s15+$0xAE50];
	[tilespmem:s0+$0xAFE0] =	vst v9  }
0x202: {  	v9 =	vadd.f32 v13, v7;
	v13 =	vld [tilespmem:s15+$0xAE60];
	[tilespmem:s0+$0xAFF0] =	vst v8;
	s0 =	smov.u32 s15  }
0x203: {  	[tilespmem:s0+$0xAE00] =	vst v14;
	v8 =	vadd.f32 v10, v5;
	v10 =	vld [tilespmem:s0+$0xAE70]  }
0x204: {  	[tilespmem:s0+$0xAE10] =	vst v9;
	v9 =	vadd.f32 v11, v4;
	v11 =	vld [tilespmem:s0+$0xAE80]  }
0x205: {  	[tilespmem:s0+$0xAE20] =	vst v8;
	v8 =	vadd.f32 v12, v3;
	v12 =	vld [tilespmem:s0+$0xAE90]  }
0x206: {  	[tilespmem:s0+$0xAE30] =	vst v9;
	v9 =	vadd.f32 v15, v2;
	v14 =	vld [tilespmem:s0+$0xAEA0]  }
0x207: {  	[tilespmem:s0+$0xAE40] =	vst v8;
	v8 =	vadd.f32 v13, v1;
	v13 =	vld [tilespmem:s0+$0xAEB0]  }
0x208: {  	[tilespmem:s0+$0xAE50] =	vst v9;
	v9 =	vadd.f32 v10, v0;
	v10 =	vld [tilespmem:s0+$0xAEC0]  }
0x209: {  	[tilespmem:s0+$0xAE60] =	vst v8;
	v8 =	vadd.f32 v11, v6;
	v11 =	vld [tilespmem:s0+$0xAED0]  }
0x20a: {  	[tilespmem:s0+$0xAE70] =	vst v9;
	v9 =	vadd.f32 v12, v7;
	v12 =	vld [tilespmem:s0+$0xAEE0]  }
0x20b: {  	[tilespmem:s0+$0xAE80] =	vst v8;
	v8 =	vadd.f32 v14, v5;
	v14 =	vld [tilespmem:s0+$0xAEF0]  }
0x20c: {  	[tilespmem:s0+$0xAE90] =	vst v9;
	v9 =	vadd.f32 v13, v4;
	v13 =	vld [tilespmem:s0+$0xAF00]  }
0x20d: {  	[tilespmem:s0+$0xAEA0] =	vst v8;
	v8 =	vadd.f32 v10, v3;
	v10 =	vld [tilespmem:s0+$0xAF10]  }
0x20e: {  	[tilespmem:s0+$0xAEB0] =	vst v9;
	v9 =	vadd.f32 v11, v2;
	v11 =	vld [tilespmem:s0+$0xAF20]  }
0x20f: {  	[tilespmem:s0+$0xAEC0] =	vst v8;
	v8 =	vadd.f32 v12, v1;
	v12 =	vld [tilespmem:s0+$0xAF30]  }
0x210: {  	[tilespmem:s0+$0xAED0] =	vst v9;
	v9 =	vadd.f32 v14, v0;
	v14 =	vld [tilespmem:s0+$0xAF40]  }
0x211: {  	[tilespmem:s0+$0xAEE0] =	vst v8;
	v8 =	vadd.f32 v13, v6;
	v13 =	vld [tilespmem:s0+$0xAF50]  }
0x212: {  	[tilespmem:s0+$0xAEF0] =	vst v9;
	v9 =	vadd.f32 v10, v7;
	v10 =	vld [tilespmem:s0+$0xAF60]  }
0x213: {  	[tilespmem:s0+$0xAF00] =	vst v8;
	v8 =	vadd.f32 v11, v5;
	v11 =	vld [tilespmem:s0+$0xAF70]  }
0x214: {  	[tilespmem:s0+$0xAF10] =	vst v9;
	v9 =	vadd.f32 v12, v4;
	v12 =	vld [tilespmem:s0+$0xAF80]  }
0x215: {  	[tilespmem:s0+$0xAF20] =	vst v8;
	v8 =	vadd.f32 v14, v3;
	v15 =	vld [tilespmem:s0+$0xAF90]  }
.Ltmp6:
0x216: {  	[tilespmem:s0+$0xAF30] =	vst v9;
	v13 =	vadd.f32 v13, v2;
	v9 =	vld [tilespmem:s0+$0xAFA0];
	(pc) =	sbr.rel @p0 .LBB2_14-.Ltmp6, $4  }
0x217: {  	[tilespmem:s0+$0xAF40] =	vst v8;
	v14 =	vadd.f32 v10, v1;
	v8 =	vld [tilespmem:s0+$0xAFB0]  }
0x218: {  	[tilespmem:s0+$0xAF50] =	vst v13;
	v13 =	vadd.f32 v11, v0;
	v10 =	vld [tilespmem:s0+$0xAFC0]  }
0x219: {  	[tilespmem:s0+$0xAF60] =	vst v14;
	v14 =	vadd.f32 v12, v6;
	v11 =	vld [tilespmem:s0+$0xAFD0]  }
0x21a: {  	s2 =	sadd.s32 $0x800, s2;
	[tilespmem:s0+$0xAF70] =	vst v13;
	v13 =	vadd.f32 v15, v7;
	v12 =	vld [tilespmem:s0+$0xAFE0]  }
0x21b: {  	[tilespmem:s0+$0xAF80] =	vst v14;
	v5 =	vadd.f32 v9, v5;
	v6 =	vld [tilespmem:s0+$0xAFF0]  }
0x21c: {  	[tilespmem:s0+$0xAF90] =	vst v13;
	v4 =	vadd.f32 v8, v4  }
0x21d: {  	[tilespmem:s0+$0xAFA0] =	vst v5;
	v3 =	vadd.f32 v10, v3  }
0x21e: {  	[tilespmem:s0+$0xAFB0] =	vst v4;
	v2 =	vadd.f32 v11, v2  }
0x21f: {  	[tilespmem:s0+$0xAFC0] =	vst v3;
	v1 =	vadd.f32 v12, v1  }
0x220: {  	[tilespmem:s0+$0xAFD0] =	vst v2;
	v0 =	vadd.f32 v6, v0  }
0x221: {  	[tilespmem:s0+$0xAFE0] =	vst v1  }
0x222: {  	s31 =	simm.s32 $0x0;
	[tilespmem:s0+$0xAFF0] =	vst v0  }
0x223: {  	[hbm4b:s10+s31] =	stream.linear.scatter [tilespmem:s17], [sflag:$0x3], $0x8000, $0x38;
	[tilespmem:$0x16E00] =	vst v63  }
0x224: {  	_ =	swait.ge [sflag:s24], $0x4000  }
0x225: {  	[sflag:s24] =	ssyncset.done $0x0  }
0x226: {  	[sflag:s24] =	ssyncadd.s32 $0xFFFFC000  }
0x227: {  	_ =	swait.ge [sflag:s24], $0x4000  }
0x228: {  	[sflag:s24] =	ssyncset.done $0x0  }
0x229: {  	[sflag:s24] =	ssyncadd.s32 $0xFFFFC000  }
0x22a: {  	v6 =	vld [tilespmem:s11+$0x5600]  }
0x22b: {  	v7 =	vld [tilespmem:s11+$0x5610]  }
0x22c: {  	v5 =	vld [tilespmem:s11+$0x5620]  }
0x22d: {  	v4 =	vld [tilespmem:s11+$0x5630]  }
0x22e: {  	v3 =	vld [tilespmem:s11+$0x5640]  }
0x22f: {  	v2 =	vld [tilespmem:s11+$0x5650]  }
0x230: {  	v1 =	vld [tilespmem:s11+$0x5660]  }
0x231: {  	s0 =	simm.s32 $0x0;
	v0 =	vld [tilespmem:s11+$0x5670]  }
0x232: {  	v8 =	vld [tilespmem:s0+$0xEE00]  }
0x233: {  	v9 =	vld [tilespmem:s0+$0xEE10]  }
0x234: {  	v10 =	vld [tilespmem:s0+$0xEE20]  }
0x235: {  	v11 =	vld [tilespmem:s0+$0xEE30]  }
0x236: {  	v12 =	vld [tilespmem:s0+$0xEE40]  }
0x237: {  	v13 =	vld [tilespmem:s0+$0xEE50];
	v8 =	vadd.f32 v8, v6  }
0x238: {  	v14 =	vld [tilespmem:s0+$0xEE60];
	v9 =	vadd.f32 v9, v7  }
0x239: {  	v10 =	vadd.f32 v10, v5;
	[tilespmem:s0+$0xEE00] =	vst v8;
	v8 =	vld [tilespmem:s0+$0xEE70]  }
0x23a: {  	v11 =	vadd.f32 v11, v4;
	[tilespmem:s0+$0xEE10] =	vst v9;
	v9 =	vld [tilespmem:s0+$0xEE80]  }
0x23b: {  	v12 =	vadd.f32 v12, v3;
	[tilespmem:s0+$0xEE20] =	vst v10;
	v10 =	vld [tilespmem:s0+$0xEE90]  }
0x23c: {  	v13 =	vadd.f32 v13, v2;
	[tilespmem:s0+$0xEE30] =	vst v11;
	v11 =	vld [tilespmem:s0+$0xEEA0]  }
0x23d: {  	v14 =	vadd.f32 v14, v1;
	[tilespmem:s0+$0xEE40] =	vst v12;
	v12 =	vld [tilespmem:s0+$0xEEB0]  }
0x23e: {  	[tilespmem:s0+$0xEE50] =	vst v13;
	v13 =	vld [tilespmem:s0+$0xEEC0];
	v8 =	vadd.f32 v8, v0  }
0x23f: {  	[tilespmem:s0+$0xEE60] =	vst v14;
	v14 =	vld [tilespmem:s0+$0xEED0];
	v9 =	vadd.f32 v9, v6  }
0x240: {  	v10 =	vadd.f32 v10, v7;
	[tilespmem:s0+$0xEE70] =	vst v8;
	v8 =	vld [tilespmem:s0+$0xEEE0]  }
0x241: {  	v11 =	vadd.f32 v11, v5;
	[tilespmem:s0+$0xEE80] =	vst v9;
	v9 =	vld [tilespmem:s0+$0xEEF0]  }
0x242: {  	v12 =	vadd.f32 v12, v4;
	[tilespmem:s0+$0xEE90] =	vst v10;
	v10 =	vld [tilespmem:s0+$0xEF00]  }
0x243: {  	v13 =	vadd.f32 v13, v3;
	[tilespmem:s0+$0xEEA0] =	vst v11;
	v11 =	vld [tilespmem:s0+$0xEF10]  }
0x244: {  	v14 =	vadd.f32 v14, v2;
	[tilespmem:s0+$0xEEB0] =	vst v12;
	v12 =	vld [tilespmem:s0+$0xEF20]  }
0x245: {  	[tilespmem:s0+$0xEEC0] =	vst v13;
	v13 =	vld [tilespmem:s0+$0xEF30];
	v8 =	vadd.f32 v8, v1  }
0x246: {  	[tilespmem:s0+$0xEED0] =	vst v14;
	v14 =	vld [tilespmem:s0+$0xEF40]  }
0x247: {  	v9 =	vadd.f32 v9, v0;
	[tilespmem:s0+$0xEEE0] =	vst v8;
	v8 =	vld [tilespmem:s0+$0xEF50]  }
0x248: {  	v10 =	vadd.f32 v10, v6  }
0x249: {  	[tilespmem:s0+$0xEEF0] =	vst v9;
	v9 =	vadd.f32 v11, v7;
	v11 =	vld [tilespmem:s0+$0xEF70]  }
0x24a: {  	v15 =	vld [tilespmem:s0+$0xEF60];
	[tilespmem:s0+$0xEF00] =	vst v10;
	v10 =	vadd.f32 v12, v5  }
0x24b: {  	v12 =	vld [tilespmem:s0+$0xEF80];
	[tilespmem:s0+$0xEF10] =	vst v9;
	v9 =	vadd.f32 v13, v4  }
0x24c: {  	[tilespmem:s0+$0xEF20] =	vst v10;
	v13 =	vld [tilespmem:s0+$0xEF90];
	v10 =	vadd.f32 v14, v3;
	v14 =	vadd.f32 v8, v2  }
0x24d: {  	[tilespmem:s0+$0xEF30] =	vst v9;
	v9 =	vld [tilespmem:s0+$0xEFA0]  }
0x24e: {  	v8 =	vld [tilespmem:s0+$0xEFB0];
	[tilespmem:s0+$0xEF50] =	vst v14;
	v14 =	vadd.f32 v11, v0  }
0x24f: {  	v15 =	vadd.f32 v15, v1;
	[tilespmem:s0+$0xEF40] =	vst v10;
	v10 =	vld [tilespmem:s0+$0xEFC0]  }
0x250: {  	v11 =	vld [tilespmem:s0+$0xEFD0];
	[tilespmem:s0+$0xEF70] =	vst v14;
	v14 =	vadd.f32 v12, v6  }
0x251: {  	s2 =	simm.s32 $0x800;
	[tilespmem:s0+$0xEF60] =	vst v15;
	v13 =	vadd.f32 v13, v7;
	v12 =	vld [tilespmem:s0+$0xEFE0]  }
.LBB2_16:
0x252: {  	s15 =	sshra.s32 s2, $0x2;
	p0 =	sne.s32 s2, $0xF800;
	[tilespmem:s0+$0xEF80] =	vst v14;
	v9 =	vadd.f32 v9, v5;
	v14 =	vld [tilespmem:s0+$0xEFF0]  }
0x253: {  	v15 =	vld [tilespmem:s15+$0xEE00];
	[tilespmem:s0+$0xEF90] =	vst v13;
	v8 =	vadd.f32 v8, v4  }
0x254: {  	v13 =	vld [tilespmem:s15+$0xEE10];
	[tilespmem:s0+$0xEFA0] =	vst v9;
	v9 =	vadd.f32 v10, v3  }
0x255: {  	v10 =	vld [tilespmem:s15+$0xEE20];
	[tilespmem:s0+$0xEFB0] =	vst v8;
	v8 =	vadd.f32 v11, v2  }
0x256: {  	v11 =	vld [tilespmem:s15+$0xEE30];
	[tilespmem:s0+$0xEFC0] =	vst v9;
	v9 =	vadd.f32 v12, v1  }
0x257: {  	v12 =	vld [tilespmem:s15+$0xEE40];
	[tilespmem:s0+$0xEFD0] =	vst v8;
	v8 =	vadd.f32 v14, v0  }
0x258: {  	v14 =	vadd.f32 v15, v6;
	v15 =	vld [tilespmem:s15+$0xEE50];
	[tilespmem:s0+$0xEFE0] =	vst v9  }
0x259: {  	v9 =	vadd.f32 v13, v7;
	v13 =	vld [tilespmem:s15+$0xEE60];
	[tilespmem:s0+$0xEFF0] =	vst v8;
	s0 =	smov.u32 s15  }
0x25a: {  	[tilespmem:s0+$0xEE00] =	vst v14;
	v8 =	vadd.f32 v10, v5;
	v10 =	vld [tilespmem:s0+$0xEE70]  }
0x25b: {  	[tilespmem:s0+$0xEE10] =	vst v9;
	v9 =	vadd.f32 v11, v4;
	v11 =	vld [tilespmem:s0+$0xEE80]  }
0x25c: {  	[tilespmem:s0+$0xEE20] =	vst v8;
	v8 =	vadd.f32 v12, v3;
	v12 =	vld [tilespmem:s0+$0xEE90]  }
0x25d: {  	[tilespmem:s0+$0xEE30] =	vst v9;
	v9 =	vadd.f32 v15, v2;
	v14 =	vld [tilespmem:s0+$0xEEA0]  }
0x25e: {  	[tilespmem:s0+$0xEE40] =	vst v8;
	v8 =	vadd.f32 v13, v1;
	v13 =	vld [tilespmem:s0+$0xEEB0]  }
0x25f: {  	[tilespmem:s0+$0xEE50] =	vst v9;
	v9 =	vadd.f32 v10, v0;
	v10 =	vld [tilespmem:s0+$0xEEC0]  }
0x260: {  	[tilespmem:s0+$0xEE60] =	vst v8;
	v8 =	vadd.f32 v11, v6;
	v11 =	vld [tilespmem:s0+$0xEED0]  }
0x261: {  	[tilespmem:s0+$0xEE70] =	vst v9;
	v9 =	vadd.f32 v12, v7;
	v12 =	vld [tilespmem:s0+$0xEEE0]  }
0x262: {  	[tilespmem:s0+$0xEE80] =	vst v8;
	v8 =	vadd.f32 v14, v5;
	v14 =	vld [tilespmem:s0+$0xEEF0]  }
0x263: {  	[tilespmem:s0+$0xEE90] =	vst v9;
	v9 =	vadd.f32 v13, v4;
	v13 =	vld [tilespmem:s0+$0xEF00]  }
0x264: {  	[tilespmem:s0+$0xEEA0] =	vst v8;
	v8 =	vadd.f32 v10, v3;
	v10 =	vld [tilespmem:s0+$0xEF10]  }
0x265: {  	[tilespmem:s0+$0xEEB0] =	vst v9;
	v9 =	vadd.f32 v11, v2;
	v11 =	vld [tilespmem:s0+$0xEF20]  }
0x266: {  	[tilespmem:s0+$0xEEC0] =	vst v8;
	v8 =	vadd.f32 v12, v1;
	v12 =	vld [tilespmem:s0+$0xEF30]  }
0x267: {  	[tilespmem:s0+$0xEED0] =	vst v9;
	v9 =	vadd.f32 v14, v0;
	v14 =	vld [tilespmem:s0+$0xEF40]  }
0x268: {  	[tilespmem:s0+$0xEEE0] =	vst v8;
	v8 =	vadd.f32 v13, v6;
	v13 =	vld [tilespmem:s0+$0xEF50]  }
0x269: {  	[tilespmem:s0+$0xEEF0] =	vst v9;
	v9 =	vadd.f32 v10, v7;
	v10 =	vld [tilespmem:s0+$0xEF60]  }
0x26a: {  	[tilespmem:s0+$0xEF00] =	vst v8;
	v8 =	vadd.f32 v11, v5;
	v11 =	vld [tilespmem:s0+$0xEF70]  }
0x26b: {  	[tilespmem:s0+$0xEF10] =	vst v9;
	v9 =	vadd.f32 v12, v4;
	v12 =	vld [tilespmem:s0+$0xEF80]  }
0x26c: {  	[tilespmem:s0+$0xEF20] =	vst v8;
	v8 =	vadd.f32 v14, v3;
	v15 =	vld [tilespmem:s0+$0xEF90]  }
.Ltmp7:
0x26d: {  	[tilespmem:s0+$0xEF30] =	vst v9;
	v13 =	vadd.f32 v13, v2;
	v9 =	vld [tilespmem:s0+$0xEFA0];
	(pc) =	sbr.rel @p0 .LBB2_16-.Ltmp7, $4  }
0x26e: {  	[tilespmem:s0+$0xEF40] =	vst v8;
	v14 =	vadd.f32 v10, v1;
	v8 =	vld [tilespmem:s0+$0xEFB0]  }
0x26f: {  	[tilespmem:s0+$0xEF50] =	vst v13;
	v13 =	vadd.f32 v11, v0;
	v10 =	vld [tilespmem:s0+$0xEFC0]  }
0x270: {  	[tilespmem:s0+$0xEF60] =	vst v14;
	v14 =	vadd.f32 v12, v6;
	v11 =	vld [tilespmem:s0+$0xEFD0]  }
0x271: {  	s2 =	sadd.s32 $0x800, s2;
	[tilespmem:s0+$0xEF70] =	vst v13;
	v13 =	vadd.f32 v15, v7;
	v12 =	vld [tilespmem:s0+$0xEFE0]  }
0x272: {  	[tilespmem:s0+$0xEF80] =	vst v14;
	v5 =	vadd.f32 v9, v5;
	v6 =	vld [tilespmem:s0+$0xEFF0]  }
0x273: {  	[tilespmem:s0+$0xEF90] =	vst v13;
	v4 =	vadd.f32 v8, v4  }
0x274: {  	[tilespmem:s0+$0xEFA0] =	vst v5;
	v3 =	vadd.f32 v10, v3  }
0x275: {  	[tilespmem:s0+$0xEFB0] =	vst v4;
	v2 =	vadd.f32 v11, v2  }
0x276: {  	[tilespmem:s0+$0xEFC0] =	vst v3;
	v1 =	vadd.f32 v12, v1  }
0x277: {  	[tilespmem:s0+$0xEFD0] =	vst v2;
	v0 =	vadd.f32 v6, v0  }
0x278: {  	[tilespmem:s0+$0xEFE0] =	vst v1  }
0x279: {  	[tilespmem:s0+$0xEFF0] =	vst v0  }
0x27a: {  	v6 =	vld [tilespmem:s9+$0x5600]  }
0x27b: {  	v7 =	vld [tilespmem:s9+$0x5610]  }
0x27c: {  	v5 =	vld [tilespmem:s9+$0x5620]  }
0x27d: {  	v4 =	vld [tilespmem:s9+$0x5630]  }
0x27e: {  	v3 =	vld [tilespmem:s9+$0x5640]  }
0x27f: {  	v2 =	vld [tilespmem:s9+$0x5650]  }
0x280: {  	v1 =	vld [tilespmem:s9+$0x5660]  }
0x281: {  	s0 =	simm.s32 $0x0;
	v0 =	vld [tilespmem:s9+$0x5670]  }
0x282: {  	v8 =	vld [tilespmem:s0+$0x12E00]  }
0x283: {  	v9 =	vld [tilespmem:s0+$0x12E10]  }
0x284: {  	v10 =	vld [tilespmem:s0+$0x12E20]  }
0x285: {  	v11 =	vld [tilespmem:s0+$0x12E30]  }
0x286: {  	v12 =	vld [tilespmem:s0+$0x12E40]  }
0x287: {  	v13 =	vld [tilespmem:s0+$0x12E50];
	v8 =	vadd.f32 v8, v6  }
0x288: {  	v14 =	vld [tilespmem:s0+$0x12E60];
	v9 =	vadd.f32 v9, v7  }
0x289: {  	v10 =	vadd.f32 v10, v5;
	[tilespmem:s0+$0x12E00] =	vst v8;
	v8 =	vld [tilespmem:s0+$0x12E70]  }
0x28a: {  	v11 =	vadd.f32 v11, v4;
	[tilespmem:s0+$0x12E10] =	vst v9;
	v9 =	vld [tilespmem:s0+$0x12E80]  }
0x28b: {  	v12 =	vadd.f32 v12, v3;
	[tilespmem:s0+$0x12E20] =	vst v10;
	v10 =	vld [tilespmem:s0+$0x12E90]  }
0x28c: {  	v13 =	vadd.f32 v13, v2;
	[tilespmem:s0+$0x12E30] =	vst v11;
	v11 =	vld [tilespmem:s0+$0x12EA0]  }
0x28d: {  	v14 =	vadd.f32 v14, v1;
	[tilespmem:s0+$0x12E40] =	vst v12;
	v12 =	vld [tilespmem:s0+$0x12EB0]  }
0x28e: {  	[tilespmem:s0+$0x12E50] =	vst v13;
	v13 =	vld [tilespmem:s0+$0x12EC0];
	v8 =	vadd.f32 v8, v0  }
0x28f: {  	[tilespmem:s0+$0x12E60] =	vst v14;
	v14 =	vld [tilespmem:s0+$0x12ED0];
	v9 =	vadd.f32 v9, v6  }
0x290: {  	v10 =	vadd.f32 v10, v7;
	[tilespmem:s0+$0x12E70] =	vst v8;
	v8 =	vld [tilespmem:s0+$0x12EE0]  }
0x291: {  	v11 =	vadd.f32 v11, v5;
	[tilespmem:s0+$0x12E80] =	vst v9;
	v9 =	vld [tilespmem:s0+$0x12EF0]  }
0x292: {  	v12 =	vadd.f32 v12, v4;
	[tilespmem:s0+$0x12E90] =	vst v10;
	v10 =	vld [tilespmem:s0+$0x12F00]  }
0x293: {  	v13 =	vadd.f32 v13, v3;
	[tilespmem:s0+$0x12EA0] =	vst v11;
	v11 =	vld [tilespmem:s0+$0x12F10]  }
0x294: {  	v14 =	vadd.f32 v14, v2;
	[tilespmem:s0+$0x12EB0] =	vst v12;
	v12 =	vld [tilespmem:s0+$0x12F20]  }
0x295: {  	[tilespmem:s0+$0x12EC0] =	vst v13;
	v13 =	vld [tilespmem:s0+$0x12F30];
	v8 =	vadd.f32 v8, v1  }
0x296: {  	[tilespmem:s0+$0x12ED0] =	vst v14;
	v14 =	vld [tilespmem:s0+$0x12F40]  }
0x297: {  	v9 =	vadd.f32 v9, v0;
	[tilespmem:s0+$0x12EE0] =	vst v8;
	v8 =	vld [tilespmem:s0+$0x12F50]  }
0x298: {  	v10 =	vadd.f32 v10, v6  }
0x299: {  	[tilespmem:s0+$0x12EF0] =	vst v9;
	v9 =	vadd.f32 v11, v7;
	v11 =	vld [tilespmem:s0+$0x12F70]  }
0x29a: {  	v15 =	vld [tilespmem:s0+$0x12F60];
	[tilespmem:s0+$0x12F00] =	vst v10;
	v10 =	vadd.f32 v12, v5  }
0x29b: {  	v12 =	vld [tilespmem:s0+$0x12F80];
	[tilespmem:s0+$0x12F10] =	vst v9;
	v9 =	vadd.f32 v13, v4  }
0x29c: {  	[tilespmem:s0+$0x12F20] =	vst v10;
	v13 =	vld [tilespmem:s0+$0x12F90];
	v10 =	vadd.f32 v14, v3;
	v14 =	vadd.f32 v8, v2  }
0x29d: {  	[tilespmem:s0+$0x12F30] =	vst v9;
	v9 =	vld [tilespmem:s0+$0x12FA0]  }
0x29e: {  	v8 =	vld [tilespmem:s0+$0x12FB0];
	[tilespmem:s0+$0x12F50] =	vst v14;
	v14 =	vadd.f32 v11, v0  }
0x29f: {  	v15 =	vadd.f32 v15, v1;
	[tilespmem:s0+$0x12F40] =	vst v10;
	v10 =	vld [tilespmem:s0+$0x12FC0]  }
0x2a0: {  	v11 =	vld [tilespmem:s0+$0x12FD0];
	[tilespmem:s0+$0x12F70] =	vst v14;
	v14 =	vadd.f32 v12, v6  }
0x2a1: {  	s2 =	simm.s32 $0x800;
	[tilespmem:s0+$0x12F60] =	vst v15;
	v13 =	vadd.f32 v13, v7;
	v12 =	vld [tilespmem:s0+$0x12FE0]  }
.LBB2_18:
0x2a2: {  	s15 =	sshra.s32 s2, $0x2;
	p0 =	sne.s32 s2, $0xF800;
	[tilespmem:s0+$0x12F80] =	vst v14;
	v9 =	vadd.f32 v9, v5;
	v14 =	vld [tilespmem:s0+$0x12FF0]  }
0x2a3: {  	v15 =	vld [tilespmem:s15+$0x12E00];
	[tilespmem:s0+$0x12F90] =	vst v13;
	v8 =	vadd.f32 v8, v4  }
0x2a4: {  	v13 =	vld [tilespmem:s15+$0x12E10];
	[tilespmem:s0+$0x12FA0] =	vst v9;
	v9 =	vadd.f32 v10, v3  }
0x2a5: {  	v10 =	vld [tilespmem:s15+$0x12E20];
	[tilespmem:s0+$0x12FB0] =	vst v8;
	v8 =	vadd.f32 v11, v2  }
0x2a6: {  	v11 =	vld [tilespmem:s15+$0x12E30];
	[tilespmem:s0+$0x12FC0] =	vst v9;
	v9 =	vadd.f32 v12, v1  }
0x2a7: {  	v12 =	vld [tilespmem:s15+$0x12E40];
	[tilespmem:s0+$0x12FD0] =	vst v8;
	v8 =	vadd.f32 v14, v0  }
0x2a8: {  	v14 =	vadd.f32 v15, v6;
	v15 =	vld [tilespmem:s15+$0x12E50];
	[tilespmem:s0+$0x12FE0] =	vst v9  }
0x2a9: {  	v9 =	vadd.f32 v13, v7;
	v13 =	vld [tilespmem:s15+$0x12E60];
	[tilespmem:s0+$0x12FF0] =	vst v8;
	s0 =	smov.u32 s15  }
0x2aa: {  	[tilespmem:s0+$0x12E00] =	vst v14;
	v8 =	vadd.f32 v10, v5;
	v10 =	vld [tilespmem:s0+$0x12E70]  }
0x2ab: {  	[tilespmem:s0+$0x12E10] =	vst v9;
	v9 =	vadd.f32 v11, v4;
	v11 =	vld [tilespmem:s0+$0x12E80]  }
0x2ac: {  	[tilespmem:s0+$0x12E20] =	vst v8;
	v8 =	vadd.f32 v12, v3;
	v12 =	vld [tilespmem:s0+$0x12E90]  }
0x2ad: {  	[tilespmem:s0+$0x12E30] =	vst v9;
	v9 =	vadd.f32 v15, v2;
	v14 =	vld [tilespmem:s0+$0x12EA0]  }
0x2ae: {  	[tilespmem:s0+$0x12E40] =	vst v8;
	v8 =	vadd.f32 v13, v1;
	v13 =	vld [tilespmem:s0+$0x12EB0]  }
0x2af: {  	[tilespmem:s0+$0x12E50] =	vst v9;
	v9 =	vadd.f32 v10, v0;
	v10 =	vld [tilespmem:s0+$0x12EC0]  }
0x2b0: {  	[tilespmem:s0+$0x12E60] =	vst v8;
	v8 =	vadd.f32 v11, v6;
	v11 =	vld [tilespmem:s0+$0x12ED0]  }
0x2b1: {  	[tilespmem:s0+$0x12E70] =	vst v9;
	v9 =	vadd.f32 v12, v7;
	v12 =	vld [tilespmem:s0+$0x12EE0]  }
0x2b2: {  	[tilespmem:s0+$0x12E80] =	vst v8;
	v8 =	vadd.f32 v14, v5;
	v14 =	vld [tilespmem:s0+$0x12EF0]  }
0x2b3: {  	[tilespmem:s0+$0x12E90] =	vst v9;
	v9 =	vadd.f32 v13, v4;
	v13 =	vld [tilespmem:s0+$0x12F00]  }
0x2b4: {  	[tilespmem:s0+$0x12EA0] =	vst v8;
	v8 =	vadd.f32 v10, v3;
	v10 =	vld [tilespmem:s0+$0x12F10]  }
0x2b5: {  	[tilespmem:s0+$0x12EB0] =	vst v9;
	v9 =	vadd.f32 v11, v2;
	v11 =	vld [tilespmem:s0+$0x12F20]  }
0x2b6: {  	[tilespmem:s0+$0x12EC0] =	vst v8;
	v8 =	vadd.f32 v12, v1;
	v12 =	vld [tilespmem:s0+$0x12F30]  }
0x2b7: {  	[tilespmem:s0+$0x12ED0] =	vst v9;
	v9 =	vadd.f32 v14, v0;
	v14 =	vld [tilespmem:s0+$0x12F40]  }
0x2b8: {  	[tilespmem:s0+$0x12EE0] =	vst v8;
	v8 =	vadd.f32 v13, v6;
	v13 =	vld [tilespmem:s0+$0x12F50]  }
0x2b9: {  	[tilespmem:s0+$0x12EF0] =	vst v9;
	v9 =	vadd.f32 v10, v7;
	v10 =	vld [tilespmem:s0+$0x12F60]  }
0x2ba: {  	[tilespmem:s0+$0x12F00] =	vst v8;
	v8 =	vadd.f32 v11, v5;
	v11 =	vld [tilespmem:s0+$0x12F70]  }
0x2bb: {  	[tilespmem:s0+$0x12F10] =	vst v9;
	v9 =	vadd.f32 v12, v4;
	v12 =	vld [tilespmem:s0+$0x12F80]  }
0x2bc: {  	[tilespmem:s0+$0x12F20] =	vst v8;
	v8 =	vadd.f32 v14, v3;
	v15 =	vld [tilespmem:s0+$0x12F90]  }
.Ltmp8:
0x2bd: {  	[tilespmem:s0+$0x12F30] =	vst v9;
	v13 =	vadd.f32 v13, v2;
	v9 =	vld [tilespmem:s0+$0x12FA0];
	(pc) =	sbr.rel @p0 .LBB2_18-.Ltmp8, $4  }
0x2be: {  	[tilespmem:s0+$0x12F40] =	vst v8;
	v14 =	vadd.f32 v10, v1;
	v8 =	vld [tilespmem:s0+$0x12FB0]  }
0x2bf: {  	[tilespmem:s0+$0x12F50] =	vst v13;
	v13 =	vadd.f32 v11, v0;
	v10 =	vld [tilespmem:s0+$0x12FC0]  }
0x2c0: {  	[tilespmem:s0+$0x12F60] =	vst v14;
	v14 =	vadd.f32 v12, v6;
	v11 =	vld [tilespmem:s0+$0x12FD0]  }
0x2c1: {  	s2 =	sadd.s32 $0x800, s2;
	[tilespmem:s0+$0x12F70] =	vst v13;
	v13 =	vadd.f32 v15, v7;
	v12 =	vld [tilespmem:s0+$0x12FE0]  }
0x2c2: {  	[tilespmem:s0+$0x12F80] =	vst v14;
	v5 =	vadd.f32 v9, v5;
	v6 =	vld [tilespmem:s0+$0x12FF0]  }
0x2c3: {  	[tilespmem:s0+$0x12F90] =	vst v13;
	v4 =	vadd.f32 v8, v4  }
0x2c4: {  	[tilespmem:s0+$0x12FA0] =	vst v5;
	v3 =	vadd.f32 v10, v3  }
0x2c5: {  	[tilespmem:s0+$0x12FB0] =	vst v4;
	v2 =	vadd.f32 v11, v2  }
0x2c6: {  	[tilespmem:s0+$0x12FC0] =	vst v3;
	v1 =	vadd.f32 v12, v1  }
0x2c7: {  	[tilespmem:s0+$0x12FD0] =	vst v2;
	v0 =	vadd.f32 v6, v0  }
0x2c8: {  	[tilespmem:s0+$0x12FE0] =	vst v1  }
0x2c9: {  	s28 =	sadd.s32 $0x1, s28;
	[tilespmem:s0+$0x12FF0] =	vst v0  }
0x2ca: {  	[hbm4b:s12+s5] =	stream.linear.scatter [tilespmem:s20], [sflag:$0x4], $0x8000, $0x38;
	[tilespmem:$0x16E00] =	vst v63  }
0x2cb: {  	p0 =	sne.s32 s28, s13;
	_ =	swait.ge [sflag:s25], $0x8000  }
.Ltmp9:
0x2cc: {  	[sflag:s25] =	ssyncset.done $0x0;
	(pc) =	sbr.rel @p0 .LBB2_1-.Ltmp9, $4  }
0x2cd: {  	[sflag:s25] =	ssyncadd.s32 $0xFFFF8000  }
0x2ce: {  	_ =	swait.ge [sflag:s26], $0x8000  }
0x2cf: {  	[sflag:s26] =	ssyncset.done $0x0  }
0x2d0: {  	[sflag:s26] =	ssyncadd.s32 $0xFFFF8000  }
0x2d1: {  	_ =	sfence.sel $0x180000  }
0x2d2: {  	[bflag:$0x0] =	sbarrier.arrive $0xFFFF  }
0x2d3: {  	_ =	strace $0x90000047  }
0x2d4: {  	s0 =	stileid.u32;
	[bflag:$0x2] =	sbarrier.arrive $0xFFFF  }
0x2d5: {  	p0 =	sne.s32 s0, $0x0;
	s0 =	rddreg [dreg:$0x3]  }
0x2d6: {  	s0 =	sadd.s32 @!p0 $0x100000, s0  }
0x2d7: {  	[sflag:s0] =	ssyncadd.tile.s32 @!p0 $0x1;
	_ =	shalt  }
.Lfunc_end2:
_tile_overlayer_lowered:
.L_overlay_start_2:
0x2d8: {  	(tag) =	ssettag $0x2  }
0x2d9: {  	s0 =	rddreg [dreg:$0x0];
	s2 =	stileid.u32  }
0x2da: {  	s1 =	rddreg [dreg:$0x1];
	p0 =	sne.s32 s2, $0x0  }
0x2db: {  	s3 =	rddreg [dreg:$0x2];
	[bflag:$0x3] =	sbarrier.arrive $0xFFFF;
	s2 =	simm.s32 @!p0 $0x1C05  }
0x2dc: {  	[timem:s3], [sflag:s2] =	dma.local @!p0 [hbm:s0], s1  }
0x2dd: {  	s0 =	simm.s32 @!p0 $0x5  }
0x2de: {  	_ =	swait.ge @!p0 [sflag:s0], s1  }
0x2df: {  	s1 =	ssub.s32 @!p0 $0x0, s1;
	[sflag:s0] =	ssyncset.done @!p0 $0x0  }
0x2e0: {  	[sflag:s0] =	ssyncadd.s32 @!p0 s1  }
0x2e1: {  	[bflag:$0x3] =	sbarrier.arrive $0xFFFF  }
0x2e2: {  	_ =	shalt  }

</sc_bundles>
